<compile_context>
chip_gen: v7x
topology: tpu7x:2x2x1
jax: 0.10.2.dev20260603
libtpu: 0.0.44.dev20260713+nightly
codegen_flags: <defaults>
</compile_context>

<pallas_src>
import jax
import jax.numpy as jnp
from jax import lax
from jax.experimental import pallas as pl
from jax.experimental.pallas import tpu as pltpu
from jax.experimental.pallas import tpu_sc as plsc

N = 10000
NPAD = 10240
D = 128
NC = 2
NS = 16
NW = NC * NS
ROWS_PER_TILE = NPAD // NS
BATCH = 128
BM = 2560
GRID = NPAD // BM
F32 = jnp.float32



def _sc_deg_body(d_hbm, out_hbm, d_v, ones_v, z_v, deg_sh):
  c = lax.axis_index("c")
  s = lax.axis_index("s")
  w = c * NS + s
  nb = d_v.shape[0]

  pltpu.sync_copy(d_hbm.at[w], d_v)

  def mk_ones(i, carry):
    ones_v[pl.ds(i * 16, 16)] = jnp.full((16,), 1.0, F32)
    return carry
  lax.fori_loop(0, BATCH // 16, mk_ones, 0)

  def mk_zero(i, carry):
    z_v[pl.ds(i * 16, 16)] = jnp.zeros((16,), F32)
    return carry
  lax.fori_loop(0, ROWS_PER_TILE // 16, mk_zero, 0)

  pltpu.sync_copy(z_v, deg_sh.at[pl.ds(s * ROWS_PER_TILE, ROWS_PER_TILE)])
  plsc.subcore_barrier()

  def body(j, carry):
    pltpu.sync_copy(ones_v, deg_sh.at[d_v.at[j]], add=True)
    return carry
  lax.fori_loop(0, nb, body, 0)

  plsc.subcore_barrier()
  sl = pl.ds(s * ROWS_PER_TILE, ROWS_PER_TILE)
  pltpu.sync_copy(deg_sh.at[sl], out_hbm.at[c, sl])


def _sc_conv_body(y_hbm, sd_hbm, out_hbm, sd_v, sidx, didx, buf0, buf1,
                  acc_sh, g0, g1):
  c = lax.axis_index("c")
  s = lax.axis_index("s")
  w = c * NS + s
  nb = sd_v.shape[0]

  pltpu.sync_copy(sd_hbm.at[w], sd_v)

  def unpack(j, slot):
    for k in range(BATCH // 16):
      v = sd_v[j, pl.ds(k * 16, 16)]
      sidx[slot, pl.ds(k * 16, 16)] = v & 0x3FFF
      didx[slot, pl.ds(k * 16, 16)] = lax.shift_right_logical(v, 14)

  unpack(0, 0)
  pltpu.async_copy(y_hbm.at[sidx.at[0]], buf0, g0)

  def zrow(i, carry):
    def zcol(j, inner):
      buf1[i, pl.ds(j * 16, 16)] = jnp.zeros((16,), F32)
      return inner
    return lax.fori_loop(0, D // 16, zcol, carry)
  lax.fori_loop(0, BATCH, zrow, 0)
  for t in range(ROWS_PER_TILE // BATCH):
    pltpu.sync_copy(buf1, acc_sh.at[pl.ds(s * ROWS_PER_TILE + t * BATCH, BATCH)])

  unpack(1, 1)
  pltpu.async_copy(y_hbm.at[sidx.at[1]], buf1, g1)
  plsc.subcore_barrier()

  def body(i, carry):
    j0 = 2 * i
    j1 = 2 * i + 1
    pltpu.make_async_copy(y_hbm.at[sidx.at[0]], buf0, g0).wait()
    pltpu.sync_copy(buf0, acc_sh.at[didx.at[0]], add=True)

    @pl.when(j0 + 2 < nb)
    def _():
      unpack(j0 + 2, 0)
      pltpu.async_copy(y_hbm.at[sidx.at[0]], buf0, g0)

    pltpu.make_async_copy(y_hbm.at[sidx.at[1]], buf1, g1).wait()
    pltpu.sync_copy(buf1, acc_sh.at[didx.at[1]], add=True)

    @pl.when(j1 + 2 < nb)
    def _():
      unpack(j1 + 2, 1)
      pltpu.async_copy(y_hbm.at[sidx.at[1]], buf1, g1)

    return carry

  lax.fori_loop(0, nb // 2, body, 0)

  if nb % 2 == 1:
    pltpu.make_async_copy(y_hbm.at[sidx.at[0]], buf0, g0).wait()
    pltpu.sync_copy(buf0, acc_sh.at[didx.at[0]], add=True)

  plsc.subcore_barrier()
  sl = pl.ds(s * ROWS_PER_TILE, ROWS_PER_TILE)
  pltpu.sync_copy(acc_sh.at[sl], out_hbm.at[c, sl])


def _sc_deg(d_arr, nb):
  mesh = plsc.VectorSubcoreMesh(core_axis_name="c", subcore_axis_name="s")
  f = pl.kernel(
      _sc_deg_body,
      out_type=jax.ShapeDtypeStruct((NC, NPAD), F32),
      mesh=mesh,
      scratch_types=[
          pltpu.VMEM((nb, BATCH), jnp.int32),
          pltpu.VMEM((BATCH,), F32),
          pltpu.VMEM((ROWS_PER_TILE,), F32),
          pltpu.VMEM_SHARED((NPAD,), F32),
      ],
  )
  return f(d_arr)


def _sc_conv(y, sd_arr, nb):
  mesh = plsc.VectorSubcoreMesh(core_axis_name="c", subcore_axis_name="s")
  f = pl.kernel(
      _sc_conv_body,
      out_type=jax.ShapeDtypeStruct((NC, NPAD, D), F32),
      mesh=mesh,
      scratch_types=[
          pltpu.VMEM((nb, BATCH), jnp.int32),
          pltpu.VMEM((2, BATCH), jnp.int32),
          pltpu.VMEM((2, BATCH), jnp.int32),
          pltpu.VMEM((BATCH, D), F32),
          pltpu.VMEM((BATCH, D), F32),
          pltpu.VMEM_SHARED((NPAD, D), F32),
          pltpu.SemaphoreType.DMA,
          pltpu.SemaphoreType.DMA,
      ],
  )
  return f(y, sd_arr)



def _tc1_body(deg0_ref, deg1_ref, mask_ref, x_ref, w_ref, y_ref, dinv_ref):
  deg = deg0_ref[...] + deg1_ref[...] + 1.0
  dinv = lax.rsqrt(deg) * mask_ref[...]
  dinv_ref[...] = dinv
  xw = jnp.dot(x_ref[...], w_ref[...], preferred_element_type=F32)
  y_ref[...] = xw * dinv


def _tc1(deg0, deg1, mask, x_pad, w1):
  return pl.pallas_call(
      _tc1_body,
      grid=(GRID,),
      in_specs=[
          pl.BlockSpec((BM, 1), lambda i: (i, 0)),
          pl.BlockSpec((BM, 1), lambda i: (i, 0)),
          pl.BlockSpec((BM, 1), lambda i: (i, 0)),
          pl.BlockSpec((BM, D), lambda i: (i, 0)),
          pl.BlockSpec((D, D), lambda i: (0, 0)),
      ],
      out_specs=[
          pl.BlockSpec((BM, D), lambda i: (i, 0)),
          pl.BlockSpec((BM, 1), lambda i: (i, 0)),
      ],
      out_shape=[
          jax.ShapeDtypeStruct((NPAD, D), F32),
          jax.ShapeDtypeStruct((NPAD, 1), F32),
      ],
  )(deg0, deg1, mask, x_pad, w1)


def _make_tc_boundary_body(with_mm):
  def body(a0_ref, a1_ref, y_ref, dinv_ref, mask_ref, b_ref, g_ref, be_ref,
           w_ref, o_ref, hbuf, st_ref):
    p = pl.program_id(0)
    i = pl.program_id(1)

    @pl.when(p == 0)
    def _():
      h = (dinv_ref[...] * (a0_ref[...] + a1_ref[...] + y_ref[...])
           + b_ref[...]) * mask_ref[...]
      hbuf[pl.ds(i * BM, BM), :] = h

      @pl.when(i == 0)
      def _():
        st_ref[...] = jnp.zeros_like(st_ref)

      s = jnp.sum(h, axis=0, keepdims=True)
      ss = jnp.sum(h * h, axis=0, keepdims=True)
      st_ref[...] += jnp.concatenate([s, ss], axis=0)

    @pl.when(p == 1)
    def _():
      st = st_ref[...]
      m = st[0:1, :] * (1.0 / N)
      v = st[1:2, :] * (1.0 / N) - m * m
      inv = lax.rsqrt(v + 1e-5) * g_ref[...]
      h = jnp.maximum((hbuf[pl.ds(i * BM, BM), :] - m) * inv + be_ref[...],
                      0.0)
      if with_mm:
        o_ref[...] = jnp.dot(h, w_ref[...],
                             preferred_element_type=F32) * dinv_ref[...]
      else:
        o_ref[...] = h * dinv_ref[...]

  return body


def _tc_boundary(a0, a1, y, dinv, mask, b, g, be, w, with_mm):
  hold = lambda p, i: (jnp.where(p == 0, i, GRID - 1), 0)
  phase1 = lambda p, i: (jnp.where(p == 0, 0, i), 0)
  both = lambda p, i: (i, 0)
  fixed = lambda p, i: (0, 0)
  return pl.pallas_call(
      _make_tc_boundary_body(with_mm),
      grid=(2, GRID),
      in_specs=[
          pl.BlockSpec((BM, D), hold),
          pl.BlockSpec((BM, D), hold),
          pl.BlockSpec((BM, D), hold),
          pl.BlockSpec((BM, 1), both),
          pl.BlockSpec((BM, 1), hold),
          pl.BlockSpec((1, D), fixed),
          pl.BlockSpec((1, D), fixed),
          pl.BlockSpec((1, D), fixed),
          pl.BlockSpec((D, D), fixed),
      ],
      out_specs=pl.BlockSpec((BM, D), phase1),
      out_shape=jax.ShapeDtypeStruct((NPAD, D), F32),
      scratch_shapes=[
          pltpu.VMEM((NPAD, D), F32),
          pltpu.VMEM((2, D), F32),
      ],
  )(a0, a1, y, dinv, mask, b, g, be, w)


def _tc_out_body(a0_ref, a1_ref, y_ref, dinv_ref, w_ref, b_ref, o_ref):
  z = dinv_ref[...] * (a0_ref[...] + a1_ref[...] + y_ref[...])
  o_ref[...] = jnp.dot(z, w_ref[...], preferred_element_type=F32) + b_ref[...]


def _tc_out(a0, a1, y, dinv, w3p, b3p):
  return pl.pallas_call(
      _tc_out_body,
      grid=(GRID,),
      in_specs=[
          pl.BlockSpec((BM, D), lambda i: (i, 0)),
          pl.BlockSpec((BM, D), lambda i: (i, 0)),
          pl.BlockSpec((BM, D), lambda i: (i, 0)),
          pl.BlockSpec((BM, 1), lambda i: (i, 0)),
          pl.BlockSpec((D, D), lambda i: (0, 0)),
          pl.BlockSpec((1, D), lambda i: (0, 0)),
      ],
      out_specs=pl.BlockSpec((BM, D), lambda i: (i, 0)),
      out_shape=jax.ShapeDtypeStruct((NPAD, D), F32),
  )(a0, a1, y, dinv, w3p, b3p)



def kernel(x, edge_index, W1, b1, g1, be1, W2, b2, g2, be2, W3, b3):
  n, d = x.shape
  e = edge_index.shape[1]
  c = W3.shape[1]

  epw = e // NW
  nb = -(-epw // BATCH)
  pad = nb * BATCH - epw
  src = edge_index[0].reshape(NW, epw)
  dst = edge_index[1].reshape(NW, epw)
  padv = (N + (jnp.arange(NW * pad, dtype=jnp.int32) % (NPAD - N))
          ).reshape(NW, pad)
  s_all = jnp.concatenate([src, padv], axis=1)
  d_all = jnp.concatenate([dst, padv], axis=1)
  d_arr = d_all.reshape(NW, nb, BATCH)
  sd_arr = (s_all | (d_all << 14)).reshape(NW, nb, BATCH)

  x_pad = jnp.pad(x, ((0, NPAD - n), (0, 0)))
  mask = (jnp.arange(NPAD, dtype=jnp.int32) < n).astype(F32).reshape(NPAD, 1)
  w3p = jnp.pad(W3, ((0, 0), (0, D - c)))
  b3p = jnp.pad(b3, (0, D - c)).reshape(1, D)
  b1r = b1.reshape(1, D)
  b2r = b2.reshape(1, D)
  g1r, be1r = g1.reshape(1, D), be1.reshape(1, D)
  g2r, be2r = g2.reshape(1, D), be2.reshape(1, D)

  degp = _sc_deg(d_arr, nb)
  deg0 = degp[0].reshape(NPAD, 1)
  deg1 = degp[1].reshape(NPAD, 1)

  y1, dinv = _tc1(deg0, deg1, mask, x_pad, W1)
  acc = _sc_conv(y1, sd_arr, nb)
  y2 = _tc_boundary(acc[0], acc[1], y1, dinv, mask, b1r, g1r, be1r, W2,
                    with_mm=True)

  acc = _sc_conv(y2, sd_arr, nb)
  y3 = _tc_boundary(acc[0], acc[1], y2, dinv, mask, b2r, g2r, be2r, W2,
                    with_mm=False)

  acc = _sc_conv(y3, sd_arr, nb)
  out = _tc_out(acc[0], acc[1], y3, dinv, w3p, b3p)

  return out[:n, :c]

# --- scband reference (transcript-rebuilt; emitter-appended) ---
"""Pipeline reference for scband-gcn-9964324127127 (READ-ONLY COPY).

The authoritative reference and input builder live on the scoring server;
editing this copy changes nothing except your own understanding.
"""

import jax, jax.numpy as jnp
import numpy as np

N = 10000
E = 320000
D = 128
H = 128
C = 40


def setup_inputs(seed: int = 0):
    key = jax.random.key(seed)
    ks = jax.random.split(key, 8)
    x = jax.random.normal(ks[0], (N, D), dtype=jnp.float32)
    edge_index = jax.random.randint(ks[1], (2, E), 0, N, dtype=jnp.int32)
    W1 = jax.random.normal(ks[2], (D, H), dtype=jnp.float32) * (1.0 / np.sqrt(D))
    b1 = jnp.zeros((H,), dtype=jnp.float32)
    g1 = jnp.ones((H,), dtype=jnp.float32)
    be1 = jnp.zeros((H,), dtype=jnp.float32)
    W2 = jax.random.normal(ks[3], (H, H), dtype=jnp.float32) * (1.0 / np.sqrt(H))
    b2 = jnp.zeros((H,), dtype=jnp.float32)
    g2 = jnp.ones((H,), dtype=jnp.float32)
    be2 = jnp.zeros((H,), dtype=jnp.float32)
    W3 = jax.random.normal(ks[4], (H, C), dtype=jnp.float32) * (1.0 / np.sqrt(H))
    b3 = jnp.zeros((C,), dtype=jnp.float32)
    return {"x": x, "edge_index": edge_index, "W1": W1, "b1": b1, "g1": g1,
            "be1": be1, "W2": W2, "b2": b2, "g2": g2, "be2": be2,
            "W3": W3, "b3": b3}


def _gcn_conv(x, W, b, src, dst, n):
    # GCNConv: symmetric normalization with self-loops, then linear transform
    xw = x @ W
    loop = jnp.arange(n, dtype=src.dtype)
    s = jnp.concatenate([src, loop])
    d = jnp.concatenate([dst, loop])
    deg = jnp.zeros((n,), dtype=x.dtype).at[d].add(1.0)
    dinv = jnp.where(deg > 0, 1.0 / jnp.sqrt(deg), 0.0)
    norm = dinv[s] * dinv[d]
    msg = xw[s] * norm[:, None]
    out = jax.ops.segment_sum(msg, d, num_segments=n)
    return out + b


def _bn(x, g, b, eps=1e-5):
    m = x.mean(axis=0)
    v = x.var(axis=0)
    return (x - m) / jnp.sqrt(v + eps) * g + b


def reference(x, edge_index, W1, b1, g1, be1, W2, b2, g2, be2, W3, b3):
    src, dst = edge_index[0], edge_index[1]
    n = x.shape[0]
    h = _gcn_conv(x, W1, b1, src, dst, n)
    h = jax.nn.relu(_bn(h, g1, be1))
    # dropout is identity in eval mode
    h = _gcn_conv(h, W2, b2, src, dst, n)
    h = jax.nn.relu(_bn(h, g2, be2))
    out = _gcn_conv(h, W3, b3, src, dst, n)
    return out

if __name__ == "__main__":
    import jax
    _d = setup_inputs()
    print(jax.jit(kernel)(*tuple(_d.values())))

</pallas_src>

<mosaic_0001>
#map = affine_map<(d0, d1) -> (0, 0, 0)>
#map1 = affine_map<(d0, d1) -> (0, 0)>
module attributes {stable_mosaic.version = 14 : i64} {
  func.func @_sc_deg_body(%arg0: i32, %arg1: i32, %arg2: memref<32x79x128xi32, #tpu.memory_space<hbm>>, %arg3: memref<2x10240xf32, #tpu.memory_space<hbm>>, %arg4: memref<79x128xi32, #tpu.memory_space<vmem>>, %arg5: memref<128xf32, #tpu.memory_space<vmem>>, %arg6: memref<640xf32, #tpu.memory_space<vmem>>, %arg7: memref<10240xf32, #tpu.memory_space<vmem_shared>>) attributes {dimension_semantics = [#tpu.dimension_semantics<core_parallel>, #tpu.dimension_semantics<subcore_parallel>], iteration_bounds = array<i64: 2, 16>, scalar_prefetch = 0 : i64, scratch_operands = 4 : i64, tpu.core_type = #tpu.core_type<sc_vector_subcore>, window_params = [{transform_indices = #map}, {transform_indices = #map1}]} {
    %mul3A = arith.constant 16 : i32
    %mul3A_0 = arith.muli %arg0, %mul3A : i32
    %add3A = arith.addi %mul3A_0, %arg1 : i32
    "tpu.region"() ({
      %run_scoped3A = tpu.sem_alloc : memref<!tpu.dma_semaphore, #tpu.memory_space<semaphore_mem>>
      %dma_start3A = arith.constant 0 : i32
      %dma_start3A_23 = arith.constant 0 : i32
      %dma_start3A_24 = tpu.memref_slice %arg2[%add3A, %dma_start3A, %dma_start3A_23] : memref<32x79x128xi32, #tpu.memory_space<hbm>> -> memref<1x79x128xi32, #tpu.memory_space<hbm>>
      %dma_start3A_25 = tpu.memref_squeeze %dma_start3A_24 : memref<1x79x128xi32, #tpu.memory_space<hbm>> -> memref<79x128xi32, #tpu.memory_space<hbm>>
      %dma_start3A_26 = arith.constant 0 : i32
      %dma_start3A_27 = arith.constant 0 : i32
      %dma_start3A_28 = tpu.memref_slice %arg2[%add3A, %dma_start3A_26, %dma_start3A_27] : memref<32x79x128xi32, #tpu.memory_space<hbm>> -> memref<1x79x128xi32, #tpu.memory_space<hbm>>
      %dma_start3A_29 = tpu.memref_squeeze %dma_start3A_28 : memref<1x79x128xi32, #tpu.memory_space<hbm>> -> memref<79x128xi32, #tpu.memory_space<hbm>>
      tpu.enqueue_dma source(%dma_start3A_29 : memref<79x128xi32, #tpu.memory_space<hbm>>) target(%arg4 : memref<79x128xi32, #tpu.memory_space<vmem>>) target_semaphore(%run_scoped3A : memref<!tpu.dma_semaphore, #tpu.memory_space<semaphore_mem>>)
      %dma_wait3A = arith.constant 0 : i32
      %dma_wait3A_30 = arith.constant 0 : i32
      %dma_wait3A_31 = tpu.memref_slice %arg2[%add3A, %dma_wait3A, %dma_wait3A_30] : memref<32x79x128xi32, #tpu.memory_space<hbm>> -> memref<1x79x128xi32, #tpu.memory_space<hbm>>
      %dma_wait3A_32 = tpu.memref_squeeze %dma_wait3A_31 : memref<1x79x128xi32, #tpu.memory_space<hbm>> -> memref<79x128xi32, #tpu.memory_space<hbm>>
      %dma_wait3A_33 = arith.constant 0 : i32
      %dma_wait3A_34 = arith.constant 0 : i32
      %dma_wait3A_35 = tpu.memref_slice %arg2[%add3A, %dma_wait3A_33, %dma_wait3A_34] : memref<32x79x128xi32, #tpu.memory_space<hbm>> -> memref<1x79x128xi32, #tpu.memory_space<hbm>>
      %dma_wait3A_36 = tpu.memref_squeeze %dma_wait3A_35 : memref<1x79x128xi32, #tpu.memory_space<hbm>> -> memref<79x128xi32, #tpu.memory_space<hbm>>
      tpu.wait_dma2 semaphore(%run_scoped3A : memref<!tpu.dma_semaphore, #tpu.memory_space<semaphore_mem>>) src(%dma_wait3A_36 : memref<79x128xi32, #tpu.memory_space<hbm>>) dst(%arg4 : memref<79x128xi32, #tpu.memory_space<vmem>>)
      tpu.yield
    }) : () -> ()
    %scan3A = arith.constant 0 : i32
    %scan3A_1 = arith.constant 0 : i32
    %scan3A_2 = arith.constant 8 : i32
    %scan3A_3 = arith.addi %scan3A_1, %scan3A_2 : i32
    %scan3A_4 = arith.constant 1 : i32
    scf.for %scan3A_23 = %scan3A_1 to %scan3A_3 step %scan3A_4  : i32 {
      %broadcast_in_dim3A = arith.constant 1.000000e+00 : f32
      %broadcast_in_dim3A_24 = vector.broadcast %broadcast_in_dim3A : f32 to vector<16xf32>
      %mul3A_25 = arith.constant 16 : i32
      %mul3A_26 = arith.muli %scan3A_23, %mul3A_25 : i32
      %swap3A = arith.index_cast %mul3A_26 : i32 to index
      %swap3A_27 = tpu.vector_load %arg5[%swap3A] {strides = array<i32>} : memref<128xf32, #tpu.memory_space<vmem>>, vector<16xf32>,
      %swap3A_28 = vector.shape_cast %swap3A_27 : vector<16xf32> to vector<16xf32>
      %swap3A_29 = vector.shape_cast %broadcast_in_dim3A_24 : vector<16xf32> to vector<16xf32>
      tpu.vector_store %arg5[%swap3A], %swap3A_29 {strides = array<i32>} : memref<128xf32, #tpu.memory_space<vmem>>, vector<16xf32>,
    }
    %scan3A_5 = arith.constant 8 : i32
    %scan3A_6 = arith.constant 0 : i32
    %scan3A_7 = arith.constant 0 : i32
    %scan3A_8 = arith.constant 40 : i32
    %scan3A_9 = arith.addi %scan3A_7, %scan3A_8 : i32
    %scan3A_10 = arith.constant 1 : i32
    scf.for %scan3A_23 = %scan3A_7 to %scan3A_9 step %scan3A_10  : i32 {
      %broadcast_in_dim3A = arith.constant 0.000000e+00 : f32
      %broadcast_in_dim3A_24 = vector.broadcast %broadcast_in_dim3A : f32 to vector<16xf32>
      %mul3A_25 = arith.constant 16 : i32
      %mul3A_26 = arith.muli %scan3A_23, %mul3A_25 : i32
      %swap3A = arith.index_cast %mul3A_26 : i32 to index
      %swap3A_27 = tpu.vector_load %arg6[%swap3A] {strides = array<i32>} : memref<640xf32, #tpu.memory_space<vmem>>, vector<16xf32>,
      %swap3A_28 = vector.shape_cast %swap3A_27 : vector<16xf32> to vector<16xf32>
      %swap3A_29 = vector.shape_cast %broadcast_in_dim3A_24 : vector<16xf32> to vector<16xf32>
      tpu.vector_store %arg6[%swap3A], %swap3A_29 {strides = array<i32>} : memref<640xf32, #tpu.memory_space<vmem>>, vector<16xf32>,
    }
    %scan3A_11 = arith.constant 40 : i32
    %mul3A_12 = arith.constant 640 : i32
    %mul3A_13 = arith.muli %arg1, %mul3A_12 : i32
    "tpu.region"() ({
      %run_scoped3A = tpu.sem_alloc : memref<!tpu.dma_semaphore, #tpu.memory_space<semaphore_mem>>
      %dma_start3A = tpu.memref_slice %arg7[%mul3A_13] : memref<10240xf32, #tpu.memory_space<vmem_shared>> -> memref<640xf32, #tpu.memory_space<vmem_shared>>
      %dma_start3A_23 = tpu.memref_slice %arg7[%mul3A_13] : memref<10240xf32, #tpu.memory_space<vmem_shared>> -> memref<640xf32, #tpu.memory_space<vmem_shared>>
      tpu.enqueue_dma source(%arg6 : memref<640xf32, #tpu.memory_space<vmem>>) target(%dma_start3A_23 : memref<640xf32, #tpu.memory_space<vmem_shared>>) target_semaphore(%run_scoped3A : memref<!tpu.dma_semaphore, #tpu.memory_space<semaphore_mem>>)
      %dma_wait3A = tpu.memref_slice %arg7[%mul3A_13] : memref<10240xf32, #tpu.memory_space<vmem_shared>> -> memref<640xf32, #tpu.memory_space<vmem_shared>>
      %dma_wait3A_24 = tpu.memref_slice %arg7[%mul3A_13] : memref<10240xf32, #tpu.memory_space<vmem_shared>> -> memref<640xf32, #tpu.memory_space<vmem_shared>>
      tpu.wait_dma2 semaphore(%run_scoped3A : memref<!tpu.dma_semaphore, #tpu.memory_space<semaphore_mem>>) src(%arg6 : memref<640xf32, #tpu.memory_space<vmem>>) dst(%dma_wait3A_24 : memref<640xf32, #tpu.memory_space<vmem_shared>>)
      tpu.yield
    }) : () -> ()
    %barrier3A = arith.constant 0 : index
    tpu.barrier barrier_id(%barrier3A)
    %scan3A_14 = arith.constant 0 : i32
    %scan3A_15 = arith.constant 0 : i32
    %scan3A_16 = arith.constant 79 : i32
    %scan3A_17 = arith.addi %scan3A_15, %scan3A_16 : i32
    %scan3A_18 = arith.constant 1 : i32
    scf.for %scan3A_23 = %scan3A_15 to %scan3A_17 step %scan3A_18  : i32 {
      "tpu.region"() ({
        %run_scoped3A = tpu.sem_alloc : memref<!tpu.dma_semaphore, #tpu.memory_space<semaphore_mem>>
        %dma_start3A = arith.constant 0 : i32
        %dma_start3A_24 = tpu.memref_slice %arg4[%scan3A_23, %dma_start3A] : memref<79x128xi32, #tpu.memory_space<vmem>> -> memref<1x128xi32, #tpu.memory_space<vmem>>
        %dma_start3A_25 = tpu.memref_squeeze %dma_start3A_24 : memref<1x128xi32, #tpu.memory_space<vmem>> -> memref<128xi32, #tpu.memory_space<vmem>>
        %dma_start3A_26 = arith.constant 0 : i32
        %dma_start3A_27 = tpu.memref_slice %arg7[%dma_start3A_26] : memref<10240xf32, #tpu.memory_space<vmem_shared>> -> memref<10240xf32, #tpu.memory_space<vmem_shared>>
        tpu.enqueue_indirect_dma source(%arg5 : memref<128xf32, #tpu.memory_space<vmem>>) target(%dma_start3A_27 : memref<10240xf32, #tpu.memory_space<vmem_shared>>) offsets(%dma_start3A_25 : memref<128xi32, #tpu.memory_space<vmem>>) semaphore(%run_scoped3A : memref<!tpu.dma_semaphore, #tpu.memory_space<semaphore_mem>>) {add = true}
        %dma_wait3A = arith.constant 0 : i32
        %dma_wait3A_28 = tpu.memref_slice %arg4[%scan3A_23, %dma_wait3A] : memref<79x128xi32, #tpu.memory_space<vmem>> -> memref<1x128xi32, #tpu.memory_space<vmem>>
        %dma_wait3A_29 = tpu.memref_squeeze %dma_wait3A_28 : memref<1x128xi32, #tpu.memory_space<vmem>> -> memref<128xi32, #tpu.memory_space<vmem>>
        %dma_wait3A_30 = arith.constant 0 : i32
        %dma_wait3A_31 = tpu.memref_slice %arg7[%dma_wait3A_30] : memref<10240xf32, #tpu.memory_space<vmem_shared>> -> memref<10240xf32, #tpu.memory_space<vmem_shared>>
        tpu.wait_indirect_dma semaphore(%run_scoped3A : memref<!tpu.dma_semaphore, #tpu.memory_space<semaphore_mem>>) src(%arg5 : memref<128xf32, #tpu.memory_space<vmem>>) dst(%dma_wait3A_31 : memref<10240xf32, #tpu.memory_space<vmem_shared>>)
        tpu.yield
      }) : () -> ()
    }
    %scan3A_19 = arith.constant 79 : i32
    %barrier3A_20 = arith.constant 0 : index
    tpu.barrier barrier_id(%barrier3A_20)
    %mul3A_21 = arith.constant 640 : i32
    %mul3A_22 = arith.muli %arg1, %mul3A_21 : i32
    "tpu.region"() ({
      %run_scoped3A = tpu.sem_alloc : memref<!tpu.dma_semaphore, #tpu.memory_space<semaphore_mem>>
      %dma_start3A = tpu.memref_slice %arg3[%arg0, %mul3A_22] : memref<2x10240xf32, #tpu.memory_space<hbm>> -> memref<1x640xf32, #tpu.memory_space<hbm>>
      %dma_start3A_23 = tpu.memref_squeeze %dma_start3A : memref<1x640xf32, #tpu.memory_space<hbm>> -> memref<640xf32, #tpu.memory_space<hbm>>
      %dma_start3A_24 = tpu.memref_slice %arg7[%mul3A_22] : memref<10240xf32, #tpu.memory_space<vmem_shared>> -> memref<640xf32, #tpu.memory_space<vmem_shared>>
      tpu.enqueue_dma source(%dma_start3A_24 : memref<640xf32, #tpu.memory_space<vmem_shared>>) target(%dma_start3A_23 : memref<640xf32, #tpu.memory_space<hbm>>) target_semaphore(%run_scoped3A : memref<!tpu.dma_semaphore, #tpu.memory_space<semaphore_mem>>)
      %dma_wait3A = tpu.memref_slice %arg3[%arg0, %mul3A_22] : memref<2x10240xf32, #tpu.memory_space<hbm>> -> memref<1x640xf32, #tpu.memory_space<hbm>>
      %dma_wait3A_25 = tpu.memref_squeeze %dma_wait3A : memref<1x640xf32, #tpu.memory_space<hbm>> -> memref<640xf32, #tpu.memory_space<hbm>>
      %dma_wait3A_26 = tpu.memref_slice %arg7[%mul3A_22] : memref<10240xf32, #tpu.memory_space<vmem_shared>> -> memref<640xf32, #tpu.memory_space<vmem_shared>>
      tpu.wait_dma2 semaphore(%run_scoped3A : memref<!tpu.dma_semaphore, #tpu.memory_space<semaphore_mem>>) src(%dma_wait3A_26 : memref<640xf32, #tpu.memory_space<vmem_shared>>) dst(%dma_wait3A_25 : memref<640xf32, #tpu.memory_space<hbm>>)
      tpu.yield
    }) : () -> ()
    return
  }
}

#map = affine_map<(d0, d1) -> (0, 0)>
#map1 = affine_map<(d0, d1) -> (0, 0, 0)>
module attributes {stable_mosaic.version = 14 : i64} {
  func.func @_sc_conv_body(%arg0: i32, %arg1: i32, %arg2: memref<10240x128xf32, #tpu.memory_space<hbm>>, %arg3: memref<32x79x128xi32, #tpu.memory_space<hbm>>, %arg4: memref<2x10240x128xf32, #tpu.memory_space<hbm>>, %arg5: memref<79x128xi32, #tpu.memory_space<vmem>>, %arg6: memref<2x128xi32, #tpu.memory_space<vmem>>, %arg7: memref<2x128xi32, #tpu.memory_space<vmem>>, %arg8: memref<128x128xf32, #tpu.memory_space<vmem>>, %arg9: memref<128x128xf32, #tpu.memory_space<vmem>>, %arg10: memref<10240x128xf32, #tpu.memory_space<vmem_shared>>, %arg11: memref<!tpu.dma_semaphore, #tpu.memory_space<semaphore_mem>>, %arg12: memref<!tpu.dma_semaphore, #tpu.memory_space<semaphore_mem>>) attributes {dimension_semantics = [#tpu.dimension_semantics<core_parallel>, #tpu.dimension_semantics<subcore_parallel>], iteration_bounds = array<i64: 2, 16>, scalar_prefetch = 0 : i64, scratch_operands = 8 : i64, tpu.core_type = #tpu.core_type<sc_vector_subcore>, window_params = [{transform_indices = #map}, {transform_indices = #map1}, {transform_indices = #map1}]} {
    %mul3A = arith.constant 16 : i32
    %mul3A_0 = arith.muli %arg0, %mul3A : i32
    %add3A = arith.addi %mul3A_0, %arg1 : i32
    "tpu.region"() ({
      %run_scoped3A_418 = tpu.sem_alloc : memref<!tpu.dma_semaphore, #tpu.memory_space<semaphore_mem>>
      %dma_start3A_419 = arith.constant 0 : i32
      %dma_start3A_420 = arith.constant 0 : i32
      %dma_start3A_421 = tpu.memref_slice %arg3[%add3A, %dma_start3A_419, %dma_start3A_420] : memref<32x79x128xi32, #tpu.memory_space<hbm>> -> memref<1x79x128xi32, #tpu.memory_space<hbm>>
      %dma_start3A_422 = tpu.memref_squeeze %dma_start3A_421 : memref<1x79x128xi32, #tpu.memory_space<hbm>> -> memref<79x128xi32, #tpu.memory_space<hbm>>
      %dma_start3A_423 = arith.constant 0 : i32
      %dma_start3A_424 = arith.constant 0 : i32
      %dma_start3A_425 = tpu.memref_slice %arg3[%add3A, %dma_start3A_423, %dma_start3A_424] : memref<32x79x128xi32, #tpu.memory_space<hbm>> -> memref<1x79x128xi32, #tpu.memory_space<hbm>>
      %dma_start3A_426 = tpu.memref_squeeze %dma_start3A_425 : memref<1x79x128xi32, #tpu.memory_space<hbm>> -> memref<79x128xi32, #tpu.memory_space<hbm>>
      tpu.enqueue_dma source(%dma_start3A_426 : memref<79x128xi32, #tpu.memory_space<hbm>>) target(%arg5 : memref<79x128xi32, #tpu.memory_space<vmem>>) target_semaphore(%run_scoped3A_418 : memref<!tpu.dma_semaphore, #tpu.memory_space<semaphore_mem>>)
      %dma_wait3A_427 = arith.constant 0 : i32
      %dma_wait3A_428 = arith.constant 0 : i32
      %dma_wait3A_429 = tpu.memref_slice %arg3[%add3A, %dma_wait3A_427, %dma_wait3A_428] : memref<32x79x128xi32, #tpu.memory_space<hbm>> -> memref<1x79x128xi32, #tpu.memory_space<hbm>>
      %dma_wait3A_430 = tpu.memref_squeeze %dma_wait3A_429 : memref<1x79x128xi32, #tpu.memory_space<hbm>> -> memref<79x128xi32, #tpu.memory_space<hbm>>
      %dma_wait3A_431 = arith.constant 0 : i32
      %dma_wait3A_432 = arith.constant 0 : i32
      %dma_wait3A_433 = tpu.memref_slice %arg3[%add3A, %dma_wait3A_431, %dma_wait3A_432] : memref<32x79x128xi32, #tpu.memory_space<hbm>> -> memref<1x79x128xi32, #tpu.memory_space<hbm>>
      %dma_wait3A_434 = tpu.memref_squeeze %dma_wait3A_433 : memref<1x79x128xi32, #tpu.memory_space<hbm>> -> memref<79x128xi32, #tpu.memory_space<hbm>>
      tpu.wait_dma2 semaphore(%run_scoped3A_418 : memref<!tpu.dma_semaphore, #tpu.memory_space<semaphore_mem>>) src(%dma_wait3A_434 : memref<79x128xi32, #tpu.memory_space<hbm>>) dst(%arg5 : memref<79x128xi32, #tpu.memory_space<vmem>>)
      tpu.yield
    }) : () -> ()
    %get3A = arith.constant 0 : i32
    %get3A_1 = arith.index_cast %get3A : i32 to index
    %get3A_2 = arith.constant 0 : index
    %get3A_3 = tpu.vector_load %arg5[%get3A_1, %get3A_2] {strides = array<i32>} : memref<79x128xi32, #tpu.memory_space<vmem>>, vector<1x16xi32>,
    %get3A_4 = vector.shape_cast %get3A_3 : vector<1x16xi32> to vector<16xi32>
    %and3A = arith.constant 16383 : i32
    %and3A_5 = vector.broadcast %and3A : i32 to vector<16xi32>
    %and3A_6 = arith.andi %get3A_4, %and3A_5 : vector<16xi32>
    %swap3A = arith.constant 0 : i32
    %swap3A_7 = arith.index_cast %swap3A : i32 to index
    %swap3A_8 = arith.constant 0 : index
    %swap3A_9 = tpu.vector_load %arg6[%swap3A_7, %swap3A_8] {strides = array<i32>} : memref<2x128xi32, #tpu.memory_space<vmem>>, vector<1x16xi32>,
    %swap3A_10 = vector.shape_cast %swap3A_9 : vector<1x16xi32> to vector<16xi32>
    %swap3A_11 = vector.shape_cast %and3A_6 : vector<16xi32> to vector<1x16xi32>
    tpu.vector_store %arg6[%swap3A_7, %swap3A_8], %swap3A_11 {strides = array<i32>} : memref<2x128xi32, #tpu.memory_space<vmem>>, vector<1x16xi32>,
    %shift_right_logical3A = arith.constant 14 : i32
    %shift_right_logical3A_12 = vector.broadcast %shift_right_logical3A : i32 to vector<16xi32>
    %shift_right_logical3A_13 = arith.shrui %get3A_4, %shift_right_logical3A_12 : vector<16xi32>
    %swap3A_14 = arith.constant 0 : i32
    %swap3A_15 = arith.index_cast %swap3A_14 : i32 to index
    %swap3A_16 = arith.constant 0 : index
    %swap3A_17 = tpu.vector_load %arg7[%swap3A_15, %swap3A_16] {strides = array<i32>} : memref<2x128xi32, #tpu.memory_space<vmem>>, vector<1x16xi32>,
    %swap3A_18 = vector.shape_cast %swap3A_17 : vector<1x16xi32> to vector<16xi32>
    %swap3A_19 = vector.shape_cast %shift_right_logical3A_13 : vector<16xi32> to vector<1x16xi32>
    tpu.vector_store %arg7[%swap3A_15, %swap3A_16], %swap3A_19 {strides = array<i32>} : memref<2x128xi32, #tpu.memory_space<vmem>>, vector<1x16xi32>,
    %get3A_20 = arith.constant 0 : i32
    %get3A_21 = arith.index_cast %get3A_20 : i32 to index
    %get3A_22 = arith.constant 16 : index
    %get3A_23 = tpu.vector_load %arg5[%get3A_21, %get3A_22] {strides = array<i32>} : memref<79x128xi32, #tpu.memory_space<vmem>>, vector<1x16xi32>,
    %get3A_24 = vector.shape_cast %get3A_23 : vector<1x16xi32> to vector<16xi32>
    %and3A_25 = arith.constant 16383 : i32
    %and3A_26 = vector.broadcast %and3A_25 : i32 to vector<16xi32>
    %and3A_27 = arith.andi %get3A_24, %and3A_26 : vector<16xi32>
    %swap3A_28 = arith.constant 0 : i32
    %swap3A_29 = arith.index_cast %swap3A_28 : i32 to index
    %swap3A_30 = arith.constant 16 : index
    %swap3A_31 = tpu.vector_load %arg6[%swap3A_29, %swap3A_30] {strides = array<i32>} : memref<2x128xi32, #tpu.memory_space<vmem>>, vector<1x16xi32>,
    %swap3A_32 = vector.shape_cast %swap3A_31 : vector<1x16xi32> to vector<16xi32>
    %swap3A_33 = vector.shape_cast %and3A_27 : vector<16xi32> to vector<1x16xi32>
    tpu.vector_store %arg6[%swap3A_29, %swap3A_30], %swap3A_33 {strides = array<i32>} : memref<2x128xi32, #tpu.memory_space<vmem>>, vector<1x16xi32>,
    %shift_right_logical3A_34 = arith.constant 14 : i32
    %shift_right_logical3A_35 = vector.broadcast %shift_right_logical3A_34 : i32 to vector<16xi32>
    %shift_right_logical3A_36 = arith.shrui %get3A_24, %shift_right_logical3A_35 : vector<16xi32>
    %swap3A_37 = arith.constant 0 : i32
    %swap3A_38 = arith.index_cast %swap3A_37 : i32 to index
    %swap3A_39 = arith.constant 16 : index
    %swap3A_40 = tpu.vector_load %arg7[%swap3A_38, %swap3A_39] {strides = array<i32>} : memref<2x128xi32, #tpu.memory_space<vmem>>, vector<1x16xi32>,
    %swap3A_41 = vector.shape_cast %swap3A_40 : vector<1x16xi32> to vector<16xi32>
    %swap3A_42 = vector.shape_cast %shift_right_logical3A_36 : vector<16xi32> to vector<1x16xi32>
    tpu.vector_store %arg7[%swap3A_38, %swap3A_39], %swap3A_42 {strides = array<i32>} : memref<2x128xi32, #tpu.memory_space<vmem>>, vector<1x16xi32>,
    %get3A_43 = arith.constant 0 : i32
    %get3A_44 = arith.index_cast %get3A_43 : i32 to index
    %get3A_45 = arith.constant 32 : index
    %get3A_46 = tpu.vector_load %arg5[%get3A_44, %get3A_45] {strides = array<i32>} : memref<79x128xi32, #tpu.memory_space<vmem>>, vector<1x16xi32>,
    %get3A_47 = vector.shape_cast %get3A_46 : vector<1x16xi32> to vector<16xi32>
    %and3A_48 = arith.constant 16383 : i32
    %and3A_49 = vector.broadcast %and3A_48 : i32 to vector<16xi32>
    %and3A_50 = arith.andi %get3A_47, %and3A_49 : vector<16xi32>
    %swap3A_51 = arith.constant 0 : i32
    %swap3A_52 = arith.index_cast %swap3A_51 : i32 to index
    %swap3A_53 = arith.constant 32 : index
    %swap3A_54 = tpu.vector_load %arg6[%swap3A_52, %swap3A_53] {strides = array<i32>} : memref<2x128xi32, #tpu.memory_space<vmem>>, vector<1x16xi32>,
    %swap3A_55 = vector.shape_cast %swap3A_54 : vector<1x16xi32> to vector<16xi32>
    %swap3A_56 = vector.shape_cast %and3A_50 : vector<16xi32> to vector<1x16xi32>
    tpu.vector_store %arg6[%swap3A_52, %swap3A_53], %swap3A_56 {strides = array<i32>} : memref<2x128xi32, #tpu.memory_space<vmem>>, vector<1x16xi32>,
    %shift_right_logical3A_57 = arith.constant 14 : i32
    %shift_right_logical3A_58 = vector.broadcast %shift_right_logical3A_57 : i32 to vector<16xi32>
    %shift_right_logical3A_59 = arith.shrui %get3A_47, %shift_right_logical3A_58 : vector<16xi32>
    %swap3A_60 = arith.constant 0 : i32
    %swap3A_61 = arith.index_cast %swap3A_60 : i32 to index
    %swap3A_62 = arith.constant 32 : index
    %swap3A_63 = tpu.vector_load %arg7[%swap3A_61, %swap3A_62] {strides = array<i32>} : memref<2x128xi32, #tpu.memory_space<vmem>>, vector<1x16xi32>,
    %swap3A_64 = vector.shape_cast %swap3A_63 : vector<1x16xi32> to vector<16xi32>
    %swap3A_65 = vector.shape_cast %shift_right_logical3A_59 : vector<16xi32> to vector<1x16xi32>
    tpu.vector_store %arg7[%swap3A_61, %swap3A_62], %swap3A_65 {strides = array<i32>} : memref<2x128xi32, #tpu.memory_space<vmem>>, vector<1x16xi32>,
    %get3A_66 = arith.constant 0 : i32
    %get3A_67 = arith.index_cast %get3A_66 : i32 to index
    %get3A_68 = arith.constant 48 : index
    %get3A_69 = tpu.vector_load %arg5[%get3A_67, %get3A_68] {strides = array<i32>} : memref<79x128xi32, #tpu.memory_space<vmem>>, vector<1x16xi32>,
    %get3A_70 = vector.shape_cast %get3A_69 : vector<1x16xi32> to vector<16xi32>
    %and3A_71 = arith.constant 16383 : i32
    %and3A_72 = vector.broadcast %and3A_71 : i32 to vector<16xi32>
    %and3A_73 = arith.andi %get3A_70, %and3A_72 : vector<16xi32>
    %swap3A_74 = arith.constant 0 : i32
    %swap3A_75 = arith.index_cast %swap3A_74 : i32 to index
    %swap3A_76 = arith.constant 48 : index
    %swap3A_77 = tpu.vector_load %arg6[%swap3A_75, %swap3A_76] {strides = array<i32>} : memref<2x128xi32, #tpu.memory_space<vmem>>, vector<1x16xi32>,
    %swap3A_78 = vector.shape_cast %swap3A_77 : vector<1x16xi32> to vector<16xi32>
    %swap3A_79 = vector.shape_cast %and3A_73 : vector<16xi32> to vector<1x16xi32>
    tpu.vector_store %arg6[%swap3A_75, %swap3A_76], %swap3A_79 {strides = array<i32>} : memref<2x128xi32, #tpu.memory_space<vmem>>, vector<1x16xi32>,
    %shift_right_logical3A_80 = arith.constant 14 : i32
    %shift_right_logical3A_81 = vector.broadcast %shift_right_logical3A_80 : i32 to vector<16xi32>
    %shift_right_logical3A_82 = arith.shrui %get3A_70, %shift_right_logical3A_81 : vector<16xi32>
    %swap3A_83 = arith.constant 0 : i32
    %swap3A_84 = arith.index_cast %swap3A_83 : i32 to index
    %swap3A_85 = arith.constant 48 : index
    %swap3A_86 = tpu.vector_load %arg7[%swap3A_84, %swap3A_85] {strides = array<i32>} : memref<2x128xi32, #tpu.memory_space<vmem>>, vector<1x16xi32>,
    %swap3A_87 = vector.shape_cast %swap3A_86 : vector<1x16xi32> to vector<16xi32>
    %swap3A_88 = vector.shape_cast %shift_right_logical3A_82 : vector<16xi32> to vector<1x16xi32>
    tpu.vector_store %arg7[%swap3A_84, %swap3A_85], %swap3A_88 {strides = array<i32>} : memref<2x128xi32, #tpu.memory_space<vmem>>, vector<1x16xi32>,
    %get3A_89 = arith.constant 0 : i32
    %get3A_90 = arith.index_cast %get3A_89 : i32 to index
    %get3A_91 = arith.constant 64 : index
    %get3A_92 = tpu.vector_load %arg5[%get3A_90, %get3A_91] {strides = array<i32>} : memref<79x128xi32, #tpu.memory_space<vmem>>, vector<1x16xi32>,
    %get3A_93 = vector.shape_cast %get3A_92 : vector<1x16xi32> to vector<16xi32>
    %and3A_94 = arith.constant 16383 : i32
    %and3A_95 = vector.broadcast %and3A_94 : i32 to vector<16xi32>
    %and3A_96 = arith.andi %get3A_93, %and3A_95 : vector<16xi32>
    %swap3A_97 = arith.constant 0 : i32
    %swap3A_98 = arith.index_cast %swap3A_97 : i32 to index
    %swap3A_99 = arith.constant 64 : index
    %swap3A_100 = tpu.vector_load %arg6[%swap3A_98, %swap3A_99] {strides = array<i32>} : memref<2x128xi32, #tpu.memory_space<vmem>>, vector<1x16xi32>,
    %swap3A_101 = vector.shape_cast %swap3A_100 : vector<1x16xi32> to vector<16xi32>
    %swap3A_102 = vector.shape_cast %and3A_96 : vector<16xi32> to vector<1x16xi32>
    tpu.vector_store %arg6[%swap3A_98, %swap3A_99], %swap3A_102 {strides = array<i32>} : memref<2x128xi32, #tpu.memory_space<vmem>>, vector<1x16xi32>,
    %shift_right_logical3A_103 = arith.constant 14 : i32
    %shift_right_logical3A_104 = vector.broadcast %shift_right_logical3A_103 : i32 to vector<16xi32>
    %shift_right_logical3A_105 = arith.shrui %get3A_93, %shift_right_logical3A_104 : vector<16xi32>
    %swap3A_106 = arith.constant 0 : i32
    %swap3A_107 = arith.index_cast %swap3A_106 : i32 to index
    %swap3A_108 = arith.constant 64 : index
    %swap3A_109 = tpu.vector_load %arg7[%swap3A_107, %swap3A_108] {strides = array<i32>} : memref<2x128xi32, #tpu.memory_space<vmem>>, vector<1x16xi32>,
    %swap3A_110 = vector.shape_cast %swap3A_109 : vector<1x16xi32> to vector<16xi32>
    %swap3A_111 = vector.shape_cast %shift_right_logical3A_105 : vector<16xi32> to vector<1x16xi32>
    tpu.vector_store %arg7[%swap3A_107, %swap3A_108], %swap3A_111 {strides = array<i32>} : memref<2x128xi32, #tpu.memory_space<vmem>>, vector<1x16xi32>,
    %get3A_112 = arith.constant 0 : i32
    %get3A_113 = arith.index_cast %get3A_112 : i32 to index
    %get3A_114 = arith.constant 80 : index
    %get3A_115 = tpu.vector_load %arg5[%get3A_113, %get3A_114] {strides = array<i32>} : memref<79x128xi32, #tpu.memory_space<vmem>>, vector<1x16xi32>,
    %get3A_116 = vector.shape_cast %get3A_115 : vector<1x16xi32> to vector<16xi32>
    %and3A_117 = arith.constant 16383 : i32
    %and3A_118 = vector.broadcast %and3A_117 : i32 to vector<16xi32>
    %and3A_119 = arith.andi %get3A_116, %and3A_118 : vector<16xi32>
    %swap3A_120 = arith.constant 0 : i32
    %swap3A_121 = arith.index_cast %swap3A_120 : i32 to index
    %swap3A_122 = arith.constant 80 : index
    %swap3A_123 = tpu.vector_load %arg6[%swap3A_121, %swap3A_122] {strides = array<i32>} : memref<2x128xi32, #tpu.memory_space<vmem>>, vector<1x16xi32>,
    %swap3A_124 = vector.shape_cast %swap3A_123 : vector<1x16xi32> to vector<16xi32>
    %swap3A_125 = vector.shape_cast %and3A_119 : vector<16xi32> to vector<1x16xi32>
    tpu.vector_store %arg6[%swap3A_121, %swap3A_122], %swap3A_125 {strides = array<i32>} : memref<2x128xi32, #tpu.memory_space<vmem>>, vector<1x16xi32>,
    %shift_right_logical3A_126 = arith.constant 14 : i32
    %shift_right_logical3A_127 = vector.broadcast %shift_right_logical3A_126 : i32 to vector<16xi32>
    %shift_right_logical3A_128 = arith.shrui %get3A_116, %shift_right_logical3A_127 : vector<16xi32>
    %swap3A_129 = arith.constant 0 : i32
    %swap3A_130 = arith.index_cast %swap3A_129 : i32 to index
    %swap3A_131 = arith.constant 80 : index
    %swap3A_132 = tpu.vector_load %arg7[%swap3A_130, %swap3A_131] {strides = array<i32>} : memref<2x128xi32, #tpu.memory_space<vmem>>, vector<1x16xi32>,
    %swap3A_133 = vector.shape_cast %swap3A_132 : vector<1x16xi32> to vector<16xi32>
    %swap3A_134 = vector.shape_cast %shift_right_logical3A_128 : vector<16xi32> to vector<1x16xi32>
    tpu.vector_store %arg7[%swap3A_130, %swap3A_131], %swap3A_134 {strides = array<i32>} : memref<2x128xi32, #tpu.memory_space<vmem>>, vector<1x16xi32>,
    %get3A_135 = arith.constant 0 : i32
    %get3A_136 = arith.index_cast %get3A_135 : i32 to index
    %get3A_137 = arith.constant 96 : index
    %get3A_138 = tpu.vector_load %arg5[%get3A_136, %get3A_137] {strides = array<i32>} : memref<79x128xi32, #tpu.memory_space<vmem>>, vector<1x16xi32>,
    %get3A_139 = vector.shape_cast %get3A_138 : vector<1x16xi32> to vector<16xi32>
    %and3A_140 = arith.constant 16383 : i32
    %and3A_141 = vector.broadcast %and3A_140 : i32 to vector<16xi32>
    %and3A_142 = arith.andi %get3A_139, %and3A_141 : vector<16xi32>
    %swap3A_143 = arith.constant 0 : i32
    %swap3A_144 = arith.index_cast %swap3A_143 : i32 to index
    %swap3A_145 = arith.constant 96 : index
    %swap3A_146 = tpu.vector_load %arg6[%swap3A_144, %swap3A_145] {strides = array<i32>} : memref<2x128xi32, #tpu.memory_space<vmem>>, vector<1x16xi32>,
    %swap3A_147 = vector.shape_cast %swap3A_146 : vector<1x16xi32> to vector<16xi32>
    %swap3A_148 = vector.shape_cast %and3A_142 : vector<16xi32> to vector<1x16xi32>
    tpu.vector_store %arg6[%swap3A_144, %swap3A_145], %swap3A_148 {strides = array<i32>} : memref<2x128xi32, #tpu.memory_space<vmem>>, vector<1x16xi32>,
    %shift_right_logical3A_149 = arith.constant 14 : i32
    %shift_right_logical3A_150 = vector.broadcast %shift_right_logical3A_149 : i32 to vector<16xi32>
    %shift_right_logical3A_151 = arith.shrui %get3A_139, %shift_right_logical3A_150 : vector<16xi32>
    %swap3A_152 = arith.constant 0 : i32
    %swap3A_153 = arith.index_cast %swap3A_152 : i32 to index
    %swap3A_154 = arith.constant 96 : index
    %swap3A_155 = tpu.vector_load %arg7[%swap3A_153, %swap3A_154] {strides = array<i32>} : memref<2x128xi32, #tpu.memory_space<vmem>>, vector<1x16xi32>,
    %swap3A_156 = vector.shape_cast %swap3A_155 : vector<1x16xi32> to vector<16xi32>
    %swap3A_157 = vector.shape_cast %shift_right_logical3A_151 : vector<16xi32> to vector<1x16xi32>
    tpu.vector_store %arg7[%swap3A_153, %swap3A_154], %swap3A_157 {strides = array<i32>} : memref<2x128xi32, #tpu.memory_space<vmem>>, vector<1x16xi32>,
    %get3A_158 = arith.constant 0 : i32
    %get3A_159 = arith.index_cast %get3A_158 : i32 to index
    %get3A_160 = arith.constant 112 : index
    %get3A_161 = tpu.vector_load %arg5[%get3A_159, %get3A_160] {strides = array<i32>} : memref<79x128xi32, #tpu.memory_space<vmem>>, vector<1x16xi32>,
    %get3A_162 = vector.shape_cast %get3A_161 : vector<1x16xi32> to vector<16xi32>
    %and3A_163 = arith.constant 16383 : i32
    %and3A_164 = vector.broadcast %and3A_163 : i32 to vector<16xi32>
    %and3A_165 = arith.andi %get3A_162, %and3A_164 : vector<16xi32>
    %swap3A_166 = arith.constant 0 : i32
    %swap3A_167 = arith.index_cast %swap3A_166 : i32 to index
    %swap3A_168 = arith.constant 112 : index
    %swap3A_169 = tpu.vector_load %arg6[%swap3A_167, %swap3A_168] {strides = array<i32>} : memref<2x128xi32, #tpu.memory_space<vmem>>, vector<1x16xi32>,
    %swap3A_170 = vector.shape_cast %swap3A_169 : vector<1x16xi32> to vector<16xi32>
    %swap3A_171 = vector.shape_cast %and3A_165 : vector<16xi32> to vector<1x16xi32>
    tpu.vector_store %arg6[%swap3A_167, %swap3A_168], %swap3A_171 {strides = array<i32>} : memref<2x128xi32, #tpu.memory_space<vmem>>, vector<1x16xi32>,
    %shift_right_logical3A_172 = arith.constant 14 : i32
    %shift_right_logical3A_173 = vector.broadcast %shift_right_logical3A_172 : i32 to vector<16xi32>
    %shift_right_logical3A_174 = arith.shrui %get3A_162, %shift_right_logical3A_173 : vector<16xi32>
    %swap3A_175 = arith.constant 0 : i32
    %swap3A_176 = arith.index_cast %swap3A_175 : i32 to index
    %swap3A_177 = arith.constant 112 : index
    %swap3A_178 = tpu.vector_load %arg7[%swap3A_176, %swap3A_177] {strides = array<i32>} : memref<2x128xi32, #tpu.memory_space<vmem>>, vector<1x16xi32>,
    %swap3A_179 = vector.shape_cast %swap3A_178 : vector<1x16xi32> to vector<16xi32>
    %swap3A_180 = vector.shape_cast %shift_right_logical3A_174 : vector<16xi32> to vector<1x16xi32>
    tpu.vector_store %arg7[%swap3A_176, %swap3A_177], %swap3A_180 {strides = array<i32>} : memref<2x128xi32, #tpu.memory_space<vmem>>, vector<1x16xi32>,
    %dma_start3A = arith.constant 0 : i32
    %dma_start3A_181 = arith.constant 0 : i32
    %dma_start3A_182 = tpu.memref_slice %arg6[%dma_start3A, %dma_start3A_181] : memref<2x128xi32, #tpu.memory_space<vmem>> -> memref<1x128xi32, #tpu.memory_space<vmem>>
    %dma_start3A_183 = tpu.memref_squeeze %dma_start3A_182 : memref<1x128xi32, #tpu.memory_space<vmem>> -> memref<128xi32, #tpu.memory_space<vmem>>
    %dma_start3A_184 = arith.constant 0 : i32
    %dma_start3A_185 = arith.constant 0 : i32
    %dma_start3A_186 = tpu.memref_slice %arg2[%dma_start3A_184, %dma_start3A_185] : memref<10240x128xf32, #tpu.memory_space<hbm>> -> memref<10240x128xf32, #tpu.memory_space<hbm>>
    tpu.enqueue_indirect_dma source(%dma_start3A_186 : memref<10240x128xf32, #tpu.memory_space<hbm>>) target(%arg8 : memref<128x128xf32, #tpu.memory_space<vmem>>) offsets(%dma_start3A_183 : memref<128xi32, #tpu.memory_space<vmem>>) semaphore(%arg11 : memref<!tpu.dma_semaphore, #tpu.memory_space<semaphore_mem>>)
    %scan3A = arith.constant 0 : i32
    %scan3A_187 = arith.constant 0 : i32
    %scan3A_188 = arith.constant 128 : i32
    %scan3A_189 = arith.addi %scan3A_187, %scan3A_188 : i32
    %scan3A_190 = arith.constant 1 : i32
    scf.for %scan3A_418 = %scan3A_187 to %scan3A_189 step %scan3A_190  : i32 {
      %scan3A_419 = arith.constant 0 : i32
      %scan3A_420 = arith.constant 8 : i32
      %scan3A_421 = arith.addi %scan3A_419, %scan3A_420 : i32
      %scan3A_422 = arith.constant 1 : i32
      scf.for %scan3A_424 = %scan3A_419 to %scan3A_421 step %scan3A_422  : i32 {
        %broadcast_in_dim3A = arith.constant 0.000000e+00 : f32
        %broadcast_in_dim3A_425 = vector.broadcast %broadcast_in_dim3A : f32 to vector<16xf32>
        %mul3A_426 = arith.constant 16 : i32
        %mul3A_427 = arith.muli %scan3A_424, %mul3A_426 : i32
        %swap3A_428 = arith.index_cast %scan3A_418 : i32 to index
        %swap3A_429 = arith.index_cast %mul3A_427 : i32 to index
        %swap3A_430 = tpu.vector_load %arg9[%swap3A_428, %swap3A_429] {strides = array<i32>} : memref<128x128xf32, #tpu.memory_space<vmem>>, vector<1x16xf32>,
        %swap3A_431 = vector.shape_cast %swap3A_430 : vector<1x16xf32> to vector<16xf32>
        %swap3A_432 = vector.shape_cast %broadcast_in_dim3A_425 : vector<16xf32> to vector<1x16xf32>
        tpu.vector_store %arg9[%swap3A_428, %swap3A_429], %swap3A_432 {strides = array<i32>} : memref<128x128xf32, #tpu.memory_space<vmem>>, vector<1x16xf32>,
      }
      %scan3A_423 = arith.constant 8 : i32
    }
    %scan3A_191 = arith.constant 128 : i32
    %mul3A_192 = arith.constant 640 : i32
    %mul3A_193 = arith.muli %arg1, %mul3A_192 : i32
    %add3A_194 = arith.constant 0 : i32
    %add3A_195 = arith.addi %mul3A_193, %add3A_194 : i32
    "tpu.region"() ({
      %run_scoped3A_418 = tpu.sem_alloc : memref<!tpu.dma_semaphore, #tpu.memory_space<semaphore_mem>>
      %dma_start3A_419 = arith.constant 0 : i32
      %dma_start3A_420 = tpu.memref_slice %arg10[%add3A_195, %dma_start3A_419] : memref<10240x128xf32, #tpu.memory_space<vmem_shared>> -> memref<128x128xf32, #tpu.memory_space<vmem_shared>>
      %dma_start3A_421 = arith.constant 0 : i32
      %dma_start3A_422 = tpu.memref_slice %arg10[%add3A_195, %dma_start3A_421] : memref<10240x128xf32, #tpu.memory_space<vmem_shared>> -> memref<128x128xf32, #tpu.memory_space<vmem_shared>>
      tpu.enqueue_dma source(%arg9 : memref<128x128xf32, #tpu.memory_space<vmem>>) target(%dma_start3A_422 : memref<128x128xf32, #tpu.memory_space<vmem_shared>>) target_semaphore(%run_scoped3A_418 : memref<!tpu.dma_semaphore, #tpu.memory_space<semaphore_mem>>)
      %dma_wait3A_423 = arith.constant 0 : i32
      %dma_wait3A_424 = tpu.memref_slice %arg10[%add3A_195, %dma_wait3A_423] : memref<10240x128xf32, #tpu.memory_space<vmem_shared>> -> memref<128x128xf32, #tpu.memory_space<vmem_shared>>
      %dma_wait3A_425 = arith.constant 0 : i32
      %dma_wait3A_426 = tpu.memref_slice %arg10[%add3A_195, %dma_wait3A_425] : memref<10240x128xf32, #tpu.memory_space<vmem_shared>> -> memref<128x128xf32, #tpu.memory_space<vmem_shared>>
      tpu.wait_dma2 semaphore(%run_scoped3A_418 : memref<!tpu.dma_semaphore, #tpu.memory_space<semaphore_mem>>) src(%arg9 : memref<128x128xf32, #tpu.memory_space<vmem>>) dst(%dma_wait3A_426 : memref<128x128xf32, #tpu.memory_space<vmem_shared>>)
      tpu.yield
    }) : () -> ()
    %mul3A_196 = arith.constant 640 : i32
    %mul3A_197 = arith.muli %arg1, %mul3A_196 : i32
    %add3A_198 = arith.constant 128 : i32
    %add3A_199 = arith.addi %mul3A_197, %add3A_198 : i32
    "tpu.region"() ({
      %run_scoped3A_418 = tpu.sem_alloc : memref<!tpu.dma_semaphore, #tpu.memory_space<semaphore_mem>>
      %dma_start3A_419 = arith.constant 0 : i32
      %dma_start3A_420 = tpu.memref_slice %arg10[%add3A_199, %dma_start3A_419] : memref<10240x128xf32, #tpu.memory_space<vmem_shared>> -> memref<128x128xf32, #tpu.memory_space<vmem_shared>>
      %dma_start3A_421 = arith.constant 0 : i32
      %dma_start3A_422 = tpu.memref_slice %arg10[%add3A_199, %dma_start3A_421] : memref<10240x128xf32, #tpu.memory_space<vmem_shared>> -> memref<128x128xf32, #tpu.memory_space<vmem_shared>>
      tpu.enqueue_dma source(%arg9 : memref<128x128xf32, #tpu.memory_space<vmem>>) target(%dma_start3A_422 : memref<128x128xf32, #tpu.memory_space<vmem_shared>>) target_semaphore(%run_scoped3A_418 : memref<!tpu.dma_semaphore, #tpu.memory_space<semaphore_mem>>)
      %dma_wait3A_423 = arith.constant 0 : i32
      %dma_wait3A_424 = tpu.memref_slice %arg10[%add3A_199, %dma_wait3A_423] : memref<10240x128xf32, #tpu.memory_space<vmem_shared>> -> memref<128x128xf32, #tpu.memory_space<vmem_shared>>
      %dma_wait3A_425 = arith.constant 0 : i32
      %dma_wait3A_426 = tpu.memref_slice %arg10[%add3A_199, %dma_wait3A_425] : memref<10240x128xf32, #tpu.memory_space<vmem_shared>> -> memref<128x128xf32, #tpu.memory_space<vmem_shared>>
      tpu.wait_dma2 semaphore(%run_scoped3A_418 : memref<!tpu.dma_semaphore, #tpu.memory_space<semaphore_mem>>) src(%arg9 : memref<128x128xf32, #tpu.memory_space<vmem>>) dst(%dma_wait3A_426 : memref<128x128xf32, #tpu.memory_space<vmem_shared>>)
      tpu.yield
    }) : () -> ()
    %mul3A_200 = arith.constant 640 : i32
    %mul3A_201 = arith.muli %arg1, %mul3A_200 : i32
    %add3A_202 = arith.constant 256 : i32
    %add3A_203 = arith.addi %mul3A_201, %add3A_202 : i32
    "tpu.region"() ({
      %run_scoped3A_418 = tpu.sem_alloc : memref<!tpu.dma_semaphore, #tpu.memory_space<semaphore_mem>>
      %dma_start3A_419 = arith.constant 0 : i32
      %dma_start3A_420 = tpu.memref_slice %arg10[%add3A_203, %dma_start3A_419] : memref<10240x128xf32, #tpu.memory_space<vmem_shared>> -> memref<128x128xf32, #tpu.memory_space<vmem_shared>>
      %dma_start3A_421 = arith.constant 0 : i32
      %dma_start3A_422 = tpu.memref_slice %arg10[%add3A_203, %dma_start3A_421] : memref<10240x128xf32, #tpu.memory_space<vmem_shared>> -> memref<128x128xf32, #tpu.memory_space<vmem_shared>>
      tpu.enqueue_dma source(%arg9 : memref<128x128xf32, #tpu.memory_space<vmem>>) target(%dma_start3A_422 : memref<128x128xf32, #tpu.memory_space<vmem_shared>>) target_semaphore(%run_scoped3A_418 : memref<!tpu.dma_semaphore, #tpu.memory_space<semaphore_mem>>)
      %dma_wait3A_423 = arith.constant 0 : i32
      %dma_wait3A_424 = tpu.memref_slice %arg10[%add3A_203, %dma_wait3A_423] : memref<10240x128xf32, #tpu.memory_space<vmem_shared>> -> memref<128x128xf32, #tpu.memory_space<vmem_shared>>
      %dma_wait3A_425 = arith.constant 0 : i32
      %dma_wait3A_426 = tpu.memref_slice %arg10[%add3A_203, %dma_wait3A_425] : memref<10240x128xf32, #tpu.memory_space<vmem_shared>> -> memref<128x128xf32, #tpu.memory_space<vmem_shared>>
      tpu.wait_dma2 semaphore(%run_scoped3A_418 : memref<!tpu.dma_semaphore, #tpu.memory_space<semaphore_mem>>) src(%arg9 : memref<128x128xf32, #tpu.memory_space<vmem>>) dst(%dma_wait3A_426 : memref<128x128xf32, #tpu.memory_space<vmem_shared>>)
      tpu.yield
    }) : () -> ()
    %mul3A_204 = arith.constant 640 : i32
    %mul3A_205 = arith.muli %arg1, %mul3A_204 : i32
    %add3A_206 = arith.constant 384 : i32
    %add3A_207 = arith.addi %mul3A_205, %add3A_206 : i32
    "tpu.region"() ({
      %run_scoped3A_418 = tpu.sem_alloc : memref<!tpu.dma_semaphore, #tpu.memory_space<semaphore_mem>>
      %dma_start3A_419 = arith.constant 0 : i32
      %dma_start3A_420 = tpu.memref_slice %arg10[%add3A_207, %dma_start3A_419] : memref<10240x128xf32, #tpu.memory_space<vmem_shared>> -> memref<128x128xf32, #tpu.memory_space<vmem_shared>>
      %dma_start3A_421 = arith.constant 0 : i32
      %dma_start3A_422 = tpu.memref_slice %arg10[%add3A_207, %dma_start3A_421] : memref<10240x128xf32, #tpu.memory_space<vmem_shared>> -> memref<128x128xf32, #tpu.memory_space<vmem_shared>>
      tpu.enqueue_dma source(%arg9 : memref<128x128xf32, #tpu.memory_space<vmem>>) target(%dma_start3A_422 : memref<128x128xf32, #tpu.memory_space<vmem_shared>>) target_semaphore(%run_scoped3A_418 : memref<!tpu.dma_semaphore, #tpu.memory_space<semaphore_mem>>)
      %dma_wait3A_423 = arith.constant 0 : i32
      %dma_wait3A_424 = tpu.memref_slice %arg10[%add3A_207, %dma_wait3A_423] : memref<10240x128xf32, #tpu.memory_space<vmem_shared>> -> memref<128x128xf32, #tpu.memory_space<vmem_shared>>
      %dma_wait3A_425 = arith.constant 0 : i32
      %dma_wait3A_426 = tpu.memref_slice %arg10[%add3A_207, %dma_wait3A_425] : memref<10240x128xf32, #tpu.memory_space<vmem_shared>> -> memref<128x128xf32, #tpu.memory_space<vmem_shared>>
      tpu.wait_dma2 semaphore(%run_scoped3A_418 : memref<!tpu.dma_semaphore, #tpu.memory_space<semaphore_mem>>) src(%arg9 : memref<128x128xf32, #tpu.memory_space<vmem>>) dst(%dma_wait3A_426 : memref<128x128xf32, #tpu.memory_space<vmem_shared>>)
      tpu.yield
    }) : () -> ()
    %mul3A_208 = arith.constant 640 : i32
    %mul3A_209 = arith.muli %arg1, %mul3A_208 : i32
    %add3A_210 = arith.constant 512 : i32
    %add3A_211 = arith.addi %mul3A_209, %add3A_210 : i32
    "tpu.region"() ({
      %run_scoped3A_418 = tpu.sem_alloc : memref<!tpu.dma_semaphore, #tpu.memory_space<semaphore_mem>>
      %dma_start3A_419 = arith.constant 0 : i32
      %dma_start3A_420 = tpu.memref_slice %arg10[%add3A_211, %dma_start3A_419] : memref<10240x128xf32, #tpu.memory_space<vmem_shared>> -> memref<128x128xf32, #tpu.memory_space<vmem_shared>>
      %dma_start3A_421 = arith.constant 0 : i32
      %dma_start3A_422 = tpu.memref_slice %arg10[%add3A_211, %dma_start3A_421] : memref<10240x128xf32, #tpu.memory_space<vmem_shared>> -> memref<128x128xf32, #tpu.memory_space<vmem_shared>>
      tpu.enqueue_dma source(%arg9 : memref<128x128xf32, #tpu.memory_space<vmem>>) target(%dma_start3A_422 : memref<128x128xf32, #tpu.memory_space<vmem_shared>>) target_semaphore(%run_scoped3A_418 : memref<!tpu.dma_semaphore, #tpu.memory_space<semaphore_mem>>)
      %dma_wait3A_423 = arith.constant 0 : i32
      %dma_wait3A_424 = tpu.memref_slice %arg10[%add3A_211, %dma_wait3A_423] : memref<10240x128xf32, #tpu.memory_space<vmem_shared>> -> memref<128x128xf32, #tpu.memory_space<vmem_shared>>
      %dma_wait3A_425 = arith.constant 0 : i32
      %dma_wait3A_426 = tpu.memref_slice %arg10[%add3A_211, %dma_wait3A_425] : memref<10240x128xf32, #tpu.memory_space<vmem_shared>> -> memref<128x128xf32, #tpu.memory_space<vmem_shared>>
      tpu.wait_dma2 semaphore(%run_scoped3A_418 : memref<!tpu.dma_semaphore, #tpu.memory_space<semaphore_mem>>) src(%arg9 : memref<128x128xf32, #tpu.memory_space<vmem>>) dst(%dma_wait3A_426 : memref<128x128xf32, #tpu.memory_space<vmem_shared>>)
      tpu.yield
    }) : () -> ()
    %get3A_212 = arith.constant 1 : i32
    %get3A_213 = arith.index_cast %get3A_212 : i32 to index
    %get3A_214 = arith.constant 0 : index
    %get3A_215 = tpu.vector_load %arg5[%get3A_213, %get3A_214] {strides = array<i32>} : memref<79x128xi32, #tpu.memory_space<vmem>>, vector<1x16xi32>,
    %get3A_216 = vector.shape_cast %get3A_215 : vector<1x16xi32> to vector<16xi32>
    %and3A_217 = arith.constant 16383 : i32
    %and3A_218 = vector.broadcast %and3A_217 : i32 to vector<16xi32>
    %and3A_219 = arith.andi %get3A_216, %and3A_218 : vector<16xi32>
    %swap3A_220 = arith.constant 1 : i32
    %swap3A_221 = arith.index_cast %swap3A_220 : i32 to index
    %swap3A_222 = arith.constant 0 : index
    %swap3A_223 = tpu.vector_load %arg6[%swap3A_221, %swap3A_222] {strides = array<i32>} : memref<2x128xi32, #tpu.memory_space<vmem>>, vector<1x16xi32>,
    %swap3A_224 = vector.shape_cast %swap3A_223 : vector<1x16xi32> to vector<16xi32>
    %swap3A_225 = vector.shape_cast %and3A_219 : vector<16xi32> to vector<1x16xi32>
    tpu.vector_store %arg6[%swap3A_221, %swap3A_222], %swap3A_225 {strides = array<i32>} : memref<2x128xi32, #tpu.memory_space<vmem>>, vector<1x16xi32>,
    %shift_right_logical3A_226 = arith.constant 14 : i32
    %shift_right_logical3A_227 = vector.broadcast %shift_right_logical3A_226 : i32 to vector<16xi32>
    %shift_right_logical3A_228 = arith.shrui %get3A_216, %shift_right_logical3A_227 : vector<16xi32>
    %swap3A_229 = arith.constant 1 : i32
    %swap3A_230 = arith.index_cast %swap3A_229 : i32 to index
    %swap3A_231 = arith.constant 0 : index
    %swap3A_232 = tpu.vector_load %arg7[%swap3A_230, %swap3A_231] {strides = array<i32>} : memref<2x128xi32, #tpu.memory_space<vmem>>, vector<1x16xi32>,
    %swap3A_233 = vector.shape_cast %swap3A_232 : vector<1x16xi32> to vector<16xi32>
    %swap3A_234 = vector.shape_cast %shift_right_logical3A_228 : vector<16xi32> to vector<1x16xi32>
    tpu.vector_store %arg7[%swap3A_230, %swap3A_231], %swap3A_234 {strides = array<i32>} : memref<2x128xi32, #tpu.memory_space<vmem>>, vector<1x16xi32>,
    %get3A_235 = arith.constant 1 : i32
    %get3A_236 = arith.index_cast %get3A_235 : i32 to index
    %get3A_237 = arith.constant 16 : index
    %get3A_238 = tpu.vector_load %arg5[%get3A_236, %get3A_237] {strides = array<i32>} : memref<79x128xi32, #tpu.memory_space<vmem>>, vector<1x16xi32>,
    %get3A_239 = vector.shape_cast %get3A_238 : vector<1x16xi32> to vector<16xi32>
    %and3A_240 = arith.constant 16383 : i32
    %and3A_241 = vector.broadcast %and3A_240 : i32 to vector<16xi32>
    %and3A_242 = arith.andi %get3A_239, %and3A_241 : vector<16xi32>
    %swap3A_243 = arith.constant 1 : i32
    %swap3A_244 = arith.index_cast %swap3A_243 : i32 to index
    %swap3A_245 = arith.constant 16 : index
    %swap3A_246 = tpu.vector_load %arg6[%swap3A_244, %swap3A_245] {strides = array<i32>} : memref<2x128xi32, #tpu.memory_space<vmem>>, vector<1x16xi32>,
    %swap3A_247 = vector.shape_cast %swap3A_246 : vector<1x16xi32> to vector<16xi32>
    %swap3A_248 = vector.shape_cast %and3A_242 : vector<16xi32> to vector<1x16xi32>
    tpu.vector_store %arg6[%swap3A_244, %swap3A_245], %swap3A_248 {strides = array<i32>} : memref<2x128xi32, #tpu.memory_space<vmem>>, vector<1x16xi32>,
    %shift_right_logical3A_249 = arith.constant 14 : i32
    %shift_right_logical3A_250 = vector.broadcast %shift_right_logical3A_249 : i32 to vector<16xi32>
    %shift_right_logical3A_251 = arith.shrui %get3A_239, %shift_right_logical3A_250 : vector<16xi32>
    %swap3A_252 = arith.constant 1 : i32
    %swap3A_253 = arith.index_cast %swap3A_252 : i32 to index
    %swap3A_254 = arith.constant 16 : index
    %swap3A_255 = tpu.vector_load %arg7[%swap3A_253, %swap3A_254] {strides = array<i32>} : memref<2x128xi32, #tpu.memory_space<vmem>>, vector<1x16xi32>,
    %swap3A_256 = vector.shape_cast %swap3A_255 : vector<1x16xi32> to vector<16xi32>
    %swap3A_257 = vector.shape_cast %shift_right_logical3A_251 : vector<16xi32> to vector<1x16xi32>
    tpu.vector_store %arg7[%swap3A_253, %swap3A_254], %swap3A_257 {strides = array<i32>} : memref<2x128xi32, #tpu.memory_space<vmem>>, vector<1x16xi32>,
    %get3A_258 = arith.constant 1 : i32
    %get3A_259 = arith.index_cast %get3A_258 : i32 to index
    %get3A_260 = arith.constant 32 : index
    %get3A_261 = tpu.vector_load %arg5[%get3A_259, %get3A_260] {strides = array<i32>} : memref<79x128xi32, #tpu.memory_space<vmem>>, vector<1x16xi32>,
    %get3A_262 = vector.shape_cast %get3A_261 : vector<1x16xi32> to vector<16xi32>
    %and3A_263 = arith.constant 16383 : i32
    %and3A_264 = vector.broadcast %and3A_263 : i32 to vector<16xi32>
    %and3A_265 = arith.andi %get3A_262, %and3A_264 : vector<16xi32>
    %swap3A_266 = arith.constant 1 : i32
    %swap3A_267 = arith.index_cast %swap3A_266 : i32 to index
    %swap3A_268 = arith.constant 32 : index
    %swap3A_269 = tpu.vector_load %arg6[%swap3A_267, %swap3A_268] {strides = array<i32>} : memref<2x128xi32, #tpu.memory_space<vmem>>, vector<1x16xi32>,
    %swap3A_270 = vector.shape_cast %swap3A_269 : vector<1x16xi32> to vector<16xi32>
    %swap3A_271 = vector.shape_cast %and3A_265 : vector<16xi32> to vector<1x16xi32>
    tpu.vector_store %arg6[%swap3A_267, %swap3A_268], %swap3A_271 {strides = array<i32>} : memref<2x128xi32, #tpu.memory_space<vmem>>, vector<1x16xi32>,
    %shift_right_logical3A_272 = arith.constant 14 : i32
    %shift_right_logical3A_273 = vector.broadcast %shift_right_logical3A_272 : i32 to vector<16xi32>
    %shift_right_logical3A_274 = arith.shrui %get3A_262, %shift_right_logical3A_273 : vector<16xi32>
    %swap3A_275 = arith.constant 1 : i32
    %swap3A_276 = arith.index_cast %swap3A_275 : i32 to index
    %swap3A_277 = arith.constant 32 : index
    %swap3A_278 = tpu.vector_load %arg7[%swap3A_276, %swap3A_277] {strides = array<i32>} : memref<2x128xi32, #tpu.memory_space<vmem>>, vector<1x16xi32>,
    %swap3A_279 = vector.shape_cast %swap3A_278 : vector<1x16xi32> to vector<16xi32>
    %swap3A_280 = vector.shape_cast %shift_right_logical3A_274 : vector<16xi32> to vector<1x16xi32>
    tpu.vector_store %arg7[%swap3A_276, %swap3A_277], %swap3A_280 {strides = array<i32>} : memref<2x128xi32, #tpu.memory_space<vmem>>, vector<1x16xi32>,
    %get3A_281 = arith.constant 1 : i32
    %get3A_282 = arith.index_cast %get3A_281 : i32 to index
    %get3A_283 = arith.constant 48 : index
    %get3A_284 = tpu.vector_load %arg5[%get3A_282, %get3A_283] {strides = array<i32>} : memref<79x128xi32, #tpu.memory_space<vmem>>, vector<1x16xi32>,
    %get3A_285 = vector.shape_cast %get3A_284 : vector<1x16xi32> to vector<16xi32>
    %and3A_286 = arith.constant 16383 : i32
    %and3A_287 = vector.broadcast %and3A_286 : i32 to vector<16xi32>
    %and3A_288 = arith.andi %get3A_285, %and3A_287 : vector<16xi32>
    %swap3A_289 = arith.constant 1 : i32
    %swap3A_290 = arith.index_cast %swap3A_289 : i32 to index
    %swap3A_291 = arith.constant 48 : index
    %swap3A_292 = tpu.vector_load %arg6[%swap3A_290, %swap3A_291] {strides = array<i32>} : memref<2x128xi32, #tpu.memory_space<vmem>>, vector<1x16xi32>,
    %swap3A_293 = vector.shape_cast %swap3A_292 : vector<1x16xi32> to vector<16xi32>
    %swap3A_294 = vector.shape_cast %and3A_288 : vector<16xi32> to vector<1x16xi32>
    tpu.vector_store %arg6[%swap3A_290, %swap3A_291], %swap3A_294 {strides = array<i32>} : memref<2x128xi32, #tpu.memory_space<vmem>>, vector<1x16xi32>,
    %shift_right_logical3A_295 = arith.constant 14 : i32
    %shift_right_logical3A_296 = vector.broadcast %shift_right_logical3A_295 : i32 to vector<16xi32>
    %shift_right_logical3A_297 = arith.shrui %get3A_285, %shift_right_logical3A_296 : vector<16xi32>
    %swap3A_298 = arith.constant 1 : i32
    %swap3A_299 = arith.index_cast %swap3A_298 : i32 to index
    %swap3A_300 = arith.constant 48 : index
    %swap3A_301 = tpu.vector_load %arg7[%swap3A_299, %swap3A_300] {strides = array<i32>} : memref<2x128xi32, #tpu.memory_space<vmem>>, vector<1x16xi32>,
    %swap3A_302 = vector.shape_cast %swap3A_301 : vector<1x16xi32> to vector<16xi32>
    %swap3A_303 = vector.shape_cast %shift_right_logical3A_297 : vector<16xi32> to vector<1x16xi32>
    tpu.vector_store %arg7[%swap3A_299, %swap3A_300], %swap3A_303 {strides = array<i32>} : memref<2x128xi32, #tpu.memory_space<vmem>>, vector<1x16xi32>,
    %get3A_304 = arith.constant 1 : i32
    %get3A_305 = arith.index_cast %get3A_304 : i32 to index
    %get3A_306 = arith.constant 64 : index
    %get3A_307 = tpu.vector_load %arg5[%get3A_305, %get3A_306] {strides = array<i32>} : memref<79x128xi32, #tpu.memory_space<vmem>>, vector<1x16xi32>,
    %get3A_308 = vector.shape_cast %get3A_307 : vector<1x16xi32> to vector<16xi32>
    %and3A_309 = arith.constant 16383 : i32
    %and3A_310 = vector.broadcast %and3A_309 : i32 to vector<16xi32>
    %and3A_311 = arith.andi %get3A_308, %and3A_310 : vector<16xi32>
    %swap3A_312 = arith.constant 1 : i32
    %swap3A_313 = arith.index_cast %swap3A_312 : i32 to index
    %swap3A_314 = arith.constant 64 : index
    %swap3A_315 = tpu.vector_load %arg6[%swap3A_313, %swap3A_314] {strides = array<i32>} : memref<2x128xi32, #tpu.memory_space<vmem>>, vector<1x16xi32>,
    %swap3A_316 = vector.shape_cast %swap3A_315 : vector<1x16xi32> to vector<16xi32>
    %swap3A_317 = vector.shape_cast %and3A_311 : vector<16xi32> to vector<1x16xi32>
    tpu.vector_store %arg6[%swap3A_313, %swap3A_314], %swap3A_317 {strides = array<i32>} : memref<2x128xi32, #tpu.memory_space<vmem>>, vector<1x16xi32>,
    %shift_right_logical3A_318 = arith.constant 14 : i32
    %shift_right_logical3A_319 = vector.broadcast %shift_right_logical3A_318 : i32 to vector<16xi32>
    %shift_right_logical3A_320 = arith.shrui %get3A_308, %shift_right_logical3A_319 : vector<16xi32>
    %swap3A_321 = arith.constant 1 : i32
    %swap3A_322 = arith.index_cast %swap3A_321 : i32 to index
    %swap3A_323 = arith.constant 64 : index
    %swap3A_324 = tpu.vector_load %arg7[%swap3A_322, %swap3A_323] {strides = array<i32>} : memref<2x128xi32, #tpu.memory_space<vmem>>, vector<1x16xi32>,
    %swap3A_325 = vector.shape_cast %swap3A_324 : vector<1x16xi32> to vector<16xi32>
    %swap3A_326 = vector.shape_cast %shift_right_logical3A_320 : vector<16xi32> to vector<1x16xi32>
    tpu.vector_store %arg7[%swap3A_322, %swap3A_323], %swap3A_326 {strides = array<i32>} : memref<2x128xi32, #tpu.memory_space<vmem>>, vector<1x16xi32>,
    %get3A_327 = arith.constant 1 : i32
    %get3A_328 = arith.index_cast %get3A_327 : i32 to index
    %get3A_329 = arith.constant 80 : index
    %get3A_330 = tpu.vector_load %arg5[%get3A_328, %get3A_329] {strides = array<i32>} : memref<79x128xi32, #tpu.memory_space<vmem>>, vector<1x16xi32>,
    %get3A_331 = vector.shape_cast %get3A_330 : vector<1x16xi32> to vector<16xi32>
    %and3A_332 = arith.constant 16383 : i32
    %and3A_333 = vector.broadcast %and3A_332 : i32 to vector<16xi32>
    %and3A_334 = arith.andi %get3A_331, %and3A_333 : vector<16xi32>
    %swap3A_335 = arith.constant 1 : i32
    %swap3A_336 = arith.index_cast %swap3A_335 : i32 to index
    %swap3A_337 = arith.constant 80 : index
    %swap3A_338 = tpu.vector_load %arg6[%swap3A_336, %swap3A_337] {strides = array<i32>} : memref<2x128xi32, #tpu.memory_space<vmem>>, vector<1x16xi32>,
    %swap3A_339 = vector.shape_cast %swap3A_338 : vector<1x16xi32> to vector<16xi32>
    %swap3A_340 = vector.shape_cast %and3A_334 : vector<16xi32> to vector<1x16xi32>
    tpu.vector_store %arg6[%swap3A_336, %swap3A_337], %swap3A_340 {strides = array<i32>} : memref<2x128xi32, #tpu.memory_space<vmem>>, vector<1x16xi32>,
    %shift_right_logical3A_341 = arith.constant 14 : i32
    %shift_right_logical3A_342 = vector.broadcast %shift_right_logical3A_341 : i32 to vector<16xi32>
    %shift_right_logical3A_343 = arith.shrui %get3A_331, %shift_right_logical3A_342 : vector<16xi32>
    %swap3A_344 = arith.constant 1 : i32
    %swap3A_345 = arith.index_cast %swap3A_344 : i32 to index
    %swap3A_346 = arith.constant 80 : index
    %swap3A_347 = tpu.vector_load %arg7[%swap3A_345, %swap3A_346] {strides = array<i32>} : memref<2x128xi32, #tpu.memory_space<vmem>>, vector<1x16xi32>,
    %swap3A_348 = vector.shape_cast %swap3A_347 : vector<1x16xi32> to vector<16xi32>
    %swap3A_349 = vector.shape_cast %shift_right_logical3A_343 : vector<16xi32> to vector<1x16xi32>
    tpu.vector_store %arg7[%swap3A_345, %swap3A_346], %swap3A_349 {strides = array<i32>} : memref<2x128xi32, #tpu.memory_space<vmem>>, vector<1x16xi32>,
    %get3A_350 = arith.constant 1 : i32
    %get3A_351 = arith.index_cast %get3A_350 : i32 to index
    %get3A_352 = arith.constant 96 : index
    %get3A_353 = tpu.vector_load %arg5[%get3A_351, %get3A_352] {strides = array<i32>} : memref<79x128xi32, #tpu.memory_space<vmem>>, vector<1x16xi32>,
    %get3A_354 = vector.shape_cast %get3A_353 : vector<1x16xi32> to vector<16xi32>
    %and3A_355 = arith.constant 16383 : i32
    %and3A_356 = vector.broadcast %and3A_355 : i32 to vector<16xi32>
    %and3A_357 = arith.andi %get3A_354, %and3A_356 : vector<16xi32>
    %swap3A_358 = arith.constant 1 : i32
    %swap3A_359 = arith.index_cast %swap3A_358 : i32 to index
    %swap3A_360 = arith.constant 96 : index
    %swap3A_361 = tpu.vector_load %arg6[%swap3A_359, %swap3A_360] {strides = array<i32>} : memref<2x128xi32, #tpu.memory_space<vmem>>, vector<1x16xi32>,
    %swap3A_362 = vector.shape_cast %swap3A_361 : vector<1x16xi32> to vector<16xi32>
    %swap3A_363 = vector.shape_cast %and3A_357 : vector<16xi32> to vector<1x16xi32>
    tpu.vector_store %arg6[%swap3A_359, %swap3A_360], %swap3A_363 {strides = array<i32>} : memref<2x128xi32, #tpu.memory_space<vmem>>, vector<1x16xi32>,
    %shift_right_logical3A_364 = arith.constant 14 : i32
    %shift_right_logical3A_365 = vector.broadcast %shift_right_logical3A_364 : i32 to vector<16xi32>
    %shift_right_logical3A_366 = arith.shrui %get3A_354, %shift_right_logical3A_365 : vector<16xi32>
    %swap3A_367 = arith.constant 1 : i32
    %swap3A_368 = arith.index_cast %swap3A_367 : i32 to index
    %swap3A_369 = arith.constant 96 : index
    %swap3A_370 = tpu.vector_load %arg7[%swap3A_368, %swap3A_369] {strides = array<i32>} : memref<2x128xi32, #tpu.memory_space<vmem>>, vector<1x16xi32>,
    %swap3A_371 = vector.shape_cast %swap3A_370 : vector<1x16xi32> to vector<16xi32>
    %swap3A_372 = vector.shape_cast %shift_right_logical3A_366 : vector<16xi32> to vector<1x16xi32>
    tpu.vector_store %arg7[%swap3A_368, %swap3A_369], %swap3A_372 {strides = array<i32>} : memref<2x128xi32, #tpu.memory_space<vmem>>, vector<1x16xi32>,
    %get3A_373 = arith.constant 1 : i32
    %get3A_374 = arith.index_cast %get3A_373 : i32 to index
    %get3A_375 = arith.constant 112 : index
    %get3A_376 = tpu.vector_load %arg5[%get3A_374, %get3A_375] {strides = array<i32>} : memref<79x128xi32, #tpu.memory_space<vmem>>, vector<1x16xi32>,
    %get3A_377 = vector.shape_cast %get3A_376 : vector<1x16xi32> to vector<16xi32>
    %and3A_378 = arith.constant 16383 : i32
    %and3A_379 = vector.broadcast %and3A_378 : i32 to vector<16xi32>
    %and3A_380 = arith.andi %get3A_377, %and3A_379 : vector<16xi32>
    %swap3A_381 = arith.constant 1 : i32
    %swap3A_382 = arith.index_cast %swap3A_381 : i32 to index
    %swap3A_383 = arith.constant 112 : index
    %swap3A_384 = tpu.vector_load %arg6[%swap3A_382, %swap3A_383] {strides = array<i32>} : memref<2x128xi32, #tpu.memory_space<vmem>>, vector<1x16xi32>,
    %swap3A_385 = vector.shape_cast %swap3A_384 : vector<1x16xi32> to vector<16xi32>
    %swap3A_386 = vector.shape_cast %and3A_380 : vector<16xi32> to vector<1x16xi32>
    tpu.vector_store %arg6[%swap3A_382, %swap3A_383], %swap3A_386 {strides = array<i32>} : memref<2x128xi32, #tpu.memory_space<vmem>>, vector<1x16xi32>,
    %shift_right_logical3A_387 = arith.constant 14 : i32
    %shift_right_logical3A_388 = vector.broadcast %shift_right_logical3A_387 : i32 to vector<16xi32>
    %shift_right_logical3A_389 = arith.shrui %get3A_377, %shift_right_logical3A_388 : vector<16xi32>
    %swap3A_390 = arith.constant 1 : i32
    %swap3A_391 = arith.index_cast %swap3A_390 : i32 to index
    %swap3A_392 = arith.constant 112 : index
    %swap3A_393 = tpu.vector_load %arg7[%swap3A_391, %swap3A_392] {strides = array<i32>} : memref<2x128xi32, #tpu.memory_space<vmem>>, vector<1x16xi32>,
    %swap3A_394 = vector.shape_cast %swap3A_393 : vector<1x16xi32> to vector<16xi32>
    %swap3A_395 = vector.shape_cast %shift_right_logical3A_389 : vector<16xi32> to vector<1x16xi32>
    tpu.vector_store %arg7[%swap3A_391, %swap3A_392], %swap3A_395 {strides = array<i32>} : memref<2x128xi32, #tpu.memory_space<vmem>>, vector<1x16xi32>,
    %dma_start3A_396 = arith.constant 1 : i32
    %dma_start3A_397 = arith.constant 0 : i32
    %dma_start3A_398 = tpu.memref_slice %arg6[%dma_start3A_396, %dma_start3A_397] : memref<2x128xi32, #tpu.memory_space<vmem>> -> memref<1x128xi32, #tpu.memory_space<vmem>>
    %dma_start3A_399 = tpu.memref_squeeze %dma_start3A_398 : memref<1x128xi32, #tpu.memory_space<vmem>> -> memref<128xi32, #tpu.memory_space<vmem>>
    %dma_start3A_400 = arith.constant 0 : i32
    %dma_start3A_401 = arith.constant 0 : i32
    %dma_start3A_402 = tpu.memref_slice %arg2[%dma_start3A_400, %dma_start3A_401] : memref<10240x128xf32, #tpu.memory_space<hbm>> -> memref<10240x128xf32, #tpu.memory_space<hbm>>
    tpu.enqueue_indirect_dma source(%dma_start3A_402 : memref<10240x128xf32, #tpu.memory_space<hbm>>) target(%arg9 : memref<128x128xf32, #tpu.memory_space<vmem>>) offsets(%dma_start3A_399 : memref<128xi32, #tpu.memory_space<vmem>>) semaphore(%arg12 : memref<!tpu.dma_semaphore, #tpu.memory_space<semaphore_mem>>)
    %barrier3A = arith.constant 0 : index
    tpu.barrier barrier_id(%barrier3A)
    %scan3A_403 = arith.constant 0 : i32
    %scan3A_404 = arith.constant 0 : i32
    %scan3A_405 = arith.constant 39 : i32
    %scan3A_406 = arith.addi %scan3A_404, %scan3A_405 : i32
    %scan3A_407 = arith.constant 1 : i32
    scf.for %scan3A_418 = %scan3A_404 to %scan3A_406 step %scan3A_407  : i32 {
      %mul3A_419 = arith.constant 2 : i32
      %mul3A_420 = arith.muli %mul3A_419, %scan3A_418 : i32
      %mul3A_421 = arith.constant 2 : i32
      %mul3A_422 = arith.muli %mul3A_421, %scan3A_418 : i32
      %add3A_423 = arith.constant 1 : i32
      %add3A_424 = arith.addi %mul3A_422, %add3A_423 : i32
      %dma_wait3A_425 = arith.constant 0 : i32
      %dma_wait3A_426 = arith.constant 0 : i32
      %dma_wait3A_427 = tpu.memref_slice %arg6[%dma_wait3A_425, %dma_wait3A_426] : memref<2x128xi32, #tpu.memory_space<vmem>> -> memref<1x128xi32, #tpu.memory_space<vmem>>
      %dma_wait3A_428 = tpu.memref_squeeze %dma_wait3A_427 : memref<1x128xi32, #tpu.memory_space<vmem>> -> memref<128xi32, #tpu.memory_space<vmem>>
      %dma_wait3A_429 = arith.constant 0 : i32
      %dma_wait3A_430 = arith.constant 0 : i32
      %dma_wait3A_431 = tpu.memref_slice %arg2[%dma_wait3A_429, %dma_wait3A_430] : memref<10240x128xf32, #tpu.memory_space<hbm>> -> memref<10240x128xf32, #tpu.memory_space<hbm>>
      tpu.wait_indirect_dma semaphore(%arg11 : memref<!tpu.dma_semaphore, #tpu.memory_space<semaphore_mem>>) src(%dma_wait3A_431 : memref<10240x128xf32, #tpu.memory_space<hbm>>) dst(%arg8 : memref<128x128xf32, #tpu.memory_space<vmem>>)
      %run_scoped3A_432 = arith.constant 0 : i32
      "tpu.region"() ({
        %run_scoped3A_452 = tpu.sem_alloc : memref<!tpu.dma_semaphore, #tpu.memory_space<semaphore_mem>>
        %dma_start3A_453 = arith.constant 0 : i32
        %dma_start3A_454 = tpu.memref_slice %arg7[%run_scoped3A_432, %dma_start3A_453] : memref<2x128xi32, #tpu.memory_space<vmem>> -> memref<1x128xi32, #tpu.memory_space<vmem>>
        %dma_start3A_455 = tpu.memref_squeeze %dma_start3A_454 : memref<1x128xi32, #tpu.memory_space<vmem>> -> memref<128xi32, #tpu.memory_space<vmem>>
        %dma_start3A_456 = arith.constant 0 : i32
        %dma_start3A_457 = arith.constant 0 : i32
        %dma_start3A_458 = tpu.memref_slice %arg10[%dma_start3A_456, %dma_start3A_457] : memref<10240x128xf32, #tpu.memory_space<vmem_shared>> -> memref<10240x128xf32, #tpu.memory_space<vmem_shared>>
        tpu.enqueue_indirect_dma source(%arg8 : memref<128x128xf32, #tpu.memory_space<vmem>>) target(%dma_start3A_458 : memref<10240x128xf32, #tpu.memory_space<vmem_shared>>) offsets(%dma_start3A_455 : memref<128xi32, #tpu.memory_space<vmem>>) semaphore(%run_scoped3A_452 : memref<!tpu.dma_semaphore, #tpu.memory_space<semaphore_mem>>) {add = true}
        %dma_wait3A_459 = arith.constant 0 : i32
        %dma_wait3A_460 = tpu.memref_slice %arg7[%run_scoped3A_432, %dma_wait3A_459] : memref<2x128xi32, #tpu.memory_space<vmem>> -> memref<1x128xi32, #tpu.memory_space<vmem>>
        %dma_wait3A_461 = tpu.memref_squeeze %dma_wait3A_460 : memref<1x128xi32, #tpu.memory_space<vmem>> -> memref<128xi32, #tpu.memory_space<vmem>>
        %dma_wait3A_462 = arith.constant 0 : i32
        %dma_wait3A_463 = arith.constant 0 : i32
        %dma_wait3A_464 = tpu.memref_slice %arg10[%dma_wait3A_462, %dma_wait3A_463] : memref<10240x128xf32, #tpu.memory_space<vmem_shared>> -> memref<10240x128xf32, #tpu.memory_space<vmem_shared>>
        tpu.wait_indirect_dma semaphore(%run_scoped3A_452 : memref<!tpu.dma_semaphore, #tpu.memory_space<semaphore_mem>>) src(%arg8 : memref<128x128xf32, #tpu.memory_space<vmem>>) dst(%dma_wait3A_464 : memref<10240x128xf32, #tpu.memory_space<vmem_shared>>)
        tpu.yield
      }) : () -> ()
      %add3A_433 = arith.constant 2 : i32
      %add3A_434 = arith.addi %mul3A_420, %add3A_433 : i32
      %lt3A = arith.constant 79 : i32
      %lt3A_435 = arith.cmpi slt, %add3A_434, %lt3A : i32
      %convert_element_type3A = arith.extui %lt3A_435 : i1 to i32
      %cond3A = arith.constant 0 : i32
      %cond3A_436 = arith.cmpi ne, %convert_element_type3A, %cond3A : i32
      scf.if %cond3A_436 {
        %add3A_452 = arith.constant 2 : i32
        %add3A_453 = arith.addi %mul3A_420, %add3A_452 : i32
        %get3A_454 = arith.index_cast %add3A_453 : i32 to index
        %get3A_455 = arith.constant 0 : index
        %get3A_456 = tpu.vector_load %arg5[%get3A_454, %get3A_455] {strides = array<i32>} : memref<79x128xi32, #tpu.memory_space<vmem>>, vector<1x16xi32>,
        %get3A_457 = vector.shape_cast %get3A_456 : vector<1x16xi32> to vector<16xi32>
        %and3A_458 = arith.constant 16383 : i32
        %and3A_459 = vector.broadcast %and3A_458 : i32 to vector<16xi32>
        %and3A_460 = arith.andi %get3A_457, %and3A_459 : vector<16xi32>
        %swap3A_461 = arith.constant 0 : i32
        %swap3A_462 = arith.index_cast %swap3A_461 : i32 to index
        %swap3A_463 = arith.constant 0 : index
        %swap3A_464 = tpu.vector_load %arg6[%swap3A_462, %swap3A_463] {strides = array<i32>} : memref<2x128xi32, #tpu.memory_space<vmem>>, vector<1x16xi32>,
        %swap3A_465 = vector.shape_cast %swap3A_464 : vector<1x16xi32> to vector<16xi32>
        %swap3A_466 = vector.shape_cast %and3A_460 : vector<16xi32> to vector<1x16xi32>
        tpu.vector_store %arg6[%swap3A_462, %swap3A_463], %swap3A_466 {strides = array<i32>} : memref<2x128xi32, #tpu.memory_space<vmem>>, vector<1x16xi32>,
        %shift_right_logical3A_467 = arith.constant 14 : i32
        %shift_right_logical3A_468 = vector.broadcast %shift_right_logical3A_467 : i32 to vector<16xi32>
        %shift_right_logical3A_469 = arith.shrui %get3A_457, %shift_right_logical3A_468 : vector<16xi32>
        %swap3A_470 = arith.constant 0 : i32
        %swap3A_471 = arith.index_cast %swap3A_470 : i32 to index
        %swap3A_472 = arith.constant 0 : index
        %swap3A_473 = tpu.vector_load %arg7[%swap3A_471, %swap3A_472] {strides = array<i32>} : memref<2x128xi32, #tpu.memory_space<vmem>>, vector<1x16xi32>,
        %swap3A_474 = vector.shape_cast %swap3A_473 : vector<1x16xi32> to vector<16xi32>
        %swap3A_475 = vector.shape_cast %shift_right_logical3A_469 : vector<16xi32> to vector<1x16xi32>
        tpu.vector_store %arg7[%swap3A_471, %swap3A_472], %swap3A_475 {strides = array<i32>} : memref<2x128xi32, #tpu.memory_space<vmem>>, vector<1x16xi32>,
        %get3A_476 = arith.index_cast %add3A_453 : i32 to index
        %get3A_477 = arith.constant 16 : index
        %get3A_478 = tpu.vector_load %arg5[%get3A_476, %get3A_477] {strides = array<i32>} : memref<79x128xi32, #tpu.memory_space<vmem>>, vector<1x16xi32>,
        %get3A_479 = vector.shape_cast %get3A_478 : vector<1x16xi32> to vector<16xi32>
        %and3A_480 = arith.constant 16383 : i32
        %and3A_481 = vector.broadcast %and3A_480 : i32 to vector<16xi32>
        %and3A_482 = arith.andi %get3A_479, %and3A_481 : vector<16xi32>
        %swap3A_483 = arith.constant 0 : i32
        %swap3A_484 = arith.index_cast %swap3A_483 : i32 to index
        %swap3A_485 = arith.constant 16 : index
        %swap3A_486 = tpu.vector_load %arg6[%swap3A_484, %swap3A_485] {strides = array<i32>} : memref<2x128xi32, #tpu.memory_space<vmem>>, vector<1x16xi32>,
        %swap3A_487 = vector.shape_cast %swap3A_486 : vector<1x16xi32> to vector<16xi32>
        %swap3A_488 = vector.shape_cast %and3A_482 : vector<16xi32> to vector<1x16xi32>
        tpu.vector_store %arg6[%swap3A_484, %swap3A_485], %swap3A_488 {strides = array<i32>} : memref<2x128xi32, #tpu.memory_space<vmem>>, vector<1x16xi32>,
        %shift_right_logical3A_489 = arith.constant 14 : i32
        %shift_right_logical3A_490 = vector.broadcast %shift_right_logical3A_489 : i32 to vector<16xi32>
        %shift_right_logical3A_491 = arith.shrui %get3A_479, %shift_right_logical3A_490 : vector<16xi32>
        %swap3A_492 = arith.constant 0 : i32
        %swap3A_493 = arith.index_cast %swap3A_492 : i32 to index
        %swap3A_494 = arith.constant 16 : index
        %swap3A_495 = tpu.vector_load %arg7[%swap3A_493, %swap3A_494] {strides = array<i32>} : memref<2x128xi32, #tpu.memory_space<vmem>>, vector<1x16xi32>,
        %swap3A_496 = vector.shape_cast %swap3A_495 : vector<1x16xi32> to vector<16xi32>
        %swap3A_497 = vector.shape_cast %shift_right_logical3A_491 : vector<16xi32> to vector<1x16xi32>
        tpu.vector_store %arg7[%swap3A_493, %swap3A_494], %swap3A_497 {strides = array<i32>} : memref<2x128xi32, #tpu.memory_space<vmem>>, vector<1x16xi32>,
        %get3A_498 = arith.index_cast %add3A_453 : i32 to index
        %get3A_499 = arith.constant 32 : index
        %get3A_500 = tpu.vector_load %arg5[%get3A_498, %get3A_499] {strides = array<i32>} : memref<79x128xi32, #tpu.memory_space<vmem>>, vector<1x16xi32>,
        %get3A_501 = vector.shape_cast %get3A_500 : vector<1x16xi32> to vector<16xi32>
        %and3A_502 = arith.constant 16383 : i32
        %and3A_503 = vector.broadcast %and3A_502 : i32 to vector<16xi32>
        %and3A_504 = arith.andi %get3A_501, %and3A_503 : vector<16xi32>
        %swap3A_505 = arith.constant 0 : i32
        %swap3A_506 = arith.index_cast %swap3A_505 : i32 to index
        %swap3A_507 = arith.constant 32 : index
        %swap3A_508 = tpu.vector_load %arg6[%swap3A_506, %swap3A_507] {strides = array<i32>} : memref<2x128xi32, #tpu.memory_space<vmem>>, vector<1x16xi32>,
        %swap3A_509 = vector.shape_cast %swap3A_508 : vector<1x16xi32> to vector<16xi32>
        %swap3A_510 = vector.shape_cast %and3A_504 : vector<16xi32> to vector<1x16xi32>
        tpu.vector_store %arg6[%swap3A_506, %swap3A_507], %swap3A_510 {strides = array<i32>} : memref<2x128xi32, #tpu.memory_space<vmem>>, vector<1x16xi32>,
        %shift_right_logical3A_511 = arith.constant 14 : i32
        %shift_right_logical3A_512 = vector.broadcast %shift_right_logical3A_511 : i32 to vector<16xi32>
        %shift_right_logical3A_513 = arith.shrui %get3A_501, %shift_right_logical3A_512 : vector<16xi32>
        %swap3A_514 = arith.constant 0 : i32
        %swap3A_515 = arith.index_cast %swap3A_514 : i32 to index
        %swap3A_516 = arith.constant 32 : index
        %swap3A_517 = tpu.vector_load %arg7[%swap3A_515, %swap3A_516] {strides = array<i32>} : memref<2x128xi32, #tpu.memory_space<vmem>>, vector<1x16xi32>,
        %swap3A_518 = vector.shape_cast %swap3A_517 : vector<1x16xi32> to vector<16xi32>
        %swap3A_519 = vector.shape_cast %shift_right_logical3A_513 : vector<16xi32> to vector<1x16xi32>
        tpu.vector_store %arg7[%swap3A_515, %swap3A_516], %swap3A_519 {strides = array<i32>} : memref<2x128xi32, #tpu.memory_space<vmem>>, vector<1x16xi32>,
        %get3A_520 = arith.index_cast %add3A_453 : i32 to index
        %get3A_521 = arith.constant 48 : index
        %get3A_522 = tpu.vector_load %arg5[%get3A_520, %get3A_521] {strides = array<i32>} : memref<79x128xi32, #tpu.memory_space<vmem>>, vector<1x16xi32>,
        %get3A_523 = vector.shape_cast %get3A_522 : vector<1x16xi32> to vector<16xi32>
        %and3A_524 = arith.constant 16383 : i32
        %and3A_525 = vector.broadcast %and3A_524 : i32 to vector<16xi32>
        %and3A_526 = arith.andi %get3A_523, %and3A_525 : vector<16xi32>
        %swap3A_527 = arith.constant 0 : i32
        %swap3A_528 = arith.index_cast %swap3A_527 : i32 to index
        %swap3A_529 = arith.constant 48 : index
        %swap3A_530 = tpu.vector_load %arg6[%swap3A_528, %swap3A_529] {strides = array<i32>} : memref<2x128xi32, #tpu.memory_space<vmem>>, vector<1x16xi32>,
        %swap3A_531 = vector.shape_cast %swap3A_530 : vector<1x16xi32> to vector<16xi32>
        %swap3A_532 = vector.shape_cast %and3A_526 : vector<16xi32> to vector<1x16xi32>
        tpu.vector_store %arg6[%swap3A_528, %swap3A_529], %swap3A_532 {strides = array<i32>} : memref<2x128xi32, #tpu.memory_space<vmem>>, vector<1x16xi32>,
        %shift_right_logical3A_533 = arith.constant 14 : i32
        %shift_right_logical3A_534 = vector.broadcast %shift_right_logical3A_533 : i32 to vector<16xi32>
        %shift_right_logical3A_535 = arith.shrui %get3A_523, %shift_right_logical3A_534 : vector<16xi32>
        %swap3A_536 = arith.constant 0 : i32
        %swap3A_537 = arith.index_cast %swap3A_536 : i32 to index
        %swap3A_538 = arith.constant 48 : index
        %swap3A_539 = tpu.vector_load %arg7[%swap3A_537, %swap3A_538] {strides = array<i32>} : memref<2x128xi32, #tpu.memory_space<vmem>>, vector<1x16xi32>,
        %swap3A_540 = vector.shape_cast %swap3A_539 : vector<1x16xi32> to vector<16xi32>
        %swap3A_541 = vector.shape_cast %shift_right_logical3A_535 : vector<16xi32> to vector<1x16xi32>
        tpu.vector_store %arg7[%swap3A_537, %swap3A_538], %swap3A_541 {strides = array<i32>} : memref<2x128xi32, #tpu.memory_space<vmem>>, vector<1x16xi32>,
        %get3A_542 = arith.index_cast %add3A_453 : i32 to index
        %get3A_543 = arith.constant 64 : index
        %get3A_544 = tpu.vector_load %arg5[%get3A_542, %get3A_543] {strides = array<i32>} : memref<79x128xi32, #tpu.memory_space<vmem>>, vector<1x16xi32>,
        %get3A_545 = vector.shape_cast %get3A_544 : vector<1x16xi32> to vector<16xi32>
        %and3A_546 = arith.constant 16383 : i32
        %and3A_547 = vector.broadcast %and3A_546 : i32 to vector<16xi32>
        %and3A_548 = arith.andi %get3A_545, %and3A_547 : vector<16xi32>
        %swap3A_549 = arith.constant 0 : i32
        %swap3A_550 = arith.index_cast %swap3A_549 : i32 to index
        %swap3A_551 = arith.constant 64 : index
        %swap3A_552 = tpu.vector_load %arg6[%swap3A_550, %swap3A_551] {strides = array<i32>} : memref<2x128xi32, #tpu.memory_space<vmem>>, vector<1x16xi32>,
        %swap3A_553 = vector.shape_cast %swap3A_552 : vector<1x16xi32> to vector<16xi32>
        %swap3A_554 = vector.shape_cast %and3A_548 : vector<16xi32> to vector<1x16xi32>
        tpu.vector_store %arg6[%swap3A_550, %swap3A_551], %swap3A_554 {strides = array<i32>} : memref<2x128xi32, #tpu.memory_space<vmem>>, vector<1x16xi32>,
        %shift_right_logical3A_555 = arith.constant 14 : i32
        %shift_right_logical3A_556 = vector.broadcast %shift_right_logical3A_555 : i32 to vector<16xi32>
        %shift_right_logical3A_557 = arith.shrui %get3A_545, %shift_right_logical3A_556 : vector<16xi32>
        %swap3A_558 = arith.constant 0 : i32
        %swap3A_559 = arith.index_cast %swap3A_558 : i32 to index
        %swap3A_560 = arith.constant 64 : index
        %swap3A_561 = tpu.vector_load %arg7[%swap3A_559, %swap3A_560] {strides = array<i32>} : memref<2x128xi32, #tpu.memory_space<vmem>>, vector<1x16xi32>,
        %swap3A_562 = vector.shape_cast %swap3A_561 : vector<1x16xi32> to vector<16xi32>
        %swap3A_563 = vector.shape_cast %shift_right_logical3A_557 : vector<16xi32> to vector<1x16xi32>
        tpu.vector_store %arg7[%swap3A_559, %swap3A_560], %swap3A_563 {strides = array<i32>} : memref<2x128xi32, #tpu.memory_space<vmem>>, vector<1x16xi32>,
        %get3A_564 = arith.index_cast %add3A_453 : i32 to index
        %get3A_565 = arith.constant 80 : index
        %get3A_566 = tpu.vector_load %arg5[%get3A_564, %get3A_565] {strides = array<i32>} : memref<79x128xi32, #tpu.memory_space<vmem>>, vector<1x16xi32>,
        %get3A_567 = vector.shape_cast %get3A_566 : vector<1x16xi32> to vector<16xi32>
        %and3A_568 = arith.constant 16383 : i32
        %and3A_569 = vector.broadcast %and3A_568 : i32 to vector<16xi32>
        %and3A_570 = arith.andi %get3A_567, %and3A_569 : vector<16xi32>
        %swap3A_571 = arith.constant 0 : i32
        %swap3A_572 = arith.index_cast %swap3A_571 : i32 to index
        %swap3A_573 = arith.constant 80 : index
        %swap3A_574 = tpu.vector_load %arg6[%swap3A_572, %swap3A_573] {strides = array<i32>} : memref<2x128xi32, #tpu.memory_space<vmem>>, vector<1x16xi32>,
        %swap3A_575 = vector.shape_cast %swap3A_574 : vector<1x16xi32> to vector<16xi32>
        %swap3A_576 = vector.shape_cast %and3A_570 : vector<16xi32> to vector<1x16xi32>
        tpu.vector_store %arg6[%swap3A_572, %swap3A_573], %swap3A_576 {strides = array<i32>} : memref<2x128xi32, #tpu.memory_space<vmem>>, vector<1x16xi32>,
        %shift_right_logical3A_577 = arith.constant 14 : i32
        %shift_right_logical3A_578 = vector.broadcast %shift_right_logical3A_577 : i32 to vector<16xi32>
        %shift_right_logical3A_579 = arith.shrui %get3A_567, %shift_right_logical3A_578 : vector<16xi32>
        %swap3A_580 = arith.constant 0 : i32
        %swap3A_581 = arith.index_cast %swap3A_580 : i32 to index
        %swap3A_582 = arith.constant 80 : index
        %swap3A_583 = tpu.vector_load %arg7[%swap3A_581, %swap3A_582] {strides = array<i32>} : memref<2x128xi32, #tpu.memory_space<vmem>>, vector<1x16xi32>,
        %swap3A_584 = vector.shape_cast %swap3A_583 : vector<1x16xi32> to vector<16xi32>
        %swap3A_585 = vector.shape_cast %shift_right_logical3A_579 : vector<16xi32> to vector<1x16xi32>
        tpu.vector_store %arg7[%swap3A_581, %swap3A_582], %swap3A_585 {strides = array<i32>} : memref<2x128xi32, #tpu.memory_space<vmem>>, vector<1x16xi32>,
        %get3A_586 = arith.index_cast %add3A_453 : i32 to index
        %get3A_587 = arith.constant 96 : index
        %get3A_588 = tpu.vector_load %arg5[%get3A_586, %get3A_587] {strides = array<i32>} : memref<79x128xi32, #tpu.memory_space<vmem>>, vector<1x16xi32>,
        %get3A_589 = vector.shape_cast %get3A_588 : vector<1x16xi32> to vector<16xi32>
        %and3A_590 = arith.constant 16383 : i32
        %and3A_591 = vector.broadcast %and3A_590 : i32 to vector<16xi32>
        %and3A_592 = arith.andi %get3A_589, %and3A_591 : vector<16xi32>
        %swap3A_593 = arith.constant 0 : i32
        %swap3A_594 = arith.index_cast %swap3A_593 : i32 to index
        %swap3A_595 = arith.constant 96 : index
        %swap3A_596 = tpu.vector_load %arg6[%swap3A_594, %swap3A_595] {strides = array<i32>} : memref<2x128xi32, #tpu.memory_space<vmem>>, vector<1x16xi32>,
        %swap3A_597 = vector.shape_cast %swap3A_596 : vector<1x16xi32> to vector<16xi32>
        %swap3A_598 = vector.shape_cast %and3A_592 : vector<16xi32> to vector<1x16xi32>
        tpu.vector_store %arg6[%swap3A_594, %swap3A_595], %swap3A_598 {strides = array<i32>} : memref<2x128xi32, #tpu.memory_space<vmem>>, vector<1x16xi32>,
        %shift_right_logical3A_599 = arith.constant 14 : i32
        %shift_right_logical3A_600 = vector.broadcast %shift_right_logical3A_599 : i32 to vector<16xi32>
        %shift_right_logical3A_601 = arith.shrui %get3A_589, %shift_right_logical3A_600 : vector<16xi32>
        %swap3A_602 = arith.constant 0 : i32
        %swap3A_603 = arith.index_cast %swap3A_602 : i32 to index
        %swap3A_604 = arith.constant 96 : index
        %swap3A_605 = tpu.vector_load %arg7[%swap3A_603, %swap3A_604] {strides = array<i32>} : memref<2x128xi32, #tpu.memory_space<vmem>>, vector<1x16xi32>,
        %swap3A_606 = vector.shape_cast %swap3A_605 : vector<1x16xi32> to vector<16xi32>
        %swap3A_607 = vector.shape_cast %shift_right_logical3A_601 : vector<16xi32> to vector<1x16xi32>
        tpu.vector_store %arg7[%swap3A_603, %swap3A_604], %swap3A_607 {strides = array<i32>} : memref<2x128xi32, #tpu.memory_space<vmem>>, vector<1x16xi32>,
        %get3A_608 = arith.index_cast %add3A_453 : i32 to index
        %get3A_609 = arith.constant 112 : index
        %get3A_610 = tpu.vector_load %arg5[%get3A_608, %get3A_609] {strides = array<i32>} : memref<79x128xi32, #tpu.memory_space<vmem>>, vector<1x16xi32>,
        %get3A_611 = vector.shape_cast %get3A_610 : vector<1x16xi32> to vector<16xi32>
        %and3A_612 = arith.constant 16383 : i32
        %and3A_613 = vector.broadcast %and3A_612 : i32 to vector<16xi32>
        %and3A_614 = arith.andi %get3A_611, %and3A_613 : vector<16xi32>
        %swap3A_615 = arith.constant 0 : i32
        %swap3A_616 = arith.index_cast %swap3A_615 : i32 to index
        %swap3A_617 = arith.constant 112 : index
        %swap3A_618 = tpu.vector_load %arg6[%swap3A_616, %swap3A_617] {strides = array<i32>} : memref<2x128xi32, #tpu.memory_space<vmem>>, vector<1x16xi32>,
        %swap3A_619 = vector.shape_cast %swap3A_618 : vector<1x16xi32> to vector<16xi32>
        %swap3A_620 = vector.shape_cast %and3A_614 : vector<16xi32> to vector<1x16xi32>
        tpu.vector_store %arg6[%swap3A_616, %swap3A_617], %swap3A_620 {strides = array<i32>} : memref<2x128xi32, #tpu.memory_space<vmem>>, vector<1x16xi32>,
        %shift_right_logical3A_621 = arith.constant 14 : i32
        %shift_right_logical3A_622 = vector.broadcast %shift_right_logical3A_621 : i32 to vector<16xi32>
        %shift_right_logical3A_623 = arith.shrui %get3A_611, %shift_right_logical3A_622 : vector<16xi32>
        %swap3A_624 = arith.constant 0 : i32
        %swap3A_625 = arith.index_cast %swap3A_624 : i32 to index
        %swap3A_626 = arith.constant 112 : index
        %swap3A_627 = tpu.vector_load %arg7[%swap3A_625, %swap3A_626] {strides = array<i32>} : memref<2x128xi32, #tpu.memory_space<vmem>>, vector<1x16xi32>,
        %swap3A_628 = vector.shape_cast %swap3A_627 : vector<1x16xi32> to vector<16xi32>
        %swap3A_629 = vector.shape_cast %shift_right_logical3A_623 : vector<16xi32> to vector<1x16xi32>
        tpu.vector_store %arg7[%swap3A_625, %swap3A_626], %swap3A_629 {strides = array<i32>} : memref<2x128xi32, #tpu.memory_space<vmem>>, vector<1x16xi32>,
        %dma_start3A_630 = arith.constant 0 : i32
        %dma_start3A_631 = arith.constant 0 : i32
        %dma_start3A_632 = tpu.memref_slice %arg6[%dma_start3A_630, %dma_start3A_631] : memref<2x128xi32, #tpu.memory_space<vmem>> -> memref<1x128xi32, #tpu.memory_space<vmem>>
        %dma_start3A_633 = tpu.memref_squeeze %dma_start3A_632 : memref<1x128xi32, #tpu.memory_space<vmem>> -> memref<128xi32, #tpu.memory_space<vmem>>
        %dma_start3A_634 = arith.constant 0 : i32
        %dma_start3A_635 = arith.constant 0 : i32
        %dma_start3A_636 = tpu.memref_slice %arg2[%dma_start3A_634, %dma_start3A_635] : memref<10240x128xf32, #tpu.memory_space<hbm>> -> memref<10240x128xf32, #tpu.memory_space<hbm>>
        tpu.enqueue_indirect_dma source(%dma_start3A_636 : memref<10240x128xf32, #tpu.memory_space<hbm>>) target(%arg8 : memref<128x128xf32, #tpu.memory_space<vmem>>) offsets(%dma_start3A_633 : memref<128xi32, #tpu.memory_space<vmem>>) semaphore(%arg11 : memref<!tpu.dma_semaphore, #tpu.memory_space<semaphore_mem>>)
      } else {
      }
      %dma_wait3A_437 = arith.constant 1 : i32
      %dma_wait3A_438 = arith.constant 0 : i32
      %dma_wait3A_439 = tpu.memref_slice %arg6[%dma_wait3A_437, %dma_wait3A_438] : memref<2x128xi32, #tpu.memory_space<vmem>> -> memref<1x128xi32, #tpu.memory_space<vmem>>
      %dma_wait3A_440 = tpu.memref_squeeze %dma_wait3A_439 : memref<1x128xi32, #tpu.memory_space<vmem>> -> memref<128xi32, #tpu.memory_space<vmem>>
      %dma_wait3A_441 = arith.constant 0 : i32
      %dma_wait3A_442 = arith.constant 0 : i32
      %dma_wait3A_443 = tpu.memref_slice %arg2[%dma_wait3A_441, %dma_wait3A_442] : memref<10240x128xf32, #tpu.memory_space<hbm>> -> memref<10240x128xf32, #tpu.memory_space<hbm>>
      tpu.wait_indirect_dma semaphore(%arg12 : memref<!tpu.dma_semaphore, #tpu.memory_space<semaphore_mem>>) src(%dma_wait3A_443 : memref<10240x128xf32, #tpu.memory_space<hbm>>) dst(%arg9 : memref<128x128xf32, #tpu.memory_space<vmem>>)
      %run_scoped3A_444 = arith.constant 1 : i32
      "tpu.region"() ({
        %run_scoped3A_452 = tpu.sem_alloc : memref<!tpu.dma_semaphore, #tpu.memory_space<semaphore_mem>>
        %dma_start3A_453 = arith.constant 0 : i32
        %dma_start3A_454 = tpu.memref_slice %arg7[%run_scoped3A_444, %dma_start3A_453] : memref<2x128xi32, #tpu.memory_space<vmem>> -> memref<1x128xi32, #tpu.memory_space<vmem>>
        %dma_start3A_455 = tpu.memref_squeeze %dma_start3A_454 : memref<1x128xi32, #tpu.memory_space<vmem>> -> memref<128xi32, #tpu.memory_space<vmem>>
        %dma_start3A_456 = arith.constant 0 : i32
        %dma_start3A_457 = arith.constant 0 : i32
        %dma_start3A_458 = tpu.memref_slice %arg10[%dma_start3A_456, %dma_start3A_457] : memref<10240x128xf32, #tpu.memory_space<vmem_shared>> -> memref<10240x128xf32, #tpu.memory_space<vmem_shared>>
        tpu.enqueue_indirect_dma source(%arg9 : memref<128x128xf32, #tpu.memory_space<vmem>>) target(%dma_start3A_458 : memref<10240x128xf32, #tpu.memory_space<vmem_shared>>) offsets(%dma_start3A_455 : memref<128xi32, #tpu.memory_space<vmem>>) semaphore(%run_scoped3A_452 : memref<!tpu.dma_semaphore, #tpu.memory_space<semaphore_mem>>) {add = true}
        %dma_wait3A_459 = arith.constant 0 : i32
        %dma_wait3A_460 = tpu.memref_slice %arg7[%run_scoped3A_444, %dma_wait3A_459] : memref<2x128xi32, #tpu.memory_space<vmem>> -> memref<1x128xi32, #tpu.memory_space<vmem>>
        %dma_wait3A_461 = tpu.memref_squeeze %dma_wait3A_460 : memref<1x128xi32, #tpu.memory_space<vmem>> -> memref<128xi32, #tpu.memory_space<vmem>>
        %dma_wait3A_462 = arith.constant 0 : i32
        %dma_wait3A_463 = arith.constant 0 : i32
        %dma_wait3A_464 = tpu.memref_slice %arg10[%dma_wait3A_462, %dma_wait3A_463] : memref<10240x128xf32, #tpu.memory_space<vmem_shared>> -> memref<10240x128xf32, #tpu.memory_space<vmem_shared>>
        tpu.wait_indirect_dma semaphore(%run_scoped3A_452 : memref<!tpu.dma_semaphore, #tpu.memory_space<semaphore_mem>>) src(%arg9 : memref<128x128xf32, #tpu.memory_space<vmem>>) dst(%dma_wait3A_464 : memref<10240x128xf32, #tpu.memory_space<vmem_shared>>)
        tpu.yield
      }) : () -> ()
      %add3A_445 = arith.constant 2 : i32
      %add3A_446 = arith.addi %add3A_424, %add3A_445 : i32
      %lt3A_447 = arith.constant 79 : i32
      %lt3A_448 = arith.cmpi slt, %add3A_446, %lt3A_447 : i32
      %convert_element_type3A_449 = arith.extui %lt3A_448 : i1 to i32
      %cond3A_450 = arith.constant 0 : i32
      %cond3A_451 = arith.cmpi ne, %convert_element_type3A_449, %cond3A_450 : i32
      scf.if %cond3A_451 {
        %add3A_452 = arith.constant 2 : i32
        %add3A_453 = arith.addi %add3A_424, %add3A_452 : i32
        %get3A_454 = arith.index_cast %add3A_453 : i32 to index
        %get3A_455 = arith.constant 0 : index
        %get3A_456 = tpu.vector_load %arg5[%get3A_454, %get3A_455] {strides = array<i32>} : memref<79x128xi32, #tpu.memory_space<vmem>>, vector<1x16xi32>,
        %get3A_457 = vector.shape_cast %get3A_456 : vector<1x16xi32> to vector<16xi32>
        %and3A_458 = arith.constant 16383 : i32
        %and3A_459 = vector.broadcast %and3A_458 : i32 to vector<16xi32>
        %and3A_460 = arith.andi %get3A_457, %and3A_459 : vector<16xi32>
        %swap3A_461 = arith.constant 1 : i32
        %swap3A_462 = arith.index_cast %swap3A_461 : i32 to index
        %swap3A_463 = arith.constant 0 : index
        %swap3A_464 = tpu.vector_load %arg6[%swap3A_462, %swap3A_463] {strides = array<i32>} : memref<2x128xi32, #tpu.memory_space<vmem>>, vector<1x16xi32>,
        %swap3A_465 = vector.shape_cast %swap3A_464 : vector<1x16xi32> to vector<16xi32>
        %swap3A_466 = vector.shape_cast %and3A_460 : vector<16xi32> to vector<1x16xi32>
        tpu.vector_store %arg6[%swap3A_462, %swap3A_463], %swap3A_466 {strides = array<i32>} : memref<2x128xi32, #tpu.memory_space<vmem>>, vector<1x16xi32>,
        %shift_right_logical3A_467 = arith.constant 14 : i32
        %shift_right_logical3A_468 = vector.broadcast %shift_right_logical3A_467 : i32 to vector<16xi32>
        %shift_right_logical3A_469 = arith.shrui %get3A_457, %shift_right_logical3A_468 : vector<16xi32>
        %swap3A_470 = arith.constant 1 : i32
        %swap3A_471 = arith.index_cast %swap3A_470 : i32 to index
        %swap3A_472 = arith.constant 0 : index
        %swap3A_473 = tpu.vector_load %arg7[%swap3A_471, %swap3A_472] {strides = array<i32>} : memref<2x128xi32, #tpu.memory_space<vmem>>, vector<1x16xi32>,
        %swap3A_474 = vector.shape_cast %swap3A_473 : vector<1x16xi32> to vector<16xi32>
        %swap3A_475 = vector.shape_cast %shift_right_logical3A_469 : vector<16xi32> to vector<1x16xi32>
        tpu.vector_store %arg7[%swap3A_471, %swap3A_472], %swap3A_475 {strides = array<i32>} : memref<2x128xi32, #tpu.memory_space<vmem>>, vector<1x16xi32>,
        %get3A_476 = arith.index_cast %add3A_453 : i32 to index
        %get3A_477 = arith.constant 16 : index
        %get3A_478 = tpu.vector_load %arg5[%get3A_476, %get3A_477] {strides = array<i32>} : memref<79x128xi32, #tpu.memory_space<vmem>>, vector<1x16xi32>,
        %get3A_479 = vector.shape_cast %get3A_478 : vector<1x16xi32> to vector<16xi32>
        %and3A_480 = arith.constant 16383 : i32
        %and3A_481 = vector.broadcast %and3A_480 : i32 to vector<16xi32>
        %and3A_482 = arith.andi %get3A_479, %and3A_481 : vector<16xi32>
        %swap3A_483 = arith.constant 1 : i32
        %swap3A_484 = arith.index_cast %swap3A_483 : i32 to index
        %swap3A_485 = arith.constant 16 : index
        %swap3A_486 = tpu.vector_load %arg6[%swap3A_484, %swap3A_485] {strides = array<i32>} : memref<2x128xi32, #tpu.memory_space<vmem>>, vector<1x16xi32>,
        %swap3A_487 = vector.shape_cast %swap3A_486 : vector<1x16xi32> to vector<16xi32>
        %swap3A_488 = vector.shape_cast %and3A_482 : vector<16xi32> to vector<1x16xi32>
        tpu.vector_store %arg6[%swap3A_484, %swap3A_485], %swap3A_488 {strides = array<i32>} : memref<2x128xi32, #tpu.memory_space<vmem>>, vector<1x16xi32>,
        %shift_right_logical3A_489 = arith.constant 14 : i32
        %shift_right_logical3A_490 = vector.broadcast %shift_right_logical3A_489 : i32 to vector<16xi32>
        %shift_right_logical3A_491 = arith.shrui %get3A_479, %shift_right_logical3A_490 : vector<16xi32>
        %swap3A_492 = arith.constant 1 : i32
        %swap3A_493 = arith.index_cast %swap3A_492 : i32 to index
        %swap3A_494 = arith.constant 16 : index
        %swap3A_495 = tpu.vector_load %arg7[%swap3A_493, %swap3A_494] {strides = array<i32>} : memref<2x128xi32, #tpu.memory_space<vmem>>, vector<1x16xi32>,
        %swap3A_496 = vector.shape_cast %swap3A_495 : vector<1x16xi32> to vector<16xi32>
        %swap3A_497 = vector.shape_cast %shift_right_logical3A_491 : vector<16xi32> to vector<1x16xi32>
        tpu.vector_store %arg7[%swap3A_493, %swap3A_494], %swap3A_497 {strides = array<i32>} : memref<2x128xi32, #tpu.memory_space<vmem>>, vector<1x16xi32>,
        %get3A_498 = arith.index_cast %add3A_453 : i32 to index
        %get3A_499 = arith.constant 32 : index
        %get3A_500 = tpu.vector_load %arg5[%get3A_498, %get3A_499] {strides = array<i32>} : memref<79x128xi32, #tpu.memory_space<vmem>>, vector<1x16xi32>,
        %get3A_501 = vector.shape_cast %get3A_500 : vector<1x16xi32> to vector<16xi32>
        %and3A_502 = arith.constant 16383 : i32
        %and3A_503 = vector.broadcast %and3A_502 : i32 to vector<16xi32>
        %and3A_504 = arith.andi %get3A_501, %and3A_503 : vector<16xi32>
        %swap3A_505 = arith.constant 1 : i32
        %swap3A_506 = arith.index_cast %swap3A_505 : i32 to index
        %swap3A_507 = arith.constant 32 : index
        %swap3A_508 = tpu.vector_load %arg6[%swap3A_506, %swap3A_507] {strides = array<i32>} : memref<2x128xi32, #tpu.memory_space<vmem>>, vector<1x16xi32>,
        %swap3A_509 = vector.shape_cast %swap3A_508 : vector<1x16xi32> to vector<16xi32>
        %swap3A_510 = vector.shape_cast %and3A_504 : vector<16xi32> to vector<1x16xi32>
        tpu.vector_store %arg6[%swap3A_506, %swap3A_507], %swap3A_510 {strides = array<i32>} : memref<2x128xi32, #tpu.memory_space<vmem>>, vector<1x16xi32>,
        %shift_right_logical3A_511 = arith.constant 14 : i32
        %shift_right_logical3A_512 = vector.broadcast %shift_right_logical3A_511 : i32 to vector<16xi32>
        %shift_right_logical3A_513 = arith.shrui %get3A_501, %shift_right_logical3A_512 : vector<16xi32>
        %swap3A_514 = arith.constant 1 : i32
        %swap3A_515 = arith.index_cast %swap3A_514 : i32 to index
        %swap3A_516 = arith.constant 32 : index
        %swap3A_517 = tpu.vector_load %arg7[%swap3A_515, %swap3A_516] {strides = array<i32>} : memref<2x128xi32, #tpu.memory_space<vmem>>, vector<1x16xi32>,
        %swap3A_518 = vector.shape_cast %swap3A_517 : vector<1x16xi32> to vector<16xi32>
        %swap3A_519 = vector.shape_cast %shift_right_logical3A_513 : vector<16xi32> to vector<1x16xi32>
        tpu.vector_store %arg7[%swap3A_515, %swap3A_516], %swap3A_519 {strides = array<i32>} : memref<2x128xi32, #tpu.memory_space<vmem>>, vector<1x16xi32>,
        %get3A_520 = arith.index_cast %add3A_453 : i32 to index
        %get3A_521 = arith.constant 48 : index
        %get3A_522 = tpu.vector_load %arg5[%get3A_520, %get3A_521] {strides = array<i32>} : memref<79x128xi32, #tpu.memory_space<vmem>>, vector<1x16xi32>,
        %get3A_523 = vector.shape_cast %get3A_522 : vector<1x16xi32> to vector<16xi32>
        %and3A_524 = arith.constant 16383 : i32
        %and3A_525 = vector.broadcast %and3A_524 : i32 to vector<16xi32>
        %and3A_526 = arith.andi %get3A_523, %and3A_525 : vector<16xi32>
        %swap3A_527 = arith.constant 1 : i32
        %swap3A_528 = arith.index_cast %swap3A_527 : i32 to index
        %swap3A_529 = arith.constant 48 : index
        %swap3A_530 = tpu.vector_load %arg6[%swap3A_528, %swap3A_529] {strides = array<i32>} : memref<2x128xi32, #tpu.memory_space<vmem>>, vector<1x16xi32>,
        %swap3A_531 = vector.shape_cast %swap3A_530 : vector<1x16xi32> to vector<16xi32>
        %swap3A_532 = vector.shape_cast %and3A_526 : vector<16xi32> to vector<1x16xi32>
        tpu.vector_store %arg6[%swap3A_528, %swap3A_529], %swap3A_532 {strides = array<i32>} : memref<2x128xi32, #tpu.memory_space<vmem>>, vector<1x16xi32>,
        %shift_right_logical3A_533 = arith.constant 14 : i32
        %shift_right_logical3A_534 = vector.broadcast %shift_right_logical3A_533 : i32 to vector<16xi32>
        %shift_right_logical3A_535 = arith.shrui %get3A_523, %shift_right_logical3A_534 : vector<16xi32>
        %swap3A_536 = arith.constant 1 : i32
        %swap3A_537 = arith.index_cast %swap3A_536 : i32 to index
        %swap3A_538 = arith.constant 48 : index
        %swap3A_539 = tpu.vector_load %arg7[%swap3A_537, %swap3A_538] {strides = array<i32>} : memref<2x128xi32, #tpu.memory_space<vmem>>, vector<1x16xi32>,
        %swap3A_540 = vector.shape_cast %swap3A_539 : vector<1x16xi32> to vector<16xi32>
        %swap3A_541 = vector.shape_cast %shift_right_logical3A_535 : vector<16xi32> to vector<1x16xi32>
        tpu.vector_store %arg7[%swap3A_537, %swap3A_538], %swap3A_541 {strides = array<i32>} : memref<2x128xi32, #tpu.memory_space<vmem>>, vector<1x16xi32>,
        %get3A_542 = arith.index_cast %add3A_453 : i32 to index
        %get3A_543 = arith.constant 64 : index
        %get3A_544 = tpu.vector_load %arg5[%get3A_542, %get3A_543] {strides = array<i32>} : memref<79x128xi32, #tpu.memory_space<vmem>>, vector<1x16xi32>,
        %get3A_545 = vector.shape_cast %get3A_544 : vector<1x16xi32> to vector<16xi32>
        %and3A_546 = arith.constant 16383 : i32
        %and3A_547 = vector.broadcast %and3A_546 : i32 to vector<16xi32>
        %and3A_548 = arith.andi %get3A_545, %and3A_547 : vector<16xi32>
        %swap3A_549 = arith.constant 1 : i32
        %swap3A_550 = arith.index_cast %swap3A_549 : i32 to index
        %swap3A_551 = arith.constant 64 : index
        %swap3A_552 = tpu.vector_load %arg6[%swap3A_550, %swap3A_551] {strides = array<i32>} : memref<2x128xi32, #tpu.memory_space<vmem>>, vector<1x16xi32>,
        %swap3A_553 = vector.shape_cast %swap3A_552 : vector<1x16xi32> to vector<16xi32>
        %swap3A_554 = vector.shape_cast %and3A_548 : vector<16xi32> to vector<1x16xi32>
        tpu.vector_store %arg6[%swap3A_550, %swap3A_551], %swap3A_554 {strides = array<i32>} : memref<2x128xi32, #tpu.memory_space<vmem>>, vector<1x16xi32>,
        %shift_right_logical3A_555 = arith.constant 14 : i32
        %shift_right_logical3A_556 = vector.broadcast %shift_right_logical3A_555 : i32 to vector<16xi32>
        %shift_right_logical3A_557 = arith.shrui %get3A_545, %shift_right_logical3A_556 : vector<16xi32>
        %swap3A_558 = arith.constant 1 : i32
        %swap3A_559 = arith.index_cast %swap3A_558 : i32 to index
        %swap3A_560 = arith.constant 64 : index
        %swap3A_561 = tpu.vector_load %arg7[%swap3A_559, %swap3A_560] {strides = array<i32>} : memref<2x128xi32, #tpu.memory_space<vmem>>, vector<1x16xi32>,
        %swap3A_562 = vector.shape_cast %swap3A_561 : vector<1x16xi32> to vector<16xi32>
        %swap3A_563 = vector.shape_cast %shift_right_logical3A_557 : vector<16xi32> to vector<1x16xi32>
        tpu.vector_store %arg7[%swap3A_559, %swap3A_560], %swap3A_563 {strides = array<i32>} : memref<2x128xi32, #tpu.memory_space<vmem>>, vector<1x16xi32>,
        %get3A_564 = arith.index_cast %add3A_453 : i32 to index
        %get3A_565 = arith.constant 80 : index
        %get3A_566 = tpu.vector_load %arg5[%get3A_564, %get3A_565] {strides = array<i32>} : memref<79x128xi32, #tpu.memory_space<vmem>>, vector<1x16xi32>,
        %get3A_567 = vector.shape_cast %get3A_566 : vector<1x16xi32> to vector<16xi32>
        %and3A_568 = arith.constant 16383 : i32
        %and3A_569 = vector.broadcast %and3A_568 : i32 to vector<16xi32>
        %and3A_570 = arith.andi %get3A_567, %and3A_569 : vector<16xi32>
        %swap3A_571 = arith.constant 1 : i32
        %swap3A_572 = arith.index_cast %swap3A_571 : i32 to index
        %swap3A_573 = arith.constant 80 : index
        %swap3A_574 = tpu.vector_load %arg6[%swap3A_572, %swap3A_573] {strides = array<i32>} : memref<2x128xi32, #tpu.memory_space<vmem>>, vector<1x16xi32>,
        %swap3A_575 = vector.shape_cast %swap3A_574 : vector<1x16xi32> to vector<16xi32>
        %swap3A_576 = vector.shape_cast %and3A_570 : vector<16xi32> to vector<1x16xi32>
        tpu.vector_store %arg6[%swap3A_572, %swap3A_573], %swap3A_576 {strides = array<i32>} : memref<2x128xi32, #tpu.memory_space<vmem>>, vector<1x16xi32>,
        %shift_right_logical3A_577 = arith.constant 14 : i32
        %shift_right_logical3A_578 = vector.broadcast %shift_right_logical3A_577 : i32 to vector<16xi32>
        %shift_right_logical3A_579 = arith.shrui %get3A_567, %shift_right_logical3A_578 : vector<16xi32>
        %swap3A_580 = arith.constant 1 : i32
        %swap3A_581 = arith.index_cast %swap3A_580 : i32 to index
        %swap3A_582 = arith.constant 80 : index
        %swap3A_583 = tpu.vector_load %arg7[%swap3A_581, %swap3A_582] {strides = array<i32>} : memref<2x128xi32, #tpu.memory_space<vmem>>, vector<1x16xi32>,
        %swap3A_584 = vector.shape_cast %swap3A_583 : vector<1x16xi32> to vector<16xi32>
        %swap3A_585 = vector.shape_cast %shift_right_logical3A_579 : vector<16xi32> to vector<1x16xi32>
        tpu.vector_store %arg7[%swap3A_581, %swap3A_582], %swap3A_585 {strides = array<i32>} : memref<2x128xi32, #tpu.memory_space<vmem>>, vector<1x16xi32>,
        %get3A_586 = arith.index_cast %add3A_453 : i32 to index
        %get3A_587 = arith.constant 96 : index
        %get3A_588 = tpu.vector_load %arg5[%get3A_586, %get3A_587] {strides = array<i32>} : memref<79x128xi32, #tpu.memory_space<vmem>>, vector<1x16xi32>,
        %get3A_589 = vector.shape_cast %get3A_588 : vector<1x16xi32> to vector<16xi32>
        %and3A_590 = arith.constant 16383 : i32
        %and3A_591 = vector.broadcast %and3A_590 : i32 to vector<16xi32>
        %and3A_592 = arith.andi %get3A_589, %and3A_591 : vector<16xi32>
        %swap3A_593 = arith.constant 1 : i32
        %swap3A_594 = arith.index_cast %swap3A_593 : i32 to index
        %swap3A_595 = arith.constant 96 : index
        %swap3A_596 = tpu.vector_load %arg6[%swap3A_594, %swap3A_595] {strides = array<i32>} : memref<2x128xi32, #tpu.memory_space<vmem>>, vector<1x16xi32>,
        %swap3A_597 = vector.shape_cast %swap3A_596 : vector<1x16xi32> to vector<16xi32>
        %swap3A_598 = vector.shape_cast %and3A_592 : vector<16xi32> to vector<1x16xi32>
        tpu.vector_store %arg6[%swap3A_594, %swap3A_595], %swap3A_598 {strides = array<i32>} : memref<2x128xi32, #tpu.memory_space<vmem>>, vector<1x16xi32>,
        %shift_right_logical3A_599 = arith.constant 14 : i32
        %shift_right_logical3A_600 = vector.broadcast %shift_right_logical3A_599 : i32 to vector<16xi32>
        %shift_right_logical3A_601 = arith.shrui %get3A_589, %shift_right_logical3A_600 : vector<16xi32>
        %swap3A_602 = arith.constant 1 : i32
        %swap3A_603 = arith.index_cast %swap3A_602 : i32 to index
        %swap3A_604 = arith.constant 96 : index
        %swap3A_605 = tpu.vector_load %arg7[%swap3A_603, %swap3A_604] {strides = array<i32>} : memref<2x128xi32, #tpu.memory_space<vmem>>, vector<1x16xi32>,
        %swap3A_606 = vector.shape_cast %swap3A_605 : vector<1x16xi32> to vector<16xi32>
        %swap3A_607 = vector.shape_cast %shift_right_logical3A_601 : vector<16xi32> to vector<1x16xi32>
        tpu.vector_store %arg7[%swap3A_603, %swap3A_604], %swap3A_607 {strides = array<i32>} : memref<2x128xi32, #tpu.memory_space<vmem>>, vector<1x16xi32>,
        %get3A_608 = arith.index_cast %add3A_453 : i32 to index
        %get3A_609 = arith.constant 112 : index
        %get3A_610 = tpu.vector_load %arg5[%get3A_608, %get3A_609] {strides = array<i32>} : memref<79x128xi32, #tpu.memory_space<vmem>>, vector<1x16xi32>,
        %get3A_611 = vector.shape_cast %get3A_610 : vector<1x16xi32> to vector<16xi32>
        %and3A_612 = arith.constant 16383 : i32
        %and3A_613 = vector.broadcast %and3A_612 : i32 to vector<16xi32>
        %and3A_614 = arith.andi %get3A_611, %and3A_613 : vector<16xi32>
        %swap3A_615 = arith.constant 1 : i32
        %swap3A_616 = arith.index_cast %swap3A_615 : i32 to index
        %swap3A_617 = arith.constant 112 : index
        %swap3A_618 = tpu.vector_load %arg6[%swap3A_616, %swap3A_617] {strides = array<i32>} : memref<2x128xi32, #tpu.memory_space<vmem>>, vector<1x16xi32>,
        %swap3A_619 = vector.shape_cast %swap3A_618 : vector<1x16xi32> to vector<16xi32>
        %swap3A_620 = vector.shape_cast %and3A_614 : vector<16xi32> to vector<1x16xi32>
        tpu.vector_store %arg6[%swap3A_616, %swap3A_617], %swap3A_620 {strides = array<i32>} : memref<2x128xi32, #tpu.memory_space<vmem>>, vector<1x16xi32>,
        %shift_right_logical3A_621 = arith.constant 14 : i32
        %shift_right_logical3A_622 = vector.broadcast %shift_right_logical3A_621 : i32 to vector<16xi32>
        %shift_right_logical3A_623 = arith.shrui %get3A_611, %shift_right_logical3A_622 : vector<16xi32>
        %swap3A_624 = arith.constant 1 : i32
        %swap3A_625 = arith.index_cast %swap3A_624 : i32 to index
        %swap3A_626 = arith.constant 112 : index
        %swap3A_627 = tpu.vector_load %arg7[%swap3A_625, %swap3A_626] {strides = array<i32>} : memref<2x128xi32, #tpu.memory_space<vmem>>, vector<1x16xi32>,
        %swap3A_628 = vector.shape_cast %swap3A_627 : vector<1x16xi32> to vector<16xi32>
        %swap3A_629 = vector.shape_cast %shift_right_logical3A_623 : vector<16xi32> to vector<1x16xi32>
        tpu.vector_store %arg7[%swap3A_625, %swap3A_626], %swap3A_629 {strides = array<i32>} : memref<2x128xi32, #tpu.memory_space<vmem>>, vector<1x16xi32>,
        %dma_start3A_630 = arith.constant 1 : i32
        %dma_start3A_631 = arith.constant 0 : i32
        %dma_start3A_632 = tpu.memref_slice %arg6[%dma_start3A_630, %dma_start3A_631] : memref<2x128xi32, #tpu.memory_space<vmem>> -> memref<1x128xi32, #tpu.memory_space<vmem>>
        %dma_start3A_633 = tpu.memref_squeeze %dma_start3A_632 : memref<1x128xi32, #tpu.memory_space<vmem>> -> memref<128xi32, #tpu.memory_space<vmem>>
        %dma_start3A_634 = arith.constant 0 : i32
        %dma_start3A_635 = arith.constant 0 : i32
        %dma_start3A_636 = tpu.memref_slice %arg2[%dma_start3A_634, %dma_start3A_635] : memref<10240x128xf32, #tpu.memory_space<hbm>> -> memref<10240x128xf32, #tpu.memory_space<hbm>>
        tpu.enqueue_indirect_dma source(%dma_start3A_636 : memref<10240x128xf32, #tpu.memory_space<hbm>>) target(%arg9 : memref<128x128xf32, #tpu.memory_space<vmem>>) offsets(%dma_start3A_633 : memref<128xi32, #tpu.memory_space<vmem>>) semaphore(%arg12 : memref<!tpu.dma_semaphore, #tpu.memory_space<semaphore_mem>>)
      } else {
      }
    }
    %scan3A_408 = arith.constant 39 : i32
    %dma_wait3A = arith.constant 0 : i32
    %dma_wait3A_409 = arith.constant 0 : i32
    %dma_wait3A_410 = tpu.memref_slice %arg6[%dma_wait3A, %dma_wait3A_409] : memref<2x128xi32, #tpu.memory_space<vmem>> -> memref<1x128xi32, #tpu.memory_space<vmem>>
    %dma_wait3A_411 = tpu.memref_squeeze %dma_wait3A_410 : memref<1x128xi32, #tpu.memory_space<vmem>> -> memref<128xi32, #tpu.memory_space<vmem>>
    %dma_wait3A_412 = arith.constant 0 : i32
    %dma_wait3A_413 = arith.constant 0 : i32
    %dma_wait3A_414 = tpu.memref_slice %arg2[%dma_wait3A_412, %dma_wait3A_413] : memref<10240x128xf32, #tpu.memory_space<hbm>> -> memref<10240x128xf32, #tpu.memory_space<hbm>>
    tpu.wait_indirect_dma semaphore(%arg11 : memref<!tpu.dma_semaphore, #tpu.memory_space<semaphore_mem>>) src(%dma_wait3A_414 : memref<10240x128xf32, #tpu.memory_space<hbm>>) dst(%arg8 : memref<128x128xf32, #tpu.memory_space<vmem>>)
    %run_scoped3A = arith.constant 0 : i32
    "tpu.region"() ({
      %run_scoped3A_418 = tpu.sem_alloc : memref<!tpu.dma_semaphore, #tpu.memory_space<semaphore_mem>>
      %dma_start3A_419 = arith.constant 0 : i32
      %dma_start3A_420 = tpu.memref_slice %arg7[%run_scoped3A, %dma_start3A_419] : memref<2x128xi32, #tpu.memory_space<vmem>> -> memref<1x128xi32, #tpu.memory_space<vmem>>
      %dma_start3A_421 = tpu.memref_squeeze %dma_start3A_420 : memref<1x128xi32, #tpu.memory_space<vmem>> -> memref<128xi32, #tpu.memory_space<vmem>>
      %dma_start3A_422 = arith.constant 0 : i32
      %dma_start3A_423 = arith.constant 0 : i32
      %dma_start3A_424 = tpu.memref_slice %arg10[%dma_start3A_422, %dma_start3A_423] : memref<10240x128xf32, #tpu.memory_space<vmem_shared>> -> memref<10240x128xf32, #tpu.memory_space<vmem_shared>>
      tpu.enqueue_indirect_dma source(%arg8 : memref<128x128xf32, #tpu.memory_space<vmem>>) target(%dma_start3A_424 : memref<10240x128xf32, #tpu.memory_space<vmem_shared>>) offsets(%dma_start3A_421 : memref<128xi32, #tpu.memory_space<vmem>>) semaphore(%run_scoped3A_418 : memref<!tpu.dma_semaphore, #tpu.memory_space<semaphore_mem>>) {add = true}
      %dma_wait3A_425 = arith.constant 0 : i32
      %dma_wait3A_426 = tpu.memref_slice %arg7[%run_scoped3A, %dma_wait3A_425] : memref<2x128xi32, #tpu.memory_space<vmem>> -> memref<1x128xi32, #tpu.memory_space<vmem>>
      %dma_wait3A_427 = tpu.memref_squeeze %dma_wait3A_426 : memref<1x128xi32, #tpu.memory_space<vmem>> -> memref<128xi32, #tpu.memory_space<vmem>>
      %dma_wait3A_428 = arith.constant 0 : i32
      %dma_wait3A_429 = arith.constant 0 : i32
      %dma_wait3A_430 = tpu.memref_slice %arg10[%dma_wait3A_428, %dma_wait3A_429] : memref<10240x128xf32, #tpu.memory_space<vmem_shared>> -> memref<10240x128xf32, #tpu.memory_space<vmem_shared>>
      tpu.wait_indirect_dma semaphore(%run_scoped3A_418 : memref<!tpu.dma_semaphore, #tpu.memory_space<semaphore_mem>>) src(%arg8 : memref<128x128xf32, #tpu.memory_space<vmem>>) dst(%dma_wait3A_430 : memref<10240x128xf32, #tpu.memory_space<vmem_shared>>)
      tpu.yield
    }) : () -> ()
    %barrier3A_415 = arith.constant 0 : index
    tpu.barrier barrier_id(%barrier3A_415)
    %mul3A_416 = arith.constant 640 : i32
    %mul3A_417 = arith.muli %arg1, %mul3A_416 : i32
    "tpu.region"() ({
      %run_scoped3A_418 = tpu.sem_alloc : memref<!tpu.dma_semaphore, #tpu.memory_space<semaphore_mem>>
      %dma_start3A_419 = arith.constant 0 : i32
      %dma_start3A_420 = tpu.memref_slice %arg4[%arg0, %mul3A_417, %dma_start3A_419] : memref<2x10240x128xf32, #tpu.memory_space<hbm>> -> memref<1x640x128xf32, #tpu.memory_space<hbm>>
      %dma_start3A_421 = tpu.memref_squeeze %dma_start3A_420 : memref<1x640x128xf32, #tpu.memory_space<hbm>> -> memref<640x128xf32, #tpu.memory_space<hbm>>
      %dma_start3A_422 = arith.constant 0 : i32
      %dma_start3A_423 = tpu.memref_slice %arg10[%mul3A_417, %dma_start3A_422] : memref<10240x128xf32, #tpu.memory_space<vmem_shared>> -> memref<640x128xf32, #tpu.memory_space<vmem_shared>>
      tpu.enqueue_dma source(%dma_start3A_423 : memref<640x128xf32, #tpu.memory_space<vmem_shared>>) target(%dma_start3A_421 : memref<640x128xf32, #tpu.memory_space<hbm>>) target_semaphore(%run_scoped3A_418 : memref<!tpu.dma_semaphore, #tpu.memory_space<semaphore_mem>>)
      %dma_wait3A_424 = arith.constant 0 : i32
      %dma_wait3A_425 = tpu.memref_slice %arg4[%arg0, %mul3A_417, %dma_wait3A_424] : memref<2x10240x128xf32, #tpu.memory_space<hbm>> -> memref<1x640x128xf32, #tpu.memory_space<hbm>>
      %dma_wait3A_426 = tpu.memref_squeeze %dma_wait3A_425 : memref<1x640x128xf32, #tpu.memory_space<hbm>> -> memref<640x128xf32, #tpu.memory_space<hbm>>
      %dma_wait3A_427 = arith.constant 0 : i32
      %dma_wait3A_428 = tpu.memref_slice %arg10[%mul3A_417, %dma_wait3A_427] : memref<10240x128xf32, #tpu.memory_space<vmem_shared>> -> memref<640x128xf32, #tpu.memory_space<vmem_shared>>
      tpu.wait_dma2 semaphore(%run_scoped3A_418 : memref<!tpu.dma_semaphore, #tpu.memory_space<semaphore_mem>>) src(%dma_wait3A_428 : memref<640x128xf32, #tpu.memory_space<vmem_shared>>) dst(%dma_wait3A_426 : memref<640x128xf32, #tpu.memory_space<hbm>>)
      tpu.yield
    }) : () -> ()
    return
  }
}

#map = affine_map<(d0, d1) -> (0, 0)>
#map1 = affine_map<(d0, d1) -> (0, 0, 0)>
module attributes {stable_mosaic.version = 14 : i64} {
  func.func @_sc_conv_body(%arg0: i32, %arg1: i32, %arg2: memref<10240x128xf32, #tpu.memory_space<hbm>>, %arg3: memref<32x79x128xi32, #tpu.memory_space<hbm>>, %arg4: memref<2x10240x128xf32, #tpu.memory_space<hbm>>, %arg5: memref<79x128xi32, #tpu.memory_space<vmem>>, %arg6: memref<2x128xi32, #tpu.memory_space<vmem>>, %arg7: memref<2x128xi32, #tpu.memory_space<vmem>>, %arg8: memref<128x128xf32, #tpu.memory_space<vmem>>, %arg9: memref<128x128xf32, #tpu.memory_space<vmem>>, %arg10: memref<10240x128xf32, #tpu.memory_space<vmem_shared>>, %arg11: memref<!tpu.dma_semaphore, #tpu.memory_space<semaphore_mem>>, %arg12: memref<!tpu.dma_semaphore, #tpu.memory_space<semaphore_mem>>) attributes {dimension_semantics = [#tpu.dimension_semantics<core_parallel>, #tpu.dimension_semantics<subcore_parallel>], iteration_bounds = array<i64: 2, 16>, scalar_prefetch = 0 : i64, scratch_operands = 8 : i64, tpu.core_type = #tpu.core_type<sc_vector_subcore>, window_params = [{transform_indices = #map}, {transform_indices = #map1}, {transform_indices = #map1}]} {
    %mul3A = arith.constant 16 : i32
    %mul3A_0 = arith.muli %arg0, %mul3A : i32
    %add3A = arith.addi %mul3A_0, %arg1 : i32
    "tpu.region"() ({
      %run_scoped3A_418 = tpu.sem_alloc : memref<!tpu.dma_semaphore, #tpu.memory_space<semaphore_mem>>
      %dma_start3A_419 = arith.constant 0 : i32
      %dma_start3A_420 = arith.constant 0 : i32
      %dma_start3A_421 = tpu.memref_slice %arg3[%add3A, %dma_start3A_419, %dma_start3A_420] : memref<32x79x128xi32, #tpu.memory_space<hbm>> -> memref<1x79x128xi32, #tpu.memory_space<hbm>>
      %dma_start3A_422 = tpu.memref_squeeze %dma_start3A_421 : memref<1x79x128xi32, #tpu.memory_space<hbm>> -> memref<79x128xi32, #tpu.memory_space<hbm>>
      %dma_start3A_423 = arith.constant 0 : i32
      %dma_start3A_424 = arith.constant 0 : i32
      %dma_start3A_425 = tpu.memref_slice %arg3[%add3A, %dma_start3A_423, %dma_start3A_424] : memref<32x79x128xi32, #tpu.memory_space<hbm>> -> memref<1x79x128xi32, #tpu.memory_space<hbm>>
      %dma_start3A_426 = tpu.memref_squeeze %dma_start3A_425 : memref<1x79x128xi32, #tpu.memory_space<hbm>> -> memref<79x128xi32, #tpu.memory_space<hbm>>
      tpu.enqueue_dma source(%dma_start3A_426 : memref<79x128xi32, #tpu.memory_space<hbm>>) target(%arg5 : memref<79x128xi32, #tpu.memory_space<vmem>>) target_semaphore(%run_scoped3A_418 : memref<!tpu.dma_semaphore, #tpu.memory_space<semaphore_mem>>)
      %dma_wait3A_427 = arith.constant 0 : i32
      %dma_wait3A_428 = arith.constant 0 : i32
      %dma_wait3A_429 = tpu.memref_slice %arg3[%add3A, %dma_wait3A_427, %dma_wait3A_428] : memref<32x79x128xi32, #tpu.memory_space<hbm>> -> memref<1x79x128xi32, #tpu.memory_space<hbm>>
      %dma_wait3A_430 = tpu.memref_squeeze %dma_wait3A_429 : memref<1x79x128xi32, #tpu.memory_space<hbm>> -> memref<79x128xi32, #tpu.memory_space<hbm>>
      %dma_wait3A_431 = arith.constant 0 : i32
      %dma_wait3A_432 = arith.constant 0 : i32
      %dma_wait3A_433 = tpu.memref_slice %arg3[%add3A, %dma_wait3A_431, %dma_wait3A_432] : memref<32x79x128xi32, #tpu.memory_space<hbm>> -> memref<1x79x128xi32, #tpu.memory_space<hbm>>
      %dma_wait3A_434 = tpu.memref_squeeze %dma_wait3A_433 : memref<1x79x128xi32, #tpu.memory_space<hbm>> -> memref<79x128xi32, #tpu.memory_space<hbm>>
      tpu.wait_dma2 semaphore(%run_scoped3A_418 : memref<!tpu.dma_semaphore, #tpu.memory_space<semaphore_mem>>) src(%dma_wait3A_434 : memref<79x128xi32, #tpu.memory_space<hbm>>) dst(%arg5 : memref<79x128xi32, #tpu.memory_space<vmem>>)
      tpu.yield
    }) : () -> ()
    %get3A = arith.constant 0 : i32
    %get3A_1 = arith.index_cast %get3A : i32 to index
    %get3A_2 = arith.constant 0 : index
    %get3A_3 = tpu.vector_load %arg5[%get3A_1, %get3A_2] {strides = array<i32>} : memref<79x128xi32, #tpu.memory_space<vmem>>, vector<1x16xi32>,
    %get3A_4 = vector.shape_cast %get3A_3 : vector<1x16xi32> to vector<16xi32>
    %and3A = arith.constant 16383 : i32
    %and3A_5 = vector.broadcast %and3A : i32 to vector<16xi32>
    %and3A_6 = arith.andi %get3A_4, %and3A_5 : vector<16xi32>
    %swap3A = arith.constant 0 : i32
    %swap3A_7 = arith.index_cast %swap3A : i32 to index
    %swap3A_8 = arith.constant 0 : index
    %swap3A_9 = tpu.vector_load %arg6[%swap3A_7, %swap3A_8] {strides = array<i32>} : memref<2x128xi32, #tpu.memory_space<vmem>>, vector<1x16xi32>,
    %swap3A_10 = vector.shape_cast %swap3A_9 : vector<1x16xi32> to vector<16xi32>
    %swap3A_11 = vector.shape_cast %and3A_6 : vector<16xi32> to vector<1x16xi32>
    tpu.vector_store %arg6[%swap3A_7, %swap3A_8], %swap3A_11 {strides = array<i32>} : memref<2x128xi32, #tpu.memory_space<vmem>>, vector<1x16xi32>,
    %shift_right_logical3A = arith.constant 14 : i32
    %shift_right_logical3A_12 = vector.broadcast %shift_right_logical3A : i32 to vector<16xi32>
    %shift_right_logical3A_13 = arith.shrui %get3A_4, %shift_right_logical3A_12 : vector<16xi32>
    %swap3A_14 = arith.constant 0 : i32
    %swap3A_15 = arith.index_cast %swap3A_14 : i32 to index
    %swap3A_16 = arith.constant 0 : index
    %swap3A_17 = tpu.vector_load %arg7[%swap3A_15, %swap3A_16] {strides = array<i32>} : memref<2x128xi32, #tpu.memory_space<vmem>>, vector<1x16xi32>,
    %swap3A_18 = vector.shape_cast %swap3A_17 : vector<1x16xi32> to vector<16xi32>
    %swap3A_19 = vector.shape_cast %shift_right_logical3A_13 : vector<16xi32> to vector<1x16xi32>
    tpu.vector_store %arg7[%swap3A_15, %swap3A_16], %swap3A_19 {strides = array<i32>} : memref<2x128xi32, #tpu.memory_space<vmem>>, vector<1x16xi32>,
    %get3A_20 = arith.constant 0 : i32
    %get3A_21 = arith.index_cast %get3A_20 : i32 to index
    %get3A_22 = arith.constant 16 : index
    %get3A_23 = tpu.vector_load %arg5[%get3A_21, %get3A_22] {strides = array<i32>} : memref<79x128xi32, #tpu.memory_space<vmem>>, vector<1x16xi32>,
    %get3A_24 = vector.shape_cast %get3A_23 : vector<1x16xi32> to vector<16xi32>
    %and3A_25 = arith.constant 16383 : i32
    %and3A_26 = vector.broadcast %and3A_25 : i32 to vector<16xi32>
    %and3A_27 = arith.andi %get3A_24, %and3A_26 : vector<16xi32>
    %swap3A_28 = arith.constant 0 : i32
    %swap3A_29 = arith.index_cast %swap3A_28 : i32 to index
    %swap3A_30 = arith.constant 16 : index
    %swap3A_31 = tpu.vector_load %arg6[%swap3A_29, %swap3A_30] {strides = array<i32>} : memref<2x128xi32, #tpu.memory_space<vmem>>, vector<1x16xi32>,
    %swap3A_32 = vector.shape_cast %swap3A_31 : vector<1x16xi32> to vector<16xi32>
    %swap3A_33 = vector.shape_cast %and3A_27 : vector<16xi32> to vector<1x16xi32>
    tpu.vector_store %arg6[%swap3A_29, %swap3A_30], %swap3A_33 {strides = array<i32>} : memref<2x128xi32, #tpu.memory_space<vmem>>, vector<1x16xi32>,
    %shift_right_logical3A_34 = arith.constant 14 : i32
    %shift_right_logical3A_35 = vector.broadcast %shift_right_logical3A_34 : i32 to vector<16xi32>
    %shift_right_logical3A_36 = arith.shrui %get3A_24, %shift_right_logical3A_35 : vector<16xi32>
    %swap3A_37 = arith.constant 0 : i32
    %swap3A_38 = arith.index_cast %swap3A_37 : i32 to index
    %swap3A_39 = arith.constant 16 : index
    %swap3A_40 = tpu.vector_load %arg7[%swap3A_38, %swap3A_39] {strides = array<i32>} : memref<2x128xi32, #tpu.memory_space<vmem>>, vector<1x16xi32>,
    %swap3A_41 = vector.shape_cast %swap3A_40 : vector<1x16xi32> to vector<16xi32>
    %swap3A_42 = vector.shape_cast %shift_right_logical3A_36 : vector<16xi32> to vector<1x16xi32>
    tpu.vector_store %arg7[%swap3A_38, %swap3A_39], %swap3A_42 {strides = array<i32>} : memref<2x128xi32, #tpu.memory_space<vmem>>, vector<1x16xi32>,
    %get3A_43 = arith.constant 0 : i32
    %get3A_44 = arith.index_cast %get3A_43 : i32 to index
    %get3A_45 = arith.constant 32 : index
    %get3A_46 = tpu.vector_load %arg5[%get3A_44, %get3A_45] {strides = array<i32>} : memref<79x128xi32, #tpu.memory_space<vmem>>, vector<1x16xi32>,
    %get3A_47 = vector.shape_cast %get3A_46 : vector<1x16xi32> to vector<16xi32>
    %and3A_48 = arith.constant 16383 : i32
    %and3A_49 = vector.broadcast %and3A_48 : i32 to vector<16xi32>
    %and3A_50 = arith.andi %get3A_47, %and3A_49 : vector<16xi32>
    %swap3A_51 = arith.constant 0 : i32
    %swap3A_52 = arith.index_cast %swap3A_51 : i32 to index
    %swap3A_53 = arith.constant 32 : index
    %swap3A_54 = tpu.vector_load %arg6[%swap3A_52, %swap3A_53] {strides = array<i32>} : memref<2x128xi32, #tpu.memory_space<vmem>>, vector<1x16xi32>,
    %swap3A_55 = vector.shape_cast %swap3A_54 : vector<1x16xi32> to vector<16xi32>
    %swap3A_56 = vector.shape_cast %and3A_50 : vector<16xi32> to vector<1x16xi32>
    tpu.vector_store %arg6[%swap3A_52, %swap3A_53], %swap3A_56 {strides = array<i32>} : memref<2x128xi32, #tpu.memory_space<vmem>>, vector<1x16xi32>,
    %shift_right_logical3A_57 = arith.constant 14 : i32
    %shift_right_logical3A_58 = vector.broadcast %shift_right_logical3A_57 : i32 to vector<16xi32>
    %shift_right_logical3A_59 = arith.shrui %get3A_47, %shift_right_logical3A_58 : vector<16xi32>
    %swap3A_60 = arith.constant 0 : i32
    %swap3A_61 = arith.index_cast %swap3A_60 : i32 to index
    %swap3A_62 = arith.constant 32 : index
    %swap3A_63 = tpu.vector_load %arg7[%swap3A_61, %swap3A_62] {strides = array<i32>} : memref<2x128xi32, #tpu.memory_space<vmem>>, vector<1x16xi32>,
    %swap3A_64 = vector.shape_cast %swap3A_63 : vector<1x16xi32> to vector<16xi32>
    %swap3A_65 = vector.shape_cast %shift_right_logical3A_59 : vector<16xi32> to vector<1x16xi32>
    tpu.vector_store %arg7[%swap3A_61, %swap3A_62], %swap3A_65 {strides = array<i32>} : memref<2x128xi32, #tpu.memory_space<vmem>>, vector<1x16xi32>,
    %get3A_66 = arith.constant 0 : i32
    %get3A_67 = arith.index_cast %get3A_66 : i32 to index
    %get3A_68 = arith.constant 48 : index
    %get3A_69 = tpu.vector_load %arg5[%get3A_67, %get3A_68] {strides = array<i32>} : memref<79x128xi32, #tpu.memory_space<vmem>>, vector<1x16xi32>,
    %get3A_70 = vector.shape_cast %get3A_69 : vector<1x16xi32> to vector<16xi32>
    %and3A_71 = arith.constant 16383 : i32
    %and3A_72 = vector.broadcast %and3A_71 : i32 to vector<16xi32>
    %and3A_73 = arith.andi %get3A_70, %and3A_72 : vector<16xi32>
    %swap3A_74 = arith.constant 0 : i32
    %swap3A_75 = arith.index_cast %swap3A_74 : i32 to index
    %swap3A_76 = arith.constant 48 : index
    %swap3A_77 = tpu.vector_load %arg6[%swap3A_75, %swap3A_76] {strides = array<i32>} : memref<2x128xi32, #tpu.memory_space<vmem>>, vector<1x16xi32>,
    %swap3A_78 = vector.shape_cast %swap3A_77 : vector<1x16xi32> to vector<16xi32>
    %swap3A_79 = vector.shape_cast %and3A_73 : vector<16xi32> to vector<1x16xi32>
    tpu.vector_store %arg6[%swap3A_75, %swap3A_76], %swap3A_79 {strides = array<i32>} : memref<2x128xi32, #tpu.memory_space<vmem>>, vector<1x16xi32>,
    %shift_right_logical3A_80 = arith.constant 14 : i32
    %shift_right_logical3A_81 = vector.broadcast %shift_right_logical3A_80 : i32 to vector<16xi32>
    %shift_right_logical3A_82 = arith.shrui %get3A_70, %shift_right_logical3A_81 : vector<16xi32>
    %swap3A_83 = arith.constant 0 : i32
    %swap3A_84 = arith.index_cast %swap3A_83 : i32 to index
    %swap3A_85 = arith.constant 48 : index
    %swap3A_86 = tpu.vector_load %arg7[%swap3A_84, %swap3A_85] {strides = array<i32>} : memref<2x128xi32, #tpu.memory_space<vmem>>, vector<1x16xi32>,
    %swap3A_87 = vector.shape_cast %swap3A_86 : vector<1x16xi32> to vector<16xi32>
    %swap3A_88 = vector.shape_cast %shift_right_logical3A_82 : vector<16xi32> to vector<1x16xi32>
    tpu.vector_store %arg7[%swap3A_84, %swap3A_85], %swap3A_88 {strides = array<i32>} : memref<2x128xi32, #tpu.memory_space<vmem>>, vector<1x16xi32>,
    %get3A_89 = arith.constant 0 : i32
    %get3A_90 = arith.index_cast %get3A_89 : i32 to index
    %get3A_91 = arith.constant 64 : index
    %get3A_92 = tpu.vector_load %arg5[%get3A_90, %get3A_91] {strides = array<i32>} : memref<79x128xi32, #tpu.memory_space<vmem>>, vector<1x16xi32>,
    %get3A_93 = vector.shape_cast %get3A_92 : vector<1x16xi32> to vector<16xi32>
    %and3A_94 = arith.constant 16383 : i32
    %and3A_95 = vector.broadcast %and3A_94 : i32 to vector<16xi32>
    %and3A_96 = arith.andi %get3A_93, %and3A_95 : vector<16xi32>
    %swap3A_97 = arith.constant 0 : i32
    %swap3A_98 = arith.index_cast %swap3A_97 : i32 to index
    %swap3A_99 = arith.constant 64 : index
    %swap3A_100 = tpu.vector_load %arg6[%swap3A_98, %swap3A_99] {strides = array<i32>} : memref<2x128xi32, #tpu.memory_space<vmem>>, vector<1x16xi32>,
    %swap3A_101 = vector.shape_cast %swap3A_100 : vector<1x16xi32> to vector<16xi32>
    %swap3A_102 = vector.shape_cast %and3A_96 : vector<16xi32> to vector<1x16xi32>
    tpu.vector_store %arg6[%swap3A_98, %swap3A_99], %swap3A_102 {strides = array<i32>} : memref<2x128xi32, #tpu.memory_space<vmem>>, vector<1x16xi32>,
    %shift_right_logical3A_103 = arith.constant 14 : i32
    %shift_right_logical3A_104 = vector.broadcast %shift_right_logical3A_103 : i32 to vector<16xi32>
    %shift_right_logical3A_105 = arith.shrui %get3A_93, %shift_right_logical3A_104 : vector<16xi32>
    %swap3A_106 = arith.constant 0 : i32
    %swap3A_107 = arith.index_cast %swap3A_106 : i32 to index
    %swap3A_108 = arith.constant 64 : index
    %swap3A_109 = tpu.vector_load %arg7[%swap3A_107, %swap3A_108] {strides = array<i32>} : memref<2x128xi32, #tpu.memory_space<vmem>>, vector<1x16xi32>,
    %swap3A_110 = vector.shape_cast %swap3A_109 : vector<1x16xi32> to vector<16xi32>
    %swap3A_111 = vector.shape_cast %shift_right_logical3A_105 : vector<16xi32> to vector<1x16xi32>
    tpu.vector_store %arg7[%swap3A_107, %swap3A_108], %swap3A_111 {strides = array<i32>} : memref<2x128xi32, #tpu.memory_space<vmem>>, vector<1x16xi32>,
    %get3A_112 = arith.constant 0 : i32
    %get3A_113 = arith.index_cast %get3A_112 : i32 to index
    %get3A_114 = arith.constant 80 : index
    %get3A_115 = tpu.vector_load %arg5[%get3A_113, %get3A_114] {strides = array<i32>} : memref<79x128xi32, #tpu.memory_space<vmem>>, vector<1x16xi32>,
    %get3A_116 = vector.shape_cast %get3A_115 : vector<1x16xi32> to vector<16xi32>
    %and3A_117 = arith.constant 16383 : i32
    %and3A_118 = vector.broadcast %and3A_117 : i32 to vector<16xi32>
    %and3A_119 = arith.andi %get3A_116, %and3A_118 : vector<16xi32>
    %swap3A_120 = arith.constant 0 : i32
    %swap3A_121 = arith.index_cast %swap3A_120 : i32 to index
    %swap3A_122 = arith.constant 80 : index
    %swap3A_123 = tpu.vector_load %arg6[%swap3A_121, %swap3A_122] {strides = array<i32>} : memref<2x128xi32, #tpu.memory_space<vmem>>, vector<1x16xi32>,
    %swap3A_124 = vector.shape_cast %swap3A_123 : vector<1x16xi32> to vector<16xi32>
    %swap3A_125 = vector.shape_cast %and3A_119 : vector<16xi32> to vector<1x16xi32>
    tpu.vector_store %arg6[%swap3A_121, %swap3A_122], %swap3A_125 {strides = array<i32>} : memref<2x128xi32, #tpu.memory_space<vmem>>, vector<1x16xi32>,
    %shift_right_logical3A_126 = arith.constant 14 : i32
    %shift_right_logical3A_127 = vector.broadcast %shift_right_logical3A_126 : i32 to vector<16xi32>
    %shift_right_logical3A_128 = arith.shrui %get3A_116, %shift_right_logical3A_127 : vector<16xi32>
    %swap3A_129 = arith.constant 0 : i32
    %swap3A_130 = arith.index_cast %swap3A_129 : i32 to index
    %swap3A_131 = arith.constant 80 : index
    %swap3A_132 = tpu.vector_load %arg7[%swap3A_130, %swap3A_131] {strides = array<i32>} : memref<2x128xi32, #tpu.memory_space<vmem>>, vector<1x16xi32>,
    %swap3A_133 = vector.shape_cast %swap3A_132 : vector<1x16xi32> to vector<16xi32>
    %swap3A_134 = vector.shape_cast %shift_right_logical3A_128 : vector<16xi32> to vector<1x16xi32>
    tpu.vector_store %arg7[%swap3A_130, %swap3A_131], %swap3A_134 {strides = array<i32>} : memref<2x128xi32, #tpu.memory_space<vmem>>, vector<1x16xi32>,
    %get3A_135 = arith.constant 0 : i32
    %get3A_136 = arith.index_cast %get3A_135 : i32 to index
    %get3A_137 = arith.constant 96 : index
    %get3A_138 = tpu.vector_load %arg5[%get3A_136, %get3A_137] {strides = array<i32>} : memref<79x128xi32, #tpu.memory_space<vmem>>, vector<1x16xi32>,
    %get3A_139 = vector.shape_cast %get3A_138 : vector<1x16xi32> to vector<16xi32>
    %and3A_140 = arith.constant 16383 : i32
    %and3A_141 = vector.broadcast %and3A_140 : i32 to vector<16xi32>
    %and3A_142 = arith.andi %get3A_139, %and3A_141 : vector<16xi32>
    %swap3A_143 = arith.constant 0 : i32
    %swap3A_144 = arith.index_cast %swap3A_143 : i32 to index
    %swap3A_145 = arith.constant 96 : index
    %swap3A_146 = tpu.vector_load %arg6[%swap3A_144, %swap3A_145] {strides = array<i32>} : memref<2x128xi32, #tpu.memory_space<vmem>>, vector<1x16xi32>,
    %swap3A_147 = vector.shape_cast %swap3A_146 : vector<1x16xi32> to vector<16xi32>
    %swap3A_148 = vector.shape_cast %and3A_142 : vector<16xi32> to vector<1x16xi32>
    tpu.vector_store %arg6[%swap3A_144, %swap3A_145], %swap3A_148 {strides = array<i32>} : memref<2x128xi32, #tpu.memory_space<vmem>>, vector<1x16xi32>,
    %shift_right_logical3A_149 = arith.constant 14 : i32
    %shift_right_logical3A_150 = vector.broadcast %shift_right_logical3A_149 : i32 to vector<16xi32>
    %shift_right_logical3A_151 = arith.shrui %get3A_139, %shift_right_logical3A_150 : vector<16xi32>
    %swap3A_152 = arith.constant 0 : i32
    %swap3A_153 = arith.index_cast %swap3A_152 : i32 to index
    %swap3A_154 = arith.constant 96 : index
    %swap3A_155 = tpu.vector_load %arg7[%swap3A_153, %swap3A_154] {strides = array<i32>} : memref<2x128xi32, #tpu.memory_space<vmem>>, vector<1x16xi32>,
    %swap3A_156 = vector.shape_cast %swap3A_155 : vector<1x16xi32> to vector<16xi32>
    %swap3A_157 = vector.shape_cast %shift_right_logical3A_151 : vector<16xi32> to vector<1x16xi32>
    tpu.vector_store %arg7[%swap3A_153, %swap3A_154], %swap3A_157 {strides = array<i32>} : memref<2x128xi32, #tpu.memory_space<vmem>>, vector<1x16xi32>,
    %get3A_158 = arith.constant 0 : i32
    %get3A_159 = arith.index_cast %get3A_158 : i32 to index
    %get3A_160 = arith.constant 112 : index
    %get3A_161 = tpu.vector_load %arg5[%get3A_159, %get3A_160] {strides = array<i32>} : memref<79x128xi32, #tpu.memory_space<vmem>>, vector<1x16xi32>,
    %get3A_162 = vector.shape_cast %get3A_161 : vector<1x16xi32> to vector<16xi32>
    %and3A_163 = arith.constant 16383 : i32
    %and3A_164 = vector.broadcast %and3A_163 : i32 to vector<16xi32>
    %and3A_165 = arith.andi %get3A_162, %and3A_164 : vector<16xi32>
    %swap3A_166 = arith.constant 0 : i32
    %swap3A_167 = arith.index_cast %swap3A_166 : i32 to index
    %swap3A_168 = arith.constant 112 : index
    %swap3A_169 = tpu.vector_load %arg6[%swap3A_167, %swap3A_168] {strides = array<i32>} : memref<2x128xi32, #tpu.memory_space<vmem>>, vector<1x16xi32>,
    %swap3A_170 = vector.shape_cast %swap3A_169 : vector<1x16xi32> to vector<16xi32>
    %swap3A_171 = vector.shape_cast %and3A_165 : vector<16xi32> to vector<1x16xi32>
    tpu.vector_store %arg6[%swap3A_167, %swap3A_168], %swap3A_171 {strides = array<i32>} : memref<2x128xi32, #tpu.memory_space<vmem>>, vector<1x16xi32>,
    %shift_right_logical3A_172 = arith.constant 14 : i32
    %shift_right_logical3A_173 = vector.broadcast %shift_right_logical3A_172 : i32 to vector<16xi32>
    %shift_right_logical3A_174 = arith.shrui %get3A_162, %shift_right_logical3A_173 : vector<16xi32>
    %swap3A_175 = arith.constant 0 : i32
    %swap3A_176 = arith.index_cast %swap3A_175 : i32 to index
    %swap3A_177 = arith.constant 112 : index
    %swap3A_178 = tpu.vector_load %arg7[%swap3A_176, %swap3A_177] {strides = array<i32>} : memref<2x128xi32, #tpu.memory_space<vmem>>, vector<1x16xi32>,
    %swap3A_179 = vector.shape_cast %swap3A_178 : vector<1x16xi32> to vector<16xi32>
    %swap3A_180 = vector.shape_cast %shift_right_logical3A_174 : vector<16xi32> to vector<1x16xi32>
    tpu.vector_store %arg7[%swap3A_176, %swap3A_177], %swap3A_180 {strides = array<i32>} : memref<2x128xi32, #tpu.memory_space<vmem>>, vector<1x16xi32>,
    %dma_start3A = arith.constant 0 : i32
    %dma_start3A_181 = arith.constant 0 : i32
    %dma_start3A_182 = tpu.memref_slice %arg6[%dma_start3A, %dma_start3A_181] : memref<2x128xi32, #tpu.memory_space<vmem>> -> memref<1x128xi32, #tpu.memory_space<vmem>>
    %dma_start3A_183 = tpu.memref_squeeze %dma_start3A_182 : memref<1x128xi32, #tpu.memory_space<vmem>> -> memref<128xi32, #tpu.memory_space<vmem>>
    %dma_start3A_184 = arith.constant 0 : i32
    %dma_start3A_185 = arith.constant 0 : i32
    %dma_start3A_186 = tpu.memref_slice %arg2[%dma_start3A_184, %dma_start3A_185] : memref<10240x128xf32, #tpu.memory_space<hbm>> -> memref<10240x128xf32, #tpu.memory_space<hbm>>
    tpu.enqueue_indirect_dma source(%dma_start3A_186 : memref<10240x128xf32, #tpu.memory_space<hbm>>) target(%arg8 : memref<128x128xf32, #tpu.memory_space<vmem>>) offsets(%dma_start3A_183 : memref<128xi32, #tpu.memory_space<vmem>>) semaphore(%arg11 : memref<!tpu.dma_semaphore, #tpu.memory_space<semaphore_mem>>)
    %scan3A = arith.constant 0 : i32
    %scan3A_187 = arith.constant 0 : i32
    %scan3A_188 = arith.constant 128 : i32
    %scan3A_189 = arith.addi %scan3A_187, %scan3A_188 : i32
    %scan3A_190 = arith.constant 1 : i32
    scf.for %scan3A_418 = %scan3A_187 to %scan3A_189 step %scan3A_190  : i32 {
      %scan3A_419 = arith.constant 0 : i32
      %scan3A_420 = arith.constant 8 : i32
      %scan3A_421 = arith.addi %scan3A_419, %scan3A_420 : i32
      %scan3A_422 = arith.constant 1 : i32
      scf.for %scan3A_424 = %scan3A_419 to %scan3A_421 step %scan3A_422  : i32 {
        %broadcast_in_dim3A = arith.constant 0.000000e+00 : f32
        %broadcast_in_dim3A_425 = vector.broadcast %broadcast_in_dim3A : f32 to vector<16xf32>
        %mul3A_426 = arith.constant 16 : i32
        %mul3A_427 = arith.muli %scan3A_424, %mul3A_426 : i32
        %swap3A_428 = arith.index_cast %scan3A_418 : i32 to index
        %swap3A_429 = arith.index_cast %mul3A_427 : i32 to index
        %swap3A_430 = tpu.vector_load %arg9[%swap3A_428, %swap3A_429] {strides = array<i32>} : memref<128x128xf32, #tpu.memory_space<vmem>>, vector<1x16xf32>,
        %swap3A_431 = vector.shape_cast %swap3A_430 : vector<1x16xf32> to vector<16xf32>
        %swap3A_432 = vector.shape_cast %broadcast_in_dim3A_425 : vector<16xf32> to vector<1x16xf32>
        tpu.vector_store %arg9[%swap3A_428, %swap3A_429], %swap3A_432 {strides = array<i32>} : memref<128x128xf32, #tpu.memory_space<vmem>>, vector<1x16xf32>,
      }
      %scan3A_423 = arith.constant 8 : i32
    }
    %scan3A_191 = arith.constant 128 : i32
    %mul3A_192 = arith.constant 640 : i32
    %mul3A_193 = arith.muli %arg1, %mul3A_192 : i32
    %add3A_194 = arith.constant 0 : i32
    %add3A_195 = arith.addi %mul3A_193, %add3A_194 : i32
    "tpu.region"() ({
      %run_scoped3A_418 = tpu.sem_alloc : memref<!tpu.dma_semaphore, #tpu.memory_space<semaphore_mem>>
      %dma_start3A_419 = arith.constant 0 : i32
      %dma_start3A_420 = tpu.memref_slice %arg10[%add3A_195, %dma_start3A_419] : memref<10240x128xf32, #tpu.memory_space<vmem_shared>> -> memref<128x128xf32, #tpu.memory_space<vmem_shared>>
      %dma_start3A_421 = arith.constant 0 : i32
      %dma_start3A_422 = tpu.memref_slice %arg10[%add3A_195, %dma_start3A_421] : memref<10240x128xf32, #tpu.memory_space<vmem_shared>> -> memref<128x128xf32, #tpu.memory_space<vmem_shared>>
      tpu.enqueue_dma source(%arg9 : memref<128x128xf32, #tpu.memory_space<vmem>>) target(%dma_start3A_422 : memref<128x128xf32, #tpu.memory_space<vmem_shared>>) target_semaphore(%run_scoped3A_418 : memref<!tpu.dma_semaphore, #tpu.memory_space<semaphore_mem>>)
      %dma_wait3A_423 = arith.constant 0 : i32
      %dma_wait3A_424 = tpu.memref_slice %arg10[%add3A_195, %dma_wait3A_423] : memref<10240x128xf32, #tpu.memory_space<vmem_shared>> -> memref<128x128xf32, #tpu.memory_space<vmem_shared>>
      %dma_wait3A_425 = arith.constant 0 : i32
      %dma_wait3A_426 = tpu.memref_slice %arg10[%add3A_195, %dma_wait3A_425] : memref<10240x128xf32, #tpu.memory_space<vmem_shared>> -> memref<128x128xf32, #tpu.memory_space<vmem_shared>>
      tpu.wait_dma2 semaphore(%run_scoped3A_418 : memref<!tpu.dma_semaphore, #tpu.memory_space<semaphore_mem>>) src(%arg9 : memref<128x128xf32, #tpu.memory_space<vmem>>) dst(%dma_wait3A_426 : memref<128x128xf32, #tpu.memory_space<vmem_shared>>)
      tpu.yield
    }) : () -> ()
    %mul3A_196 = arith.constant 640 : i32
    %mul3A_197 = arith.muli %arg1, %mul3A_196 : i32
    %add3A_198 = arith.constant 128 : i32
    %add3A_199 = arith.addi %mul3A_197, %add3A_198 : i32
    "tpu.region"() ({
      %run_scoped3A_418 = tpu.sem_alloc : memref<!tpu.dma_semaphore, #tpu.memory_space<semaphore_mem>>
      %dma_start3A_419 = arith.constant 0 : i32
      %dma_start3A_420 = tpu.memref_slice %arg10[%add3A_199, %dma_start3A_419] : memref<10240x128xf32, #tpu.memory_space<vmem_shared>> -> memref<128x128xf32, #tpu.memory_space<vmem_shared>>
      %dma_start3A_421 = arith.constant 0 : i32
      %dma_start3A_422 = tpu.memref_slice %arg10[%add3A_199, %dma_start3A_421] : memref<10240x128xf32, #tpu.memory_space<vmem_shared>> -> memref<128x128xf32, #tpu.memory_space<vmem_shared>>
      tpu.enqueue_dma source(%arg9 : memref<128x128xf32, #tpu.memory_space<vmem>>) target(%dma_start3A_422 : memref<128x128xf32, #tpu.memory_space<vmem_shared>>) target_semaphore(%run_scoped3A_418 : memref<!tpu.dma_semaphore, #tpu.memory_space<semaphore_mem>>)
      %dma_wait3A_423 = arith.constant 0 : i32
      %dma_wait3A_424 = tpu.memref_slice %arg10[%add3A_199, %dma_wait3A_423] : memref<10240x128xf32, #tpu.memory_space<vmem_shared>> -> memref<128x128xf32, #tpu.memory_space<vmem_shared>>
      %dma_wait3A_425 = arith.constant 0 : i32
      %dma_wait3A_426 = tpu.memref_slice %arg10[%add3A_199, %dma_wait3A_425] : memref<10240x128xf32, #tpu.memory_space<vmem_shared>> -> memref<128x128xf32, #tpu.memory_space<vmem_shared>>
      tpu.wait_dma2 semaphore(%run_scoped3A_418 : memref<!tpu.dma_semaphore, #tpu.memory_space<semaphore_mem>>) src(%arg9 : memref<128x128xf32, #tpu.memory_space<vmem>>) dst(%dma_wait3A_426 : memref<128x128xf32, #tpu.memory_space<vmem_shared>>)
      tpu.yield
    }) : () -> ()
    %mul3A_200 = arith.constant 640 : i32
    %mul3A_201 = arith.muli %arg1, %mul3A_200 : i32
    %add3A_202 = arith.constant 256 : i32
    %add3A_203 = arith.addi %mul3A_201, %add3A_202 : i32
    "tpu.region"() ({
      %run_scoped3A_418 = tpu.sem_alloc : memref<!tpu.dma_semaphore, #tpu.memory_space<semaphore_mem>>
      %dma_start3A_419 = arith.constant 0 : i32
      %dma_start3A_420 = tpu.memref_slice %arg10[%add3A_203, %dma_start3A_419] : memref<10240x128xf32, #tpu.memory_space<vmem_shared>> -> memref<128x128xf32, #tpu.memory_space<vmem_shared>>
      %dma_start3A_421 = arith.constant 0 : i32
      %dma_start3A_422 = tpu.memref_slice %arg10[%add3A_203, %dma_start3A_421] : memref<10240x128xf32, #tpu.memory_space<vmem_shared>> -> memref<128x128xf32, #tpu.memory_space<vmem_shared>>
      tpu.enqueue_dma source(%arg9 : memref<128x128xf32, #tpu.memory_space<vmem>>) target(%dma_start3A_422 : memref<128x128xf32, #tpu.memory_space<vmem_shared>>) target_semaphore(%run_scoped3A_418 : memref<!tpu.dma_semaphore, #tpu.memory_space<semaphore_mem>>)
      %dma_wait3A_423 = arith.constant 0 : i32
      %dma_wait3A_424 = tpu.memref_slice %arg10[%add3A_203, %dma_wait3A_423] : memref<10240x128xf32, #tpu.memory_space<vmem_shared>> -> memref<128x128xf32, #tpu.memory_space<vmem_shared>>
      %dma_wait3A_425 = arith.constant 0 : i32
      %dma_wait3A_426 = tpu.memref_slice %arg10[%add3A_203, %dma_wait3A_425] : memref<10240x128xf32, #tpu.memory_space<vmem_shared>> -> memref<128x128xf32, #tpu.memory_space<vmem_shared>>
      tpu.wait_dma2 semaphore(%run_scoped3A_418 : memref<!tpu.dma_semaphore, #tpu.memory_space<semaphore_mem>>) src(%arg9 : memref<128x128xf32, #tpu.memory_space<vmem>>) dst(%dma_wait3A_426 : memref<128x128xf32, #tpu.memory_space<vmem_shared>>)
      tpu.yield
    }) : () -> ()
    %mul3A_204 = arith.constant 640 : i32
    %mul3A_205 = arith.muli %arg1, %mul3A_204 : i32
    %add3A_206 = arith.constant 384 : i32
    %add3A_207 = arith.addi %mul3A_205, %add3A_206 : i32
    "tpu.region"() ({
      %run_scoped3A_418 = tpu.sem_alloc : memref<!tpu.dma_semaphore, #tpu.memory_space<semaphore_mem>>
      %dma_start3A_419 = arith.constant 0 : i32
      %dma_start3A_420 = tpu.memref_slice %arg10[%add3A_207, %dma_start3A_419] : memref<10240x128xf32, #tpu.memory_space<vmem_shared>> -> memref<128x128xf32, #tpu.memory_space<vmem_shared>>
      %dma_start3A_421 = arith.constant 0 : i32
      %dma_start3A_422 = tpu.memref_slice %arg10[%add3A_207, %dma_start3A_421] : memref<10240x128xf32, #tpu.memory_space<vmem_shared>> -> memref<128x128xf32, #tpu.memory_space<vmem_shared>>
      tpu.enqueue_dma source(%arg9 : memref<128x128xf32, #tpu.memory_space<vmem>>) target(%dma_start3A_422 : memref<128x128xf32, #tpu.memory_space<vmem_shared>>) target_semaphore(%run_scoped3A_418 : memref<!tpu.dma_semaphore, #tpu.memory_space<semaphore_mem>>)
      %dma_wait3A_423 = arith.constant 0 : i32
      %dma_wait3A_424 = tpu.memref_slice %arg10[%add3A_207, %dma_wait3A_423] : memref<10240x128xf32, #tpu.memory_space<vmem_shared>> -> memref<128x128xf32, #tpu.memory_space<vmem_shared>>
      %dma_wait3A_425 = arith.constant 0 : i32
      %dma_wait3A_426 = tpu.memref_slice %arg10[%add3A_207, %dma_wait3A_425] : memref<10240x128xf32, #tpu.memory_space<vmem_shared>> -> memref<128x128xf32, #tpu.memory_space<vmem_shared>>
      tpu.wait_dma2 semaphore(%run_scoped3A_418 : memref<!tpu.dma_semaphore, #tpu.memory_space<semaphore_mem>>) src(%arg9 : memref<128x128xf32, #tpu.memory_space<vmem>>) dst(%dma_wait3A_426 : memref<128x128xf32, #tpu.memory_space<vmem_shared>>)
      tpu.yield
    }) : () -> ()
    %mul3A_208 = arith.constant 640 : i32
    %mul3A_209 = arith.muli %arg1, %mul3A_208 : i32
    %add3A_210 = arith.constant 512 : i32
    %add3A_211 = arith.addi %mul3A_209, %add3A_210 : i32
    "tpu.region"() ({
      %run_scoped3A_418 = tpu.sem_alloc : memref<!tpu.dma_semaphore, #tpu.memory_space<semaphore_mem>>
      %dma_start3A_419 = arith.constant 0 : i32
      %dma_start3A_420 = tpu.memref_slice %arg10[%add3A_211, %dma_start3A_419] : memref<10240x128xf32, #tpu.memory_space<vmem_shared>> -> memref<128x128xf32, #tpu.memory_space<vmem_shared>>
      %dma_start3A_421 = arith.constant 0 : i32
      %dma_start3A_422 = tpu.memref_slice %arg10[%add3A_211, %dma_start3A_421] : memref<10240x128xf32, #tpu.memory_space<vmem_shared>> -> memref<128x128xf32, #tpu.memory_space<vmem_shared>>
      tpu.enqueue_dma source(%arg9 : memref<128x128xf32, #tpu.memory_space<vmem>>) target(%dma_start3A_422 : memref<128x128xf32, #tpu.memory_space<vmem_shared>>) target_semaphore(%run_scoped3A_418 : memref<!tpu.dma_semaphore, #tpu.memory_space<semaphore_mem>>)
      %dma_wait3A_423 = arith.constant 0 : i32
      %dma_wait3A_424 = tpu.memref_slice %arg10[%add3A_211, %dma_wait3A_423] : memref<10240x128xf32, #tpu.memory_space<vmem_shared>> -> memref<128x128xf32, #tpu.memory_space<vmem_shared>>
      %dma_wait3A_425 = arith.constant 0 : i32
      %dma_wait3A_426 = tpu.memref_slice %arg10[%add3A_211, %dma_wait3A_425] : memref<10240x128xf32, #tpu.memory_space<vmem_shared>> -> memref<128x128xf32, #tpu.memory_space<vmem_shared>>
      tpu.wait_dma2 semaphore(%run_scoped3A_418 : memref<!tpu.dma_semaphore, #tpu.memory_space<semaphore_mem>>) src(%arg9 : memref<128x128xf32, #tpu.memory_space<vmem>>) dst(%dma_wait3A_426 : memref<128x128xf32, #tpu.memory_space<vmem_shared>>)
      tpu.yield
    }) : () -> ()
    %get3A_212 = arith.constant 1 : i32
    %get3A_213 = arith.index_cast %get3A_212 : i32 to index
    %get3A_214 = arith.constant 0 : index
    %get3A_215 = tpu.vector_load %arg5[%get3A_213, %get3A_214] {strides = array<i32>} : memref<79x128xi32, #tpu.memory_space<vmem>>, vector<1x16xi32>,
    %get3A_216 = vector.shape_cast %get3A_215 : vector<1x16xi32> to vector<16xi32>
    %and3A_217 = arith.constant 16383 : i32
    %and3A_218 = vector.broadcast %and3A_217 : i32 to vector<16xi32>
    %and3A_219 = arith.andi %get3A_216, %and3A_218 : vector<16xi32>
    %swap3A_220 = arith.constant 1 : i32
    %swap3A_221 = arith.index_cast %swap3A_220 : i32 to index
    %swap3A_222 = arith.constant 0 : index
    %swap3A_223 = tpu.vector_load %arg6[%swap3A_221, %swap3A_222] {strides = array<i32>} : memref<2x128xi32, #tpu.memory_space<vmem>>, vector<1x16xi32>,
    %swap3A_224 = vector.shape_cast %swap3A_223 : vector<1x16xi32> to vector<16xi32>
    %swap3A_225 = vector.shape_cast %and3A_219 : vector<16xi32> to vector<1x16xi32>
    tpu.vector_store %arg6[%swap3A_221, %swap3A_222], %swap3A_225 {strides = array<i32>} : memref<2x128xi32, #tpu.memory_space<vmem>>, vector<1x16xi32>,
    %shift_right_logical3A_226 = arith.constant 14 : i32
    %shift_right_logical3A_227 = vector.broadcast %shift_right_logical3A_226 : i32 to vector<16xi32>
    %shift_right_logical3A_228 = arith.shrui %get3A_216, %shift_right_logical3A_227 : vector<16xi32>
    %swap3A_229 = arith.constant 1 : i32
    %swap3A_230 = arith.index_cast %swap3A_229 : i32 to index
    %swap3A_231 = arith.constant 0 : index
    %swap3A_232 = tpu.vector_load %arg7[%swap3A_230, %swap3A_231] {strides = array<i32>} : memref<2x128xi32, #tpu.memory_space<vmem>>, vector<1x16xi32>,
    %swap3A_233 = vector.shape_cast %swap3A_232 : vector<1x16xi32> to vector<16xi32>
    %swap3A_234 = vector.shape_cast %shift_right_logical3A_228 : vector<16xi32> to vector<1x16xi32>
    tpu.vector_store %arg7[%swap3A_230, %swap3A_231], %swap3A_234 {strides = array<i32>} : memref<2x128xi32, #tpu.memory_space<vmem>>, vector<1x16xi32>,
    %get3A_235 = arith.constant 1 : i32
    %get3A_236 = arith.index_cast %get3A_235 : i32 to index
    %get3A_237 = arith.constant 16 : index
    %get3A_238 = tpu.vector_load %arg5[%get3A_236, %get3A_237] {strides = array<i32>} : memref<79x128xi32, #tpu.memory_space<vmem>>, vector<1x16xi32>,
    %get3A_239 = vector.shape_cast %get3A_238 : vector<1x16xi32> to vector<16xi32>
    %and3A_240 = arith.constant 16383 : i32
    %and3A_241 = vector.broadcast %and3A_240 : i32 to vector<16xi32>
    %and3A_242 = arith.andi %get3A_239, %and3A_241 : vector<16xi32>
    %swap3A_243 = arith.constant 1 : i32
    %swap3A_244 = arith.index_cast %swap3A_243 : i32 to index
    %swap3A_245 = arith.constant 16 : index
    %swap3A_246 = tpu.vector_load %arg6[%swap3A_244, %swap3A_245] {strides = array<i32>} : memref<2x128xi32, #tpu.memory_space<vmem>>, vector<1x16xi32>,
    %swap3A_247 = vector.shape_cast %swap3A_246 : vector<1x16xi32> to vector<16xi32>
    %swap3A_248 = vector.shape_cast %and3A_242 : vector<16xi32> to vector<1x16xi32>
    tpu.vector_store %arg6[%swap3A_244, %swap3A_245], %swap3A_248 {strides = array<i32>} : memref<2x128xi32, #tpu.memory_space<vmem>>, vector<1x16xi32>,
    %shift_right_logical3A_249 = arith.constant 14 : i32
    %shift_right_logical3A_250 = vector.broadcast %shift_right_logical3A_249 : i32 to vector<16xi32>
    %shift_right_logical3A_251 = arith.shrui %get3A_239, %shift_right_logical3A_250 : vector<16xi32>
    %swap3A_252 = arith.constant 1 : i32
    %swap3A_253 = arith.index_cast %swap3A_252 : i32 to index
    %swap3A_254 = arith.constant 16 : index
    %swap3A_255 = tpu.vector_load %arg7[%swap3A_253, %swap3A_254] {strides = array<i32>} : memref<2x128xi32, #tpu.memory_space<vmem>>, vector<1x16xi32>,
    %swap3A_256 = vector.shape_cast %swap3A_255 : vector<1x16xi32> to vector<16xi32>
    %swap3A_257 = vector.shape_cast %shift_right_logical3A_251 : vector<16xi32> to vector<1x16xi32>
    tpu.vector_store %arg7[%swap3A_253, %swap3A_254], %swap3A_257 {strides = array<i32>} : memref<2x128xi32, #tpu.memory_space<vmem>>, vector<1x16xi32>,
    %get3A_258 = arith.constant 1 : i32
    %get3A_259 = arith.index_cast %get3A_258 : i32 to index
    %get3A_260 = arith.constant 32 : index
    %get3A_261 = tpu.vector_load %arg5[%get3A_259, %get3A_260] {strides = array<i32>} : memref<79x128xi32, #tpu.memory_space<vmem>>, vector<1x16xi32>,
    %get3A_262 = vector.shape_cast %get3A_261 : vector<1x16xi32> to vector<16xi32>
    %and3A_263 = arith.constant 16383 : i32
    %and3A_264 = vector.broadcast %and3A_263 : i32 to vector<16xi32>
    %and3A_265 = arith.andi %get3A_262, %and3A_264 : vector<16xi32>
    %swap3A_266 = arith.constant 1 : i32
    %swap3A_267 = arith.index_cast %swap3A_266 : i32 to index
    %swap3A_268 = arith.constant 32 : index
    %swap3A_269 = tpu.vector_load %arg6[%swap3A_267, %swap3A_268] {strides = array<i32>} : memref<2x128xi32, #tpu.memory_space<vmem>>, vector<1x16xi32>,
    %swap3A_270 = vector.shape_cast %swap3A_269 : vector<1x16xi32> to vector<16xi32>
    %swap3A_271 = vector.shape_cast %and3A_265 : vector<16xi32> to vector<1x16xi32>
    tpu.vector_store %arg6[%swap3A_267, %swap3A_268], %swap3A_271 {strides = array<i32>} : memref<2x128xi32, #tpu.memory_space<vmem>>, vector<1x16xi32>,
    %shift_right_logical3A_272 = arith.constant 14 : i32
    %shift_right_logical3A_273 = vector.broadcast %shift_right_logical3A_272 : i32 to vector<16xi32>
    %shift_right_logical3A_274 = arith.shrui %get3A_262, %shift_right_logical3A_273 : vector<16xi32>
    %swap3A_275 = arith.constant 1 : i32
    %swap3A_276 = arith.index_cast %swap3A_275 : i32 to index
    %swap3A_277 = arith.constant 32 : index
    %swap3A_278 = tpu.vector_load %arg7[%swap3A_276, %swap3A_277] {strides = array<i32>} : memref<2x128xi32, #tpu.memory_space<vmem>>, vector<1x16xi32>,
    %swap3A_279 = vector.shape_cast %swap3A_278 : vector<1x16xi32> to vector<16xi32>
    %swap3A_280 = vector.shape_cast %shift_right_logical3A_274 : vector<16xi32> to vector<1x16xi32>
    tpu.vector_store %arg7[%swap3A_276, %swap3A_277], %swap3A_280 {strides = array<i32>} : memref<2x128xi32, #tpu.memory_space<vmem>>, vector<1x16xi32>,
    %get3A_281 = arith.constant 1 : i32
    %get3A_282 = arith.index_cast %get3A_281 : i32 to index
    %get3A_283 = arith.constant 48 : index
    %get3A_284 = tpu.vector_load %arg5[%get3A_282, %get3A_283] {strides = array<i32>} : memref<79x128xi32, #tpu.memory_space<vmem>>, vector<1x16xi32>,
    %get3A_285 = vector.shape_cast %get3A_284 : vector<1x16xi32> to vector<16xi32>
    %and3A_286 = arith.constant 16383 : i32
    %and3A_287 = vector.broadcast %and3A_286 : i32 to vector<16xi32>
    %and3A_288 = arith.andi %get3A_285, %and3A_287 : vector<16xi32>
    %swap3A_289 = arith.constant 1 : i32
    %swap3A_290 = arith.index_cast %swap3A_289 : i32 to index
    %swap3A_291 = arith.constant 48 : index
    %swap3A_292 = tpu.vector_load %arg6[%swap3A_290, %swap3A_291] {strides = array<i32>} : memref<2x128xi32, #tpu.memory_space<vmem>>, vector<1x16xi32>,
    %swap3A_293 = vector.shape_cast %swap3A_292 : vector<1x16xi32> to vector<16xi32>
    %swap3A_294 = vector.shape_cast %and3A_288 : vector<16xi32> to vector<1x16xi32>
    tpu.vector_store %arg6[%swap3A_290, %swap3A_291], %swap3A_294 {strides = array<i32>} : memref<2x128xi32, #tpu.memory_space<vmem>>, vector<1x16xi32>,
    %shift_right_logical3A_295 = arith.constant 14 : i32
    %shift_right_logical3A_296 = vector.broadcast %shift_right_logical3A_295 : i32 to vector<16xi32>
    %shift_right_logical3A_297 = arith.shrui %get3A_285, %shift_right_logical3A_296 : vector<16xi32>
    %swap3A_298 = arith.constant 1 : i32
    %swap3A_299 = arith.index_cast %swap3A_298 : i32 to index
    %swap3A_300 = arith.constant 48 : index
    %swap3A_301 = tpu.vector_load %arg7[%swap3A_299, %swap3A_300] {strides = array<i32>} : memref<2x128xi32, #tpu.memory_space<vmem>>, vector<1x16xi32>,
    %swap3A_302 = vector.shape_cast %swap3A_301 : vector<1x16xi32> to vector<16xi32>
    %swap3A_303 = vector.shape_cast %shift_right_logical3A_297 : vector<16xi32> to vector<1x16xi32>
    tpu.vector_store %arg7[%swap3A_299, %swap3A_300], %swap3A_303 {strides = array<i32>} : memref<2x128xi32, #tpu.memory_space<vmem>>, vector<1x16xi32>,
    %get3A_304 = arith.constant 1 : i32
    %get3A_305 = arith.index_cast %get3A_304 : i32 to index
    %get3A_306 = arith.constant 64 : index
    %get3A_307 = tpu.vector_load %arg5[%get3A_305, %get3A_306] {strides = array<i32>} : memref<79x128xi32, #tpu.memory_space<vmem>>, vector<1x16xi32>,
    %get3A_308 = vector.shape_cast %get3A_307 : vector<1x16xi32> to vector<16xi32>
    %and3A_309 = arith.constant 16383 : i32
    %and3A_310 = vector.broadcast %and3A_309 : i32 to vector<16xi32>
    %and3A_311 = arith.andi %get3A_308, %and3A_310 : vector<16xi32>
    %swap3A_312 = arith.constant 1 : i32
    %swap3A_313 = arith.index_cast %swap3A_312 : i32 to index
    %swap3A_314 = arith.constant 64 : index
    %swap3A_315 = tpu.vector_load %arg6[%swap3A_313, %swap3A_314] {strides = array<i32>} : memref<2x128xi32, #tpu.memory_space<vmem>>, vector<1x16xi32>,
    %swap3A_316 = vector.shape_cast %swap3A_315 : vector<1x16xi32> to vector<16xi32>
    %swap3A_317 = vector.shape_cast %and3A_311 : vector<16xi32> to vector<1x16xi32>
    tpu.vector_store %arg6[%swap3A_313, %swap3A_314], %swap3A_317 {strides = array<i32>} : memref<2x128xi32, #tpu.memory_space<vmem>>, vector<1x16xi32>,
    %shift_right_logical3A_318 = arith.constant 14 : i32
    %shift_right_logical3A_319 = vector.broadcast %shift_right_logical3A_318 : i32 to vector<16xi32>
    %shift_right_logical3A_320 = arith.shrui %get3A_308, %shift_right_logical3A_319 : vector<16xi32>
    %swap3A_321 = arith.constant 1 : i32
    %swap3A_322 = arith.index_cast %swap3A_321 : i32 to index
    %swap3A_323 = arith.constant 64 : index
    %swap3A_324 = tpu.vector_load %arg7[%swap3A_322, %swap3A_323] {strides = array<i32>} : memref<2x128xi32, #tpu.memory_space<vmem>>, vector<1x16xi32>,
    %swap3A_325 = vector.shape_cast %swap3A_324 : vector<1x16xi32> to vector<16xi32>
    %swap3A_326 = vector.shape_cast %shift_right_logical3A_320 : vector<16xi32> to vector<1x16xi32>
    tpu.vector_store %arg7[%swap3A_322, %swap3A_323], %swap3A_326 {strides = array<i32>} : memref<2x128xi32, #tpu.memory_space<vmem>>, vector<1x16xi32>,
    %get3A_327 = arith.constant 1 : i32
    %get3A_328 = arith.index_cast %get3A_327 : i32 to index
    %get3A_329 = arith.constant 80 : index
    %get3A_330 = tpu.vector_load %arg5[%get3A_328, %get3A_329] {strides = array<i32>} : memref<79x128xi32, #tpu.memory_space<vmem>>, vector<1x16xi32>,
    %get3A_331 = vector.shape_cast %get3A_330 : vector<1x16xi32> to vector<16xi32>
    %and3A_332 = arith.constant 16383 : i32
    %and3A_333 = vector.broadcast %and3A_332 : i32 to vector<16xi32>
    %and3A_334 = arith.andi %get3A_331, %and3A_333 : vector<16xi32>
    %swap3A_335 = arith.constant 1 : i32
    %swap3A_336 = arith.index_cast %swap3A_335 : i32 to index
    %swap3A_337 = arith.constant 80 : index
    %swap3A_338 = tpu.vector_load %arg6[%swap3A_336, %swap3A_337] {strides = array<i32>} : memref<2x128xi32, #tpu.memory_space<vmem>>, vector<1x16xi32>,
    %swap3A_339 = vector.shape_cast %swap3A_338 : vector<1x16xi32> to vector<16xi32>
    %swap3A_340 = vector.shape_cast %and3A_334 : vector<16xi32> to vector<1x16xi32>
    tpu.vector_store %arg6[%swap3A_336, %swap3A_337], %swap3A_340 {strides = array<i32>} : memref<2x128xi32, #tpu.memory_space<vmem>>, vector<1x16xi32>,
    %shift_right_logical3A_341 = arith.constant 14 : i32
    %shift_right_logical3A_342 = vector.broadcast %shift_right_logical3A_341 : i32 to vector<16xi32>
    %shift_right_logical3A_343 = arith.shrui %get3A_331, %shift_right_logical3A_342 : vector<16xi32>
    %swap3A_344 = arith.constant 1 : i32
    %swap3A_345 = arith.index_cast %swap3A_344 : i32 to index
    %swap3A_346 = arith.constant 80 : index
    %swap3A_347 = tpu.vector_load %arg7[%swap3A_345, %swap3A_346] {strides = array<i32>} : memref<2x128xi32, #tpu.memory_space<vmem>>, vector<1x16xi32>,
    %swap3A_348 = vector.shape_cast %swap3A_347 : vector<1x16xi32> to vector<16xi32>
    %swap3A_349 = vector.shape_cast %shift_right_logical3A_343 : vector<16xi32> to vector<1x16xi32>
    tpu.vector_store %arg7[%swap3A_345, %swap3A_346], %swap3A_349 {strides = array<i32>} : memref<2x128xi32, #tpu.memory_space<vmem>>, vector<1x16xi32>,
    %get3A_350 = arith.constant 1 : i32
    %get3A_351 = arith.index_cast %get3A_350 : i32 to index
    %get3A_352 = arith.constant 96 : index
    %get3A_353 = tpu.vector_load %arg5[%get3A_351, %get3A_352] {strides = array<i32>} : memref<79x128xi32, #tpu.memory_space<vmem>>, vector<1x16xi32>,
    %get3A_354 = vector.shape_cast %get3A_353 : vector<1x16xi32> to vector<16xi32>
    %and3A_355 = arith.constant 16383 : i32
    %and3A_356 = vector.broadcast %and3A_355 : i32 to vector<16xi32>
    %and3A_357 = arith.andi %get3A_354, %and3A_356 : vector<16xi32>
    %swap3A_358 = arith.constant 1 : i32
    %swap3A_359 = arith.index_cast %swap3A_358 : i32 to index
    %swap3A_360 = arith.constant 96 : index
    %swap3A_361 = tpu.vector_load %arg6[%swap3A_359, %swap3A_360] {strides = array<i32>} : memref<2x128xi32, #tpu.memory_space<vmem>>, vector<1x16xi32>,
    %swap3A_362 = vector.shape_cast %swap3A_361 : vector<1x16xi32> to vector<16xi32>
    %swap3A_363 = vector.shape_cast %and3A_357 : vector<16xi32> to vector<1x16xi32>
    tpu.vector_store %arg6[%swap3A_359, %swap3A_360], %swap3A_363 {strides = array<i32>} : memref<2x128xi32, #tpu.memory_space<vmem>>, vector<1x16xi32>,
    %shift_right_logical3A_364 = arith.constant 14 : i32
    %shift_right_logical3A_365 = vector.broadcast %shift_right_logical3A_364 : i32 to vector<16xi32>
    %shift_right_logical3A_366 = arith.shrui %get3A_354, %shift_right_logical3A_365 : vector<16xi32>
    %swap3A_367 = arith.constant 1 : i32
    %swap3A_368 = arith.index_cast %swap3A_367 : i32 to index
    %swap3A_369 = arith.constant 96 : index
    %swap3A_370 = tpu.vector_load %arg7[%swap3A_368, %swap3A_369] {strides = array<i32>} : memref<2x128xi32, #tpu.memory_space<vmem>>, vector<1x16xi32>,
    %swap3A_371 = vector.shape_cast %swap3A_370 : vector<1x16xi32> to vector<16xi32>
    %swap3A_372 = vector.shape_cast %shift_right_logical3A_366 : vector<16xi32> to vector<1x16xi32>
    tpu.vector_store %arg7[%swap3A_368, %swap3A_369], %swap3A_372 {strides = array<i32>} : memref<2x128xi32, #tpu.memory_space<vmem>>, vector<1x16xi32>,
    %get3A_373 = arith.constant 1 : i32
    %get3A_374 = arith.index_cast %get3A_373 : i32 to index
    %get3A_375 = arith.constant 112 : index
    %get3A_376 = tpu.vector_load %arg5[%get3A_374, %get3A_375] {strides = array<i32>} : memref<79x128xi32, #tpu.memory_space<vmem>>, vector<1x16xi32>,
    %get3A_377 = vector.shape_cast %get3A_376 : vector<1x16xi32> to vector<16xi32>
    %and3A_378 = arith.constant 16383 : i32
    %and3A_379 = vector.broadcast %and3A_378 : i32 to vector<16xi32>
    %and3A_380 = arith.andi %get3A_377, %and3A_379 : vector<16xi32>
    %swap3A_381 = arith.constant 1 : i32
    %swap3A_382 = arith.index_cast %swap3A_381 : i32 to index
    %swap3A_383 = arith.constant 112 : index
    %swap3A_384 = tpu.vector_load %arg6[%swap3A_382, %swap3A_383] {strides = array<i32>} : memref<2x128xi32, #tpu.memory_space<vmem>>, vector<1x16xi32>,
    %swap3A_385 = vector.shape_cast %swap3A_384 : vector<1x16xi32> to vector<16xi32>
    %swap3A_386 = vector.shape_cast %and3A_380 : vector<16xi32> to vector<1x16xi32>
    tpu.vector_store %arg6[%swap3A_382, %swap3A_383], %swap3A_386 {strides = array<i32>} : memref<2x128xi32, #tpu.memory_space<vmem>>, vector<1x16xi32>,
    %shift_right_logical3A_387 = arith.constant 14 : i32
    %shift_right_logical3A_388 = vector.broadcast %shift_right_logical3A_387 : i32 to vector<16xi32>
    %shift_right_logical3A_389 = arith.shrui %get3A_377, %shift_right_logical3A_388 : vector<16xi32>
    %swap3A_390 = arith.constant 1 : i32
    %swap3A_391 = arith.index_cast %swap3A_390 : i32 to index
    %swap3A_392 = arith.constant 112 : index
    %swap3A_393 = tpu.vector_load %arg7[%swap3A_391, %swap3A_392] {strides = array<i32>} : memref<2x128xi32, #tpu.memory_space<vmem>>, vector<1x16xi32>,
    %swap3A_394 = vector.shape_cast %swap3A_393 : vector<1x16xi32> to vector<16xi32>
    %swap3A_395 = vector.shape_cast %shift_right_logical3A_389 : vector<16xi32> to vector<1x16xi32>
    tpu.vector_store %arg7[%swap3A_391, %swap3A_392], %swap3A_395 {strides = array<i32>} : memref<2x128xi32, #tpu.memory_space<vmem>>, vector<1x16xi32>,
    %dma_start3A_396 = arith.constant 1 : i32
    %dma_start3A_397 = arith.constant 0 : i32
    %dma_start3A_398 = tpu.memref_slice %arg6[%dma_start3A_396, %dma_start3A_397] : memref<2x128xi32, #tpu.memory_space<vmem>> -> memref<1x128xi32, #tpu.memory_space<vmem>>
    %dma_start3A_399 = tpu.memref_squeeze %dma_start3A_398 : memref<1x128xi32, #tpu.memory_space<vmem>> -> memref<128xi32, #tpu.memory_space<vmem>>
    %dma_start3A_400 = arith.constant 0 : i32
    %dma_start3A_401 = arith.constant 0 : i32
    %dma_start3A_402 = tpu.memref_slice %arg2[%dma_start3A_400, %dma_start3A_401] : memref<10240x128xf32, #tpu.memory_space<hbm>> -> memref<10240x128xf32, #tpu.memory_space<hbm>>
    tpu.enqueue_indirect_dma source(%dma_start3A_402 : memref<10240x128xf32, #tpu.memory_space<hbm>>) target(%arg9 : memref<128x128xf32, #tpu.memory_space<vmem>>) offsets(%dma_start3A_399 : memref<128xi32, #tpu.memory_space<vmem>>) semaphore(%arg12 : memref<!tpu.dma_semaphore, #tpu.memory_space<semaphore_mem>>)
    %barrier3A = arith.constant 0 : index
    tpu.barrier barrier_id(%barrier3A)
    %scan3A_403 = arith.constant 0 : i32
    %scan3A_404 = arith.constant 0 : i32
    %scan3A_405 = arith.constant 39 : i32
    %scan3A_406 = arith.addi %scan3A_404, %scan3A_405 : i32
    %scan3A_407 = arith.constant 1 : i32
    scf.for %scan3A_418 = %scan3A_404 to %scan3A_406 step %scan3A_407  : i32 {
      %mul3A_419 = arith.constant 2 : i32
      %mul3A_420 = arith.muli %mul3A_419, %scan3A_418 : i32
      %mul3A_421 = arith.constant 2 : i32
      %mul3A_422 = arith.muli %mul3A_421, %scan3A_418 : i32
      %add3A_423 = arith.constant 1 : i32
      %add3A_424 = arith.addi %mul3A_422, %add3A_423 : i32
      %dma_wait3A_425 = arith.constant 0 : i32
      %dma_wait3A_426 = arith.constant 0 : i32
      %dma_wait3A_427 = tpu.memref_slice %arg6[%dma_wait3A_425, %dma_wait3A_426] : memref<2x128xi32, #tpu.memory_space<vmem>> -> memref<1x128xi32, #tpu.memory_space<vmem>>
      %dma_wait3A_428 = tpu.memref_squeeze %dma_wait3A_427 : memref<1x128xi32, #tpu.memory_space<vmem>> -> memref<128xi32, #tpu.memory_space<vmem>>
      %dma_wait3A_429 = arith.constant 0 : i32
      %dma_wait3A_430 = arith.constant 0 : i32
      %dma_wait3A_431 = tpu.memref_slice %arg2[%dma_wait3A_429, %dma_wait3A_430] : memref<10240x128xf32, #tpu.memory_space<hbm>> -> memref<10240x128xf32, #tpu.memory_space<hbm>>
      tpu.wait_indirect_dma semaphore(%arg11 : memref<!tpu.dma_semaphore, #tpu.memory_space<semaphore_mem>>) src(%dma_wait3A_431 : memref<10240x128xf32, #tpu.memory_space<hbm>>) dst(%arg8 : memref<128x128xf32, #tpu.memory_space<vmem>>)
      %run_scoped3A_432 = arith.constant 0 : i32
      "tpu.region"() ({
        %run_scoped3A_452 = tpu.sem_alloc : memref<!tpu.dma_semaphore, #tpu.memory_space<semaphore_mem>>
        %dma_start3A_453 = arith.constant 0 : i32
        %dma_start3A_454 = tpu.memref_slice %arg7[%run_scoped3A_432, %dma_start3A_453] : memref<2x128xi32, #tpu.memory_space<vmem>> -> memref<1x128xi32, #tpu.memory_space<vmem>>
        %dma_start3A_455 = tpu.memref_squeeze %dma_start3A_454 : memref<1x128xi32, #tpu.memory_space<vmem>> -> memref<128xi32, #tpu.memory_space<vmem>>
        %dma_start3A_456 = arith.constant 0 : i32
        %dma_start3A_457 = arith.constant 0 : i32
        %dma_start3A_458 = tpu.memref_slice %arg10[%dma_start3A_456, %dma_start3A_457] : memref<10240x128xf32, #tpu.memory_space<vmem_shared>> -> memref<10240x128xf32, #tpu.memory_space<vmem_shared>>
        tpu.enqueue_indirect_dma source(%arg8 : memref<128x128xf32, #tpu.memory_space<vmem>>) target(%dma_start3A_458 : memref<10240x128xf32, #tpu.memory_space<vmem_shared>>) offsets(%dma_start3A_455 : memref<128xi32, #tpu.memory_space<vmem>>) semaphore(%run_scoped3A_452 : memref<!tpu.dma_semaphore, #tpu.memory_space<semaphore_mem>>) {add = true}
        %dma_wait3A_459 = arith.constant 0 : i32
        %dma_wait3A_460 = tpu.memref_slice %arg7[%run_scoped3A_432, %dma_wait3A_459] : memref<2x128xi32, #tpu.memory_space<vmem>> -> memref<1x128xi32, #tpu.memory_space<vmem>>
        %dma_wait3A_461 = tpu.memref_squeeze %dma_wait3A_460 : memref<1x128xi32, #tpu.memory_space<vmem>> -> memref<128xi32, #tpu.memory_space<vmem>>
        %dma_wait3A_462 = arith.constant 0 : i32
        %dma_wait3A_463 = arith.constant 0 : i32
        %dma_wait3A_464 = tpu.memref_slice %arg10[%dma_wait3A_462, %dma_wait3A_463] : memref<10240x128xf32, #tpu.memory_space<vmem_shared>> -> memref<10240x128xf32, #tpu.memory_space<vmem_shared>>
        tpu.wait_indirect_dma semaphore(%run_scoped3A_452 : memref<!tpu.dma_semaphore, #tpu.memory_space<semaphore_mem>>) src(%arg8 : memref<128x128xf32, #tpu.memory_space<vmem>>) dst(%dma_wait3A_464 : memref<10240x128xf32, #tpu.memory_space<vmem_shared>>)
        tpu.yield
      }) : () -> ()
      %add3A_433 = arith.constant 2 : i32
      %add3A_434 = arith.addi %mul3A_420, %add3A_433 : i32
      %lt3A = arith.constant 79 : i32
      %lt3A_435 = arith.cmpi slt, %add3A_434, %lt3A : i32
      %convert_element_type3A = arith.extui %lt3A_435 : i1 to i32
      %cond3A = arith.constant 0 : i32
      %cond3A_436 = arith.cmpi ne, %convert_element_type3A, %cond3A : i32
      scf.if %cond3A_436 {
        %add3A_452 = arith.constant 2 : i32
        %add3A_453 = arith.addi %mul3A_420, %add3A_452 : i32
        %get3A_454 = arith.index_cast %add3A_453 : i32 to index
        %get3A_455 = arith.constant 0 : index
        %get3A_456 = tpu.vector_load %arg5[%get3A_454, %get3A_455] {strides = array<i32>} : memref<79x128xi32, #tpu.memory_space<vmem>>, vector<1x16xi32>,
        %get3A_457 = vector.shape_cast %get3A_456 : vector<1x16xi32> to vector<16xi32>
        %and3A_458 = arith.constant 16383 : i32
        %and3A_459 = vector.broadcast %and3A_458 : i32 to vector<16xi32>
        %and3A_460 = arith.andi %get3A_457, %and3A_459 : vector<16xi32>
        %swap3A_461 = arith.constant 0 : i32
        %swap3A_462 = arith.index_cast %swap3A_461 : i32 to index
        %swap3A_463 = arith.constant 0 : index
        %swap3A_464 = tpu.vector_load %arg6[%swap3A_462, %swap3A_463] {strides = array<i32>} : memref<2x128xi32, #tpu.memory_space<vmem>>, vector<1x16xi32>,
        %swap3A_465 = vector.shape_cast %swap3A_464 : vector<1x16xi32> to vector<16xi32>
        %swap3A_466 = vector.shape_cast %and3A_460 : vector<16xi32> to vector<1x16xi32>
        tpu.vector_store %arg6[%swap3A_462, %swap3A_463], %swap3A_466 {strides = array<i32>} : memref<2x128xi32, #tpu.memory_space<vmem>>, vector<1x16xi32>,
        %shift_right_logical3A_467 = arith.constant 14 : i32
        %shift_right_logical3A_468 = vector.broadcast %shift_right_logical3A_467 : i32 to vector<16xi32>
        %shift_right_logical3A_469 = arith.shrui %get3A_457, %shift_right_logical3A_468 : vector<16xi32>
        %swap3A_470 = arith.constant 0 : i32
        %swap3A_471 = arith.index_cast %swap3A_470 : i32 to index
        %swap3A_472 = arith.constant 0 : index
        %swap3A_473 = tpu.vector_load %arg7[%swap3A_471, %swap3A_472] {strides = array<i32>} : memref<2x128xi32, #tpu.memory_space<vmem>>, vector<1x16xi32>,
        %swap3A_474 = vector.shape_cast %swap3A_473 : vector<1x16xi32> to vector<16xi32>
        %swap3A_475 = vector.shape_cast %shift_right_logical3A_469 : vector<16xi32> to vector<1x16xi32>
        tpu.vector_store %arg7[%swap3A_471, %swap3A_472], %swap3A_475 {strides = array<i32>} : memref<2x128xi32, #tpu.memory_space<vmem>>, vector<1x16xi32>,
        %get3A_476 = arith.index_cast %add3A_453 : i32 to index
        %get3A_477 = arith.constant 16 : index
        %get3A_478 = tpu.vector_load %arg5[%get3A_476, %get3A_477] {strides = array<i32>} : memref<79x128xi32, #tpu.memory_space<vmem>>, vector<1x16xi32>,
        %get3A_479 = vector.shape_cast %get3A_478 : vector<1x16xi32> to vector<16xi32>
        %and3A_480 = arith.constant 16383 : i32
        %and3A_481 = vector.broadcast %and3A_480 : i32 to vector<16xi32>
        %and3A_482 = arith.andi %get3A_479, %and3A_481 : vector<16xi32>
        %swap3A_483 = arith.constant 0 : i32
        %swap3A_484 = arith.index_cast %swap3A_483 : i32 to index
        %swap3A_485 = arith.constant 16 : index
        %swap3A_486 = tpu.vector_load %arg6[%swap3A_484, %swap3A_485] {strides = array<i32>} : memref<2x128xi32, #tpu.memory_space<vmem>>, vector<1x16xi32>,
        %swap3A_487 = vector.shape_cast %swap3A_486 : vector<1x16xi32> to vector<16xi32>
        %swap3A_488 = vector.shape_cast %and3A_482 : vector<16xi32> to vector<1x16xi32>
        tpu.vector_store %arg6[%swap3A_484, %swap3A_485], %swap3A_488 {strides = array<i32>} : memref<2x128xi32, #tpu.memory_space<vmem>>, vector<1x16xi32>,
        %shift_right_logical3A_489 = arith.constant 14 : i32
        %shift_right_logical3A_490 = vector.broadcast %shift_right_logical3A_489 : i32 to vector<16xi32>
        %shift_right_logical3A_491 = arith.shrui %get3A_479, %shift_right_logical3A_490 : vector<16xi32>
        %swap3A_492 = arith.constant 0 : i32
        %swap3A_493 = arith.index_cast %swap3A_492 : i32 to index
        %swap3A_494 = arith.constant 16 : index
        %swap3A_495 = tpu.vector_load %arg7[%swap3A_493, %swap3A_494] {strides = array<i32>} : memref<2x128xi32, #tpu.memory_space<vmem>>, vector<1x16xi32>,
        %swap3A_496 = vector.shape_cast %swap3A_495 : vector<1x16xi32> to vector<16xi32>
        %swap3A_497 = vector.shape_cast %shift_right_logical3A_491 : vector<16xi32> to vector<1x16xi32>
        tpu.vector_store %arg7[%swap3A_493, %swap3A_494], %swap3A_497 {strides = array<i32>} : memref<2x128xi32, #tpu.memory_space<vmem>>, vector<1x16xi32>,
        %get3A_498 = arith.index_cast %add3A_453 : i32 to index
        %get3A_499 = arith.constant 32 : index
        %get3A_500 = tpu.vector_load %arg5[%get3A_498, %get3A_499] {strides = array<i32>} : memref<79x128xi32, #tpu.memory_space<vmem>>, vector<1x16xi32>,
        %get3A_501 = vector.shape_cast %get3A_500 : vector<1x16xi32> to vector<16xi32>
        %and3A_502 = arith.constant 16383 : i32
        %and3A_503 = vector.broadcast %and3A_502 : i32 to vector<16xi32>
        %and3A_504 = arith.andi %get3A_501, %and3A_503 : vector<16xi32>
        %swap3A_505 = arith.constant 0 : i32
        %swap3A_506 = arith.index_cast %swap3A_505 : i32 to index
        %swap3A_507 = arith.constant 32 : index
        %swap3A_508 = tpu.vector_load %arg6[%swap3A_506, %swap3A_507] {strides = array<i32>} : memref<2x128xi32, #tpu.memory_space<vmem>>, vector<1x16xi32>,
        %swap3A_509 = vector.shape_cast %swap3A_508 : vector<1x16xi32> to vector<16xi32>
        %swap3A_510 = vector.shape_cast %and3A_504 : vector<16xi32> to vector<1x16xi32>
        tpu.vector_store %arg6[%swap3A_506, %swap3A_507], %swap3A_510 {strides = array<i32>} : memref<2x128xi32, #tpu.memory_space<vmem>>, vector<1x16xi32>,
        %shift_right_logical3A_511 = arith.constant 14 : i32
        %shift_right_logical3A_512 = vector.broadcast %shift_right_logical3A_511 : i32 to vector<16xi32>
        %shift_right_logical3A_513 = arith.shrui %get3A_501, %shift_right_logical3A_512 : vector<16xi32>
        %swap3A_514 = arith.constant 0 : i32
        %swap3A_515 = arith.index_cast %swap3A_514 : i32 to index
        %swap3A_516 = arith.constant 32 : index
        %swap3A_517 = tpu.vector_load %arg7[%swap3A_515, %swap3A_516] {strides = array<i32>} : memref<2x128xi32, #tpu.memory_space<vmem>>, vector<1x16xi32>,
        %swap3A_518 = vector.shape_cast %swap3A_517 : vector<1x16xi32> to vector<16xi32>
        %swap3A_519 = vector.shape_cast %shift_right_logical3A_513 : vector<16xi32> to vector<1x16xi32>
        tpu.vector_store %arg7[%swap3A_515, %swap3A_516], %swap3A_519 {strides = array<i32>} : memref<2x128xi32, #tpu.memory_space<vmem>>, vector<1x16xi32>,
        %get3A_520 = arith.index_cast %add3A_453 : i32 to index
        %get3A_521 = arith.constant 48 : index
        %get3A_522 = tpu.vector_load %arg5[%get3A_520, %get3A_521] {strides = array<i32>} : memref<79x128xi32, #tpu.memory_space<vmem>>, vector<1x16xi32>,
        %get3A_523 = vector.shape_cast %get3A_522 : vector<1x16xi32> to vector<16xi32>
        %and3A_524 = arith.constant 16383 : i32
        %and3A_525 = vector.broadcast %and3A_524 : i32 to vector<16xi32>
        %and3A_526 = arith.andi %get3A_523, %and3A_525 : vector<16xi32>
        %swap3A_527 = arith.constant 0 : i32
        %swap3A_528 = arith.index_cast %swap3A_527 : i32 to index
        %swap3A_529 = arith.constant 48 : index
        %swap3A_530 = tpu.vector_load %arg6[%swap3A_528, %swap3A_529] {strides = array<i32>} : memref<2x128xi32, #tpu.memory_space<vmem>>, vector<1x16xi32>,
        %swap3A_531 = vector.shape_cast %swap3A_530 : vector<1x16xi32> to vector<16xi32>
        %swap3A_532 = vector.shape_cast %and3A_526 : vector<16xi32> to vector<1x16xi32>
        tpu.vector_store %arg6[%swap3A_528, %swap3A_529], %swap3A_532 {strides = array<i32>} : memref<2x128xi32, #tpu.memory_space<vmem>>, vector<1x16xi32>,
        %shift_right_logical3A_533 = arith.constant 14 : i32
        %shift_right_logical3A_534 = vector.broadcast %shift_right_logical3A_533 : i32 to vector<16xi32>
        %shift_right_logical3A_535 = arith.shrui %get3A_523, %shift_right_logical3A_534 : vector<16xi32>
        %swap3A_536 = arith.constant 0 : i32
        %swap3A_537 = arith.index_cast %swap3A_536 : i32 to index
        %swap3A_538 = arith.constant 48 : index
        %swap3A_539 = tpu.vector_load %arg7[%swap3A_537, %swap3A_538] {strides = array<i32>} : memref<2x128xi32, #tpu.memory_space<vmem>>, vector<1x16xi32>,
        %swap3A_540 = vector.shape_cast %swap3A_539 : vector<1x16xi32> to vector<16xi32>
        %swap3A_541 = vector.shape_cast %shift_right_logical3A_535 : vector<16xi32> to vector<1x16xi32>
        tpu.vector_store %arg7[%swap3A_537, %swap3A_538], %swap3A_541 {strides = array<i32>} : memref<2x128xi32, #tpu.memory_space<vmem>>, vector<1x16xi32>,
        %get3A_542 = arith.index_cast %add3A_453 : i32 to index
        %get3A_543 = arith.constant 64 : index
        %get3A_544 = tpu.vector_load %arg5[%get3A_542, %get3A_543] {strides = array<i32>} : memref<79x128xi32, #tpu.memory_space<vmem>>, vector<1x16xi32>,
        %get3A_545 = vector.shape_cast %get3A_544 : vector<1x16xi32> to vector<16xi32>
        %and3A_546 = arith.constant 16383 : i32
        %and3A_547 = vector.broadcast %and3A_546 : i32 to vector<16xi32>
        %and3A_548 = arith.andi %get3A_545, %and3A_547 : vector<16xi32>
        %swap3A_549 = arith.constant 0 : i32
        %swap3A_550 = arith.index_cast %swap3A_549 : i32 to index
        %swap3A_551 = arith.constant 64 : index
        %swap3A_552 = tpu.vector_load %arg6[%swap3A_550, %swap3A_551] {strides = array<i32>} : memref<2x128xi32, #tpu.memory_space<vmem>>, vector<1x16xi32>,
        %swap3A_553 = vector.shape_cast %swap3A_552 : vector<1x16xi32> to vector<16xi32>
        %swap3A_554 = vector.shape_cast %and3A_548 : vector<16xi32> to vector<1x16xi32>
        tpu.vector_store %arg6[%swap3A_550, %swap3A_551], %swap3A_554 {strides = array<i32>} : memref<2x128xi32, #tpu.memory_space<vmem>>, vector<1x16xi32>,
        %shift_right_logical3A_555 = arith.constant 14 : i32
        %shift_right_logical3A_556 = vector.broadcast %shift_right_logical3A_555 : i32 to vector<16xi32>
        %shift_right_logical3A_557 = arith.shrui %get3A_545, %shift_right_logical3A_556 : vector<16xi32>
        %swap3A_558 = arith.constant 0 : i32
        %swap3A_559 = arith.index_cast %swap3A_558 : i32 to index
        %swap3A_560 = arith.constant 64 : index
        %swap3A_561 = tpu.vector_load %arg7[%swap3A_559, %swap3A_560] {strides = array<i32>} : memref<2x128xi32, #tpu.memory_space<vmem>>, vector<1x16xi32>,
        %swap3A_562 = vector.shape_cast %swap3A_561 : vector<1x16xi32> to vector<16xi32>
        %swap3A_563 = vector.shape_cast %shift_right_logical3A_557 : vector<16xi32> to vector<1x16xi32>
        tpu.vector_store %arg7[%swap3A_559, %swap3A_560], %swap3A_563 {strides = array<i32>} : memref<2x128xi32, #tpu.memory_space<vmem>>, vector<1x16xi32>,
        %get3A_564 = arith.index_cast %add3A_453 : i32 to index
        %get3A_565 = arith.constant 80 : index
        %get3A_566 = tpu.vector_load %arg5[%get3A_564, %get3A_565] {strides = array<i32>} : memref<79x128xi32, #tpu.memory_space<vmem>>, vector<1x16xi32>,
        %get3A_567 = vector.shape_cast %get3A_566 : vector<1x16xi32> to vector<16xi32>
        %and3A_568 = arith.constant 16383 : i32
        %and3A_569 = vector.broadcast %and3A_568 : i32 to vector<16xi32>
        %and3A_570 = arith.andi %get3A_567, %and3A_569 : vector<16xi32>
        %swap3A_571 = arith.constant 0 : i32
        %swap3A_572 = arith.index_cast %swap3A_571 : i32 to index
        %swap3A_573 = arith.constant 80 : index
        %swap3A_574 = tpu.vector_load %arg6[%swap3A_572, %swap3A_573] {strides = array<i32>} : memref<2x128xi32, #tpu.memory_space<vmem>>, vector<1x16xi32>,
        %swap3A_575 = vector.shape_cast %swap3A_574 : vector<1x16xi32> to vector<16xi32>
        %swap3A_576 = vector.shape_cast %and3A_570 : vector<16xi32> to vector<1x16xi32>
        tpu.vector_store %arg6[%swap3A_572, %swap3A_573], %swap3A_576 {strides = array<i32>} : memref<2x128xi32, #tpu.memory_space<vmem>>, vector<1x16xi32>,
        %shift_right_logical3A_577 = arith.constant 14 : i32
        %shift_right_logical3A_578 = vector.broadcast %shift_right_logical3A_577 : i32 to vector<16xi32>
        %shift_right_logical3A_579 = arith.shrui %get3A_567, %shift_right_logical3A_578 : vector<16xi32>
        %swap3A_580 = arith.constant 0 : i32
        %swap3A_581 = arith.index_cast %swap3A_580 : i32 to index
        %swap3A_582 = arith.constant 80 : index
        %swap3A_583 = tpu.vector_load %arg7[%swap3A_581, %swap3A_582] {strides = array<i32>} : memref<2x128xi32, #tpu.memory_space<vmem>>, vector<1x16xi32>,
        %swap3A_584 = vector.shape_cast %swap3A_583 : vector<1x16xi32> to vector<16xi32>
        %swap3A_585 = vector.shape_cast %shift_right_logical3A_579 : vector<16xi32> to vector<1x16xi32>
        tpu.vector_store %arg7[%swap3A_581, %swap3A_582], %swap3A_585 {strides = array<i32>} : memref<2x128xi32, #tpu.memory_space<vmem>>, vector<1x16xi32>,
        %get3A_586 = arith.index_cast %add3A_453 : i32 to index
        %get3A_587 = arith.constant 96 : index
        %get3A_588 = tpu.vector_load %arg5[%get3A_586, %get3A_587] {strides = array<i32>} : memref<79x128xi32, #tpu.memory_space<vmem>>, vector<1x16xi32>,
        %get3A_589 = vector.shape_cast %get3A_588 : vector<1x16xi32> to vector<16xi32>
        %and3A_590 = arith.constant 16383 : i32
        %and3A_591 = vector.broadcast %and3A_590 : i32 to vector<16xi32>
        %and3A_592 = arith.andi %get3A_589, %and3A_591 : vector<16xi32>
        %swap3A_593 = arith.constant 0 : i32
        %swap3A_594 = arith.index_cast %swap3A_593 : i32 to index
        %swap3A_595 = arith.constant 96 : index
        %swap3A_596 = tpu.vector_load %arg6[%swap3A_594, %swap3A_595] {strides = array<i32>} : memref<2x128xi32, #tpu.memory_space<vmem>>, vector<1x16xi32>,
        %swap3A_597 = vector.shape_cast %swap3A_596 : vector<1x16xi32> to vector<16xi32>
        %swap3A_598 = vector.shape_cast %and3A_592 : vector<16xi32> to vector<1x16xi32>
        tpu.vector_store %arg6[%swap3A_594, %swap3A_595], %swap3A_598 {strides = array<i32>} : memref<2x128xi32, #tpu.memory_space<vmem>>, vector<1x16xi32>,
        %shift_right_logical3A_599 = arith.constant 14 : i32
        %shift_right_logical3A_600 = vector.broadcast %shift_right_logical3A_599 : i32 to vector<16xi32>
        %shift_right_logical3A_601 = arith.shrui %get3A_589, %shift_right_logical3A_600 : vector<16xi32>
        %swap3A_602 = arith.constant 0 : i32
        %swap3A_603 = arith.index_cast %swap3A_602 : i32 to index
        %swap3A_604 = arith.constant 96 : index
        %swap3A_605 = tpu.vector_load %arg7[%swap3A_603, %swap3A_604] {strides = array<i32>} : memref<2x128xi32, #tpu.memory_space<vmem>>, vector<1x16xi32>,
        %swap3A_606 = vector.shape_cast %swap3A_605 : vector<1x16xi32> to vector<16xi32>
        %swap3A_607 = vector.shape_cast %shift_right_logical3A_601 : vector<16xi32> to vector<1x16xi32>
        tpu.vector_store %arg7[%swap3A_603, %swap3A_604], %swap3A_607 {strides = array<i32>} : memref<2x128xi32, #tpu.memory_space<vmem>>, vector<1x16xi32>,
        %get3A_608 = arith.index_cast %add3A_453 : i32 to index
        %get3A_609 = arith.constant 112 : index
        %get3A_610 = tpu.vector_load %arg5[%get3A_608, %get3A_609] {strides = array<i32>} : memref<79x128xi32, #tpu.memory_space<vmem>>, vector<1x16xi32>,
        %get3A_611 = vector.shape_cast %get3A_610 : vector<1x16xi32> to vector<16xi32>
        %and3A_612 = arith.constant 16383 : i32
        %and3A_613 = vector.broadcast %and3A_612 : i32 to vector<16xi32>
        %and3A_614 = arith.andi %get3A_611, %and3A_613 : vector<16xi32>
        %swap3A_615 = arith.constant 0 : i32
        %swap3A_616 = arith.index_cast %swap3A_615 : i32 to index
        %swap3A_617 = arith.constant 112 : index
        %swap3A_618 = tpu.vector_load %arg6[%swap3A_616, %swap3A_617] {strides = array<i32>} : memref<2x128xi32, #tpu.memory_space<vmem>>, vector<1x16xi32>,
        %swap3A_619 = vector.shape_cast %swap3A_618 : vector<1x16xi32> to vector<16xi32>
        %swap3A_620 = vector.shape_cast %and3A_614 : vector<16xi32> to vector<1x16xi32>
        tpu.vector_store %arg6[%swap3A_616, %swap3A_617], %swap3A_620 {strides = array<i32>} : memref<2x128xi32, #tpu.memory_space<vmem>>, vector<1x16xi32>,
        %shift_right_logical3A_621 = arith.constant 14 : i32
        %shift_right_logical3A_622 = vector.broadcast %shift_right_logical3A_621 : i32 to vector<16xi32>
        %shift_right_logical3A_623 = arith.shrui %get3A_611, %shift_right_logical3A_622 : vector<16xi32>
        %swap3A_624 = arith.constant 0 : i32
        %swap3A_625 = arith.index_cast %swap3A_624 : i32 to index
        %swap3A_626 = arith.constant 112 : index
        %swap3A_627 = tpu.vector_load %arg7[%swap3A_625, %swap3A_626] {strides = array<i32>} : memref<2x128xi32, #tpu.memory_space<vmem>>, vector<1x16xi32>,
        %swap3A_628 = vector.shape_cast %swap3A_627 : vector<1x16xi32> to vector<16xi32>
        %swap3A_629 = vector.shape_cast %shift_right_logical3A_623 : vector<16xi32> to vector<1x16xi32>
        tpu.vector_store %arg7[%swap3A_625, %swap3A_626], %swap3A_629 {strides = array<i32>} : memref<2x128xi32, #tpu.memory_space<vmem>>, vector<1x16xi32>,
        %dma_start3A_630 = arith.constant 0 : i32
        %dma_start3A_631 = arith.constant 0 : i32
        %dma_start3A_632 = tpu.memref_slice %arg6[%dma_start3A_630, %dma_start3A_631] : memref<2x128xi32, #tpu.memory_space<vmem>> -> memref<1x128xi32, #tpu.memory_space<vmem>>
        %dma_start3A_633 = tpu.memref_squeeze %dma_start3A_632 : memref<1x128xi32, #tpu.memory_space<vmem>> -> memref<128xi32, #tpu.memory_space<vmem>>
        %dma_start3A_634 = arith.constant 0 : i32
        %dma_start3A_635 = arith.constant 0 : i32
        %dma_start3A_636 = tpu.memref_slice %arg2[%dma_start3A_634, %dma_start3A_635] : memref<10240x128xf32, #tpu.memory_space<hbm>> -> memref<10240x128xf32, #tpu.memory_space<hbm>>
        tpu.enqueue_indirect_dma source(%dma_start3A_636 : memref<10240x128xf32, #tpu.memory_space<hbm>>) target(%arg8 : memref<128x128xf32, #tpu.memory_space<vmem>>) offsets(%dma_start3A_633 : memref<128xi32, #tpu.memory_space<vmem>>) semaphore(%arg11 : memref<!tpu.dma_semaphore, #tpu.memory_space<semaphore_mem>>)
      } else {
      }
      %dma_wait3A_437 = arith.constant 1 : i32
      %dma_wait3A_438 = arith.constant 0 : i32
      %dma_wait3A_439 = tpu.memref_slice %arg6[%dma_wait3A_437, %dma_wait3A_438] : memref<2x128xi32, #tpu.memory_space<vmem>> -> memref<1x128xi32, #tpu.memory_space<vmem>>
      %dma_wait3A_440 = tpu.memref_squeeze %dma_wait3A_439 : memref<1x128xi32, #tpu.memory_space<vmem>> -> memref<128xi32, #tpu.memory_space<vmem>>
      %dma_wait3A_441 = arith.constant 0 : i32
      %dma_wait3A_442 = arith.constant 0 : i32
      %dma_wait3A_443 = tpu.memref_slice %arg2[%dma_wait3A_441, %dma_wait3A_442] : memref<10240x128xf32, #tpu.memory_space<hbm>> -> memref<10240x128xf32, #tpu.memory_space<hbm>>
      tpu.wait_indirect_dma semaphore(%arg12 : memref<!tpu.dma_semaphore, #tpu.memory_space<semaphore_mem>>) src(%dma_wait3A_443 : memref<10240x128xf32, #tpu.memory_space<hbm>>) dst(%arg9 : memref<128x128xf32, #tpu.memory_space<vmem>>)
      %run_scoped3A_444 = arith.constant 1 : i32
      "tpu.region"() ({
        %run_scoped3A_452 = tpu.sem_alloc : memref<!tpu.dma_semaphore, #tpu.memory_space<semaphore_mem>>
        %dma_start3A_453 = arith.constant 0 : i32
        %dma_start3A_454 = tpu.memref_slice %arg7[%run_scoped3A_444, %dma_start3A_453] : memref<2x128xi32, #tpu.memory_space<vmem>> -> memref<1x128xi32, #tpu.memory_space<vmem>>
        %dma_start3A_455 = tpu.memref_squeeze %dma_start3A_454 : memref<1x128xi32, #tpu.memory_space<vmem>> -> memref<128xi32, #tpu.memory_space<vmem>>
        %dma_start3A_456 = arith.constant 0 : i32
        %dma_start3A_457 = arith.constant 0 : i32
        %dma_start3A_458 = tpu.memref_slice %arg10[%dma_start3A_456, %dma_start3A_457] : memref<10240x128xf32, #tpu.memory_space<vmem_shared>> -> memref<10240x128xf32, #tpu.memory_space<vmem_shared>>
        tpu.enqueue_indirect_dma source(%arg9 : memref<128x128xf32, #tpu.memory_space<vmem>>) target(%dma_start3A_458 : memref<10240x128xf32, #tpu.memory_space<vmem_shared>>) offsets(%dma_start3A_455 : memref<128xi32, #tpu.memory_space<vmem>>) semaphore(%run_scoped3A_452 : memref<!tpu.dma_semaphore, #tpu.memory_space<semaphore_mem>>) {add = true}
        %dma_wait3A_459 = arith.constant 0 : i32
        %dma_wait3A_460 = tpu.memref_slice %arg7[%run_scoped3A_444, %dma_wait3A_459] : memref<2x128xi32, #tpu.memory_space<vmem>> -> memref<1x128xi32, #tpu.memory_space<vmem>>
        %dma_wait3A_461 = tpu.memref_squeeze %dma_wait3A_460 : memref<1x128xi32, #tpu.memory_space<vmem>> -> memref<128xi32, #tpu.memory_space<vmem>>
        %dma_wait3A_462 = arith.constant 0 : i32
        %dma_wait3A_463 = arith.constant 0 : i32
        %dma_wait3A_464 = tpu.memref_slice %arg10[%dma_wait3A_462, %dma_wait3A_463] : memref<10240x128xf32, #tpu.memory_space<vmem_shared>> -> memref<10240x128xf32, #tpu.memory_space<vmem_shared>>
        tpu.wait_indirect_dma semaphore(%run_scoped3A_452 : memref<!tpu.dma_semaphore, #tpu.memory_space<semaphore_mem>>) src(%arg9 : memref<128x128xf32, #tpu.memory_space<vmem>>) dst(%dma_wait3A_464 : memref<10240x128xf32, #tpu.memory_space<vmem_shared>>)
        tpu.yield
      }) : () -> ()
      %add3A_445 = arith.constant 2 : i32
      %add3A_446 = arith.addi %add3A_424, %add3A_445 : i32
      %lt3A_447 = arith.constant 79 : i32
      %lt3A_448 = arith.cmpi slt, %add3A_446, %lt3A_447 : i32
      %convert_element_type3A_449 = arith.extui %lt3A_448 : i1 to i32
      %cond3A_450 = arith.constant 0 : i32
      %cond3A_451 = arith.cmpi ne, %convert_element_type3A_449, %cond3A_450 : i32
      scf.if %cond3A_451 {
        %add3A_452 = arith.constant 2 : i32
        %add3A_453 = arith.addi %add3A_424, %add3A_452 : i32
        %get3A_454 = arith.index_cast %add3A_453 : i32 to index
        %get3A_455 = arith.constant 0 : index
        %get3A_456 = tpu.vector_load %arg5[%get3A_454, %get3A_455] {strides = array<i32>} : memref<79x128xi32, #tpu.memory_space<vmem>>, vector<1x16xi32>,
        %get3A_457 = vector.shape_cast %get3A_456 : vector<1x16xi32> to vector<16xi32>
        %and3A_458 = arith.constant 16383 : i32
        %and3A_459 = vector.broadcast %and3A_458 : i32 to vector<16xi32>
        %and3A_460 = arith.andi %get3A_457, %and3A_459 : vector<16xi32>
        %swap3A_461 = arith.constant 1 : i32
        %swap3A_462 = arith.index_cast %swap3A_461 : i32 to index
        %swap3A_463 = arith.constant 0 : index
        %swap3A_464 = tpu.vector_load %arg6[%swap3A_462, %swap3A_463] {strides = array<i32>} : memref<2x128xi32, #tpu.memory_space<vmem>>, vector<1x16xi32>,
        %swap3A_465 = vector.shape_cast %swap3A_464 : vector<1x16xi32> to vector<16xi32>
        %swap3A_466 = vector.shape_cast %and3A_460 : vector<16xi32> to vector<1x16xi32>
        tpu.vector_store %arg6[%swap3A_462, %swap3A_463], %swap3A_466 {strides = array<i32>} : memref<2x128xi32, #tpu.memory_space<vmem>>, vector<1x16xi32>,
        %shift_right_logical3A_467 = arith.constant 14 : i32
        %shift_right_logical3A_468 = vector.broadcast %shift_right_logical3A_467 : i32 to vector<16xi32>
        %shift_right_logical3A_469 = arith.shrui %get3A_457, %shift_right_logical3A_468 : vector<16xi32>
        %swap3A_470 = arith.constant 1 : i32
        %swap3A_471 = arith.index_cast %swap3A_470 : i32 to index
        %swap3A_472 = arith.constant 0 : index
        %swap3A_473 = tpu.vector_load %arg7[%swap3A_471, %swap3A_472] {strides = array<i32>} : memref<2x128xi32, #tpu.memory_space<vmem>>, vector<1x16xi32>,
        %swap3A_474 = vector.shape_cast %swap3A_473 : vector<1x16xi32> to vector<16xi32>
        %swap3A_475 = vector.shape_cast %shift_right_logical3A_469 : vector<16xi32> to vector<1x16xi32>
        tpu.vector_store %arg7[%swap3A_471, %swap3A_472], %swap3A_475 {strides = array<i32>} : memref<2x128xi32, #tpu.memory_space<vmem>>, vector<1x16xi32>,
        %get3A_476 = arith.index_cast %add3A_453 : i32 to index
        %get3A_477 = arith.constant 16 : index
        %get3A_478 = tpu.vector_load %arg5[%get3A_476, %get3A_477] {strides = array<i32>} : memref<79x128xi32, #tpu.memory_space<vmem>>, vector<1x16xi32>,
        %get3A_479 = vector.shape_cast %get3A_478 : vector<1x16xi32> to vector<16xi32>
        %and3A_480 = arith.constant 16383 : i32
        %and3A_481 = vector.broadcast %and3A_480 : i32 to vector<16xi32>
        %and3A_482 = arith.andi %get3A_479, %and3A_481 : vector<16xi32>
        %swap3A_483 = arith.constant 1 : i32
        %swap3A_484 = arith.index_cast %swap3A_483 : i32 to index
        %swap3A_485 = arith.constant 16 : index
        %swap3A_486 = tpu.vector_load %arg6[%swap3A_484, %swap3A_485] {strides = array<i32>} : memref<2x128xi32, #tpu.memory_space<vmem>>, vector<1x16xi32>,
        %swap3A_487 = vector.shape_cast %swap3A_486 : vector<1x16xi32> to vector<16xi32>
        %swap3A_488 = vector.shape_cast %and3A_482 : vector<16xi32> to vector<1x16xi32>
        tpu.vector_store %arg6[%swap3A_484, %swap3A_485], %swap3A_488 {strides = array<i32>} : memref<2x128xi32, #tpu.memory_space<vmem>>, vector<1x16xi32>,
        %shift_right_logical3A_489 = arith.constant 14 : i32
        %shift_right_logical3A_490 = vector.broadcast %shift_right_logical3A_489 : i32 to vector<16xi32>
        %shift_right_logical3A_491 = arith.shrui %get3A_479, %shift_right_logical3A_490 : vector<16xi32>
        %swap3A_492 = arith.constant 1 : i32
        %swap3A_493 = arith.index_cast %swap3A_492 : i32 to index
        %swap3A_494 = arith.constant 16 : index
        %swap3A_495 = tpu.vector_load %arg7[%swap3A_493, %swap3A_494] {strides = array<i32>} : memref<2x128xi32, #tpu.memory_space<vmem>>, vector<1x16xi32>,
        %swap3A_496 = vector.shape_cast %swap3A_495 : vector<1x16xi32> to vector<16xi32>
        %swap3A_497 = vector.shape_cast %shift_right_logical3A_491 : vector<16xi32> to vector<1x16xi32>
        tpu.vector_store %arg7[%swap3A_493, %swap3A_494], %swap3A_497 {strides = array<i32>} : memref<2x128xi32, #tpu.memory_space<vmem>>, vector<1x16xi32>,
        %get3A_498 = arith.index_cast %add3A_453 : i32 to index
        %get3A_499 = arith.constant 32 : index
        %get3A_500 = tpu.vector_load %arg5[%get3A_498, %get3A_499] {strides = array<i32>} : memref<79x128xi32, #tpu.memory_space<vmem>>, vector<1x16xi32>,
        %get3A_501 = vector.shape_cast %get3A_500 : vector<1x16xi32> to vector<16xi32>
        %and3A_502 = arith.constant 16383 : i32
        %and3A_503 = vector.broadcast %and3A_502 : i32 to vector<16xi32>
        %and3A_504 = arith.andi %get3A_501, %and3A_503 : vector<16xi32>
        %swap3A_505 = arith.constant 1 : i32
        %swap3A_506 = arith.index_cast %swap3A_505 : i32 to index
        %swap3A_507 = arith.constant 32 : index
        %swap3A_508 = tpu.vector_load %arg6[%swap3A_506, %swap3A_507] {strides = array<i32>} : memref<2x128xi32, #tpu.memory_space<vmem>>, vector<1x16xi32>,
        %swap3A_509 = vector.shape_cast %swap3A_508 : vector<1x16xi32> to vector<16xi32>
        %swap3A_510 = vector.shape_cast %and3A_504 : vector<16xi32> to vector<1x16xi32>
        tpu.vector_store %arg6[%swap3A_506, %swap3A_507], %swap3A_510 {strides = array<i32>} : memref<2x128xi32, #tpu.memory_space<vmem>>, vector<1x16xi32>,
        %shift_right_logical3A_511 = arith.constant 14 : i32
        %shift_right_logical3A_512 = vector.broadcast %shift_right_logical3A_511 : i32 to vector<16xi32>
        %shift_right_logical3A_513 = arith.shrui %get3A_501, %shift_right_logical3A_512 : vector<16xi32>
        %swap3A_514 = arith.constant 1 : i32
        %swap3A_515 = arith.index_cast %swap3A_514 : i32 to index
        %swap3A_516 = arith.constant 32 : index
        %swap3A_517 = tpu.vector_load %arg7[%swap3A_515, %swap3A_516] {strides = array<i32>} : memref<2x128xi32, #tpu.memory_space<vmem>>, vector<1x16xi32>,
        %swap3A_518 = vector.shape_cast %swap3A_517 : vector<1x16xi32> to vector<16xi32>
        %swap3A_519 = vector.shape_cast %shift_right_logical3A_513 : vector<16xi32> to vector<1x16xi32>
        tpu.vector_store %arg7[%swap3A_515, %swap3A_516], %swap3A_519 {strides = array<i32>} : memref<2x128xi32, #tpu.memory_space<vmem>>, vector<1x16xi32>,
        %get3A_520 = arith.index_cast %add3A_453 : i32 to index
        %get3A_521 = arith.constant 48 : index
        %get3A_522 = tpu.vector_load %arg5[%get3A_520, %get3A_521] {strides = array<i32>} : memref<79x128xi32, #tpu.memory_space<vmem>>, vector<1x16xi32>,
        %get3A_523 = vector.shape_cast %get3A_522 : vector<1x16xi32> to vector<16xi32>
        %and3A_524 = arith.constant 16383 : i32
        %and3A_525 = vector.broadcast %and3A_524 : i32 to vector<16xi32>
        %and3A_526 = arith.andi %get3A_523, %and3A_525 : vector<16xi32>
        %swap3A_527 = arith.constant 1 : i32
        %swap3A_528 = arith.index_cast %swap3A_527 : i32 to index
        %swap3A_529 = arith.constant 48 : index
        %swap3A_530 = tpu.vector_load %arg6[%swap3A_528, %swap3A_529] {strides = array<i32>} : memref<2x128xi32, #tpu.memory_space<vmem>>, vector<1x16xi32>,
        %swap3A_531 = vector.shape_cast %swap3A_530 : vector<1x16xi32> to vector<16xi32>
        %swap3A_532 = vector.shape_cast %and3A_526 : vector<16xi32> to vector<1x16xi32>
        tpu.vector_store %arg6[%swap3A_528, %swap3A_529], %swap3A_532 {strides = array<i32>} : memref<2x128xi32, #tpu.memory_space<vmem>>, vector<1x16xi32>,
        %shift_right_logical3A_533 = arith.constant 14 : i32
        %shift_right_logical3A_534 = vector.broadcast %shift_right_logical3A_533 : i32 to vector<16xi32>
        %shift_right_logical3A_535 = arith.shrui %get3A_523, %shift_right_logical3A_534 : vector<16xi32>
        %swap3A_536 = arith.constant 1 : i32
        %swap3A_537 = arith.index_cast %swap3A_536 : i32 to index
        %swap3A_538 = arith.constant 48 : index
        %swap3A_539 = tpu.vector_load %arg7[%swap3A_537, %swap3A_538] {strides = array<i32>} : memref<2x128xi32, #tpu.memory_space<vmem>>, vector<1x16xi32>,
        %swap3A_540 = vector.shape_cast %swap3A_539 : vector<1x16xi32> to vector<16xi32>
        %swap3A_541 = vector.shape_cast %shift_right_logical3A_535 : vector<16xi32> to vector<1x16xi32>
        tpu.vector_store %arg7[%swap3A_537, %swap3A_538], %swap3A_541 {strides = array<i32>} : memref<2x128xi32, #tpu.memory_space<vmem>>, vector<1x16xi32>,
        %get3A_542 = arith.index_cast %add3A_453 : i32 to index
        %get3A_543 = arith.constant 64 : index
        %get3A_544 = tpu.vector_load %arg5[%get3A_542, %get3A_543] {strides = array<i32>} : memref<79x128xi32, #tpu.memory_space<vmem>>, vector<1x16xi32>,
        %get3A_545 = vector.shape_cast %get3A_544 : vector<1x16xi32> to vector<16xi32>
        %and3A_546 = arith.constant 16383 : i32
        %and3A_547 = vector.broadcast %and3A_546 : i32 to vector<16xi32>
        %and3A_548 = arith.andi %get3A_545, %and3A_547 : vector<16xi32>
        %swap3A_549 = arith.constant 1 : i32
        %swap3A_550 = arith.index_cast %swap3A_549 : i32 to index
        %swap3A_551 = arith.constant 64 : index
        %swap3A_552 = tpu.vector_load %arg6[%swap3A_550, %swap3A_551] {strides = array<i32>} : memref<2x128xi32, #tpu.memory_space<vmem>>, vector<1x16xi32>,
        %swap3A_553 = vector.shape_cast %swap3A_552 : vector<1x16xi32> to vector<16xi32>
        %swap3A_554 = vector.shape_cast %and3A_548 : vector<16xi32> to vector<1x16xi32>
        tpu.vector_store %arg6[%swap3A_550, %swap3A_551], %swap3A_554 {strides = array<i32>} : memref<2x128xi32, #tpu.memory_space<vmem>>, vector<1x16xi32>,
        %shift_right_logical3A_555 = arith.constant 14 : i32
        %shift_right_logical3A_556 = vector.broadcast %shift_right_logical3A_555 : i32 to vector<16xi32>
        %shift_right_logical3A_557 = arith.shrui %get3A_545, %shift_right_logical3A_556 : vector<16xi32>
        %swap3A_558 = arith.constant 1 : i32
        %swap3A_559 = arith.index_cast %swap3A_558 : i32 to index
        %swap3A_560 = arith.constant 64 : index
        %swap3A_561 = tpu.vector_load %arg7[%swap3A_559, %swap3A_560] {strides = array<i32>} : memref<2x128xi32, #tpu.memory_space<vmem>>, vector<1x16xi32>,
        %swap3A_562 = vector.shape_cast %swap3A_561 : vector<1x16xi32> to vector<16xi32>
        %swap3A_563 = vector.shape_cast %shift_right_logical3A_557 : vector<16xi32> to vector<1x16xi32>
        tpu.vector_store %arg7[%swap3A_559, %swap3A_560], %swap3A_563 {strides = array<i32>} : memref<2x128xi32, #tpu.memory_space<vmem>>, vector<1x16xi32>,
        %get3A_564 = arith.index_cast %add3A_453 : i32 to index
        %get3A_565 = arith.constant 80 : index
        %get3A_566 = tpu.vector_load %arg5[%get3A_564, %get3A_565] {strides = array<i32>} : memref<79x128xi32, #tpu.memory_space<vmem>>, vector<1x16xi32>,
        %get3A_567 = vector.shape_cast %get3A_566 : vector<1x16xi32> to vector<16xi32>
        %and3A_568 = arith.constant 16383 : i32
        %and3A_569 = vector.broadcast %and3A_568 : i32 to vector<16xi32>
        %and3A_570 = arith.andi %get3A_567, %and3A_569 : vector<16xi32>
        %swap3A_571 = arith.constant 1 : i32
        %swap3A_572 = arith.index_cast %swap3A_571 : i32 to index
        %swap3A_573 = arith.constant 80 : index
        %swap3A_574 = tpu.vector_load %arg6[%swap3A_572, %swap3A_573] {strides = array<i32>} : memref<2x128xi32, #tpu.memory_space<vmem>>, vector<1x16xi32>,
        %swap3A_575 = vector.shape_cast %swap3A_574 : vector<1x16xi32> to vector<16xi32>
        %swap3A_576 = vector.shape_cast %and3A_570 : vector<16xi32> to vector<1x16xi32>
        tpu.vector_store %arg6[%swap3A_572, %swap3A_573], %swap3A_576 {strides = array<i32>} : memref<2x128xi32, #tpu.memory_space<vmem>>, vector<1x16xi32>,
        %shift_right_logical3A_577 = arith.constant 14 : i32
        %shift_right_logical3A_578 = vector.broadcast %shift_right_logical3A_577 : i32 to vector<16xi32>
        %shift_right_logical3A_579 = arith.shrui %get3A_567, %shift_right_logical3A_578 : vector<16xi32>
        %swap3A_580 = arith.constant 1 : i32
        %swap3A_581 = arith.index_cast %swap3A_580 : i32 to index
        %swap3A_582 = arith.constant 80 : index
        %swap3A_583 = tpu.vector_load %arg7[%swap3A_581, %swap3A_582] {strides = array<i32>} : memref<2x128xi32, #tpu.memory_space<vmem>>, vector<1x16xi32>,
        %swap3A_584 = vector.shape_cast %swap3A_583 : vector<1x16xi32> to vector<16xi32>
        %swap3A_585 = vector.shape_cast %shift_right_logical3A_579 : vector<16xi32> to vector<1x16xi32>
        tpu.vector_store %arg7[%swap3A_581, %swap3A_582], %swap3A_585 {strides = array<i32>} : memref<2x128xi32, #tpu.memory_space<vmem>>, vector<1x16xi32>,
        %get3A_586 = arith.index_cast %add3A_453 : i32 to index
        %get3A_587 = arith.constant 96 : index
        %get3A_588 = tpu.vector_load %arg5[%get3A_586, %get3A_587] {strides = array<i32>} : memref<79x128xi32, #tpu.memory_space<vmem>>, vector<1x16xi32>,
        %get3A_589 = vector.shape_cast %get3A_588 : vector<1x16xi32> to vector<16xi32>
        %and3A_590 = arith.constant 16383 : i32
        %and3A_591 = vector.broadcast %and3A_590 : i32 to vector<16xi32>
        %and3A_592 = arith.andi %get3A_589, %and3A_591 : vector<16xi32>
        %swap3A_593 = arith.constant 1 : i32
        %swap3A_594 = arith.index_cast %swap3A_593 : i32 to index
        %swap3A_595 = arith.constant 96 : index
        %swap3A_596 = tpu.vector_load %arg6[%swap3A_594, %swap3A_595] {strides = array<i32>} : memref<2x128xi32, #tpu.memory_space<vmem>>, vector<1x16xi32>,
        %swap3A_597 = vector.shape_cast %swap3A_596 : vector<1x16xi32> to vector<16xi32>
        %swap3A_598 = vector.shape_cast %and3A_592 : vector<16xi32> to vector<1x16xi32>
        tpu.vector_store %arg6[%swap3A_594, %swap3A_595], %swap3A_598 {strides = array<i32>} : memref<2x128xi32, #tpu.memory_space<vmem>>, vector<1x16xi32>,
        %shift_right_logical3A_599 = arith.constant 14 : i32
        %shift_right_logical3A_600 = vector.broadcast %shift_right_logical3A_599 : i32 to vector<16xi32>
        %shift_right_logical3A_601 = arith.shrui %get3A_589, %shift_right_logical3A_600 : vector<16xi32>
        %swap3A_602 = arith.constant 1 : i32
        %swap3A_603 = arith.index_cast %swap3A_602 : i32 to index
        %swap3A_604 = arith.constant 96 : index
        %swap3A_605 = tpu.vector_load %arg7[%swap3A_603, %swap3A_604] {strides = array<i32>} : memref<2x128xi32, #tpu.memory_space<vmem>>, vector<1x16xi32>,
        %swap3A_606 = vector.shape_cast %swap3A_605 : vector<1x16xi32> to vector<16xi32>
        %swap3A_607 = vector.shape_cast %shift_right_logical3A_601 : vector<16xi32> to vector<1x16xi32>
        tpu.vector_store %arg7[%swap3A_603, %swap3A_604], %swap3A_607 {strides = array<i32>} : memref<2x128xi32, #tpu.memory_space<vmem>>, vector<1x16xi32>,
        %get3A_608 = arith.index_cast %add3A_453 : i32 to index
        %get3A_609 = arith.constant 112 : index
        %get3A_610 = tpu.vector_load %arg5[%get3A_608, %get3A_609] {strides = array<i32>} : memref<79x128xi32, #tpu.memory_space<vmem>>, vector<1x16xi32>,
        %get3A_611 = vector.shape_cast %get3A_610 : vector<1x16xi32> to vector<16xi32>
        %and3A_612 = arith.constant 16383 : i32
        %and3A_613 = vector.broadcast %and3A_612 : i32 to vector<16xi32>
        %and3A_614 = arith.andi %get3A_611, %and3A_613 : vector<16xi32>
        %swap3A_615 = arith.constant 1 : i32
        %swap3A_616 = arith.index_cast %swap3A_615 : i32 to index
        %swap3A_617 = arith.constant 112 : index
        %swap3A_618 = tpu.vector_load %arg6[%swap3A_616, %swap3A_617] {strides = array<i32>} : memref<2x128xi32, #tpu.memory_space<vmem>>, vector<1x16xi32>,
        %swap3A_619 = vector.shape_cast %swap3A_618 : vector<1x16xi32> to vector<16xi32>
        %swap3A_620 = vector.shape_cast %and3A_614 : vector<16xi32> to vector<1x16xi32>
        tpu.vector_store %arg6[%swap3A_616, %swap3A_617], %swap3A_620 {strides = array<i32>} : memref<2x128xi32, #tpu.memory_space<vmem>>, vector<1x16xi32>,
        %shift_right_logical3A_621 = arith.constant 14 : i32
        %shift_right_logical3A_622 = vector.broadcast %shift_right_logical3A_621 : i32 to vector<16xi32>
        %shift_right_logical3A_623 = arith.shrui %get3A_611, %shift_right_logical3A_622 : vector<16xi32>
        %swap3A_624 = arith.constant 1 : i32
        %swap3A_625 = arith.index_cast %swap3A_624 : i32 to index
        %swap3A_626 = arith.constant 112 : index
        %swap3A_627 = tpu.vector_load %arg7[%swap3A_625, %swap3A_626] {strides = array<i32>} : memref<2x128xi32, #tpu.memory_space<vmem>>, vector<1x16xi32>,
        %swap3A_628 = vector.shape_cast %swap3A_627 : vector<1x16xi32> to vector<16xi32>
        %swap3A_629 = vector.shape_cast %shift_right_logical3A_623 : vector<16xi32> to vector<1x16xi32>
        tpu.vector_store %arg7[%swap3A_625, %swap3A_626], %swap3A_629 {strides = array<i32>} : memref<2x128xi32, #tpu.memory_space<vmem>>, vector<1x16xi32>,
        %dma_start3A_630 = arith.constant 1 : i32
        %dma_start3A_631 = arith.constant 0 : i32
        %dma_start3A_632 = tpu.memref_slice %arg6[%dma_start3A_630, %dma_start3A_631] : memref<2x128xi32, #tpu.memory_space<vmem>> -> memref<1x128xi32, #tpu.memory_space<vmem>>
        %dma_start3A_633 = tpu.memref_squeeze %dma_start3A_632 : memref<1x128xi32, #tpu.memory_space<vmem>> -> memref<128xi32, #tpu.memory_space<vmem>>
        %dma_start3A_634 = arith.constant 0 : i32
        %dma_start3A_635 = arith.constant 0 : i32
        %dma_start3A_636 = tpu.memref_slice %arg2[%dma_start3A_634, %dma_start3A_635] : memref<10240x128xf32, #tpu.memory_space<hbm>> -> memref<10240x128xf32, #tpu.memory_space<hbm>>
        tpu.enqueue_indirect_dma source(%dma_start3A_636 : memref<10240x128xf32, #tpu.memory_space<hbm>>) target(%arg9 : memref<128x128xf32, #tpu.memory_space<vmem>>) offsets(%dma_start3A_633 : memref<128xi32, #tpu.memory_space<vmem>>) semaphore(%arg12 : memref<!tpu.dma_semaphore, #tpu.memory_space<semaphore_mem>>)
      } else {
      }
    }
    %scan3A_408 = arith.constant 39 : i32
    %dma_wait3A = arith.constant 0 : i32
    %dma_wait3A_409 = arith.constant 0 : i32
    %dma_wait3A_410 = tpu.memref_slice %arg6[%dma_wait3A, %dma_wait3A_409] : memref<2x128xi32, #tpu.memory_space<vmem>> -> memref<1x128xi32, #tpu.memory_space<vmem>>
    %dma_wait3A_411 = tpu.memref_squeeze %dma_wait3A_410 : memref<1x128xi32, #tpu.memory_space<vmem>> -> memref<128xi32, #tpu.memory_space<vmem>>
    %dma_wait3A_412 = arith.constant 0 : i32
    %dma_wait3A_413 = arith.constant 0 : i32
    %dma_wait3A_414 = tpu.memref_slice %arg2[%dma_wait3A_412, %dma_wait3A_413] : memref<10240x128xf32, #tpu.memory_space<hbm>> -> memref<10240x128xf32, #tpu.memory_space<hbm>>
    tpu.wait_indirect_dma semaphore(%arg11 : memref<!tpu.dma_semaphore, #tpu.memory_space<semaphore_mem>>) src(%dma_wait3A_414 : memref<10240x128xf32, #tpu.memory_space<hbm>>) dst(%arg8 : memref<128x128xf32, #tpu.memory_space<vmem>>)
    %run_scoped3A = arith.constant 0 : i32
    "tpu.region"() ({
      %run_scoped3A_418 = tpu.sem_alloc : memref<!tpu.dma_semaphore, #tpu.memory_space<semaphore_mem>>
      %dma_start3A_419 = arith.constant 0 : i32
      %dma_start3A_420 = tpu.memref_slice %arg7[%run_scoped3A, %dma_start3A_419] : memref<2x128xi32, #tpu.memory_space<vmem>> -> memref<1x128xi32, #tpu.memory_space<vmem>>
      %dma_start3A_421 = tpu.memref_squeeze %dma_start3A_420 : memref<1x128xi32, #tpu.memory_space<vmem>> -> memref<128xi32, #tpu.memory_space<vmem>>
      %dma_start3A_422 = arith.constant 0 : i32
      %dma_start3A_423 = arith.constant 0 : i32
      %dma_start3A_424 = tpu.memref_slice %arg10[%dma_start3A_422, %dma_start3A_423] : memref<10240x128xf32, #tpu.memory_space<vmem_shared>> -> memref<10240x128xf32, #tpu.memory_space<vmem_shared>>
      tpu.enqueue_indirect_dma source(%arg8 : memref<128x128xf32, #tpu.memory_space<vmem>>) target(%dma_start3A_424 : memref<10240x128xf32, #tpu.memory_space<vmem_shared>>) offsets(%dma_start3A_421 : memref<128xi32, #tpu.memory_space<vmem>>) semaphore(%run_scoped3A_418 : memref<!tpu.dma_semaphore, #tpu.memory_space<semaphore_mem>>) {add = true}
      %dma_wait3A_425 = arith.constant 0 : i32
      %dma_wait3A_426 = tpu.memref_slice %arg7[%run_scoped3A, %dma_wait3A_425] : memref<2x128xi32, #tpu.memory_space<vmem>> -> memref<1x128xi32, #tpu.memory_space<vmem>>
      %dma_wait3A_427 = tpu.memref_squeeze %dma_wait3A_426 : memref<1x128xi32, #tpu.memory_space<vmem>> -> memref<128xi32, #tpu.memory_space<vmem>>
      %dma_wait3A_428 = arith.constant 0 : i32
      %dma_wait3A_429 = arith.constant 0 : i32
      %dma_wait3A_430 = tpu.memref_slice %arg10[%dma_wait3A_428, %dma_wait3A_429] : memref<10240x128xf32, #tpu.memory_space<vmem_shared>> -> memref<10240x128xf32, #tpu.memory_space<vmem_shared>>
      tpu.wait_indirect_dma semaphore(%run_scoped3A_418 : memref<!tpu.dma_semaphore, #tpu.memory_space<semaphore_mem>>) src(%arg8 : memref<128x128xf32, #tpu.memory_space<vmem>>) dst(%dma_wait3A_430 : memref<10240x128xf32, #tpu.memory_space<vmem_shared>>)
      tpu.yield
    }) : () -> ()
    %barrier3A_415 = arith.constant 0 : index
    tpu.barrier barrier_id(%barrier3A_415)
    %mul3A_416 = arith.constant 640 : i32
    %mul3A_417 = arith.muli %arg1, %mul3A_416 : i32
    "tpu.region"() ({
      %run_scoped3A_418 = tpu.sem_alloc : memref<!tpu.dma_semaphore, #tpu.memory_space<semaphore_mem>>
      %dma_start3A_419 = arith.constant 0 : i32
      %dma_start3A_420 = tpu.memref_slice %arg4[%arg0, %mul3A_417, %dma_start3A_419] : memref<2x10240x128xf32, #tpu.memory_space<hbm>> -> memref<1x640x128xf32, #tpu.memory_space<hbm>>
      %dma_start3A_421 = tpu.memref_squeeze %dma_start3A_420 : memref<1x640x128xf32, #tpu.memory_space<hbm>> -> memref<640x128xf32, #tpu.memory_space<hbm>>
      %dma_start3A_422 = arith.constant 0 : i32
      %dma_start3A_423 = tpu.memref_slice %arg10[%mul3A_417, %dma_start3A_422] : memref<10240x128xf32, #tpu.memory_space<vmem_shared>> -> memref<640x128xf32, #tpu.memory_space<vmem_shared>>
      tpu.enqueue_dma source(%dma_start3A_423 : memref<640x128xf32, #tpu.memory_space<vmem_shared>>) target(%dma_start3A_421 : memref<640x128xf32, #tpu.memory_space<hbm>>) target_semaphore(%run_scoped3A_418 : memref<!tpu.dma_semaphore, #tpu.memory_space<semaphore_mem>>)
      %dma_wait3A_424 = arith.constant 0 : i32
      %dma_wait3A_425 = tpu.memref_slice %arg4[%arg0, %mul3A_417, %dma_wait3A_424] : memref<2x10240x128xf32, #tpu.memory_space<hbm>> -> memref<1x640x128xf32, #tpu.memory_space<hbm>>
      %dma_wait3A_426 = tpu.memref_squeeze %dma_wait3A_425 : memref<1x640x128xf32, #tpu.memory_space<hbm>> -> memref<640x128xf32, #tpu.memory_space<hbm>>
      %dma_wait3A_427 = arith.constant 0 : i32
      %dma_wait3A_428 = tpu.memref_slice %arg10[%mul3A_417, %dma_wait3A_427] : memref<10240x128xf32, #tpu.memory_space<vmem_shared>> -> memref<640x128xf32, #tpu.memory_space<vmem_shared>>
      tpu.wait_dma2 semaphore(%run_scoped3A_418 : memref<!tpu.dma_semaphore, #tpu.memory_space<semaphore_mem>>) src(%dma_wait3A_428 : memref<640x128xf32, #tpu.memory_space<vmem_shared>>) dst(%dma_wait3A_426 : memref<640x128xf32, #tpu.memory_space<hbm>>)
      tpu.yield
    }) : () -> ()
    return
  }
}

#map = affine_map<(d0, d1) -> (0, 0)>
#map1 = affine_map<(d0, d1) -> (0, 0, 0)>
module attributes {stable_mosaic.version = 14 : i64} {
  func.func @_sc_conv_body(%arg0: i32, %arg1: i32, %arg2: memref<10240x128xf32, #tpu.memory_space<hbm>>, %arg3: memref<32x79x128xi32, #tpu.memory_space<hbm>>, %arg4: memref<2x10240x128xf32, #tpu.memory_space<hbm>>, %arg5: memref<79x128xi32, #tpu.memory_space<vmem>>, %arg6: memref<2x128xi32, #tpu.memory_space<vmem>>, %arg7: memref<2x128xi32, #tpu.memory_space<vmem>>, %arg8: memref<128x128xf32, #tpu.memory_space<vmem>>, %arg9: memref<128x128xf32, #tpu.memory_space<vmem>>, %arg10: memref<10240x128xf32, #tpu.memory_space<vmem_shared>>, %arg11: memref<!tpu.dma_semaphore, #tpu.memory_space<semaphore_mem>>, %arg12: memref<!tpu.dma_semaphore, #tpu.memory_space<semaphore_mem>>) attributes {dimension_semantics = [#tpu.dimension_semantics<core_parallel>, #tpu.dimension_semantics<subcore_parallel>], iteration_bounds = array<i64: 2, 16>, scalar_prefetch = 0 : i64, scratch_operands = 8 : i64, tpu.core_type = #tpu.core_type<sc_vector_subcore>, window_params = [{transform_indices = #map}, {transform_indices = #map1}, {transform_indices = #map1}]} {
    %mul3A = arith.constant 16 : i32
    %mul3A_0 = arith.muli %arg0, %mul3A : i32
    %add3A = arith.addi %mul3A_0, %arg1 : i32
    "tpu.region"() ({
      %run_scoped3A_418 = tpu.sem_alloc : memref<!tpu.dma_semaphore, #tpu.memory_space<semaphore_mem>>
      %dma_start3A_419 = arith.constant 0 : i32
      %dma_start3A_420 = arith.constant 0 : i32
      %dma_start3A_421 = tpu.memref_slice %arg3[%add3A, %dma_start3A_419, %dma_start3A_420] : memref<32x79x128xi32, #tpu.memory_space<hbm>> -> memref<1x79x128xi32, #tpu.memory_space<hbm>>
      %dma_start3A_422 = tpu.memref_squeeze %dma_start3A_421 : memref<1x79x128xi32, #tpu.memory_space<hbm>> -> memref<79x128xi32, #tpu.memory_space<hbm>>
      %dma_start3A_423 = arith.constant 0 : i32
      %dma_start3A_424 = arith.constant 0 : i32
      %dma_start3A_425 = tpu.memref_slice %arg3[%add3A, %dma_start3A_423, %dma_start3A_424] : memref<32x79x128xi32, #tpu.memory_space<hbm>> -> memref<1x79x128xi32, #tpu.memory_space<hbm>>
      %dma_start3A_426 = tpu.memref_squeeze %dma_start3A_425 : memref<1x79x128xi32, #tpu.memory_space<hbm>> -> memref<79x128xi32, #tpu.memory_space<hbm>>
      tpu.enqueue_dma source(%dma_start3A_426 : memref<79x128xi32, #tpu.memory_space<hbm>>) target(%arg5 : memref<79x128xi32, #tpu.memory_space<vmem>>) target_semaphore(%run_scoped3A_418 : memref<!tpu.dma_semaphore, #tpu.memory_space<semaphore_mem>>)
      %dma_wait3A_427 = arith.constant 0 : i32
      %dma_wait3A_428 = arith.constant 0 : i32
      %dma_wait3A_429 = tpu.memref_slice %arg3[%add3A, %dma_wait3A_427, %dma_wait3A_428] : memref<32x79x128xi32, #tpu.memory_space<hbm>> -> memref<1x79x128xi32, #tpu.memory_space<hbm>>
      %dma_wait3A_430 = tpu.memref_squeeze %dma_wait3A_429 : memref<1x79x128xi32, #tpu.memory_space<hbm>> -> memref<79x128xi32, #tpu.memory_space<hbm>>
      %dma_wait3A_431 = arith.constant 0 : i32
      %dma_wait3A_432 = arith.constant 0 : i32
      %dma_wait3A_433 = tpu.memref_slice %arg3[%add3A, %dma_wait3A_431, %dma_wait3A_432] : memref<32x79x128xi32, #tpu.memory_space<hbm>> -> memref<1x79x128xi32, #tpu.memory_space<hbm>>
      %dma_wait3A_434 = tpu.memref_squeeze %dma_wait3A_433 : memref<1x79x128xi32, #tpu.memory_space<hbm>> -> memref<79x128xi32, #tpu.memory_space<hbm>>
      tpu.wait_dma2 semaphore(%run_scoped3A_418 : memref<!tpu.dma_semaphore, #tpu.memory_space<semaphore_mem>>) src(%dma_wait3A_434 : memref<79x128xi32, #tpu.memory_space<hbm>>) dst(%arg5 : memref<79x128xi32, #tpu.memory_space<vmem>>)
      tpu.yield
    }) : () -> ()
    %get3A = arith.constant 0 : i32
    %get3A_1 = arith.index_cast %get3A : i32 to index
    %get3A_2 = arith.constant 0 : index
    %get3A_3 = tpu.vector_load %arg5[%get3A_1, %get3A_2] {strides = array<i32>} : memref<79x128xi32, #tpu.memory_space<vmem>>, vector<1x16xi32>,
    %get3A_4 = vector.shape_cast %get3A_3 : vector<1x16xi32> to vector<16xi32>
    %and3A = arith.constant 16383 : i32
    %and3A_5 = vector.broadcast %and3A : i32 to vector<16xi32>
    %and3A_6 = arith.andi %get3A_4, %and3A_5 : vector<16xi32>
    %swap3A = arith.constant 0 : i32
    %swap3A_7 = arith.index_cast %swap3A : i32 to index
    %swap3A_8 = arith.constant 0 : index
    %swap3A_9 = tpu.vector_load %arg6[%swap3A_7, %swap3A_8] {strides = array<i32>} : memref<2x128xi32, #tpu.memory_space<vmem>>, vector<1x16xi32>,
    %swap3A_10 = vector.shape_cast %swap3A_9 : vector<1x16xi32> to vector<16xi32>
    %swap3A_11 = vector.shape_cast %and3A_6 : vector<16xi32> to vector<1x16xi32>
    tpu.vector_store %arg6[%swap3A_7, %swap3A_8], %swap3A_11 {strides = array<i32>} : memref<2x128xi32, #tpu.memory_space<vmem>>, vector<1x16xi32>,
    %shift_right_logical3A = arith.constant 14 : i32
    %shift_right_logical3A_12 = vector.broadcast %shift_right_logical3A : i32 to vector<16xi32>
    %shift_right_logical3A_13 = arith.shrui %get3A_4, %shift_right_logical3A_12 : vector<16xi32>
    %swap3A_14 = arith.constant 0 : i32
    %swap3A_15 = arith.index_cast %swap3A_14 : i32 to index
    %swap3A_16 = arith.constant 0 : index
    %swap3A_17 = tpu.vector_load %arg7[%swap3A_15, %swap3A_16] {strides = array<i32>} : memref<2x128xi32, #tpu.memory_space<vmem>>, vector<1x16xi32>,
    %swap3A_18 = vector.shape_cast %swap3A_17 : vector<1x16xi32> to vector<16xi32>
    %swap3A_19 = vector.shape_cast %shift_right_logical3A_13 : vector<16xi32> to vector<1x16xi32>
    tpu.vector_store %arg7[%swap3A_15, %swap3A_16], %swap3A_19 {strides = array<i32>} : memref<2x128xi32, #tpu.memory_space<vmem>>, vector<1x16xi32>,
    %get3A_20 = arith.constant 0 : i32
    %get3A_21 = arith.index_cast %get3A_20 : i32 to index
    %get3A_22 = arith.constant 16 : index
    %get3A_23 = tpu.vector_load %arg5[%get3A_21, %get3A_22] {strides = array<i32>} : memref<79x128xi32, #tpu.memory_space<vmem>>, vector<1x16xi32>,
    %get3A_24 = vector.shape_cast %get3A_23 : vector<1x16xi32> to vector<16xi32>
    %and3A_25 = arith.constant 16383 : i32
    %and3A_26 = vector.broadcast %and3A_25 : i32 to vector<16xi32>
    %and3A_27 = arith.andi %get3A_24, %and3A_26 : vector<16xi32>
    %swap3A_28 = arith.constant 0 : i32
    %swap3A_29 = arith.index_cast %swap3A_28 : i32 to index
    %swap3A_30 = arith.constant 16 : index
    %swap3A_31 = tpu.vector_load %arg6[%swap3A_29, %swap3A_30] {strides = array<i32>} : memref<2x128xi32, #tpu.memory_space<vmem>>, vector<1x16xi32>,
    %swap3A_32 = vector.shape_cast %swap3A_31 : vector<1x16xi32> to vector<16xi32>
    %swap3A_33 = vector.shape_cast %and3A_27 : vector<16xi32> to vector<1x16xi32>
    tpu.vector_store %arg6[%swap3A_29, %swap3A_30], %swap3A_33 {strides = array<i32>} : memref<2x128xi32, #tpu.memory_space<vmem>>, vector<1x16xi32>,
    %shift_right_logical3A_34 = arith.constant 14 : i32
    %shift_right_logical3A_35 = vector.broadcast %shift_right_logical3A_34 : i32 to vector<16xi32>
    %shift_right_logical3A_36 = arith.shrui %get3A_24, %shift_right_logical3A_35 : vector<16xi32>
    %swap3A_37 = arith.constant 0 : i32
    %swap3A_38 = arith.index_cast %swap3A_37 : i32 to index
    %swap3A_39 = arith.constant 16 : index
    %swap3A_40 = tpu.vector_load %arg7[%swap3A_38, %swap3A_39] {strides = array<i32>} : memref<2x128xi32, #tpu.memory_space<vmem>>, vector<1x16xi32>,
    %swap3A_41 = vector.shape_cast %swap3A_40 : vector<1x16xi32> to vector<16xi32>
    %swap3A_42 = vector.shape_cast %shift_right_logical3A_36 : vector<16xi32> to vector<1x16xi32>
    tpu.vector_store %arg7[%swap3A_38, %swap3A_39], %swap3A_42 {strides = array<i32>} : memref<2x128xi32, #tpu.memory_space<vmem>>, vector<1x16xi32>,
    %get3A_43 = arith.constant 0 : i32
    %get3A_44 = arith.index_cast %get3A_43 : i32 to index
    %get3A_45 = arith.constant 32 : index
    %get3A_46 = tpu.vector_load %arg5[%get3A_44, %get3A_45] {strides = array<i32>} : memref<79x128xi32, #tpu.memory_space<vmem>>, vector<1x16xi32>,
    %get3A_47 = vector.shape_cast %get3A_46 : vector<1x16xi32> to vector<16xi32>
    %and3A_48 = arith.constant 16383 : i32
    %and3A_49 = vector.broadcast %and3A_48 : i32 to vector<16xi32>
    %and3A_50 = arith.andi %get3A_47, %and3A_49 : vector<16xi32>
    %swap3A_51 = arith.constant 0 : i32
    %swap3A_52 = arith.index_cast %swap3A_51 : i32 to index
    %swap3A_53 = arith.constant 32 : index
    %swap3A_54 = tpu.vector_load %arg6[%swap3A_52, %swap3A_53] {strides = array<i32>} : memref<2x128xi32, #tpu.memory_space<vmem>>, vector<1x16xi32>,
    %swap3A_55 = vector.shape_cast %swap3A_54 : vector<1x16xi32> to vector<16xi32>
    %swap3A_56 = vector.shape_cast %and3A_50 : vector<16xi32> to vector<1x16xi32>
    tpu.vector_store %arg6[%swap3A_52, %swap3A_53], %swap3A_56 {strides = array<i32>} : memref<2x128xi32, #tpu.memory_space<vmem>>, vector<1x16xi32>,
    %shift_right_logical3A_57 = arith.constant 14 : i32
    %shift_right_logical3A_58 = vector.broadcast %shift_right_logical3A_57 : i32 to vector<16xi32>
    %shift_right_logical3A_59 = arith.shrui %get3A_47, %shift_right_logical3A_58 : vector<16xi32>
    %swap3A_60 = arith.constant 0 : i32
    %swap3A_61 = arith.index_cast %swap3A_60 : i32 to index
    %swap3A_62 = arith.constant 32 : index
    %swap3A_63 = tpu.vector_load %arg7[%swap3A_61, %swap3A_62] {strides = array<i32>} : memref<2x128xi32, #tpu.memory_space<vmem>>, vector<1x16xi32>,
    %swap3A_64 = vector.shape_cast %swap3A_63 : vector<1x16xi32> to vector<16xi32>
    %swap3A_65 = vector.shape_cast %shift_right_logical3A_59 : vector<16xi32> to vector<1x16xi32>
    tpu.vector_store %arg7[%swap3A_61, %swap3A_62], %swap3A_65 {strides = array<i32>} : memref<2x128xi32, #tpu.memory_space<vmem>>, vector<1x16xi32>,
    %get3A_66 = arith.constant 0 : i32
    %get3A_67 = arith.index_cast %get3A_66 : i32 to index
    %get3A_68 = arith.constant 48 : index
    %get3A_69 = tpu.vector_load %arg5[%get3A_67, %get3A_68] {strides = array<i32>} : memref<79x128xi32, #tpu.memory_space<vmem>>, vector<1x16xi32>,
    %get3A_70 = vector.shape_cast %get3A_69 : vector<1x16xi32> to vector<16xi32>
    %and3A_71 = arith.constant 16383 : i32
    %and3A_72 = vector.broadcast %and3A_71 : i32 to vector<16xi32>
    %and3A_73 = arith.andi %get3A_70, %and3A_72 : vector<16xi32>
    %swap3A_74 = arith.constant 0 : i32
    %swap3A_75 = arith.index_cast %swap3A_74 : i32 to index
    %swap3A_76 = arith.constant 48 : index
    %swap3A_77 = tpu.vector_load %arg6[%swap3A_75, %swap3A_76] {strides = array<i32>} : memref<2x128xi32, #tpu.memory_space<vmem>>, vector<1x16xi32>,
    %swap3A_78 = vector.shape_cast %swap3A_77 : vector<1x16xi32> to vector<16xi32>
    %swap3A_79 = vector.shape_cast %and3A_73 : vector<16xi32> to vector<1x16xi32>
    tpu.vector_store %arg6[%swap3A_75, %swap3A_76], %swap3A_79 {strides = array<i32>} : memref<2x128xi32, #tpu.memory_space<vmem>>, vector<1x16xi32>,
    %shift_right_logical3A_80 = arith.constant 14 : i32
    %shift_right_logical3A_81 = vector.broadcast %shift_right_logical3A_80 : i32 to vector<16xi32>
    %shift_right_logical3A_82 = arith.shrui %get3A_70, %shift_right_logical3A_81 : vector<16xi32>
    %swap3A_83 = arith.constant 0 : i32
    %swap3A_84 = arith.index_cast %swap3A_83 : i32 to index
    %swap3A_85 = arith.constant 48 : index
    %swap3A_86 = tpu.vector_load %arg7[%swap3A_84, %swap3A_85] {strides = array<i32>} : memref<2x128xi32, #tpu.memory_space<vmem>>, vector<1x16xi32>,
    %swap3A_87 = vector.shape_cast %swap3A_86 : vector<1x16xi32> to vector<16xi32>
    %swap3A_88 = vector.shape_cast %shift_right_logical3A_82 : vector<16xi32> to vector<1x16xi32>
    tpu.vector_store %arg7[%swap3A_84, %swap3A_85], %swap3A_88 {strides = array<i32>} : memref<2x128xi32, #tpu.memory_space<vmem>>, vector<1x16xi32>,
    %get3A_89 = arith.constant 0 : i32
    %get3A_90 = arith.index_cast %get3A_89 : i32 to index
    %get3A_91 = arith.constant 64 : index
    %get3A_92 = tpu.vector_load %arg5[%get3A_90, %get3A_91] {strides = array<i32>} : memref<79x128xi32, #tpu.memory_space<vmem>>, vector<1x16xi32>,
    %get3A_93 = vector.shape_cast %get3A_92 : vector<1x16xi32> to vector<16xi32>
    %and3A_94 = arith.constant 16383 : i32
    %and3A_95 = vector.broadcast %and3A_94 : i32 to vector<16xi32>
    %and3A_96 = arith.andi %get3A_93, %and3A_95 : vector<16xi32>
    %swap3A_97 = arith.constant 0 : i32
    %swap3A_98 = arith.index_cast %swap3A_97 : i32 to index
    %swap3A_99 = arith.constant 64 : index
    %swap3A_100 = tpu.vector_load %arg6[%swap3A_98, %swap3A_99] {strides = array<i32>} : memref<2x128xi32, #tpu.memory_space<vmem>>, vector<1x16xi32>,
    %swap3A_101 = vector.shape_cast %swap3A_100 : vector<1x16xi32> to vector<16xi32>
    %swap3A_102 = vector.shape_cast %and3A_96 : vector<16xi32> to vector<1x16xi32>
    tpu.vector_store %arg6[%swap3A_98, %swap3A_99], %swap3A_102 {strides = array<i32>} : memref<2x128xi32, #tpu.memory_space<vmem>>, vector<1x16xi32>,
    %shift_right_logical3A_103 = arith.constant 14 : i32
    %shift_right_logical3A_104 = vector.broadcast %shift_right_logical3A_103 : i32 to vector<16xi32>
    %shift_right_logical3A_105 = arith.shrui %get3A_93, %shift_right_logical3A_104 : vector<16xi32>
    %swap3A_106 = arith.constant 0 : i32
    %swap3A_107 = arith.index_cast %swap3A_106 : i32 to index
    %swap3A_108 = arith.constant 64 : index
    %swap3A_109 = tpu.vector_load %arg7[%swap3A_107, %swap3A_108] {strides = array<i32>} : memref<2x128xi32, #tpu.memory_space<vmem>>, vector<1x16xi32>,
    %swap3A_110 = vector.shape_cast %swap3A_109 : vector<1x16xi32> to vector<16xi32>
    %swap3A_111 = vector.shape_cast %shift_right_logical3A_105 : vector<16xi32> to vector<1x16xi32>
    tpu.vector_store %arg7[%swap3A_107, %swap3A_108], %swap3A_111 {strides = array<i32>} : memref<2x128xi32, #tpu.memory_space<vmem>>, vector<1x16xi32>,
    %get3A_112 = arith.constant 0 : i32
    %get3A_113 = arith.index_cast %get3A_112 : i32 to index
    %get3A_114 = arith.constant 80 : index
    %get3A_115 = tpu.vector_load %arg5[%get3A_113, %get3A_114] {strides = array<i32>} : memref<79x128xi32, #tpu.memory_space<vmem>>, vector<1x16xi32>,
    %get3A_116 = vector.shape_cast %get3A_115 : vector<1x16xi32> to vector<16xi32>
    %and3A_117 = arith.constant 16383 : i32
    %and3A_118 = vector.broadcast %and3A_117 : i32 to vector<16xi32>
    %and3A_119 = arith.andi %get3A_116, %and3A_118 : vector<16xi32>
    %swap3A_120 = arith.constant 0 : i32
    %swap3A_121 = arith.index_cast %swap3A_120 : i32 to index
    %swap3A_122 = arith.constant 80 : index
    %swap3A_123 = tpu.vector_load %arg6[%swap3A_121, %swap3A_122] {strides = array<i32>} : memref<2x128xi32, #tpu.memory_space<vmem>>, vector<1x16xi32>,
    %swap3A_124 = vector.shape_cast %swap3A_123 : vector<1x16xi32> to vector<16xi32>
    %swap3A_125 = vector.shape_cast %and3A_119 : vector<16xi32> to vector<1x16xi32>
    tpu.vector_store %arg6[%swap3A_121, %swap3A_122], %swap3A_125 {strides = array<i32>} : memref<2x128xi32, #tpu.memory_space<vmem>>, vector<1x16xi32>,
    %shift_right_logical3A_126 = arith.constant 14 : i32
    %shift_right_logical3A_127 = vector.broadcast %shift_right_logical3A_126 : i32 to vector<16xi32>
    %shift_right_logical3A_128 = arith.shrui %get3A_116, %shift_right_logical3A_127 : vector<16xi32>
    %swap3A_129 = arith.constant 0 : i32
    %swap3A_130 = arith.index_cast %swap3A_129 : i32 to index
    %swap3A_131 = arith.constant 80 : index
    %swap3A_132 = tpu.vector_load %arg7[%swap3A_130, %swap3A_131] {strides = array<i32>} : memref<2x128xi32, #tpu.memory_space<vmem>>, vector<1x16xi32>,
    %swap3A_133 = vector.shape_cast %swap3A_132 : vector<1x16xi32> to vector<16xi32>
    %swap3A_134 = vector.shape_cast %shift_right_logical3A_128 : vector<16xi32> to vector<1x16xi32>
    tpu.vector_store %arg7[%swap3A_130, %swap3A_131], %swap3A_134 {strides = array<i32>} : memref<2x128xi32, #tpu.memory_space<vmem>>, vector<1x16xi32>,
    %get3A_135 = arith.constant 0 : i32
    %get3A_136 = arith.index_cast %get3A_135 : i32 to index
    %get3A_137 = arith.constant 96 : index
    %get3A_138 = tpu.vector_load %arg5[%get3A_136, %get3A_137] {strides = array<i32>} : memref<79x128xi32, #tpu.memory_space<vmem>>, vector<1x16xi32>,
    %get3A_139 = vector.shape_cast %get3A_138 : vector<1x16xi32> to vector<16xi32>
    %and3A_140 = arith.constant 16383 : i32
    %and3A_141 = vector.broadcast %and3A_140 : i32 to vector<16xi32>
    %and3A_142 = arith.andi %get3A_139, %and3A_141 : vector<16xi32>
    %swap3A_143 = arith.constant 0 : i32
    %swap3A_144 = arith.index_cast %swap3A_143 : i32 to index
    %swap3A_145 = arith.constant 96 : index
    %swap3A_146 = tpu.vector_load %arg6[%swap3A_144, %swap3A_145] {strides = array<i32>} : memref<2x128xi32, #tpu.memory_space<vmem>>, vector<1x16xi32>,
    %swap3A_147 = vector.shape_cast %swap3A_146 : vector<1x16xi32> to vector<16xi32>
    %swap3A_148 = vector.shape_cast %and3A_142 : vector<16xi32> to vector<1x16xi32>
    tpu.vector_store %arg6[%swap3A_144, %swap3A_145], %swap3A_148 {strides = array<i32>} : memref<2x128xi32, #tpu.memory_space<vmem>>, vector<1x16xi32>,
    %shift_right_logical3A_149 = arith.constant 14 : i32
    %shift_right_logical3A_150 = vector.broadcast %shift_right_logical3A_149 : i32 to vector<16xi32>
    %shift_right_logical3A_151 = arith.shrui %get3A_139, %shift_right_logical3A_150 : vector<16xi32>
    %swap3A_152 = arith.constant 0 : i32
    %swap3A_153 = arith.index_cast %swap3A_152 : i32 to index
    %swap3A_154 = arith.constant 96 : index
    %swap3A_155 = tpu.vector_load %arg7[%swap3A_153, %swap3A_154] {strides = array<i32>} : memref<2x128xi32, #tpu.memory_space<vmem>>, vector<1x16xi32>,
    %swap3A_156 = vector.shape_cast %swap3A_155 : vector<1x16xi32> to vector<16xi32>
    %swap3A_157 = vector.shape_cast %shift_right_logical3A_151 : vector<16xi32> to vector<1x16xi32>
    tpu.vector_store %arg7[%swap3A_153, %swap3A_154], %swap3A_157 {strides = array<i32>} : memref<2x128xi32, #tpu.memory_space<vmem>>, vector<1x16xi32>,
    %get3A_158 = arith.constant 0 : i32
    %get3A_159 = arith.index_cast %get3A_158 : i32 to index
    %get3A_160 = arith.constant 112 : index
    %get3A_161 = tpu.vector_load %arg5[%get3A_159, %get3A_160] {strides = array<i32>} : memref<79x128xi32, #tpu.memory_space<vmem>>, vector<1x16xi32>,
    %get3A_162 = vector.shape_cast %get3A_161 : vector<1x16xi32> to vector<16xi32>
    %and3A_163 = arith.constant 16383 : i32
    %and3A_164 = vector.broadcast %and3A_163 : i32 to vector<16xi32>
    %and3A_165 = arith.andi %get3A_162, %and3A_164 : vector<16xi32>
    %swap3A_166 = arith.constant 0 : i32
    %swap3A_167 = arith.index_cast %swap3A_166 : i32 to index
    %swap3A_168 = arith.constant 112 : index
    %swap3A_169 = tpu.vector_load %arg6[%swap3A_167, %swap3A_168] {strides = array<i32>} : memref<2x128xi32, #tpu.memory_space<vmem>>, vector<1x16xi32>,
    %swap3A_170 = vector.shape_cast %swap3A_169 : vector<1x16xi32> to vector<16xi32>
    %swap3A_171 = vector.shape_cast %and3A_165 : vector<16xi32> to vector<1x16xi32>
    tpu.vector_store %arg6[%swap3A_167, %swap3A_168], %swap3A_171 {strides = array<i32>} : memref<2x128xi32, #tpu.memory_space<vmem>>, vector<1x16xi32>,
    %shift_right_logical3A_172 = arith.constant 14 : i32
    %shift_right_logical3A_173 = vector.broadcast %shift_right_logical3A_172 : i32 to vector<16xi32>
    %shift_right_logical3A_174 = arith.shrui %get3A_162, %shift_right_logical3A_173 : vector<16xi32>
    %swap3A_175 = arith.constant 0 : i32
    %swap3A_176 = arith.index_cast %swap3A_175 : i32 to index
    %swap3A_177 = arith.constant 112 : index
    %swap3A_178 = tpu.vector_load %arg7[%swap3A_176, %swap3A_177] {strides = array<i32>} : memref<2x128xi32, #tpu.memory_space<vmem>>, vector<1x16xi32>,
    %swap3A_179 = vector.shape_cast %swap3A_178 : vector<1x16xi32> to vector<16xi32>
    %swap3A_180 = vector.shape_cast %shift_right_logical3A_174 : vector<16xi32> to vector<1x16xi32>
    tpu.vector_store %arg7[%swap3A_176, %swap3A_177], %swap3A_180 {strides = array<i32>} : memref<2x128xi32, #tpu.memory_space<vmem>>, vector<1x16xi32>,
    %dma_start3A = arith.constant 0 : i32
    %dma_start3A_181 = arith.constant 0 : i32
    %dma_start3A_182 = tpu.memref_slice %arg6[%dma_start3A, %dma_start3A_181] : memref<2x128xi32, #tpu.memory_space<vmem>> -> memref<1x128xi32, #tpu.memory_space<vmem>>
    %dma_start3A_183 = tpu.memref_squeeze %dma_start3A_182 : memref<1x128xi32, #tpu.memory_space<vmem>> -> memref<128xi32, #tpu.memory_space<vmem>>
    %dma_start3A_184 = arith.constant 0 : i32
    %dma_start3A_185 = arith.constant 0 : i32
    %dma_start3A_186 = tpu.memref_slice %arg2[%dma_start3A_184, %dma_start3A_185] : memref<10240x128xf32, #tpu.memory_space<hbm>> -> memref<10240x128xf32, #tpu.memory_space<hbm>>
    tpu.enqueue_indirect_dma source(%dma_start3A_186 : memref<10240x128xf32, #tpu.memory_space<hbm>>) target(%arg8 : memref<128x128xf32, #tpu.memory_space<vmem>>) offsets(%dma_start3A_183 : memref<128xi32, #tpu.memory_space<vmem>>) semaphore(%arg11 : memref<!tpu.dma_semaphore, #tpu.memory_space<semaphore_mem>>)
    %scan3A = arith.constant 0 : i32
    %scan3A_187 = arith.constant 0 : i32
    %scan3A_188 = arith.constant 128 : i32
    %scan3A_189 = arith.addi %scan3A_187, %scan3A_188 : i32
    %scan3A_190 = arith.constant 1 : i32
    scf.for %scan3A_418 = %scan3A_187 to %scan3A_189 step %scan3A_190  : i32 {
      %scan3A_419 = arith.constant 0 : i32
      %scan3A_420 = arith.constant 8 : i32
      %scan3A_421 = arith.addi %scan3A_419, %scan3A_420 : i32
      %scan3A_422 = arith.constant 1 : i32
      scf.for %scan3A_424 = %scan3A_419 to %scan3A_421 step %scan3A_422  : i32 {
        %broadcast_in_dim3A = arith.constant 0.000000e+00 : f32
        %broadcast_in_dim3A_425 = vector.broadcast %broadcast_in_dim3A : f32 to vector<16xf32>
        %mul3A_426 = arith.constant 16 : i32
        %mul3A_427 = arith.muli %scan3A_424, %mul3A_426 : i32
        %swap3A_428 = arith.index_cast %scan3A_418 : i32 to index
        %swap3A_429 = arith.index_cast %mul3A_427 : i32 to index
        %swap3A_430 = tpu.vector_load %arg9[%swap3A_428, %swap3A_429] {strides = array<i32>} : memref<128x128xf32, #tpu.memory_space<vmem>>, vector<1x16xf32>,
        %swap3A_431 = vector.shape_cast %swap3A_430 : vector<1x16xf32> to vector<16xf32>
        %swap3A_432 = vector.shape_cast %broadcast_in_dim3A_425 : vector<16xf32> to vector<1x16xf32>
        tpu.vector_store %arg9[%swap3A_428, %swap3A_429], %swap3A_432 {strides = array<i32>} : memref<128x128xf32, #tpu.memory_space<vmem>>, vector<1x16xf32>,
      }
      %scan3A_423 = arith.constant 8 : i32
    }
    %scan3A_191 = arith.constant 128 : i32
    %mul3A_192 = arith.constant 640 : i32
    %mul3A_193 = arith.muli %arg1, %mul3A_192 : i32
    %add3A_194 = arith.constant 0 : i32
    %add3A_195 = arith.addi %mul3A_193, %add3A_194 : i32
    "tpu.region"() ({
      %run_scoped3A_418 = tpu.sem_alloc : memref<!tpu.dma_semaphore, #tpu.memory_space<semaphore_mem>>
      %dma_start3A_419 = arith.constant 0 : i32
      %dma_start3A_420 = tpu.memref_slice %arg10[%add3A_195, %dma_start3A_419] : memref<10240x128xf32, #tpu.memory_space<vmem_shared>> -> memref<128x128xf32, #tpu.memory_space<vmem_shared>>
      %dma_start3A_421 = arith.constant 0 : i32
      %dma_start3A_422 = tpu.memref_slice %arg10[%add3A_195, %dma_start3A_421] : memref<10240x128xf32, #tpu.memory_space<vmem_shared>> -> memref<128x128xf32, #tpu.memory_space<vmem_shared>>
      tpu.enqueue_dma source(%arg9 : memref<128x128xf32, #tpu.memory_space<vmem>>) target(%dma_start3A_422 : memref<128x128xf32, #tpu.memory_space<vmem_shared>>) target_semaphore(%run_scoped3A_418 : memref<!tpu.dma_semaphore, #tpu.memory_space<semaphore_mem>>)
      %dma_wait3A_423 = arith.constant 0 : i32
      %dma_wait3A_424 = tpu.memref_slice %arg10[%add3A_195, %dma_wait3A_423] : memref<10240x128xf32, #tpu.memory_space<vmem_shared>> -> memref<128x128xf32, #tpu.memory_space<vmem_shared>>
      %dma_wait3A_425 = arith.constant 0 : i32
      %dma_wait3A_426 = tpu.memref_slice %arg10[%add3A_195, %dma_wait3A_425] : memref<10240x128xf32, #tpu.memory_space<vmem_shared>> -> memref<128x128xf32, #tpu.memory_space<vmem_shared>>
      tpu.wait_dma2 semaphore(%run_scoped3A_418 : memref<!tpu.dma_semaphore, #tpu.memory_space<semaphore_mem>>) src(%arg9 : memref<128x128xf32, #tpu.memory_space<vmem>>) dst(%dma_wait3A_426 : memref<128x128xf32, #tpu.memory_space<vmem_shared>>)
      tpu.yield
    }) : () -> ()
    %mul3A_196 = arith.constant 640 : i32
    %mul3A_197 = arith.muli %arg1, %mul3A_196 : i32
    %add3A_198 = arith.constant 128 : i32
    %add3A_199 = arith.addi %mul3A_197, %add3A_198 : i32
    "tpu.region"() ({
      %run_scoped3A_418 = tpu.sem_alloc : memref<!tpu.dma_semaphore, #tpu.memory_space<semaphore_mem>>
      %dma_start3A_419 = arith.constant 0 : i32
      %dma_start3A_420 = tpu.memref_slice %arg10[%add3A_199, %dma_start3A_419] : memref<10240x128xf32, #tpu.memory_space<vmem_shared>> -> memref<128x128xf32, #tpu.memory_space<vmem_shared>>
      %dma_start3A_421 = arith.constant 0 : i32
      %dma_start3A_422 = tpu.memref_slice %arg10[%add3A_199, %dma_start3A_421] : memref<10240x128xf32, #tpu.memory_space<vmem_shared>> -> memref<128x128xf32, #tpu.memory_space<vmem_shared>>
      tpu.enqueue_dma source(%arg9 : memref<128x128xf32, #tpu.memory_space<vmem>>) target(%dma_start3A_422 : memref<128x128xf32, #tpu.memory_space<vmem_shared>>) target_semaphore(%run_scoped3A_418 : memref<!tpu.dma_semaphore, #tpu.memory_space<semaphore_mem>>)
      %dma_wait3A_423 = arith.constant 0 : i32
      %dma_wait3A_424 = tpu.memref_slice %arg10[%add3A_199, %dma_wait3A_423] : memref<10240x128xf32, #tpu.memory_space<vmem_shared>> -> memref<128x128xf32, #tpu.memory_space<vmem_shared>>
      %dma_wait3A_425 = arith.constant 0 : i32
      %dma_wait3A_426 = tpu.memref_slice %arg10[%add3A_199, %dma_wait3A_425] : memref<10240x128xf32, #tpu.memory_space<vmem_shared>> -> memref<128x128xf32, #tpu.memory_space<vmem_shared>>
      tpu.wait_dma2 semaphore(%run_scoped3A_418 : memref<!tpu.dma_semaphore, #tpu.memory_space<semaphore_mem>>) src(%arg9 : memref<128x128xf32, #tpu.memory_space<vmem>>) dst(%dma_wait3A_426 : memref<128x128xf32, #tpu.memory_space<vmem_shared>>)
      tpu.yield
    }) : () -> ()
    %mul3A_200 = arith.constant 640 : i32
    %mul3A_201 = arith.muli %arg1, %mul3A_200 : i32
    %add3A_202 = arith.constant 256 : i32
    %add3A_203 = arith.addi %mul3A_201, %add3A_202 : i32
    "tpu.region"() ({
      %run_scoped3A_418 = tpu.sem_alloc : memref<!tpu.dma_semaphore, #tpu.memory_space<semaphore_mem>>
      %dma_start3A_419 = arith.constant 0 : i32
      %dma_start3A_420 = tpu.memref_slice %arg10[%add3A_203, %dma_start3A_419] : memref<10240x128xf32, #tpu.memory_space<vmem_shared>> -> memref<128x128xf32, #tpu.memory_space<vmem_shared>>
      %dma_start3A_421 = arith.constant 0 : i32
      %dma_start3A_422 = tpu.memref_slice %arg10[%add3A_203, %dma_start3A_421] : memref<10240x128xf32, #tpu.memory_space<vmem_shared>> -> memref<128x128xf32, #tpu.memory_space<vmem_shared>>
      tpu.enqueue_dma source(%arg9 : memref<128x128xf32, #tpu.memory_space<vmem>>) target(%dma_start3A_422 : memref<128x128xf32, #tpu.memory_space<vmem_shared>>) target_semaphore(%run_scoped3A_418 : memref<!tpu.dma_semaphore, #tpu.memory_space<semaphore_mem>>)
      %dma_wait3A_423 = arith.constant 0 : i32
      %dma_wait3A_424 = tpu.memref_slice %arg10[%add3A_203, %dma_wait3A_423] : memref<10240x128xf32, #tpu.memory_space<vmem_shared>> -> memref<128x128xf32, #tpu.memory_space<vmem_shared>>
      %dma_wait3A_425 = arith.constant 0 : i32
      %dma_wait3A_426 = tpu.memref_slice %arg10[%add3A_203, %dma_wait3A_425] : memref<10240x128xf32, #tpu.memory_space<vmem_shared>> -> memref<128x128xf32, #tpu.memory_space<vmem_shared>>
      tpu.wait_dma2 semaphore(%run_scoped3A_418 : memref<!tpu.dma_semaphore, #tpu.memory_space<semaphore_mem>>) src(%arg9 : memref<128x128xf32, #tpu.memory_space<vmem>>) dst(%dma_wait3A_426 : memref<128x128xf32, #tpu.memory_space<vmem_shared>>)
      tpu.yield
    }) : () -> ()
    %mul3A_204 = arith.constant 640 : i32
    %mul3A_205 = arith.muli %arg1, %mul3A_204 : i32
    %add3A_206 = arith.constant 384 : i32
    %add3A_207 = arith.addi %mul3A_205, %add3A_206 : i32
    "tpu.region"() ({
      %run_scoped3A_418 = tpu.sem_alloc : memref<!tpu.dma_semaphore, #tpu.memory_space<semaphore_mem>>
      %dma_start3A_419 = arith.constant 0 : i32
      %dma_start3A_420 = tpu.memref_slice %arg10[%add3A_207, %dma_start3A_419] : memref<10240x128xf32, #tpu.memory_space<vmem_shared>> -> memref<128x128xf32, #tpu.memory_space<vmem_shared>>
      %dma_start3A_421 = arith.constant 0 : i32
      %dma_start3A_422 = tpu.memref_slice %arg10[%add3A_207, %dma_start3A_421] : memref<10240x128xf32, #tpu.memory_space<vmem_shared>> -> memref<128x128xf32, #tpu.memory_space<vmem_shared>>
      tpu.enqueue_dma source(%arg9 : memref<128x128xf32, #tpu.memory_space<vmem>>) target(%dma_start3A_422 : memref<128x128xf32, #tpu.memory_space<vmem_shared>>) target_semaphore(%run_scoped3A_418 : memref<!tpu.dma_semaphore, #tpu.memory_space<semaphore_mem>>)
      %dma_wait3A_423 = arith.constant 0 : i32
      %dma_wait3A_424 = tpu.memref_slice %arg10[%add3A_207, %dma_wait3A_423] : memref<10240x128xf32, #tpu.memory_space<vmem_shared>> -> memref<128x128xf32, #tpu.memory_space<vmem_shared>>
      %dma_wait3A_425 = arith.constant 0 : i32
      %dma_wait3A_426 = tpu.memref_slice %arg10[%add3A_207, %dma_wait3A_425] : memref<10240x128xf32, #tpu.memory_space<vmem_shared>> -> memref<128x128xf32, #tpu.memory_space<vmem_shared>>
      tpu.wait_dma2 semaphore(%run_scoped3A_418 : memref<!tpu.dma_semaphore, #tpu.memory_space<semaphore_mem>>) src(%arg9 : memref<128x128xf32, #tpu.memory_space<vmem>>) dst(%dma_wait3A_426 : memref<128x128xf32, #tpu.memory_space<vmem_shared>>)
      tpu.yield
    }) : () -> ()
    %mul3A_208 = arith.constant 640 : i32
    %mul3A_209 = arith.muli %arg1, %mul3A_208 : i32
    %add3A_210 = arith.constant 512 : i32
    %add3A_211 = arith.addi %mul3A_209, %add3A_210 : i32
    "tpu.region"() ({
      %run_scoped3A_418 = tpu.sem_alloc : memref<!tpu.dma_semaphore, #tpu.memory_space<semaphore_mem>>
      %dma_start3A_419 = arith.constant 0 : i32
      %dma_start3A_420 = tpu.memref_slice %arg10[%add3A_211, %dma_start3A_419] : memref<10240x128xf32, #tpu.memory_space<vmem_shared>> -> memref<128x128xf32, #tpu.memory_space<vmem_shared>>
      %dma_start3A_421 = arith.constant 0 : i32
      %dma_start3A_422 = tpu.memref_slice %arg10[%add3A_211, %dma_start3A_421] : memref<10240x128xf32, #tpu.memory_space<vmem_shared>> -> memref<128x128xf32, #tpu.memory_space<vmem_shared>>
      tpu.enqueue_dma source(%arg9 : memref<128x128xf32, #tpu.memory_space<vmem>>) target(%dma_start3A_422 : memref<128x128xf32, #tpu.memory_space<vmem_shared>>) target_semaphore(%run_scoped3A_418 : memref<!tpu.dma_semaphore, #tpu.memory_space<semaphore_mem>>)
      %dma_wait3A_423 = arith.constant 0 : i32
      %dma_wait3A_424 = tpu.memref_slice %arg10[%add3A_211, %dma_wait3A_423] : memref<10240x128xf32, #tpu.memory_space<vmem_shared>> -> memref<128x128xf32, #tpu.memory_space<vmem_shared>>
      %dma_wait3A_425 = arith.constant 0 : i32
      %dma_wait3A_426 = tpu.memref_slice %arg10[%add3A_211, %dma_wait3A_425] : memref<10240x128xf32, #tpu.memory_space<vmem_shared>> -> memref<128x128xf32, #tpu.memory_space<vmem_shared>>
      tpu.wait_dma2 semaphore(%run_scoped3A_418 : memref<!tpu.dma_semaphore, #tpu.memory_space<semaphore_mem>>) src(%arg9 : memref<128x128xf32, #tpu.memory_space<vmem>>) dst(%dma_wait3A_426 : memref<128x128xf32, #tpu.memory_space<vmem_shared>>)
      tpu.yield
    }) : () -> ()
    %get3A_212 = arith.constant 1 : i32
    %get3A_213 = arith.index_cast %get3A_212 : i32 to index
    %get3A_214 = arith.constant 0 : index
    %get3A_215 = tpu.vector_load %arg5[%get3A_213, %get3A_214] {strides = array<i32>} : memref<79x128xi32, #tpu.memory_space<vmem>>, vector<1x16xi32>,
    %get3A_216 = vector.shape_cast %get3A_215 : vector<1x16xi32> to vector<16xi32>
    %and3A_217 = arith.constant 16383 : i32
    %and3A_218 = vector.broadcast %and3A_217 : i32 to vector<16xi32>
    %and3A_219 = arith.andi %get3A_216, %and3A_218 : vector<16xi32>
    %swap3A_220 = arith.constant 1 : i32
    %swap3A_221 = arith.index_cast %swap3A_220 : i32 to index
    %swap3A_222 = arith.constant 0 : index
    %swap3A_223 = tpu.vector_load %arg6[%swap3A_221, %swap3A_222] {strides = array<i32>} : memref<2x128xi32, #tpu.memory_space<vmem>>, vector<1x16xi32>,
    %swap3A_224 = vector.shape_cast %swap3A_223 : vector<1x16xi32> to vector<16xi32>
    %swap3A_225 = vector.shape_cast %and3A_219 : vector<16xi32> to vector<1x16xi32>
    tpu.vector_store %arg6[%swap3A_221, %swap3A_222], %swap3A_225 {strides = array<i32>} : memref<2x128xi32, #tpu.memory_space<vmem>>, vector<1x16xi32>,
    %shift_right_logical3A_226 = arith.constant 14 : i32
    %shift_right_logical3A_227 = vector.broadcast %shift_right_logical3A_226 : i32 to vector<16xi32>
    %shift_right_logical3A_228 = arith.shrui %get3A_216, %shift_right_logical3A_227 : vector<16xi32>
    %swap3A_229 = arith.constant 1 : i32
    %swap3A_230 = arith.index_cast %swap3A_229 : i32 to index
    %swap3A_231 = arith.constant 0 : index
    %swap3A_232 = tpu.vector_load %arg7[%swap3A_230, %swap3A_231] {strides = array<i32>} : memref<2x128xi32, #tpu.memory_space<vmem>>, vector<1x16xi32>,
    %swap3A_233 = vector.shape_cast %swap3A_232 : vector<1x16xi32> to vector<16xi32>
    %swap3A_234 = vector.shape_cast %shift_right_logical3A_228 : vector<16xi32> to vector<1x16xi32>
    tpu.vector_store %arg7[%swap3A_230, %swap3A_231], %swap3A_234 {strides = array<i32>} : memref<2x128xi32, #tpu.memory_space<vmem>>, vector<1x16xi32>,
    %get3A_235 = arith.constant 1 : i32
    %get3A_236 = arith.index_cast %get3A_235 : i32 to index
    %get3A_237 = arith.constant 16 : index
    %get3A_238 = tpu.vector_load %arg5[%get3A_236, %get3A_237] {strides = array<i32>} : memref<79x128xi32, #tpu.memory_space<vmem>>, vector<1x16xi32>,
    %get3A_239 = vector.shape_cast %get3A_238 : vector<1x16xi32> to vector<16xi32>
    %and3A_240 = arith.constant 16383 : i32
    %and3A_241 = vector.broadcast %and3A_240 : i32 to vector<16xi32>
    %and3A_242 = arith.andi %get3A_239, %and3A_241 : vector<16xi32>
    %swap3A_243 = arith.constant 1 : i32
    %swap3A_244 = arith.index_cast %swap3A_243 : i32 to index
    %swap3A_245 = arith.constant 16 : index
    %swap3A_246 = tpu.vector_load %arg6[%swap3A_244, %swap3A_245] {strides = array<i32>} : memref<2x128xi32, #tpu.memory_space<vmem>>, vector<1x16xi32>,
    %swap3A_247 = vector.shape_cast %swap3A_246 : vector<1x16xi32> to vector<16xi32>
    %swap3A_248 = vector.shape_cast %and3A_242 : vector<16xi32> to vector<1x16xi32>
    tpu.vector_store %arg6[%swap3A_244, %swap3A_245], %swap3A_248 {strides = array<i32>} : memref<2x128xi32, #tpu.memory_space<vmem>>, vector<1x16xi32>,
    %shift_right_logical3A_249 = arith.constant 14 : i32
    %shift_right_logical3A_250 = vector.broadcast %shift_right_logical3A_249 : i32 to vector<16xi32>
    %shift_right_logical3A_251 = arith.shrui %get3A_239, %shift_right_logical3A_250 : vector<16xi32>
    %swap3A_252 = arith.constant 1 : i32
    %swap3A_253 = arith.index_cast %swap3A_252 : i32 to index
    %swap3A_254 = arith.constant 16 : index
    %swap3A_255 = tpu.vector_load %arg7[%swap3A_253, %swap3A_254] {strides = array<i32>} : memref<2x128xi32, #tpu.memory_space<vmem>>, vector<1x16xi32>,
    %swap3A_256 = vector.shape_cast %swap3A_255 : vector<1x16xi32> to vector<16xi32>
    %swap3A_257 = vector.shape_cast %shift_right_logical3A_251 : vector<16xi32> to vector<1x16xi32>
    tpu.vector_store %arg7[%swap3A_253, %swap3A_254], %swap3A_257 {strides = array<i32>} : memref<2x128xi32, #tpu.memory_space<vmem>>, vector<1x16xi32>,
    %get3A_258 = arith.constant 1 : i32
    %get3A_259 = arith.index_cast %get3A_258 : i32 to index
    %get3A_260 = arith.constant 32 : index
    %get3A_261 = tpu.vector_load %arg5[%get3A_259, %get3A_260] {strides = array<i32>} : memref<79x128xi32, #tpu.memory_space<vmem>>, vector<1x16xi32>,
    %get3A_262 = vector.shape_cast %get3A_261 : vector<1x16xi32> to vector<16xi32>
    %and3A_263 = arith.constant 16383 : i32
    %and3A_264 = vector.broadcast %and3A_263 : i32 to vector<16xi32>
    %and3A_265 = arith.andi %get3A_262, %and3A_264 : vector<16xi32>
    %swap3A_266 = arith.constant 1 : i32
    %swap3A_267 = arith.index_cast %swap3A_266 : i32 to index
    %swap3A_268 = arith.constant 32 : index
    %swap3A_269 = tpu.vector_load %arg6[%swap3A_267, %swap3A_268] {strides = array<i32>} : memref<2x128xi32, #tpu.memory_space<vmem>>, vector<1x16xi32>,
    %swap3A_270 = vector.shape_cast %swap3A_269 : vector<1x16xi32> to vector<16xi32>
    %swap3A_271 = vector.shape_cast %and3A_265 : vector<16xi32> to vector<1x16xi32>
    tpu.vector_store %arg6[%swap3A_267, %swap3A_268], %swap3A_271 {strides = array<i32>} : memref<2x128xi32, #tpu.memory_space<vmem>>, vector<1x16xi32>,
    %shift_right_logical3A_272 = arith.constant 14 : i32
    %shift_right_logical3A_273 = vector.broadcast %shift_right_logical3A_272 : i32 to vector<16xi32>
    %shift_right_logical3A_274 = arith.shrui %get3A_262, %shift_right_logical3A_273 : vector<16xi32>
    %swap3A_275 = arith.constant 1 : i32
    %swap3A_276 = arith.index_cast %swap3A_275 : i32 to index
    %swap3A_277 = arith.constant 32 : index
    %swap3A_278 = tpu.vector_load %arg7[%swap3A_276, %swap3A_277] {strides = array<i32>} : memref<2x128xi32, #tpu.memory_space<vmem>>, vector<1x16xi32>,
    %swap3A_279 = vector.shape_cast %swap3A_278 : vector<1x16xi32> to vector<16xi32>
    %swap3A_280 = vector.shape_cast %shift_right_logical3A_274 : vector<16xi32> to vector<1x16xi32>
    tpu.vector_store %arg7[%swap3A_276, %swap3A_277], %swap3A_280 {strides = array<i32>} : memref<2x128xi32, #tpu.memory_space<vmem>>, vector<1x16xi32>,
    %get3A_281 = arith.constant 1 : i32
    %get3A_282 = arith.index_cast %get3A_281 : i32 to index
    %get3A_283 = arith.constant 48 : index
    %get3A_284 = tpu.vector_load %arg5[%get3A_282, %get3A_283] {strides = array<i32>} : memref<79x128xi32, #tpu.memory_space<vmem>>, vector<1x16xi32>,
    %get3A_285 = vector.shape_cast %get3A_284 : vector<1x16xi32> to vector<16xi32>
    %and3A_286 = arith.constant 16383 : i32
    %and3A_287 = vector.broadcast %and3A_286 : i32 to vector<16xi32>
    %and3A_288 = arith.andi %get3A_285, %and3A_287 : vector<16xi32>
    %swap3A_289 = arith.constant 1 : i32
    %swap3A_290 = arith.index_cast %swap3A_289 : i32 to index
    %swap3A_291 = arith.constant 48 : index
    %swap3A_292 = tpu.vector_load %arg6[%swap3A_290, %swap3A_291] {strides = array<i32>} : memref<2x128xi32, #tpu.memory_space<vmem>>, vector<1x16xi32>,
    %swap3A_293 = vector.shape_cast %swap3A_292 : vector<1x16xi32> to vector<16xi32>
    %swap3A_294 = vector.shape_cast %and3A_288 : vector<16xi32> to vector<1x16xi32>
    tpu.vector_store %arg6[%swap3A_290, %swap3A_291], %swap3A_294 {strides = array<i32>} : memref<2x128xi32, #tpu.memory_space<vmem>>, vector<1x16xi32>,
    %shift_right_logical3A_295 = arith.constant 14 : i32
    %shift_right_logical3A_296 = vector.broadcast %shift_right_logical3A_295 : i32 to vector<16xi32>
    %shift_right_logical3A_297 = arith.shrui %get3A_285, %shift_right_logical3A_296 : vector<16xi32>
    %swap3A_298 = arith.constant 1 : i32
    %swap3A_299 = arith.index_cast %swap3A_298 : i32 to index
    %swap3A_300 = arith.constant 48 : index
    %swap3A_301 = tpu.vector_load %arg7[%swap3A_299, %swap3A_300] {strides = array<i32>} : memref<2x128xi32, #tpu.memory_space<vmem>>, vector<1x16xi32>,
    %swap3A_302 = vector.shape_cast %swap3A_301 : vector<1x16xi32> to vector<16xi32>
    %swap3A_303 = vector.shape_cast %shift_right_logical3A_297 : vector<16xi32> to vector<1x16xi32>
    tpu.vector_store %arg7[%swap3A_299, %swap3A_300], %swap3A_303 {strides = array<i32>} : memref<2x128xi32, #tpu.memory_space<vmem>>, vector<1x16xi32>,
    %get3A_304 = arith.constant 1 : i32
    %get3A_305 = arith.index_cast %get3A_304 : i32 to index
    %get3A_306 = arith.constant 64 : index
    %get3A_307 = tpu.vector_load %arg5[%get3A_305, %get3A_306] {strides = array<i32>} : memref<79x128xi32, #tpu.memory_space<vmem>>, vector<1x16xi32>,
    %get3A_308 = vector.shape_cast %get3A_307 : vector<1x16xi32> to vector<16xi32>
    %and3A_309 = arith.constant 16383 : i32
    %and3A_310 = vector.broadcast %and3A_309 : i32 to vector<16xi32>
    %and3A_311 = arith.andi %get3A_308, %and3A_310 : vector<16xi32>
    %swap3A_312 = arith.constant 1 : i32
    %swap3A_313 = arith.index_cast %swap3A_312 : i32 to index
    %swap3A_314 = arith.constant 64 : index
    %swap3A_315 = tpu.vector_load %arg6[%swap3A_313, %swap3A_314] {strides = array<i32>} : memref<2x128xi32, #tpu.memory_space<vmem>>, vector<1x16xi32>,
    %swap3A_316 = vector.shape_cast %swap3A_315 : vector<1x16xi32> to vector<16xi32>
    %swap3A_317 = vector.shape_cast %and3A_311 : vector<16xi32> to vector<1x16xi32>
    tpu.vector_store %arg6[%swap3A_313, %swap3A_314], %swap3A_317 {strides = array<i32>} : memref<2x128xi32, #tpu.memory_space<vmem>>, vector<1x16xi32>,
    %shift_right_logical3A_318 = arith.constant 14 : i32
    %shift_right_logical3A_319 = vector.broadcast %shift_right_logical3A_318 : i32 to vector<16xi32>
    %shift_right_logical3A_320 = arith.shrui %get3A_308, %shift_right_logical3A_319 : vector<16xi32>
    %swap3A_321 = arith.constant 1 : i32
    %swap3A_322 = arith.index_cast %swap3A_321 : i32 to index
    %swap3A_323 = arith.constant 64 : index
    %swap3A_324 = tpu.vector_load %arg7[%swap3A_322, %swap3A_323] {strides = array<i32>} : memref<2x128xi32, #tpu.memory_space<vmem>>, vector<1x16xi32>,
    %swap3A_325 = vector.shape_cast %swap3A_324 : vector<1x16xi32> to vector<16xi32>
    %swap3A_326 = vector.shape_cast %shift_right_logical3A_320 : vector<16xi32> to vector<1x16xi32>
    tpu.vector_store %arg7[%swap3A_322, %swap3A_323], %swap3A_326 {strides = array<i32>} : memref<2x128xi32, #tpu.memory_space<vmem>>, vector<1x16xi32>,
    %get3A_327 = arith.constant 1 : i32
    %get3A_328 = arith.index_cast %get3A_327 : i32 to index
    %get3A_329 = arith.constant 80 : index
    %get3A_330 = tpu.vector_load %arg5[%get3A_328, %get3A_329] {strides = array<i32>} : memref<79x128xi32, #tpu.memory_space<vmem>>, vector<1x16xi32>,
    %get3A_331 = vector.shape_cast %get3A_330 : vector<1x16xi32> to vector<16xi32>
    %and3A_332 = arith.constant 16383 : i32
    %and3A_333 = vector.broadcast %and3A_332 : i32 to vector<16xi32>
    %and3A_334 = arith.andi %get3A_331, %and3A_333 : vector<16xi32>
    %swap3A_335 = arith.constant 1 : i32
    %swap3A_336 = arith.index_cast %swap3A_335 : i32 to index
    %swap3A_337 = arith.constant 80 : index
    %swap3A_338 = tpu.vector_load %arg6[%swap3A_336, %swap3A_337] {strides = array<i32>} : memref<2x128xi32, #tpu.memory_space<vmem>>, vector<1x16xi32>,
    %swap3A_339 = vector.shape_cast %swap3A_338 : vector<1x16xi32> to vector<16xi32>
    %swap3A_340 = vector.shape_cast %and3A_334 : vector<16xi32> to vector<1x16xi32>
    tpu.vector_store %arg6[%swap3A_336, %swap3A_337], %swap3A_340 {strides = array<i32>} : memref<2x128xi32, #tpu.memory_space<vmem>>, vector<1x16xi32>,
    %shift_right_logical3A_341 = arith.constant 14 : i32
    %shift_right_logical3A_342 = vector.broadcast %shift_right_logical3A_341 : i32 to vector<16xi32>
    %shift_right_logical3A_343 = arith.shrui %get3A_331, %shift_right_logical3A_342 : vector<16xi32>
    %swap3A_344 = arith.constant 1 : i32
    %swap3A_345 = arith.index_cast %swap3A_344 : i32 to index
    %swap3A_346 = arith.constant 80 : index
    %swap3A_347 = tpu.vector_load %arg7[%swap3A_345, %swap3A_346] {strides = array<i32>} : memref<2x128xi32, #tpu.memory_space<vmem>>, vector<1x16xi32>,
    %swap3A_348 = vector.shape_cast %swap3A_347 : vector<1x16xi32> to vector<16xi32>
    %swap3A_349 = vector.shape_cast %shift_right_logical3A_343 : vector<16xi32> to vector<1x16xi32>
    tpu.vector_store %arg7[%swap3A_345, %swap3A_346], %swap3A_349 {strides = array<i32>} : memref<2x128xi32, #tpu.memory_space<vmem>>, vector<1x16xi32>,
    %get3A_350 = arith.constant 1 : i32
    %get3A_351 = arith.index_cast %get3A_350 : i32 to index
    %get3A_352 = arith.constant 96 : index
    %get3A_353 = tpu.vector_load %arg5[%get3A_351, %get3A_352] {strides = array<i32>} : memref<79x128xi32, #tpu.memory_space<vmem>>, vector<1x16xi32>,
    %get3A_354 = vector.shape_cast %get3A_353 : vector<1x16xi32> to vector<16xi32>
    %and3A_355 = arith.constant 16383 : i32
    %and3A_356 = vector.broadcast %and3A_355 : i32 to vector<16xi32>
    %and3A_357 = arith.andi %get3A_354, %and3A_356 : vector<16xi32>
    %swap3A_358 = arith.constant 1 : i32
    %swap3A_359 = arith.index_cast %swap3A_358 : i32 to index
    %swap3A_360 = arith.constant 96 : index
    %swap3A_361 = tpu.vector_load %arg6[%swap3A_359, %swap3A_360] {strides = array<i32>} : memref<2x128xi32, #tpu.memory_space<vmem>>, vector<1x16xi32>,
    %swap3A_362 = vector.shape_cast %swap3A_361 : vector<1x16xi32> to vector<16xi32>
    %swap3A_363 = vector.shape_cast %and3A_357 : vector<16xi32> to vector<1x16xi32>
    tpu.vector_store %arg6[%swap3A_359, %swap3A_360], %swap3A_363 {strides = array<i32>} : memref<2x128xi32, #tpu.memory_space<vmem>>, vector<1x16xi32>,
    %shift_right_logical3A_364 = arith.constant 14 : i32
    %shift_right_logical3A_365 = vector.broadcast %shift_right_logical3A_364 : i32 to vector<16xi32>
    %shift_right_logical3A_366 = arith.shrui %get3A_354, %shift_right_logical3A_365 : vector<16xi32>
    %swap3A_367 = arith.constant 1 : i32
    %swap3A_368 = arith.index_cast %swap3A_367 : i32 to index
    %swap3A_369 = arith.constant 96 : index
    %swap3A_370 = tpu.vector_load %arg7[%swap3A_368, %swap3A_369] {strides = array<i32>} : memref<2x128xi32, #tpu.memory_space<vmem>>, vector<1x16xi32>,
    %swap3A_371 = vector.shape_cast %swap3A_370 : vector<1x16xi32> to vector<16xi32>
    %swap3A_372 = vector.shape_cast %shift_right_logical3A_366 : vector<16xi32> to vector<1x16xi32>
    tpu.vector_store %arg7[%swap3A_368, %swap3A_369], %swap3A_372 {strides = array<i32>} : memref<2x128xi32, #tpu.memory_space<vmem>>, vector<1x16xi32>,
    %get3A_373 = arith.constant 1 : i32
    %get3A_374 = arith.index_cast %get3A_373 : i32 to index
    %get3A_375 = arith.constant 112 : index
    %get3A_376 = tpu.vector_load %arg5[%get3A_374, %get3A_375] {strides = array<i32>} : memref<79x128xi32, #tpu.memory_space<vmem>>, vector<1x16xi32>,
    %get3A_377 = vector.shape_cast %get3A_376 : vector<1x16xi32> to vector<16xi32>
    %and3A_378 = arith.constant 16383 : i32
    %and3A_379 = vector.broadcast %and3A_378 : i32 to vector<16xi32>
    %and3A_380 = arith.andi %get3A_377, %and3A_379 : vector<16xi32>
    %swap3A_381 = arith.constant 1 : i32
    %swap3A_382 = arith.index_cast %swap3A_381 : i32 to index
    %swap3A_383 = arith.constant 112 : index
    %swap3A_384 = tpu.vector_load %arg6[%swap3A_382, %swap3A_383] {strides = array<i32>} : memref<2x128xi32, #tpu.memory_space<vmem>>, vector<1x16xi32>,
    %swap3A_385 = vector.shape_cast %swap3A_384 : vector<1x16xi32> to vector<16xi32>
    %swap3A_386 = vector.shape_cast %and3A_380 : vector<16xi32> to vector<1x16xi32>
    tpu.vector_store %arg6[%swap3A_382, %swap3A_383], %swap3A_386 {strides = array<i32>} : memref<2x128xi32, #tpu.memory_space<vmem>>, vector<1x16xi32>,
    %shift_right_logical3A_387 = arith.constant 14 : i32
    %shift_right_logical3A_388 = vector.broadcast %shift_right_logical3A_387 : i32 to vector<16xi32>
    %shift_right_logical3A_389 = arith.shrui %get3A_377, %shift_right_logical3A_388 : vector<16xi32>
    %swap3A_390 = arith.constant 1 : i32
    %swap3A_391 = arith.index_cast %swap3A_390 : i32 to index
    %swap3A_392 = arith.constant 112 : index
    %swap3A_393 = tpu.vector_load %arg7[%swap3A_391, %swap3A_392] {strides = array<i32>} : memref<2x128xi32, #tpu.memory_space<vmem>>, vector<1x16xi32>,
    %swap3A_394 = vector.shape_cast %swap3A_393 : vector<1x16xi32> to vector<16xi32>
    %swap3A_395 = vector.shape_cast %shift_right_logical3A_389 : vector<16xi32> to vector<1x16xi32>
    tpu.vector_store %arg7[%swap3A_391, %swap3A_392], %swap3A_395 {strides = array<i32>} : memref<2x128xi32, #tpu.memory_space<vmem>>, vector<1x16xi32>,
    %dma_start3A_396 = arith.constant 1 : i32
    %dma_start3A_397 = arith.constant 0 : i32
    %dma_start3A_398 = tpu.memref_slice %arg6[%dma_start3A_396, %dma_start3A_397] : memref<2x128xi32, #tpu.memory_space<vmem>> -> memref<1x128xi32, #tpu.memory_space<vmem>>
    %dma_start3A_399 = tpu.memref_squeeze %dma_start3A_398 : memref<1x128xi32, #tpu.memory_space<vmem>> -> memref<128xi32, #tpu.memory_space<vmem>>
    %dma_start3A_400 = arith.constant 0 : i32
    %dma_start3A_401 = arith.constant 0 : i32
    %dma_start3A_402 = tpu.memref_slice %arg2[%dma_start3A_400, %dma_start3A_401] : memref<10240x128xf32, #tpu.memory_space<hbm>> -> memref<10240x128xf32, #tpu.memory_space<hbm>>
    tpu.enqueue_indirect_dma source(%dma_start3A_402 : memref<10240x128xf32, #tpu.memory_space<hbm>>) target(%arg9 : memref<128x128xf32, #tpu.memory_space<vmem>>) offsets(%dma_start3A_399 : memref<128xi32, #tpu.memory_space<vmem>>) semaphore(%arg12 : memref<!tpu.dma_semaphore, #tpu.memory_space<semaphore_mem>>)
    %barrier3A = arith.constant 0 : index
    tpu.barrier barrier_id(%barrier3A)
    %scan3A_403 = arith.constant 0 : i32
    %scan3A_404 = arith.constant 0 : i32
    %scan3A_405 = arith.constant 39 : i32
    %scan3A_406 = arith.addi %scan3A_404, %scan3A_405 : i32
    %scan3A_407 = arith.constant 1 : i32
    scf.for %scan3A_418 = %scan3A_404 to %scan3A_406 step %scan3A_407  : i32 {
      %mul3A_419 = arith.constant 2 : i32
      %mul3A_420 = arith.muli %mul3A_419, %scan3A_418 : i32
      %mul3A_421 = arith.constant 2 : i32
      %mul3A_422 = arith.muli %mul3A_421, %scan3A_418 : i32
      %add3A_423 = arith.constant 1 : i32
      %add3A_424 = arith.addi %mul3A_422, %add3A_423 : i32
      %dma_wait3A_425 = arith.constant 0 : i32
      %dma_wait3A_426 = arith.constant 0 : i32
      %dma_wait3A_427 = tpu.memref_slice %arg6[%dma_wait3A_425, %dma_wait3A_426] : memref<2x128xi32, #tpu.memory_space<vmem>> -> memref<1x128xi32, #tpu.memory_space<vmem>>
      %dma_wait3A_428 = tpu.memref_squeeze %dma_wait3A_427 : memref<1x128xi32, #tpu.memory_space<vmem>> -> memref<128xi32, #tpu.memory_space<vmem>>
      %dma_wait3A_429 = arith.constant 0 : i32
      %dma_wait3A_430 = arith.constant 0 : i32
      %dma_wait3A_431 = tpu.memref_slice %arg2[%dma_wait3A_429, %dma_wait3A_430] : memref<10240x128xf32, #tpu.memory_space<hbm>> -> memref<10240x128xf32, #tpu.memory_space<hbm>>
      tpu.wait_indirect_dma semaphore(%arg11 : memref<!tpu.dma_semaphore, #tpu.memory_space<semaphore_mem>>) src(%dma_wait3A_431 : memref<10240x128xf32, #tpu.memory_space<hbm>>) dst(%arg8 : memref<128x128xf32, #tpu.memory_space<vmem>>)
      %run_scoped3A_432 = arith.constant 0 : i32
      "tpu.region"() ({
        %run_scoped3A_452 = tpu.sem_alloc : memref<!tpu.dma_semaphore, #tpu.memory_space<semaphore_mem>>
        %dma_start3A_453 = arith.constant 0 : i32
        %dma_start3A_454 = tpu.memref_slice %arg7[%run_scoped3A_432, %dma_start3A_453] : memref<2x128xi32, #tpu.memory_space<vmem>> -> memref<1x128xi32, #tpu.memory_space<vmem>>
        %dma_start3A_455 = tpu.memref_squeeze %dma_start3A_454 : memref<1x128xi32, #tpu.memory_space<vmem>> -> memref<128xi32, #tpu.memory_space<vmem>>
        %dma_start3A_456 = arith.constant 0 : i32
        %dma_start3A_457 = arith.constant 0 : i32
        %dma_start3A_458 = tpu.memref_slice %arg10[%dma_start3A_456, %dma_start3A_457] : memref<10240x128xf32, #tpu.memory_space<vmem_shared>> -> memref<10240x128xf32, #tpu.memory_space<vmem_shared>>
        tpu.enqueue_indirect_dma source(%arg8 : memref<128x128xf32, #tpu.memory_space<vmem>>) target(%dma_start3A_458 : memref<10240x128xf32, #tpu.memory_space<vmem_shared>>) offsets(%dma_start3A_455 : memref<128xi32, #tpu.memory_space<vmem>>) semaphore(%run_scoped3A_452 : memref<!tpu.dma_semaphore, #tpu.memory_space<semaphore_mem>>) {add = true}
        %dma_wait3A_459 = arith.constant 0 : i32
        %dma_wait3A_460 = tpu.memref_slice %arg7[%run_scoped3A_432, %dma_wait3A_459] : memref<2x128xi32, #tpu.memory_space<vmem>> -> memref<1x128xi32, #tpu.memory_space<vmem>>
        %dma_wait3A_461 = tpu.memref_squeeze %dma_wait3A_460 : memref<1x128xi32, #tpu.memory_space<vmem>> -> memref<128xi32, #tpu.memory_space<vmem>>
        %dma_wait3A_462 = arith.constant 0 : i32
        %dma_wait3A_463 = arith.constant 0 : i32
        %dma_wait3A_464 = tpu.memref_slice %arg10[%dma_wait3A_462, %dma_wait3A_463] : memref<10240x128xf32, #tpu.memory_space<vmem_shared>> -> memref<10240x128xf32, #tpu.memory_space<vmem_shared>>
        tpu.wait_indirect_dma semaphore(%run_scoped3A_452 : memref<!tpu.dma_semaphore, #tpu.memory_space<semaphore_mem>>) src(%arg8 : memref<128x128xf32, #tpu.memory_space<vmem>>) dst(%dma_wait3A_464 : memref<10240x128xf32, #tpu.memory_space<vmem_shared>>)
        tpu.yield
      }) : () -> ()
      %add3A_433 = arith.constant 2 : i32
      %add3A_434 = arith.addi %mul3A_420, %add3A_433 : i32
      %lt3A = arith.constant 79 : i32
      %lt3A_435 = arith.cmpi slt, %add3A_434, %lt3A : i32
      %convert_element_type3A = arith.extui %lt3A_435 : i1 to i32
      %cond3A = arith.constant 0 : i32
      %cond3A_436 = arith.cmpi ne, %convert_element_type3A, %cond3A : i32
      scf.if %cond3A_436 {
        %add3A_452 = arith.constant 2 : i32
        %add3A_453 = arith.addi %mul3A_420, %add3A_452 : i32
        %get3A_454 = arith.index_cast %add3A_453 : i32 to index
        %get3A_455 = arith.constant 0 : index
        %get3A_456 = tpu.vector_load %arg5[%get3A_454, %get3A_455] {strides = array<i32>} : memref<79x128xi32, #tpu.memory_space<vmem>>, vector<1x16xi32>,
        %get3A_457 = vector.shape_cast %get3A_456 : vector<1x16xi32> to vector<16xi32>
        %and3A_458 = arith.constant 16383 : i32
        %and3A_459 = vector.broadcast %and3A_458 : i32 to vector<16xi32>
        %and3A_460 = arith.andi %get3A_457, %and3A_459 : vector<16xi32>
        %swap3A_461 = arith.constant 0 : i32
        %swap3A_462 = arith.index_cast %swap3A_461 : i32 to index
        %swap3A_463 = arith.constant 0 : index
        %swap3A_464 = tpu.vector_load %arg6[%swap3A_462, %swap3A_463] {strides = array<i32>} : memref<2x128xi32, #tpu.memory_space<vmem>>, vector<1x16xi32>,
        %swap3A_465 = vector.shape_cast %swap3A_464 : vector<1x16xi32> to vector<16xi32>
        %swap3A_466 = vector.shape_cast %and3A_460 : vector<16xi32> to vector<1x16xi32>
        tpu.vector_store %arg6[%swap3A_462, %swap3A_463], %swap3A_466 {strides = array<i32>} : memref<2x128xi32, #tpu.memory_space<vmem>>, vector<1x16xi32>,
        %shift_right_logical3A_467 = arith.constant 14 : i32
        %shift_right_logical3A_468 = vector.broadcast %shift_right_logical3A_467 : i32 to vector<16xi32>
        %shift_right_logical3A_469 = arith.shrui %get3A_457, %shift_right_logical3A_468 : vector<16xi32>
        %swap3A_470 = arith.constant 0 : i32
        %swap3A_471 = arith.index_cast %swap3A_470 : i32 to index
        %swap3A_472 = arith.constant 0 : index
        %swap3A_473 = tpu.vector_load %arg7[%swap3A_471, %swap3A_472] {strides = array<i32>} : memref<2x128xi32, #tpu.memory_space<vmem>>, vector<1x16xi32>,
        %swap3A_474 = vector.shape_cast %swap3A_473 : vector<1x16xi32> to vector<16xi32>
        %swap3A_475 = vector.shape_cast %shift_right_logical3A_469 : vector<16xi32> to vector<1x16xi32>
        tpu.vector_store %arg7[%swap3A_471, %swap3A_472], %swap3A_475 {strides = array<i32>} : memref<2x128xi32, #tpu.memory_space<vmem>>, vector<1x16xi32>,
        %get3A_476 = arith.index_cast %add3A_453 : i32 to index
        %get3A_477 = arith.constant 16 : index
        %get3A_478 = tpu.vector_load %arg5[%get3A_476, %get3A_477] {strides = array<i32>} : memref<79x128xi32, #tpu.memory_space<vmem>>, vector<1x16xi32>,
        %get3A_479 = vector.shape_cast %get3A_478 : vector<1x16xi32> to vector<16xi32>
        %and3A_480 = arith.constant 16383 : i32
        %and3A_481 = vector.broadcast %and3A_480 : i32 to vector<16xi32>
        %and3A_482 = arith.andi %get3A_479, %and3A_481 : vector<16xi32>
        %swap3A_483 = arith.constant 0 : i32
        %swap3A_484 = arith.index_cast %swap3A_483 : i32 to index
        %swap3A_485 = arith.constant 16 : index
        %swap3A_486 = tpu.vector_load %arg6[%swap3A_484, %swap3A_485] {strides = array<i32>} : memref<2x128xi32, #tpu.memory_space<vmem>>, vector<1x16xi32>,
        %swap3A_487 = vector.shape_cast %swap3A_486 : vector<1x16xi32> to vector<16xi32>
        %swap3A_488 = vector.shape_cast %and3A_482 : vector<16xi32> to vector<1x16xi32>
        tpu.vector_store %arg6[%swap3A_484, %swap3A_485], %swap3A_488 {strides = array<i32>} : memref<2x128xi32, #tpu.memory_space<vmem>>, vector<1x16xi32>,
        %shift_right_logical3A_489 = arith.constant 14 : i32
        %shift_right_logical3A_490 = vector.broadcast %shift_right_logical3A_489 : i32 to vector<16xi32>
        %shift_right_logical3A_491 = arith.shrui %get3A_479, %shift_right_logical3A_490 : vector<16xi32>
        %swap3A_492 = arith.constant 0 : i32
        %swap3A_493 = arith.index_cast %swap3A_492 : i32 to index
        %swap3A_494 = arith.constant 16 : index
        %swap3A_495 = tpu.vector_load %arg7[%swap3A_493, %swap3A_494] {strides = array<i32>} : memref<2x128xi32, #tpu.memory_space<vmem>>, vector<1x16xi32>,
        %swap3A_496 = vector.shape_cast %swap3A_495 : vector<1x16xi32> to vector<16xi32>
        %swap3A_497 = vector.shape_cast %shift_right_logical3A_491 : vector<16xi32> to vector<1x16xi32>
        tpu.vector_store %arg7[%swap3A_493, %swap3A_494], %swap3A_497 {strides = array<i32>} : memref<2x128xi32, #tpu.memory_space<vmem>>, vector<1x16xi32>,
        %get3A_498 = arith.index_cast %add3A_453 : i32 to index
        %get3A_499 = arith.constant 32 : index
        %get3A_500 = tpu.vector_load %arg5[%get3A_498, %get3A_499] {strides = array<i32>} : memref<79x128xi32, #tpu.memory_space<vmem>>, vector<1x16xi32>,
        %get3A_501 = vector.shape_cast %get3A_500 : vector<1x16xi32> to vector<16xi32>
        %and3A_502 = arith.constant 16383 : i32
        %and3A_503 = vector.broadcast %and3A_502 : i32 to vector<16xi32>
        %and3A_504 = arith.andi %get3A_501, %and3A_503 : vector<16xi32>
        %swap3A_505 = arith.constant 0 : i32
        %swap3A_506 = arith.index_cast %swap3A_505 : i32 to index
        %swap3A_507 = arith.constant 32 : index
        %swap3A_508 = tpu.vector_load %arg6[%swap3A_506, %swap3A_507] {strides = array<i32>} : memref<2x128xi32, #tpu.memory_space<vmem>>, vector<1x16xi32>,
        %swap3A_509 = vector.shape_cast %swap3A_508 : vector<1x16xi32> to vector<16xi32>
        %swap3A_510 = vector.shape_cast %and3A_504 : vector<16xi32> to vector<1x16xi32>
        tpu.vector_store %arg6[%swap3A_506, %swap3A_507], %swap3A_510 {strides = array<i32>} : memref<2x128xi32, #tpu.memory_space<vmem>>, vector<1x16xi32>,
        %shift_right_logical3A_511 = arith.constant 14 : i32
        %shift_right_logical3A_512 = vector.broadcast %shift_right_logical3A_511 : i32 to vector<16xi32>
        %shift_right_logical3A_513 = arith.shrui %get3A_501, %shift_right_logical3A_512 : vector<16xi32>
        %swap3A_514 = arith.constant 0 : i32
        %swap3A_515 = arith.index_cast %swap3A_514 : i32 to index
        %swap3A_516 = arith.constant 32 : index
        %swap3A_517 = tpu.vector_load %arg7[%swap3A_515, %swap3A_516] {strides = array<i32>} : memref<2x128xi32, #tpu.memory_space<vmem>>, vector<1x16xi32>,
        %swap3A_518 = vector.shape_cast %swap3A_517 : vector<1x16xi32> to vector<16xi32>
        %swap3A_519 = vector.shape_cast %shift_right_logical3A_513 : vector<16xi32> to vector<1x16xi32>
        tpu.vector_store %arg7[%swap3A_515, %swap3A_516], %swap3A_519 {strides = array<i32>} : memref<2x128xi32, #tpu.memory_space<vmem>>, vector<1x16xi32>,
        %get3A_520 = arith.index_cast %add3A_453 : i32 to index
        %get3A_521 = arith.constant 48 : index
        %get3A_522 = tpu.vector_load %arg5[%get3A_520, %get3A_521] {strides = array<i32>} : memref<79x128xi32, #tpu.memory_space<vmem>>, vector<1x16xi32>,
        %get3A_523 = vector.shape_cast %get3A_522 : vector<1x16xi32> to vector<16xi32>
        %and3A_524 = arith.constant 16383 : i32
        %and3A_525 = vector.broadcast %and3A_524 : i32 to vector<16xi32>
        %and3A_526 = arith.andi %get3A_523, %and3A_525 : vector<16xi32>
        %swap3A_527 = arith.constant 0 : i32
        %swap3A_528 = arith.index_cast %swap3A_527 : i32 to index
        %swap3A_529 = arith.constant 48 : index
        %swap3A_530 = tpu.vector_load %arg6[%swap3A_528, %swap3A_529] {strides = array<i32>} : memref<2x128xi32, #tpu.memory_space<vmem>>, vector<1x16xi32>,
        %swap3A_531 = vector.shape_cast %swap3A_530 : vector<1x16xi32> to vector<16xi32>
        %swap3A_532 = vector.shape_cast %and3A_526 : vector<16xi32> to vector<1x16xi32>
        tpu.vector_store %arg6[%swap3A_528, %swap3A_529], %swap3A_532 {strides = array<i32>} : memref<2x128xi32, #tpu.memory_space<vmem>>, vector<1x16xi32>,
        %shift_right_logical3A_533 = arith.constant 14 : i32
        %shift_right_logical3A_534 = vector.broadcast %shift_right_logical3A_533 : i32 to vector<16xi32>
        %shift_right_logical3A_535 = arith.shrui %get3A_523, %shift_right_logical3A_534 : vector<16xi32>
        %swap3A_536 = arith.constant 0 : i32
        %swap3A_537 = arith.index_cast %swap3A_536 : i32 to index
        %swap3A_538 = arith.constant 48 : index
        %swap3A_539 = tpu.vector_load %arg7[%swap3A_537, %swap3A_538] {strides = array<i32>} : memref<2x128xi32, #tpu.memory_space<vmem>>, vector<1x16xi32>,
        %swap3A_540 = vector.shape_cast %swap3A_539 : vector<1x16xi32> to vector<16xi32>
        %swap3A_541 = vector.shape_cast %shift_right_logical3A_535 : vector<16xi32> to vector<1x16xi32>
        tpu.vector_store %arg7[%swap3A_537, %swap3A_538], %swap3A_541 {strides = array<i32>} : memref<2x128xi32, #tpu.memory_space<vmem>>, vector<1x16xi32>,
        %get3A_542 = arith.index_cast %add3A_453 : i32 to index
        %get3A_543 = arith.constant 64 : index
        %get3A_544 = tpu.vector_load %arg5[%get3A_542, %get3A_543] {strides = array<i32>} : memref<79x128xi32, #tpu.memory_space<vmem>>, vector<1x16xi32>,
        %get3A_545 = vector.shape_cast %get3A_544 : vector<1x16xi32> to vector<16xi32>
        %and3A_546 = arith.constant 16383 : i32
        %and3A_547 = vector.broadcast %and3A_546 : i32 to vector<16xi32>
        %and3A_548 = arith.andi %get3A_545, %and3A_547 : vector<16xi32>
        %swap3A_549 = arith.constant 0 : i32
        %swap3A_550 = arith.index_cast %swap3A_549 : i32 to index
        %swap3A_551 = arith.constant 64 : index
        %swap3A_552 = tpu.vector_load %arg6[%swap3A_550, %swap3A_551] {strides = array<i32>} : memref<2x128xi32, #tpu.memory_space<vmem>>, vector<1x16xi32>,
        %swap3A_553 = vector.shape_cast %swap3A_552 : vector<1x16xi32> to vector<16xi32>
        %swap3A_554 = vector.shape_cast %and3A_548 : vector<16xi32> to vector<1x16xi32>
        tpu.vector_store %arg6[%swap3A_550, %swap3A_551], %swap3A_554 {strides = array<i32>} : memref<2x128xi32, #tpu.memory_space<vmem>>, vector<1x16xi32>,
        %shift_right_logical3A_555 = arith.constant 14 : i32
        %shift_right_logical3A_556 = vector.broadcast %shift_right_logical3A_555 : i32 to vector<16xi32>
        %shift_right_logical3A_557 = arith.shrui %get3A_545, %shift_right_logical3A_556 : vector<16xi32>
        %swap3A_558 = arith.constant 0 : i32
        %swap3A_559 = arith.index_cast %swap3A_558 : i32 to index
        %swap3A_560 = arith.constant 64 : index
        %swap3A_561 = tpu.vector_load %arg7[%swap3A_559, %swap3A_560] {strides = array<i32>} : memref<2x128xi32, #tpu.memory_space<vmem>>, vector<1x16xi32>,
        %swap3A_562 = vector.shape_cast %swap3A_561 : vector<1x16xi32> to vector<16xi32>
        %swap3A_563 = vector.shape_cast %shift_right_logical3A_557 : vector<16xi32> to vector<1x16xi32>
        tpu.vector_store %arg7[%swap3A_559, %swap3A_560], %swap3A_563 {strides = array<i32>} : memref<2x128xi32, #tpu.memory_space<vmem>>, vector<1x16xi32>,
        %get3A_564 = arith.index_cast %add3A_453 : i32 to index
        %get3A_565 = arith.constant 80 : index
        %get3A_566 = tpu.vector_load %arg5[%get3A_564, %get3A_565] {strides = array<i32>} : memref<79x128xi32, #tpu.memory_space<vmem>>, vector<1x16xi32>,
        %get3A_567 = vector.shape_cast %get3A_566 : vector<1x16xi32> to vector<16xi32>
        %and3A_568 = arith.constant 16383 : i32
        %and3A_569 = vector.broadcast %and3A_568 : i32 to vector<16xi32>
        %and3A_570 = arith.andi %get3A_567, %and3A_569 : vector<16xi32>
        %swap3A_571 = arith.constant 0 : i32
        %swap3A_572 = arith.index_cast %swap3A_571 : i32 to index
        %swap3A_573 = arith.constant 80 : index
        %swap3A_574 = tpu.vector_load %arg6[%swap3A_572, %swap3A_573] {strides = array<i32>} : memref<2x128xi32, #tpu.memory_space<vmem>>, vector<1x16xi32>,
        %swap3A_575 = vector.shape_cast %swap3A_574 : vector<1x16xi32> to vector<16xi32>
        %swap3A_576 = vector.shape_cast %and3A_570 : vector<16xi32> to vector<1x16xi32>
        tpu.vector_store %arg6[%swap3A_572, %swap3A_573], %swap3A_576 {strides = array<i32>} : memref<2x128xi32, #tpu.memory_space<vmem>>, vector<1x16xi32>,
        %shift_right_logical3A_577 = arith.constant 14 : i32
        %shift_right_logical3A_578 = vector.broadcast %shift_right_logical3A_577 : i32 to vector<16xi32>
        %shift_right_logical3A_579 = arith.shrui %get3A_567, %shift_right_logical3A_578 : vector<16xi32>
        %swap3A_580 = arith.constant 0 : i32
        %swap3A_581 = arith.index_cast %swap3A_580 : i32 to index
        %swap3A_582 = arith.constant 80 : index
        %swap3A_583 = tpu.vector_load %arg7[%swap3A_581, %swap3A_582] {strides = array<i32>} : memref<2x128xi32, #tpu.memory_space<vmem>>, vector<1x16xi32>,
        %swap3A_584 = vector.shape_cast %swap3A_583 : vector<1x16xi32> to vector<16xi32>
        %swap3A_585 = vector.shape_cast %shift_right_logical3A_579 : vector<16xi32> to vector<1x16xi32>
        tpu.vector_store %arg7[%swap3A_581, %swap3A_582], %swap3A_585 {strides = array<i32>} : memref<2x128xi32, #tpu.memory_space<vmem>>, vector<1x16xi32>,
        %get3A_586 = arith.index_cast %add3A_453 : i32 to index
        %get3A_587 = arith.constant 96 : index
        %get3A_588 = tpu.vector_load %arg5[%get3A_586, %get3A_587] {strides = array<i32>} : memref<79x128xi32, #tpu.memory_space<vmem>>, vector<1x16xi32>,
        %get3A_589 = vector.shape_cast %get3A_588 : vector<1x16xi32> to vector<16xi32>
        %and3A_590 = arith.constant 16383 : i32
        %and3A_591 = vector.broadcast %and3A_590 : i32 to vector<16xi32>
        %and3A_592 = arith.andi %get3A_589, %and3A_591 : vector<16xi32>
        %swap3A_593 = arith.constant 0 : i32
        %swap3A_594 = arith.index_cast %swap3A_593 : i32 to index
        %swap3A_595 = arith.constant 96 : index
        %swap3A_596 = tpu.vector_load %arg6[%swap3A_594, %swap3A_595] {strides = array<i32>} : memref<2x128xi32, #tpu.memory_space<vmem>>, vector<1x16xi32>,
        %swap3A_597 = vector.shape_cast %swap3A_596 : vector<1x16xi32> to vector<16xi32>
        %swap3A_598 = vector.shape_cast %and3A_592 : vector<16xi32> to vector<1x16xi32>
        tpu.vector_store %arg6[%swap3A_594, %swap3A_595], %swap3A_598 {strides = array<i32>} : memref<2x128xi32, #tpu.memory_space<vmem>>, vector<1x16xi32>,
        %shift_right_logical3A_599 = arith.constant 14 : i32
        %shift_right_logical3A_600 = vector.broadcast %shift_right_logical3A_599 : i32 to vector<16xi32>
        %shift_right_logical3A_601 = arith.shrui %get3A_589, %shift_right_logical3A_600 : vector<16xi32>
        %swap3A_602 = arith.constant 0 : i32
        %swap3A_603 = arith.index_cast %swap3A_602 : i32 to index
        %swap3A_604 = arith.constant 96 : index
        %swap3A_605 = tpu.vector_load %arg7[%swap3A_603, %swap3A_604] {strides = array<i32>} : memref<2x128xi32, #tpu.memory_space<vmem>>, vector<1x16xi32>,
        %swap3A_606 = vector.shape_cast %swap3A_605 : vector<1x16xi32> to vector<16xi32>
        %swap3A_607 = vector.shape_cast %shift_right_logical3A_601 : vector<16xi32> to vector<1x16xi32>
        tpu.vector_store %arg7[%swap3A_603, %swap3A_604], %swap3A_607 {strides = array<i32>} : memref<2x128xi32, #tpu.memory_space<vmem>>, vector<1x16xi32>,
        %get3A_608 = arith.index_cast %add3A_453 : i32 to index
        %get3A_609 = arith.constant 112 : index
        %get3A_610 = tpu.vector_load %arg5[%get3A_608, %get3A_609] {strides = array<i32>} : memref<79x128xi32, #tpu.memory_space<vmem>>, vector<1x16xi32>,
        %get3A_611 = vector.shape_cast %get3A_610 : vector<1x16xi32> to vector<16xi32>
        %and3A_612 = arith.constant 16383 : i32
        %and3A_613 = vector.broadcast %and3A_612 : i32 to vector<16xi32>
        %and3A_614 = arith.andi %get3A_611, %and3A_613 : vector<16xi32>
        %swap3A_615 = arith.constant 0 : i32
        %swap3A_616 = arith.index_cast %swap3A_615 : i32 to index
        %swap3A_617 = arith.constant 112 : index
        %swap3A_618 = tpu.vector_load %arg6[%swap3A_616, %swap3A_617] {strides = array<i32>} : memref<2x128xi32, #tpu.memory_space<vmem>>, vector<1x16xi32>,
        %swap3A_619 = vector.shape_cast %swap3A_618 : vector<1x16xi32> to vector<16xi32>
        %swap3A_620 = vector.shape_cast %and3A_614 : vector<16xi32> to vector<1x16xi32>
        tpu.vector_store %arg6[%swap3A_616, %swap3A_617], %swap3A_620 {strides = array<i32>} : memref<2x128xi32, #tpu.memory_space<vmem>>, vector<1x16xi32>,
        %shift_right_logical3A_621 = arith.constant 14 : i32
        %shift_right_logical3A_622 = vector.broadcast %shift_right_logical3A_621 : i32 to vector<16xi32>
        %shift_right_logical3A_623 = arith.shrui %get3A_611, %shift_right_logical3A_622 : vector<16xi32>
        %swap3A_624 = arith.constant 0 : i32
        %swap3A_625 = arith.index_cast %swap3A_624 : i32 to index
        %swap3A_626 = arith.constant 112 : index
        %swap3A_627 = tpu.vector_load %arg7[%swap3A_625, %swap3A_626] {strides = array<i32>} : memref<2x128xi32, #tpu.memory_space<vmem>>, vector<1x16xi32>,
        %swap3A_628 = vector.shape_cast %swap3A_627 : vector<1x16xi32> to vector<16xi32>
        %swap3A_629 = vector.shape_cast %shift_right_logical3A_623 : vector<16xi32> to vector<1x16xi32>
        tpu.vector_store %arg7[%swap3A_625, %swap3A_626], %swap3A_629 {strides = array<i32>} : memref<2x128xi32, #tpu.memory_space<vmem>>, vector<1x16xi32>,
        %dma_start3A_630 = arith.constant 0 : i32
        %dma_start3A_631 = arith.constant 0 : i32
        %dma_start3A_632 = tpu.memref_slice %arg6[%dma_start3A_630, %dma_start3A_631] : memref<2x128xi32, #tpu.memory_space<vmem>> -> memref<1x128xi32, #tpu.memory_space<vmem>>
        %dma_start3A_633 = tpu.memref_squeeze %dma_start3A_632 : memref<1x128xi32, #tpu.memory_space<vmem>> -> memref<128xi32, #tpu.memory_space<vmem>>
        %dma_start3A_634 = arith.constant 0 : i32
        %dma_start3A_635 = arith.constant 0 : i32
        %dma_start3A_636 = tpu.memref_slice %arg2[%dma_start3A_634, %dma_start3A_635] : memref<10240x128xf32, #tpu.memory_space<hbm>> -> memref<10240x128xf32, #tpu.memory_space<hbm>>
        tpu.enqueue_indirect_dma source(%dma_start3A_636 : memref<10240x128xf32, #tpu.memory_space<hbm>>) target(%arg8 : memref<128x128xf32, #tpu.memory_space<vmem>>) offsets(%dma_start3A_633 : memref<128xi32, #tpu.memory_space<vmem>>) semaphore(%arg11 : memref<!tpu.dma_semaphore, #tpu.memory_space<semaphore_mem>>)
      } else {
      }
      %dma_wait3A_437 = arith.constant 1 : i32
      %dma_wait3A_438 = arith.constant 0 : i32
      %dma_wait3A_439 = tpu.memref_slice %arg6[%dma_wait3A_437, %dma_wait3A_438] : memref<2x128xi32, #tpu.memory_space<vmem>> -> memref<1x128xi32, #tpu.memory_space<vmem>>
      %dma_wait3A_440 = tpu.memref_squeeze %dma_wait3A_439 : memref<1x128xi32, #tpu.memory_space<vmem>> -> memref<128xi32, #tpu.memory_space<vmem>>
      %dma_wait3A_441 = arith.constant 0 : i32
      %dma_wait3A_442 = arith.constant 0 : i32
      %dma_wait3A_443 = tpu.memref_slice %arg2[%dma_wait3A_441, %dma_wait3A_442] : memref<10240x128xf32, #tpu.memory_space<hbm>> -> memref<10240x128xf32, #tpu.memory_space<hbm>>
      tpu.wait_indirect_dma semaphore(%arg12 : memref<!tpu.dma_semaphore, #tpu.memory_space<semaphore_mem>>) src(%dma_wait3A_443 : memref<10240x128xf32, #tpu.memory_space<hbm>>) dst(%arg9 : memref<128x128xf32, #tpu.memory_space<vmem>>)
      %run_scoped3A_444 = arith.constant 1 : i32
      "tpu.region"() ({
        %run_scoped3A_452 = tpu.sem_alloc : memref<!tpu.dma_semaphore, #tpu.memory_space<semaphore_mem>>
        %dma_start3A_453 = arith.constant 0 : i32
        %dma_start3A_454 = tpu.memref_slice %arg7[%run_scoped3A_444, %dma_start3A_453] : memref<2x128xi32, #tpu.memory_space<vmem>> -> memref<1x128xi32, #tpu.memory_space<vmem>>
        %dma_start3A_455 = tpu.memref_squeeze %dma_start3A_454 : memref<1x128xi32, #tpu.memory_space<vmem>> -> memref<128xi32, #tpu.memory_space<vmem>>
        %dma_start3A_456 = arith.constant 0 : i32
        %dma_start3A_457 = arith.constant 0 : i32
        %dma_start3A_458 = tpu.memref_slice %arg10[%dma_start3A_456, %dma_start3A_457] : memref<10240x128xf32, #tpu.memory_space<vmem_shared>> -> memref<10240x128xf32, #tpu.memory_space<vmem_shared>>
        tpu.enqueue_indirect_dma source(%arg9 : memref<128x128xf32, #tpu.memory_space<vmem>>) target(%dma_start3A_458 : memref<10240x128xf32, #tpu.memory_space<vmem_shared>>) offsets(%dma_start3A_455 : memref<128xi32, #tpu.memory_space<vmem>>) semaphore(%run_scoped3A_452 : memref<!tpu.dma_semaphore, #tpu.memory_space<semaphore_mem>>) {add = true}
        %dma_wait3A_459 = arith.constant 0 : i32
        %dma_wait3A_460 = tpu.memref_slice %arg7[%run_scoped3A_444, %dma_wait3A_459] : memref<2x128xi32, #tpu.memory_space<vmem>> -> memref<1x128xi32, #tpu.memory_space<vmem>>
        %dma_wait3A_461 = tpu.memref_squeeze %dma_wait3A_460 : memref<1x128xi32, #tpu.memory_space<vmem>> -> memref<128xi32, #tpu.memory_space<vmem>>
        %dma_wait3A_462 = arith.constant 0 : i32
        %dma_wait3A_463 = arith.constant 0 : i32
        %dma_wait3A_464 = tpu.memref_slice %arg10[%dma_wait3A_462, %dma_wait3A_463] : memref<10240x128xf32, #tpu.memory_space<vmem_shared>> -> memref<10240x128xf32, #tpu.memory_space<vmem_shared>>
        tpu.wait_indirect_dma semaphore(%run_scoped3A_452 : memref<!tpu.dma_semaphore, #tpu.memory_space<semaphore_mem>>) src(%arg9 : memref<128x128xf32, #tpu.memory_space<vmem>>) dst(%dma_wait3A_464 : memref<10240x128xf32, #tpu.memory_space<vmem_shared>>)
        tpu.yield
      }) : () -> ()
      %add3A_445 = arith.constant 2 : i32
      %add3A_446 = arith.addi %add3A_424, %add3A_445 : i32
      %lt3A_447 = arith.constant 79 : i32
      %lt3A_448 = arith.cmpi slt, %add3A_446, %lt3A_447 : i32
      %convert_element_type3A_449 = arith.extui %lt3A_448 : i1 to i32
      %cond3A_450 = arith.constant 0 : i32
      %cond3A_451 = arith.cmpi ne, %convert_element_type3A_449, %cond3A_450 : i32
      scf.if %cond3A_451 {
        %add3A_452 = arith.constant 2 : i32
        %add3A_453 = arith.addi %add3A_424, %add3A_452 : i32
        %get3A_454 = arith.index_cast %add3A_453 : i32 to index
        %get3A_455 = arith.constant 0 : index
        %get3A_456 = tpu.vector_load %arg5[%get3A_454, %get3A_455] {strides = array<i32>} : memref<79x128xi32, #tpu.memory_space<vmem>>, vector<1x16xi32>,
        %get3A_457 = vector.shape_cast %get3A_456 : vector<1x16xi32> to vector<16xi32>
        %and3A_458 = arith.constant 16383 : i32
        %and3A_459 = vector.broadcast %and3A_458 : i32 to vector<16xi32>
        %and3A_460 = arith.andi %get3A_457, %and3A_459 : vector<16xi32>
        %swap3A_461 = arith.constant 1 : i32
        %swap3A_462 = arith.index_cast %swap3A_461 : i32 to index
        %swap3A_463 = arith.constant 0 : index
        %swap3A_464 = tpu.vector_load %arg6[%swap3A_462, %swap3A_463] {strides = array<i32>} : memref<2x128xi32, #tpu.memory_space<vmem>>, vector<1x16xi32>,
        %swap3A_465 = vector.shape_cast %swap3A_464 : vector<1x16xi32> to vector<16xi32>
        %swap3A_466 = vector.shape_cast %and3A_460 : vector<16xi32> to vector<1x16xi32>
        tpu.vector_store %arg6[%swap3A_462, %swap3A_463], %swap3A_466 {strides = array<i32>} : memref<2x128xi32, #tpu.memory_space<vmem>>, vector<1x16xi32>,
        %shift_right_logical3A_467 = arith.constant 14 : i32
        %shift_right_logical3A_468 = vector.broadcast %shift_right_logical3A_467 : i32 to vector<16xi32>
        %shift_right_logical3A_469 = arith.shrui %get3A_457, %shift_right_logical3A_468 : vector<16xi32>
        %swap3A_470 = arith.constant 1 : i32
        %swap3A_471 = arith.index_cast %swap3A_470 : i32 to index
        %swap3A_472 = arith.constant 0 : index
        %swap3A_473 = tpu.vector_load %arg7[%swap3A_471, %swap3A_472] {strides = array<i32>} : memref<2x128xi32, #tpu.memory_space<vmem>>, vector<1x16xi32>,
        %swap3A_474 = vector.shape_cast %swap3A_473 : vector<1x16xi32> to vector<16xi32>
        %swap3A_475 = vector.shape_cast %shift_right_logical3A_469 : vector<16xi32> to vector<1x16xi32>
        tpu.vector_store %arg7[%swap3A_471, %swap3A_472], %swap3A_475 {strides = array<i32>} : memref<2x128xi32, #tpu.memory_space<vmem>>, vector<1x16xi32>,
        %get3A_476 = arith.index_cast %add3A_453 : i32 to index
        %get3A_477 = arith.constant 16 : index
        %get3A_478 = tpu.vector_load %arg5[%get3A_476, %get3A_477] {strides = array<i32>} : memref<79x128xi32, #tpu.memory_space<vmem>>, vector<1x16xi32>,
        %get3A_479 = vector.shape_cast %get3A_478 : vector<1x16xi32> to vector<16xi32>
        %and3A_480 = arith.constant 16383 : i32
        %and3A_481 = vector.broadcast %and3A_480 : i32 to vector<16xi32>
        %and3A_482 = arith.andi %get3A_479, %and3A_481 : vector<16xi32>
        %swap3A_483 = arith.constant 1 : i32
        %swap3A_484 = arith.index_cast %swap3A_483 : i32 to index
        %swap3A_485 = arith.constant 16 : index
        %swap3A_486 = tpu.vector_load %arg6[%swap3A_484, %swap3A_485] {strides = array<i32>} : memref<2x128xi32, #tpu.memory_space<vmem>>, vector<1x16xi32>,
        %swap3A_487 = vector.shape_cast %swap3A_486 : vector<1x16xi32> to vector<16xi32>
        %swap3A_488 = vector.shape_cast %and3A_482 : vector<16xi32> to vector<1x16xi32>
        tpu.vector_store %arg6[%swap3A_484, %swap3A_485], %swap3A_488 {strides = array<i32>} : memref<2x128xi32, #tpu.memory_space<vmem>>, vector<1x16xi32>,
        %shift_right_logical3A_489 = arith.constant 14 : i32
        %shift_right_logical3A_490 = vector.broadcast %shift_right_logical3A_489 : i32 to vector<16xi32>
        %shift_right_logical3A_491 = arith.shrui %get3A_479, %shift_right_logical3A_490 : vector<16xi32>
        %swap3A_492 = arith.constant 1 : i32
        %swap3A_493 = arith.index_cast %swap3A_492 : i32 to index
        %swap3A_494 = arith.constant 16 : index
        %swap3A_495 = tpu.vector_load %arg7[%swap3A_493, %swap3A_494] {strides = array<i32>} : memref<2x128xi32, #tpu.memory_space<vmem>>, vector<1x16xi32>,
        %swap3A_496 = vector.shape_cast %swap3A_495 : vector<1x16xi32> to vector<16xi32>
        %swap3A_497 = vector.shape_cast %shift_right_logical3A_491 : vector<16xi32> to vector<1x16xi32>
        tpu.vector_store %arg7[%swap3A_493, %swap3A_494], %swap3A_497 {strides = array<i32>} : memref<2x128xi32, #tpu.memory_space<vmem>>, vector<1x16xi32>,
        %get3A_498 = arith.index_cast %add3A_453 : i32 to index
        %get3A_499 = arith.constant 32 : index
        %get3A_500 = tpu.vector_load %arg5[%get3A_498, %get3A_499] {strides = array<i32>} : memref<79x128xi32, #tpu.memory_space<vmem>>, vector<1x16xi32>,
        %get3A_501 = vector.shape_cast %get3A_500 : vector<1x16xi32> to vector<16xi32>
        %and3A_502 = arith.constant 16383 : i32
        %and3A_503 = vector.broadcast %and3A_502 : i32 to vector<16xi32>
        %and3A_504 = arith.andi %get3A_501, %and3A_503 : vector<16xi32>
        %swap3A_505 = arith.constant 1 : i32
        %swap3A_506 = arith.index_cast %swap3A_505 : i32 to index
        %swap3A_507 = arith.constant 32 : index
        %swap3A_508 = tpu.vector_load %arg6[%swap3A_506, %swap3A_507] {strides = array<i32>} : memref<2x128xi32, #tpu.memory_space<vmem>>, vector<1x16xi32>,
        %swap3A_509 = vector.shape_cast %swap3A_508 : vector<1x16xi32> to vector<16xi32>
        %swap3A_510 = vector.shape_cast %and3A_504 : vector<16xi32> to vector<1x16xi32>
        tpu.vector_store %arg6[%swap3A_506, %swap3A_507], %swap3A_510 {strides = array<i32>} : memref<2x128xi32, #tpu.memory_space<vmem>>, vector<1x16xi32>,
        %shift_right_logical3A_511 = arith.constant 14 : i32
        %shift_right_logical3A_512 = vector.broadcast %shift_right_logical3A_511 : i32 to vector<16xi32>
        %shift_right_logical3A_513 = arith.shrui %get3A_501, %shift_right_logical3A_512 : vector<16xi32>
        %swap3A_514 = arith.constant 1 : i32
        %swap3A_515 = arith.index_cast %swap3A_514 : i32 to index
        %swap3A_516 = arith.constant 32 : index
        %swap3A_517 = tpu.vector_load %arg7[%swap3A_515, %swap3A_516] {strides = array<i32>} : memref<2x128xi32, #tpu.memory_space<vmem>>, vector<1x16xi32>,
        %swap3A_518 = vector.shape_cast %swap3A_517 : vector<1x16xi32> to vector<16xi32>
        %swap3A_519 = vector.shape_cast %shift_right_logical3A_513 : vector<16xi32> to vector<1x16xi32>
        tpu.vector_store %arg7[%swap3A_515, %swap3A_516], %swap3A_519 {strides = array<i32>} : memref<2x128xi32, #tpu.memory_space<vmem>>, vector<1x16xi32>,
        %get3A_520 = arith.index_cast %add3A_453 : i32 to index
        %get3A_521 = arith.constant 48 : index
        %get3A_522 = tpu.vector_load %arg5[%get3A_520, %get3A_521] {strides = array<i32>} : memref<79x128xi32, #tpu.memory_space<vmem>>, vector<1x16xi32>,
        %get3A_523 = vector.shape_cast %get3A_522 : vector<1x16xi32> to vector<16xi32>
        %and3A_524 = arith.constant 16383 : i32
        %and3A_525 = vector.broadcast %and3A_524 : i32 to vector<16xi32>
        %and3A_526 = arith.andi %get3A_523, %and3A_525 : vector<16xi32>
        %swap3A_527 = arith.constant 1 : i32
        %swap3A_528 = arith.index_cast %swap3A_527 : i32 to index
        %swap3A_529 = arith.constant 48 : index
        %swap3A_530 = tpu.vector_load %arg6[%swap3A_528, %swap3A_529] {strides = array<i32>} : memref<2x128xi32, #tpu.memory_space<vmem>>, vector<1x16xi32>,
        %swap3A_531 = vector.shape_cast %swap3A_530 : vector<1x16xi32> to vector<16xi32>
        %swap3A_532 = vector.shape_cast %and3A_526 : vector<16xi32> to vector<1x16xi32>
        tpu.vector_store %arg6[%swap3A_528, %swap3A_529], %swap3A_532 {strides = array<i32>} : memref<2x128xi32, #tpu.memory_space<vmem>>, vector<1x16xi32>,
        %shift_right_logical3A_533 = arith.constant 14 : i32
        %shift_right_logical3A_534 = vector.broadcast %shift_right_logical3A_533 : i32 to vector<16xi32>
        %shift_right_logical3A_535 = arith.shrui %get3A_523, %shift_right_logical3A_534 : vector<16xi32>
        %swap3A_536 = arith.constant 1 : i32
        %swap3A_537 = arith.index_cast %swap3A_536 : i32 to index
        %swap3A_538 = arith.constant 48 : index
        %swap3A_539 = tpu.vector_load %arg7[%swap3A_537, %swap3A_538] {strides = array<i32>} : memref<2x128xi32, #tpu.memory_space<vmem>>, vector<1x16xi32>,
        %swap3A_540 = vector.shape_cast %swap3A_539 : vector<1x16xi32> to vector<16xi32>
        %swap3A_541 = vector.shape_cast %shift_right_logical3A_535 : vector<16xi32> to vector<1x16xi32>
        tpu.vector_store %arg7[%swap3A_537, %swap3A_538], %swap3A_541 {strides = array<i32>} : memref<2x128xi32, #tpu.memory_space<vmem>>, vector<1x16xi32>,
        %get3A_542 = arith.index_cast %add3A_453 : i32 to index
        %get3A_543 = arith.constant 64 : index
        %get3A_544 = tpu.vector_load %arg5[%get3A_542, %get3A_543] {strides = array<i32>} : memref<79x128xi32, #tpu.memory_space<vmem>>, vector<1x16xi32>,
        %get3A_545 = vector.shape_cast %get3A_544 : vector<1x16xi32> to vector<16xi32>
        %and3A_546 = arith.constant 16383 : i32
        %and3A_547 = vector.broadcast %and3A_546 : i32 to vector<16xi32>
        %and3A_548 = arith.andi %get3A_545, %and3A_547 : vector<16xi32>
        %swap3A_549 = arith.constant 1 : i32
        %swap3A_550 = arith.index_cast %swap3A_549 : i32 to index
        %swap3A_551 = arith.constant 64 : index
        %swap3A_552 = tpu.vector_load %arg6[%swap3A_550, %swap3A_551] {strides = array<i32>} : memref<2x128xi32, #tpu.memory_space<vmem>>, vector<1x16xi32>,
        %swap3A_553 = vector.shape_cast %swap3A_552 : vector<1x16xi32> to vector<16xi32>
        %swap3A_554 = vector.shape_cast %and3A_548 : vector<16xi32> to vector<1x16xi32>
        tpu.vector_store %arg6[%swap3A_550, %swap3A_551], %swap3A_554 {strides = array<i32>} : memref<2x128xi32, #tpu.memory_space<vmem>>, vector<1x16xi32>,
        %shift_right_logical3A_555 = arith.constant 14 : i32
        %shift_right_logical3A_556 = vector.broadcast %shift_right_logical3A_555 : i32 to vector<16xi32>
        %shift_right_logical3A_557 = arith.shrui %get3A_545, %shift_right_logical3A_556 : vector<16xi32>
        %swap3A_558 = arith.constant 1 : i32
        %swap3A_559 = arith.index_cast %swap3A_558 : i32 to index
        %swap3A_560 = arith.constant 64 : index
        %swap3A_561 = tpu.vector_load %arg7[%swap3A_559, %swap3A_560] {strides = array<i32>} : memref<2x128xi32, #tpu.memory_space<vmem>>, vector<1x16xi32>,
        %swap3A_562 = vector.shape_cast %swap3A_561 : vector<1x16xi32> to vector<16xi32>
        %swap3A_563 = vector.shape_cast %shift_right_logical3A_557 : vector<16xi32> to vector<1x16xi32>
        tpu.vector_store %arg7[%swap3A_559, %swap3A_560], %swap3A_563 {strides = array<i32>} : memref<2x128xi32, #tpu.memory_space<vmem>>, vector<1x16xi32>,
        %get3A_564 = arith.index_cast %add3A_453 : i32 to index
        %get3A_565 = arith.constant 80 : index
        %get3A_566 = tpu.vector_load %arg5[%get3A_564, %get3A_565] {strides = array<i32>} : memref<79x128xi32, #tpu.memory_space<vmem>>, vector<1x16xi32>,
        %get3A_567 = vector.shape_cast %get3A_566 : vector<1x16xi32> to vector<16xi32>
        %and3A_568 = arith.constant 16383 : i32
        %and3A_569 = vector.broadcast %and3A_568 : i32 to vector<16xi32>
        %and3A_570 = arith.andi %get3A_567, %and3A_569 : vector<16xi32>
        %swap3A_571 = arith.constant 1 : i32
        %swap3A_572 = arith.index_cast %swap3A_571 : i32 to index
        %swap3A_573 = arith.constant 80 : index
        %swap3A_574 = tpu.vector_load %arg6[%swap3A_572, %swap3A_573] {strides = array<i32>} : memref<2x128xi32, #tpu.memory_space<vmem>>, vector<1x16xi32>,
        %swap3A_575 = vector.shape_cast %swap3A_574 : vector<1x16xi32> to vector<16xi32>
        %swap3A_576 = vector.shape_cast %and3A_570 : vector<16xi32> to vector<1x16xi32>
        tpu.vector_store %arg6[%swap3A_572, %swap3A_573], %swap3A_576 {strides = array<i32>} : memref<2x128xi32, #tpu.memory_space<vmem>>, vector<1x16xi32>,
        %shift_right_logical3A_577 = arith.constant 14 : i32
        %shift_right_logical3A_578 = vector.broadcast %shift_right_logical3A_577 : i32 to vector<16xi32>
        %shift_right_logical3A_579 = arith.shrui %get3A_567, %shift_right_logical3A_578 : vector<16xi32>
        %swap3A_580 = arith.constant 1 : i32
        %swap3A_581 = arith.index_cast %swap3A_580 : i32 to index
        %swap3A_582 = arith.constant 80 : index
        %swap3A_583 = tpu.vector_load %arg7[%swap3A_581, %swap3A_582] {strides = array<i32>} : memref<2x128xi32, #tpu.memory_space<vmem>>, vector<1x16xi32>,
        %swap3A_584 = vector.shape_cast %swap3A_583 : vector<1x16xi32> to vector<16xi32>
        %swap3A_585 = vector.shape_cast %shift_right_logical3A_579 : vector<16xi32> to vector<1x16xi32>
        tpu.vector_store %arg7[%swap3A_581, %swap3A_582], %swap3A_585 {strides = array<i32>} : memref<2x128xi32, #tpu.memory_space<vmem>>, vector<1x16xi32>,
        %get3A_586 = arith.index_cast %add3A_453 : i32 to index
        %get3A_587 = arith.constant 96 : index
        %get3A_588 = tpu.vector_load %arg5[%get3A_586, %get3A_587] {strides = array<i32>} : memref<79x128xi32, #tpu.memory_space<vmem>>, vector<1x16xi32>,
        %get3A_589 = vector.shape_cast %get3A_588 : vector<1x16xi32> to vector<16xi32>
        %and3A_590 = arith.constant 16383 : i32
        %and3A_591 = vector.broadcast %and3A_590 : i32 to vector<16xi32>
        %and3A_592 = arith.andi %get3A_589, %and3A_591 : vector<16xi32>
        %swap3A_593 = arith.constant 1 : i32
        %swap3A_594 = arith.index_cast %swap3A_593 : i32 to index
        %swap3A_595 = arith.constant 96 : index
        %swap3A_596 = tpu.vector_load %arg6[%swap3A_594, %swap3A_595] {strides = array<i32>} : memref<2x128xi32, #tpu.memory_space<vmem>>, vector<1x16xi32>,
        %swap3A_597 = vector.shape_cast %swap3A_596 : vector<1x16xi32> to vector<16xi32>
        %swap3A_598 = vector.shape_cast %and3A_592 : vector<16xi32> to vector<1x16xi32>
        tpu.vector_store %arg6[%swap3A_594, %swap3A_595], %swap3A_598 {strides = array<i32>} : memref<2x128xi32, #tpu.memory_space<vmem>>, vector<1x16xi32>,
        %shift_right_logical3A_599 = arith.constant 14 : i32
        %shift_right_logical3A_600 = vector.broadcast %shift_right_logical3A_599 : i32 to vector<16xi32>
        %shift_right_logical3A_601 = arith.shrui %get3A_589, %shift_right_logical3A_600 : vector<16xi32>
        %swap3A_602 = arith.constant 1 : i32
        %swap3A_603 = arith.index_cast %swap3A_602 : i32 to index
        %swap3A_604 = arith.constant 96 : index
        %swap3A_605 = tpu.vector_load %arg7[%swap3A_603, %swap3A_604] {strides = array<i32>} : memref<2x128xi32, #tpu.memory_space<vmem>>, vector<1x16xi32>,
        %swap3A_606 = vector.shape_cast %swap3A_605 : vector<1x16xi32> to vector<16xi32>
        %swap3A_607 = vector.shape_cast %shift_right_logical3A_601 : vector<16xi32> to vector<1x16xi32>
        tpu.vector_store %arg7[%swap3A_603, %swap3A_604], %swap3A_607 {strides = array<i32>} : memref<2x128xi32, #tpu.memory_space<vmem>>, vector<1x16xi32>,
        %get3A_608 = arith.index_cast %add3A_453 : i32 to index
        %get3A_609 = arith.constant 112 : index
        %get3A_610 = tpu.vector_load %arg5[%get3A_608, %get3A_609] {strides = array<i32>} : memref<79x128xi32, #tpu.memory_space<vmem>>, vector<1x16xi32>,
        %get3A_611 = vector.shape_cast %get3A_610 : vector<1x16xi32> to vector<16xi32>
        %and3A_612 = arith.constant 16383 : i32
        %and3A_613 = vector.broadcast %and3A_612 : i32 to vector<16xi32>
        %and3A_614 = arith.andi %get3A_611, %and3A_613 : vector<16xi32>
        %swap3A_615 = arith.constant 1 : i32
        %swap3A_616 = arith.index_cast %swap3A_615 : i32 to index
        %swap3A_617 = arith.constant 112 : index
        %swap3A_618 = tpu.vector_load %arg6[%swap3A_616, %swap3A_617] {strides = array<i32>} : memref<2x128xi32, #tpu.memory_space<vmem>>, vector<1x16xi32>,
        %swap3A_619 = vector.shape_cast %swap3A_618 : vector<1x16xi32> to vector<16xi32>
        %swap3A_620 = vector.shape_cast %and3A_614 : vector<16xi32> to vector<1x16xi32>
        tpu.vector_store %arg6[%swap3A_616, %swap3A_617], %swap3A_620 {strides = array<i32>} : memref<2x128xi32, #tpu.memory_space<vmem>>, vector<1x16xi32>,
        %shift_right_logical3A_621 = arith.constant 14 : i32
        %shift_right_logical3A_622 = vector.broadcast %shift_right_logical3A_621 : i32 to vector<16xi32>
        %shift_right_logical3A_623 = arith.shrui %get3A_611, %shift_right_logical3A_622 : vector<16xi32>
        %swap3A_624 = arith.constant 1 : i32
        %swap3A_625 = arith.index_cast %swap3A_624 : i32 to index
        %swap3A_626 = arith.constant 112 : index
        %swap3A_627 = tpu.vector_load %arg7[%swap3A_625, %swap3A_626] {strides = array<i32>} : memref<2x128xi32, #tpu.memory_space<vmem>>, vector<1x16xi32>,
        %swap3A_628 = vector.shape_cast %swap3A_627 : vector<1x16xi32> to vector<16xi32>
        %swap3A_629 = vector.shape_cast %shift_right_logical3A_623 : vector<16xi32> to vector<1x16xi32>
        tpu.vector_store %arg7[%swap3A_625, %swap3A_626], %swap3A_629 {strides = array<i32>} : memref<2x128xi32, #tpu.memory_space<vmem>>, vector<1x16xi32>,
        %dma_start3A_630 = arith.constant 1 : i32
        %dma_start3A_631 = arith.constant 0 : i32
        %dma_start3A_632 = tpu.memref_slice %arg6[%dma_start3A_630, %dma_start3A_631] : memref<2x128xi32, #tpu.memory_space<vmem>> -> memref<1x128xi32, #tpu.memory_space<vmem>>
        %dma_start3A_633 = tpu.memref_squeeze %dma_start3A_632 : memref<1x128xi32, #tpu.memory_space<vmem>> -> memref<128xi32, #tpu.memory_space<vmem>>
        %dma_start3A_634 = arith.constant 0 : i32
        %dma_start3A_635 = arith.constant 0 : i32
        %dma_start3A_636 = tpu.memref_slice %arg2[%dma_start3A_634, %dma_start3A_635] : memref<10240x128xf32, #tpu.memory_space<hbm>> -> memref<10240x128xf32, #tpu.memory_space<hbm>>
        tpu.enqueue_indirect_dma source(%dma_start3A_636 : memref<10240x128xf32, #tpu.memory_space<hbm>>) target(%arg9 : memref<128x128xf32, #tpu.memory_space<vmem>>) offsets(%dma_start3A_633 : memref<128xi32, #tpu.memory_space<vmem>>) semaphore(%arg12 : memref<!tpu.dma_semaphore, #tpu.memory_space<semaphore_mem>>)
      } else {
      }
    }
    %scan3A_408 = arith.constant 39 : i32
    %dma_wait3A = arith.constant 0 : i32
    %dma_wait3A_409 = arith.constant 0 : i32
    %dma_wait3A_410 = tpu.memref_slice %arg6[%dma_wait3A, %dma_wait3A_409] : memref<2x128xi32, #tpu.memory_space<vmem>> -> memref<1x128xi32, #tpu.memory_space<vmem>>
    %dma_wait3A_411 = tpu.memref_squeeze %dma_wait3A_410 : memref<1x128xi32, #tpu.memory_space<vmem>> -> memref<128xi32, #tpu.memory_space<vmem>>
    %dma_wait3A_412 = arith.constant 0 : i32
    %dma_wait3A_413 = arith.constant 0 : i32
    %dma_wait3A_414 = tpu.memref_slice %arg2[%dma_wait3A_412, %dma_wait3A_413] : memref<10240x128xf32, #tpu.memory_space<hbm>> -> memref<10240x128xf32, #tpu.memory_space<hbm>>
    tpu.wait_indirect_dma semaphore(%arg11 : memref<!tpu.dma_semaphore, #tpu.memory_space<semaphore_mem>>) src(%dma_wait3A_414 : memref<10240x128xf32, #tpu.memory_space<hbm>>) dst(%arg8 : memref<128x128xf32, #tpu.memory_space<vmem>>)
    %run_scoped3A = arith.constant 0 : i32
    "tpu.region"() ({
      %run_scoped3A_418 = tpu.sem_alloc : memref<!tpu.dma_semaphore, #tpu.memory_space<semaphore_mem>>
      %dma_start3A_419 = arith.constant 0 : i32
      %dma_start3A_420 = tpu.memref_slice %arg7[%run_scoped3A, %dma_start3A_419] : memref<2x128xi32, #tpu.memory_space<vmem>> -> memref<1x128xi32, #tpu.memory_space<vmem>>
      %dma_start3A_421 = tpu.memref_squeeze %dma_start3A_420 : memref<1x128xi32, #tpu.memory_space<vmem>> -> memref<128xi32, #tpu.memory_space<vmem>>
      %dma_start3A_422 = arith.constant 0 : i32
      %dma_start3A_423 = arith.constant 0 : i32
      %dma_start3A_424 = tpu.memref_slice %arg10[%dma_start3A_422, %dma_start3A_423] : memref<10240x128xf32, #tpu.memory_space<vmem_shared>> -> memref<10240x128xf32, #tpu.memory_space<vmem_shared>>
      tpu.enqueue_indirect_dma source(%arg8 : memref<128x128xf32, #tpu.memory_space<vmem>>) target(%dma_start3A_424 : memref<10240x128xf32, #tpu.memory_space<vmem_shared>>) offsets(%dma_start3A_421 : memref<128xi32, #tpu.memory_space<vmem>>) semaphore(%run_scoped3A_418 : memref<!tpu.dma_semaphore, #tpu.memory_space<semaphore_mem>>) {add = true}
      %dma_wait3A_425 = arith.constant 0 : i32
      %dma_wait3A_426 = tpu.memref_slice %arg7[%run_scoped3A, %dma_wait3A_425] : memref<2x128xi32, #tpu.memory_space<vmem>> -> memref<1x128xi32, #tpu.memory_space<vmem>>
      %dma_wait3A_427 = tpu.memref_squeeze %dma_wait3A_426 : memref<1x128xi32, #tpu.memory_space<vmem>> -> memref<128xi32, #tpu.memory_space<vmem>>
      %dma_wait3A_428 = arith.constant 0 : i32
      %dma_wait3A_429 = arith.constant 0 : i32
      %dma_wait3A_430 = tpu.memref_slice %arg10[%dma_wait3A_428, %dma_wait3A_429] : memref<10240x128xf32, #tpu.memory_space<vmem_shared>> -> memref<10240x128xf32, #tpu.memory_space<vmem_shared>>
      tpu.wait_indirect_dma semaphore(%run_scoped3A_418 : memref<!tpu.dma_semaphore, #tpu.memory_space<semaphore_mem>>) src(%arg8 : memref<128x128xf32, #tpu.memory_space<vmem>>) dst(%dma_wait3A_430 : memref<10240x128xf32, #tpu.memory_space<vmem_shared>>)
      tpu.yield
    }) : () -> ()
    %barrier3A_415 = arith.constant 0 : index
    tpu.barrier barrier_id(%barrier3A_415)
    %mul3A_416 = arith.constant 640 : i32
    %mul3A_417 = arith.muli %arg1, %mul3A_416 : i32
    "tpu.region"() ({
      %run_scoped3A_418 = tpu.sem_alloc : memref<!tpu.dma_semaphore, #tpu.memory_space<semaphore_mem>>
      %dma_start3A_419 = arith.constant 0 : i32
      %dma_start3A_420 = tpu.memref_slice %arg4[%arg0, %mul3A_417, %dma_start3A_419] : memref<2x10240x128xf32, #tpu.memory_space<hbm>> -> memref<1x640x128xf32, #tpu.memory_space<hbm>>
      %dma_start3A_421 = tpu.memref_squeeze %dma_start3A_420 : memref<1x640x128xf32, #tpu.memory_space<hbm>> -> memref<640x128xf32, #tpu.memory_space<hbm>>
      %dma_start3A_422 = arith.constant 0 : i32
      %dma_start3A_423 = tpu.memref_slice %arg10[%mul3A_417, %dma_start3A_422] : memref<10240x128xf32, #tpu.memory_space<vmem_shared>> -> memref<640x128xf32, #tpu.memory_space<vmem_shared>>
      tpu.enqueue_dma source(%dma_start3A_423 : memref<640x128xf32, #tpu.memory_space<vmem_shared>>) target(%dma_start3A_421 : memref<640x128xf32, #tpu.memory_space<hbm>>) target_semaphore(%run_scoped3A_418 : memref<!tpu.dma_semaphore, #tpu.memory_space<semaphore_mem>>)
      %dma_wait3A_424 = arith.constant 0 : i32
      %dma_wait3A_425 = tpu.memref_slice %arg4[%arg0, %mul3A_417, %dma_wait3A_424] : memref<2x10240x128xf32, #tpu.memory_space<hbm>> -> memref<1x640x128xf32, #tpu.memory_space<hbm>>
      %dma_wait3A_426 = tpu.memref_squeeze %dma_wait3A_425 : memref<1x640x128xf32, #tpu.memory_space<hbm>> -> memref<640x128xf32, #tpu.memory_space<hbm>>
      %dma_wait3A_427 = arith.constant 0 : i32
      %dma_wait3A_428 = tpu.memref_slice %arg10[%mul3A_417, %dma_wait3A_427] : memref<10240x128xf32, #tpu.memory_space<vmem_shared>> -> memref<640x128xf32, #tpu.memory_space<vmem_shared>>
      tpu.wait_dma2 semaphore(%run_scoped3A_418 : memref<!tpu.dma_semaphore, #tpu.memory_space<semaphore_mem>>) src(%dma_wait3A_428 : memref<640x128xf32, #tpu.memory_space<vmem_shared>>) dst(%dma_wait3A_426 : memref<640x128xf32, #tpu.memory_space<hbm>>)
      tpu.yield
    }) : () -> ()
    return
  }
}

module attributes {stable_mosaic.version = 14 : i64} {
  func.func @_tc1_body(%arg0: i32, %arg1: memref<2560x1xf32, #tpu.memory_space<vmem>>, %arg2: memref<2560x1xf32, #tpu.memory_space<vmem>>, %arg3: memref<2560x1xf32, #tpu.memory_space<vmem>>, %arg4: memref<2560x128xf32, #tpu.memory_space<vmem>>, %arg5: memref<128x128xf32, #tpu.memory_space<vmem>>, %arg6: memref<2560x128xf32, #tpu.memory_space<vmem>>, %arg7: memref<2560x1xf32, #tpu.memory_space<vmem>>) attributes {dimension_semantics = [#tpu.dimension_semantics<arbitrary>], iteration_bounds = array<i64: 4>, scalar_prefetch = 0 : i64, scratch_operands = 0 : i64, tpu.core_type = #tpu.core_type<tc>, window_params = [{transform_indices = @transform_0, window_bounds = array<i64: 2560, 1>}, {transform_indices = @transform_1, window_bounds = array<i64: 2560, 1>}, {transform_indices = @transform_2, window_bounds = array<i64: 2560, 1>}, {transform_indices = @transform_3, window_bounds = array<i64: 2560, 128>}, {pipeline_mode = #tpu.pipeline_mode<synchronous>, transform_indices = @transform_4, window_bounds = array<i64: 128, 128>}, {transform_indices = @transform_5, window_bounds = array<i64: 2560, 128>}, {transform_indices = @transform_6, window_bounds = array<i64: 2560, 1>}]} {
    %get3A = arith.constant 0 : index
    %get3A_0 = arith.constant 0 : index
    %get3A_1 = vector.load %arg1[%get3A, %get3A_0] : memref<2560x1xf32, #tpu.memory_space<vmem>>, vector<2560x1xf32>
    %get3A_2 = arith.constant 0 : index
    %get3A_3 = arith.constant 0 : index
    %get3A_4 = vector.load %arg2[%get3A_2, %get3A_3] : memref<2560x1xf32, #tpu.memory_space<vmem>>, vector<2560x1xf32>
    %add3A = arith.addf %get3A_1, %get3A_4 : vector<2560x1xf32>
    %add3A_5 = arith.constant 1.000000e+00 : f32
    %add3A_6 = vector.broadcast %add3A_5 : f32 to vector<2560x1xf32>
    %add3A_7 = arith.addf %add3A, %add3A_6 : vector<2560x1xf32>
    %rsqrt3A = math.rsqrt %add3A_7 : vector<2560x1xf32>
    %get3A_8 = arith.constant 0 : index
    %get3A_9 = arith.constant 0 : index
    %get3A_10 = vector.load %arg3[%get3A_8, %get3A_9] : memref<2560x1xf32, #tpu.memory_space<vmem>>, vector<2560x1xf32>
    %mul3A = arith.mulf %rsqrt3A, %get3A_10 : vector<2560x1xf32>
    %swap3A = arith.constant 0 : index
    %swap3A_11 = arith.constant 0 : index
    %swap3A_12 = vector.load %arg7[%swap3A, %swap3A_11] : memref<2560x1xf32, #tpu.memory_space<vmem>>, vector<2560x1xf32>
    tpu.vector_store %arg7[%swap3A, %swap3A_11], %mul3A {strides = array<i32>} : memref<2560x1xf32, #tpu.memory_space<vmem>>, vector<2560x1xf32>,
    %get3A_13 = arith.constant 0 : index
    %get3A_14 = arith.constant 0 : index
    %get3A_15 = vector.load %arg4[%get3A_13, %get3A_14] : memref<2560x128xf32, #tpu.memory_space<vmem>>, vector<2560x128xf32>
    %get3A_16 = arith.constant 0 : index
    %get3A_17 = arith.constant 0 : index
    %get3A_18 = vector.load %arg5[%get3A_16, %get3A_17] : memref<128x128xf32, #tpu.memory_space<vmem>>, vector<128x128xf32>
    %dot_general3A = arith.constant dense<0.000000e+00> : vector<2560x128xf32>
    %dot_general3A_19 = tpu.matmul %get3A_15, %get3A_18, %dot_general3A {dimension_numbers = #tpu.dot_dimension_numbers<[1], [0], [0], [1], [0, 0, 1, 1], [], []>, transpose_lhs_hint = false} : vector<2560x128xf32>, vector<128x128xf32>, vector<2560x128xf32> -> vector<2560x128xf32>
    %mul3A_20 = vector.broadcast %mul3A : vector<2560x1xf32> to vector<2560x128xf32>
    %mul3A_21 = arith.mulf %dot_general3A_19, %mul3A_20 : vector<2560x128xf32>
    %swap3A_22 = arith.constant 0 : index
    %swap3A_23 = arith.constant 0 : index
    %swap3A_24 = vector.load %arg6[%swap3A_22, %swap3A_23] : memref<2560x128xf32, #tpu.memory_space<vmem>>, vector<2560x128xf32>
    tpu.vector_store %arg6[%swap3A_22, %swap3A_23], %mul3A_21 {strides = array<i32>} : memref<2560x128xf32, #tpu.memory_space<vmem>>, vector<2560x128xf32>,
    return
  }
  func.func @transform_0(%arg0: i32) -> (i32, i32) {
    %c0_i32 = arith.constant 0 : i32
    %c0_i32_0 = arith.constant 0 : i32
    return %arg0, %c0_i32 : i32, i32
  }
  func.func @transform_1(%arg0: i32) -> (i32, i32) {
    %c0_i32 = arith.constant 0 : i32
    %c0_i32_0 = arith.constant 0 : i32
    return %arg0, %c0_i32 : i32, i32
  }
  func.func @transform_2(%arg0: i32) -> (i32, i32) {
    %c0_i32 = arith.constant 0 : i32
    %c0_i32_0 = arith.constant 0 : i32
    return %arg0, %c0_i32 : i32, i32
  }
  func.func @transform_3(%arg0: i32) -> (i32, i32) {
    %c0_i32 = arith.constant 0 : i32
    %c0_i32_0 = arith.constant 0 : i32
    return %arg0, %c0_i32 : i32, i32
  }
  func.func @transform_4(%arg0: i32) -> (i32, i32) {
    %c0_i32 = arith.constant 0 : i32
    %c0_i32_0 = arith.constant 0 : i32
    %c0_i32_1 = arith.constant 0 : i32
    return %c0_i32, %c0_i32_0 : i32, i32
  }
  func.func @transform_5(%arg0: i32) -> (i32, i32) {
    %c0_i32 = arith.constant 0 : i32
    %c0_i32_0 = arith.constant 0 : i32
    return %arg0, %c0_i32 : i32, i32
  }
  func.func @transform_6(%arg0: i32) -> (i32, i32) {
    %c0_i32 = arith.constant 0 : i32
    %c0_i32_0 = arith.constant 0 : i32
    return %arg0, %c0_i32 : i32, i32
  }
}

module attributes {stable_mosaic.version = 14 : i64} {
  func.func @body(%arg0: i32, %arg1: i32, %arg2: memref<2560x128xf32, #tpu.memory_space<vmem>>, %arg3: memref<2560x128xf32, #tpu.memory_space<vmem>>, %arg4: memref<2560x128xf32, #tpu.memory_space<vmem>>, %arg5: memref<2560x1xf32, #tpu.memory_space<vmem>>, %arg6: memref<2560x1xf32, #tpu.memory_space<vmem>>, %arg7: memref<1x128xf32, #tpu.memory_space<vmem>>, %arg8: memref<1x128xf32, #tpu.memory_space<vmem>>, %arg9: memref<1x128xf32, #tpu.memory_space<vmem>>, %arg10: memref<128x128xf32, #tpu.memory_space<vmem>>, %arg11: memref<2560x128xf32, #tpu.memory_space<vmem>>, %arg12: memref<10240x128xf32, #tpu.memory_space<vmem>>, %arg13: memref<2x128xf32, #tpu.memory_space<vmem>>) attributes {dimension_semantics = [#tpu.dimension_semantics<arbitrary>, #tpu.dimension_semantics<arbitrary>], iteration_bounds = array<i64: 2, 4>, scalar_prefetch = 0 : i64, scratch_operands = 2 : i64, tpu.core_type = #tpu.core_type<tc>, window_params = [{transform_indices = @transform_0, window_bounds = array<i64: 2560, 128>}, {transform_indices = @transform_1, window_bounds = array<i64: 2560, 128>}, {transform_indices = @transform_2, window_bounds = array<i64: 2560, 128>}, {transform_indices = @transform_3, window_bounds = array<i64: 2560, 1>}, {transform_indices = @transform_4, window_bounds = array<i64: 2560, 1>}, {pipeline_mode = #tpu.pipeline_mode<synchronous>, transform_indices = @transform_5, window_bounds = array<i64: 1, 128>}, {pipeline_mode = #tpu.pipeline_mode<synchronous>, transform_indices = @transform_6, window_bounds = array<i64: 1, 128>}, {pipeline_mode = #tpu.pipeline_mode<synchronous>, transform_indices = @transform_7, window_bounds = array<i64: 1, 128>}, {pipeline_mode = #tpu.pipeline_mode<synchronous>, transform_indices = @transform_8, window_bounds = array<i64: 128, 128>}, {transform_indices = @transform_9, window_bounds = array<i64: 2560, 128>}]} {
    %eq3A = arith.constant 0 : i32
    %eq3A_0 = arith.cmpi eq, %arg0, %eq3A : i32
    %convert_element_type3A = arith.extui %eq3A_0 : i1 to i32
    %cond3A = arith.constant 0 : i32
    %cond3A_1 = arith.cmpi ne, %convert_element_type3A, %cond3A : i32
    scf.if %cond3A_1 {
      %get3A = arith.constant 0 : index
      %get3A_7 = arith.constant 0 : index
      %get3A_8 = vector.load %arg5[%get3A, %get3A_7] : memref<2560x1xf32, #tpu.memory_space<vmem>>, vector<2560x1xf32>
      %get3A_9 = arith.constant 0 : index
      %get3A_10 = arith.constant 0 : index
      %get3A_11 = vector.load %arg2[%get3A_9, %get3A_10] : memref<2560x128xf32, #tpu.memory_space<vmem>>, vector<2560x128xf32>
      %get3A_12 = arith.constant 0 : index
      %get3A_13 = arith.constant 0 : index
      %get3A_14 = vector.load %arg3[%get3A_12, %get3A_13] : memref<2560x128xf32, #tpu.memory_space<vmem>>, vector<2560x128xf32>
      %add3A = arith.addf %get3A_11, %get3A_14 : vector<2560x128xf32>
      %get3A_15 = arith.constant 0 : index
      %get3A_16 = arith.constant 0 : index
      %get3A_17 = vector.load %arg4[%get3A_15, %get3A_16] : memref<2560x128xf32, #tpu.memory_space<vmem>>, vector<2560x128xf32>
      %add3A_18 = arith.addf %add3A, %get3A_17 : vector<2560x128xf32>
      %mul3A = vector.broadcast %get3A_8 : vector<2560x1xf32> to vector<2560x128xf32>
      %mul3A_19 = arith.mulf %mul3A, %add3A_18 : vector<2560x128xf32>
      %get3A_20 = arith.constant 0 : index
      %get3A_21 = arith.constant 0 : index
      %get3A_22 = vector.load %arg7[%get3A_20, %get3A_21] : memref<1x128xf32, #tpu.memory_space<vmem>>, vector<1x128xf32>
      %add3A_23 = vector.broadcast %get3A_22 : vector<1x128xf32> to vector<2560x128xf32>
      %add3A_24 = arith.addf %mul3A_19, %add3A_23 : vector<2560x128xf32>
      %get3A_25 = arith.constant 0 : index
      %get3A_26 = arith.constant 0 : index
      %get3A_27 = vector.load %arg6[%get3A_25, %get3A_26] : memref<2560x1xf32, #tpu.memory_space<vmem>>, vector<2560x1xf32>
      %mul3A_28 = vector.broadcast %get3A_27 : vector<2560x1xf32> to vector<2560x128xf32>
      %mul3A_29 = arith.mulf %add3A_24, %mul3A_28 : vector<2560x128xf32>
      %mul3A_30 = arith.constant 2560 : i32
      %mul3A_31 = arith.muli %arg1, %mul3A_30 : i32
      %swap3A = arith.index_cast %mul3A_31 : i32 to index
      %swap3A_32 = arith.constant 0 : index
      %swap3A_33 = vector.load %arg12[%swap3A, %swap3A_32] : memref<10240x128xf32, #tpu.memory_space<vmem>>, vector<2560x128xf32>
      tpu.vector_store %arg12[%swap3A, %swap3A_32], %mul3A_29 {strides = array<i32>} : memref<10240x128xf32, #tpu.memory_space<vmem>>, vector<2560x128xf32>,
      %eq3A_34 = arith.constant 0 : i32
      %eq3A_35 = arith.cmpi eq, %arg1, %eq3A_34 : i32
      %convert_element_type3A_36 = arith.extui %eq3A_35 : i1 to i32
      %cond3A_37 = arith.constant 0 : i32
      %cond3A_38 = arith.cmpi ne, %convert_element_type3A_36, %cond3A_37 : i32
      scf.if %cond3A_38 {
        %broadcast_in_dim3A_51 = arith.constant 0.000000e+00 : f32
        %broadcast_in_dim3A_52 = vector.broadcast %broadcast_in_dim3A_51 : f32 to vector<2x128xf32>
        %swap3A_53 = arith.constant 0 : index
        %swap3A_54 = arith.constant 0 : index
        %swap3A_55 = vector.load %arg13[%swap3A_53, %swap3A_54] : memref<2x128xf32, #tpu.memory_space<vmem>>, vector<2x128xf32>
        tpu.vector_store %arg13[%swap3A_53, %swap3A_54], %broadcast_in_dim3A_52 {strides = array<i32>} : memref<2x128xf32, #tpu.memory_space<vmem>>, vector<2x128xf32>,
      } else {
      }
      %reduce_sum3A = arith.constant dense<0.000000e+00> : vector<128xf32>
      %reduce_sum3A_39 = vector.multi_reduction <add>, %mul3A_29, %reduce_sum3A [0] : vector<2560x128xf32> to vector<128xf32>
      %broadcast_in_dim3A = vector.shape_cast %reduce_sum3A_39 : vector<128xf32> to vector<1x128xf32>
      %mul3A_40 = arith.mulf %mul3A_29, %mul3A_29 : vector<2560x128xf32>
      %reduce_sum3A_41 = arith.constant dense<0.000000e+00> : vector<128xf32>
      %reduce_sum3A_42 = vector.multi_reduction <add>, %mul3A_40, %reduce_sum3A_41 [0] : vector<2560x128xf32> to vector<128xf32>
      %broadcast_in_dim3A_43 = vector.shape_cast %reduce_sum3A_42 : vector<128xf32> to vector<1x128xf32>
      %get3A_44 = arith.constant 0 : index
      %get3A_45 = arith.constant 0 : index
      %get3A_46 = vector.load %arg13[%get3A_44, %get3A_45] : memref<2x128xf32, #tpu.memory_space<vmem>>, vector<2x128xf32>
      %concatenate3A = tpu.concatenate %broadcast_in_dim3A, %broadcast_in_dim3A_43 in 0 : vector<1x128xf32>, vector<1x128xf32> -> vector<2x128xf32>
      %add3A_47 = arith.addf %get3A_46, %concatenate3A : vector<2x128xf32>
      %swap3A_48 = arith.constant 0 : index
      %swap3A_49 = arith.constant 0 : index
      %swap3A_50 = vector.load %arg13[%swap3A_48, %swap3A_49] : memref<2x128xf32, #tpu.memory_space<vmem>>, vector<2x128xf32>
      tpu.vector_store %arg13[%swap3A_48, %swap3A_49], %add3A_47 {strides = array<i32>} : memref<2x128xf32, #tpu.memory_space<vmem>>, vector<2x128xf32>,
    } else {
    }
    %eq3A_2 = arith.constant 1 : i32
    %eq3A_3 = arith.cmpi eq, %arg0, %eq3A_2 : i32
    %convert_element_type3A_4 = arith.extui %eq3A_3 : i1 to i32
    %cond3A_5 = arith.constant 0 : i32
    %cond3A_6 = arith.cmpi ne, %convert_element_type3A_4, %cond3A_5 : i32
    scf.if %cond3A_6 {
      %get3A = arith.constant 0 : index
      %get3A_7 = arith.constant 0 : index
      %get3A_8 = vector.load %arg13[%get3A, %get3A_7] : memref<2x128xf32, #tpu.memory_space<vmem>>, vector<2x128xf32>
      %slice3A = vector.extract_strided_slice %get3A_8 {offsets = [0, 0], sizes = [1, 128], strides = [1, 1]} : vector<2x128xf32> to vector<1x128xf32>
      %mul3A = arith.constant 9.99999974E-5 : f32
      %mul3A_9 = vector.broadcast %mul3A : f32 to vector<1x128xf32>
      %mul3A_10 = arith.mulf %slice3A, %mul3A_9 : vector<1x128xf32>
      %slice3A_11 = vector.extract_strided_slice %get3A_8 {offsets = [1, 0], sizes = [1, 128], strides = [1, 1]} : vector<2x128xf32> to vector<1x128xf32>
      %mul3A_12 = arith.constant 9.99999974E-5 : f32
      %mul3A_13 = vector.broadcast %mul3A_12 : f32 to vector<1x128xf32>
      %mul3A_14 = arith.mulf %slice3A_11, %mul3A_13 : vector<1x128xf32>
      %mul3A_15 = arith.mulf %mul3A_10, %mul3A_10 : vector<1x128xf32>
      %sub3A = arith.subf %mul3A_14, %mul3A_15 : vector<1x128xf32>
      %add3A = arith.constant 9.99999974E-6 : f32
      %add3A_16 = vector.broadcast %add3A : f32 to vector<1x128xf32>
      %add3A_17 = arith.addf %sub3A, %add3A_16 : vector<1x128xf32>
      %rsqrt3A = math.rsqrt %add3A_17 : vector<1x128xf32>
      %get3A_18 = arith.constant 0 : index
      %get3A_19 = arith.constant 0 : index
      %get3A_20 = vector.load %arg8[%get3A_18, %get3A_19] : memref<1x128xf32, #tpu.memory_space<vmem>>, vector<1x128xf32>
      %mul3A_21 = arith.mulf %rsqrt3A, %get3A_20 : vector<1x128xf32>
      %mul3A_22 = arith.constant 2560 : i32
      %mul3A_23 = arith.muli %arg1, %mul3A_22 : i32
      %get3A_24 = arith.index_cast %mul3A_23 : i32 to index
      %get3A_25 = arith.constant 0 : index
      %get3A_26 = vector.load %arg12[%get3A_24, %get3A_25] : memref<10240x128xf32, #tpu.memory_space<vmem>>, vector<2560x128xf32>
      %sub3A_27 = vector.broadcast %mul3A_10 : vector<1x128xf32> to vector<2560x128xf32>
      %sub3A_28 = arith.subf %get3A_26, %sub3A_27 : vector<2560x128xf32>
      %mul3A_29 = vector.broadcast %mul3A_21 : vector<1x128xf32> to vector<2560x128xf32>
      %mul3A_30 = arith.mulf %sub3A_28, %mul3A_29 : vector<2560x128xf32>
      %get3A_31 = arith.constant 0 : index
      %get3A_32 = arith.constant 0 : index
      %get3A_33 = vector.load %arg9[%get3A_31, %get3A_32] : memref<1x128xf32, #tpu.memory_space<vmem>>, vector<1x128xf32>
      %add3A_34 = vector.broadcast %get3A_33 : vector<1x128xf32> to vector<2560x128xf32>
      %add3A_35 = arith.addf %mul3A_30, %add3A_34 : vector<2560x128xf32>
      %max3A = arith.constant 0.000000e+00 : f32
      %max3A_36 = vector.broadcast %max3A : f32 to vector<2560x128xf32>
      %max3A_37 = arith.maximumf %add3A_35, %max3A_36 : vector<2560x128xf32>
      %get3A_38 = arith.constant 0 : index
      %get3A_39 = arith.constant 0 : index
      %get3A_40 = vector.load %arg10[%get3A_38, %get3A_39] : memref<128x128xf32, #tpu.memory_space<vmem>>, vector<128x128xf32>
      %dot_general3A = arith.constant dense<0.000000e+00> : vector<2560x128xf32>
      %dot_general3A_41 = tpu.matmul %max3A_37, %get3A_40, %dot_general3A {dimension_numbers = #tpu.dot_dimension_numbers<[1], [0], [0], [1], [0, 0, 1, 1], [], []>, transpose_lhs_hint = false} : vector<2560x128xf32>, vector<128x128xf32>, vector<2560x128xf32> -> vector<2560x128xf32>
      %get3A_42 = arith.constant 0 : index
      %get3A_43 = arith.constant 0 : index
      %get3A_44 = vector.load %arg5[%get3A_42, %get3A_43] : memref<2560x1xf32, #tpu.memory_space<vmem>>, vector<2560x1xf32>
      %mul3A_45 = vector.broadcast %get3A_44 : vector<2560x1xf32> to vector<2560x128xf32>
      %mul3A_46 = arith.mulf %dot_general3A_41, %mul3A_45 : vector<2560x128xf32>
      %swap3A = arith.constant 0 : index
      %swap3A_47 = arith.constant 0 : index
      %swap3A_48 = vector.load %arg11[%swap3A, %swap3A_47] : memref<2560x128xf32, #tpu.memory_space<vmem>>, vector<2560x128xf32>
      tpu.vector_store %arg11[%swap3A, %swap3A_47], %mul3A_46 {strides = array<i32>} : memref<2560x128xf32, #tpu.memory_space<vmem>>, vector<2560x128xf32>,
    } else {
    }
    return
  }
  func.func @transform_0(%arg0: i32, %arg1: i32) -> (i32, i32) {
    %eq3A = arith.constant 0 : i32
    %eq3A_0 = arith.cmpi eq, %arg0, %eq3A : i32
    %jit3A = arith.constant 3 : i32
    %select_n3A = arith.select %eq3A_0, %arg1, %jit3A : i32
    %c0_i32 = arith.constant 0 : i32
    %c0_i32_1 = arith.constant 0 : i32
    return %select_n3A, %c0_i32 : i32, i32
  }
  func.func @transform_1(%arg0: i32, %arg1: i32) -> (i32, i32) {
    %eq3A = arith.constant 0 : i32
    %eq3A_0 = arith.cmpi eq, %arg0, %eq3A : i32
    %jit3A = arith.constant 3 : i32
    %select_n3A = arith.select %eq3A_0, %arg1, %jit3A : i32
    %c0_i32 = arith.constant 0 : i32
    %c0_i32_1 = arith.constant 0 : i32
    return %select_n3A, %c0_i32 : i32, i32
  }
  func.func @transform_2(%arg0: i32, %arg1: i32) -> (i32, i32) {
    %eq3A = arith.constant 0 : i32
    %eq3A_0 = arith.cmpi eq, %arg0, %eq3A : i32
    %jit3A = arith.constant 3 : i32
    %select_n3A = arith.select %eq3A_0, %arg1, %jit3A : i32
    %c0_i32 = arith.constant 0 : i32
    %c0_i32_1 = arith.constant 0 : i32
    return %select_n3A, %c0_i32 : i32, i32
  }
  func.func @transform_3(%arg0: i32, %arg1: i32) -> (i32, i32) {
    %c0_i32 = arith.constant 0 : i32
    %c0_i32_0 = arith.constant 0 : i32
    return %arg1, %c0_i32 : i32, i32
  }
  func.func @transform_4(%arg0: i32, %arg1: i32) -> (i32, i32) {
    %eq3A = arith.constant 0 : i32
    %eq3A_0 = arith.cmpi eq, %arg0, %eq3A : i32
    %jit3A = arith.constant 3 : i32
    %select_n3A = arith.select %eq3A_0, %arg1, %jit3A : i32
    %c0_i32 = arith.constant 0 : i32
    %c0_i32_1 = arith.constant 0 : i32
    return %select_n3A, %c0_i32 : i32, i32
  }
  func.func @transform_5(%arg0: i32, %arg1: i32) -> (i32, i32) {
    %c0_i32 = arith.constant 0 : i32
    %c0_i32_0 = arith.constant 0 : i32
    %c0_i32_1 = arith.constant 0 : i32
    return %c0_i32, %c0_i32_0 : i32, i32
  }
  func.func @transform_6(%arg0: i32, %arg1: i32) -> (i32, i32) {
    %c0_i32 = arith.constant 0 : i32
    %c0_i32_0 = arith.constant 0 : i32
    %c0_i32_1 = arith.constant 0 : i32
    return %c0_i32, %c0_i32_0 : i32, i32
  }
  func.func @transform_7(%arg0: i32, %arg1: i32) -> (i32, i32) {
    %c0_i32 = arith.constant 0 : i32
    %c0_i32_0 = arith.constant 0 : i32
    %c0_i32_1 = arith.constant 0 : i32
    return %c0_i32, %c0_i32_0 : i32, i32
  }
  func.func @transform_8(%arg0: i32, %arg1: i32) -> (i32, i32) {
    %c0_i32 = arith.constant 0 : i32
    %c0_i32_0 = arith.constant 0 : i32
    %c0_i32_1 = arith.constant 0 : i32
    return %c0_i32, %c0_i32_0 : i32, i32
  }
  func.func @transform_9(%arg0: i32, %arg1: i32) -> (i32, i32) {
    %eq3A = arith.constant 0 : i32
    %eq3A_0 = arith.cmpi eq, %arg0, %eq3A : i32
    %jit3A = arith.constant 0 : i32
    %select_n3A = arith.select %eq3A_0, %jit3A, %arg1 : i32
    %c0_i32 = arith.constant 0 : i32
    %c0_i32_1 = arith.constant 0 : i32
    return %select_n3A, %c0_i32 : i32, i32
  }
}

module attributes {stable_mosaic.version = 14 : i64} {
  func.func @body(%arg0: i32, %arg1: i32, %arg2: memref<2560x128xf32, #tpu.memory_space<vmem>>, %arg3: memref<2560x128xf32, #tpu.memory_space<vmem>>, %arg4: memref<2560x128xf32, #tpu.memory_space<vmem>>, %arg5: memref<2560x1xf32, #tpu.memory_space<vmem>>, %arg6: memref<2560x1xf32, #tpu.memory_space<vmem>>, %arg7: memref<1x128xf32, #tpu.memory_space<vmem>>, %arg8: memref<1x128xf32, #tpu.memory_space<vmem>>, %arg9: memref<1x128xf32, #tpu.memory_space<vmem>>, %arg10: memref<128x128xf32, #tpu.memory_space<vmem>>, %arg11: memref<2560x128xf32, #tpu.memory_space<vmem>>, %arg12: memref<10240x128xf32, #tpu.memory_space<vmem>>, %arg13: memref<2x128xf32, #tpu.memory_space<vmem>>) attributes {dimension_semantics = [#tpu.dimension_semantics<arbitrary>, #tpu.dimension_semantics<arbitrary>], iteration_bounds = array<i64: 2, 4>, scalar_prefetch = 0 : i64, scratch_operands = 2 : i64, tpu.core_type = #tpu.core_type<tc>, window_params = [{transform_indices = @transform_0, window_bounds = array<i64: 2560, 128>}, {transform_indices = @transform_1, window_bounds = array<i64: 2560, 128>}, {transform_indices = @transform_2, window_bounds = array<i64: 2560, 128>}, {transform_indices = @transform_3, window_bounds = array<i64: 2560, 1>}, {transform_indices = @transform_4, window_bounds = array<i64: 2560, 1>}, {pipeline_mode = #tpu.pipeline_mode<synchronous>, transform_indices = @transform_5, window_bounds = array<i64: 1, 128>}, {pipeline_mode = #tpu.pipeline_mode<synchronous>, transform_indices = @transform_6, window_bounds = array<i64: 1, 128>}, {pipeline_mode = #tpu.pipeline_mode<synchronous>, transform_indices = @transform_7, window_bounds = array<i64: 1, 128>}, {pipeline_mode = #tpu.pipeline_mode<synchronous>, transform_indices = @transform_8, window_bounds = array<i64: 128, 128>}, {transform_indices = @transform_9, window_bounds = array<i64: 2560, 128>}]} {
    %eq3A = arith.constant 0 : i32
    %eq3A_0 = arith.cmpi eq, %arg0, %eq3A : i32
    %convert_element_type3A = arith.extui %eq3A_0 : i1 to i32
    %cond3A = arith.constant 0 : i32
    %cond3A_1 = arith.cmpi ne, %convert_element_type3A, %cond3A : i32
    scf.if %cond3A_1 {
      %get3A = arith.constant 0 : index
      %get3A_7 = arith.constant 0 : index
      %get3A_8 = vector.load %arg5[%get3A, %get3A_7] : memref<2560x1xf32, #tpu.memory_space<vmem>>, vector<2560x1xf32>
      %get3A_9 = arith.constant 0 : index
      %get3A_10 = arith.constant 0 : index
      %get3A_11 = vector.load %arg2[%get3A_9, %get3A_10] : memref<2560x128xf32, #tpu.memory_space<vmem>>, vector<2560x128xf32>
      %get3A_12 = arith.constant 0 : index
      %get3A_13 = arith.constant 0 : index
      %get3A_14 = vector.load %arg3[%get3A_12, %get3A_13] : memref<2560x128xf32, #tpu.memory_space<vmem>>, vector<2560x128xf32>
      %add3A = arith.addf %get3A_11, %get3A_14 : vector<2560x128xf32>
      %get3A_15 = arith.constant 0 : index
      %get3A_16 = arith.constant 0 : index
      %get3A_17 = vector.load %arg4[%get3A_15, %get3A_16] : memref<2560x128xf32, #tpu.memory_space<vmem>>, vector<2560x128xf32>
      %add3A_18 = arith.addf %add3A, %get3A_17 : vector<2560x128xf32>
      %mul3A = vector.broadcast %get3A_8 : vector<2560x1xf32> to vector<2560x128xf32>
      %mul3A_19 = arith.mulf %mul3A, %add3A_18 : vector<2560x128xf32>
      %get3A_20 = arith.constant 0 : index
      %get3A_21 = arith.constant 0 : index
      %get3A_22 = vector.load %arg7[%get3A_20, %get3A_21] : memref<1x128xf32, #tpu.memory_space<vmem>>, vector<1x128xf32>
      %add3A_23 = vector.broadcast %get3A_22 : vector<1x128xf32> to vector<2560x128xf32>
      %add3A_24 = arith.addf %mul3A_19, %add3A_23 : vector<2560x128xf32>
      %get3A_25 = arith.constant 0 : index
      %get3A_26 = arith.constant 0 : index
      %get3A_27 = vector.load %arg6[%get3A_25, %get3A_26] : memref<2560x1xf32, #tpu.memory_space<vmem>>, vector<2560x1xf32>
      %mul3A_28 = vector.broadcast %get3A_27 : vector<2560x1xf32> to vector<2560x128xf32>
      %mul3A_29 = arith.mulf %add3A_24, %mul3A_28 : vector<2560x128xf32>
      %mul3A_30 = arith.constant 2560 : i32
      %mul3A_31 = arith.muli %arg1, %mul3A_30 : i32
      %swap3A = arith.index_cast %mul3A_31 : i32 to index
      %swap3A_32 = arith.constant 0 : index
      %swap3A_33 = vector.load %arg12[%swap3A, %swap3A_32] : memref<10240x128xf32, #tpu.memory_space<vmem>>, vector<2560x128xf32>
      tpu.vector_store %arg12[%swap3A, %swap3A_32], %mul3A_29 {strides = array<i32>} : memref<10240x128xf32, #tpu.memory_space<vmem>>, vector<2560x128xf32>,
      %eq3A_34 = arith.constant 0 : i32
      %eq3A_35 = arith.cmpi eq, %arg1, %eq3A_34 : i32
      %convert_element_type3A_36 = arith.extui %eq3A_35 : i1 to i32
      %cond3A_37 = arith.constant 0 : i32
      %cond3A_38 = arith.cmpi ne, %convert_element_type3A_36, %cond3A_37 : i32
      scf.if %cond3A_38 {
        %broadcast_in_dim3A_51 = arith.constant 0.000000e+00 : f32
        %broadcast_in_dim3A_52 = vector.broadcast %broadcast_in_dim3A_51 : f32 to vector<2x128xf32>
        %swap3A_53 = arith.constant 0 : index
        %swap3A_54 = arith.constant 0 : index
        %swap3A_55 = vector.load %arg13[%swap3A_53, %swap3A_54] : memref<2x128xf32, #tpu.memory_space<vmem>>, vector<2x128xf32>
        tpu.vector_store %arg13[%swap3A_53, %swap3A_54], %broadcast_in_dim3A_52 {strides = array<i32>} : memref<2x128xf32, #tpu.memory_space<vmem>>, vector<2x128xf32>,
      } else {
      }
      %reduce_sum3A = arith.constant dense<0.000000e+00> : vector<128xf32>
      %reduce_sum3A_39 = vector.multi_reduction <add>, %mul3A_29, %reduce_sum3A [0] : vector<2560x128xf32> to vector<128xf32>
      %broadcast_in_dim3A = vector.shape_cast %reduce_sum3A_39 : vector<128xf32> to vector<1x128xf32>
      %mul3A_40 = arith.mulf %mul3A_29, %mul3A_29 : vector<2560x128xf32>
      %reduce_sum3A_41 = arith.constant dense<0.000000e+00> : vector<128xf32>
      %reduce_sum3A_42 = vector.multi_reduction <add>, %mul3A_40, %reduce_sum3A_41 [0] : vector<2560x128xf32> to vector<128xf32>
      %broadcast_in_dim3A_43 = vector.shape_cast %reduce_sum3A_42 : vector<128xf32> to vector<1x128xf32>
      %get3A_44 = arith.constant 0 : index
      %get3A_45 = arith.constant 0 : index
      %get3A_46 = vector.load %arg13[%get3A_44, %get3A_45] : memref<2x128xf32, #tpu.memory_space<vmem>>, vector<2x128xf32>
      %concatenate3A = tpu.concatenate %broadcast_in_dim3A, %broadcast_in_dim3A_43 in 0 : vector<1x128xf32>, vector<1x128xf32> -> vector<2x128xf32>
      %add3A_47 = arith.addf %get3A_46, %concatenate3A : vector<2x128xf32>
      %swap3A_48 = arith.constant 0 : index
      %swap3A_49 = arith.constant 0 : index
      %swap3A_50 = vector.load %arg13[%swap3A_48, %swap3A_49] : memref<2x128xf32, #tpu.memory_space<vmem>>, vector<2x128xf32>
      tpu.vector_store %arg13[%swap3A_48, %swap3A_49], %add3A_47 {strides = array<i32>} : memref<2x128xf32, #tpu.memory_space<vmem>>, vector<2x128xf32>,
    } else {
    }
    %eq3A_2 = arith.constant 1 : i32
    %eq3A_3 = arith.cmpi eq, %arg0, %eq3A_2 : i32
    %convert_element_type3A_4 = arith.extui %eq3A_3 : i1 to i32
    %cond3A_5 = arith.constant 0 : i32
    %cond3A_6 = arith.cmpi ne, %convert_element_type3A_4, %cond3A_5 : i32
    scf.if %cond3A_6 {
      %get3A = arith.constant 0 : index
      %get3A_7 = arith.constant 0 : index
      %get3A_8 = vector.load %arg13[%get3A, %get3A_7] : memref<2x128xf32, #tpu.memory_space<vmem>>, vector<2x128xf32>
      %slice3A = vector.extract_strided_slice %get3A_8 {offsets = [0, 0], sizes = [1, 128], strides = [1, 1]} : vector<2x128xf32> to vector<1x128xf32>
      %mul3A = arith.constant 9.99999974E-5 : f32
      %mul3A_9 = vector.broadcast %mul3A : f32 to vector<1x128xf32>
      %mul3A_10 = arith.mulf %slice3A, %mul3A_9 : vector<1x128xf32>
      %slice3A_11 = vector.extract_strided_slice %get3A_8 {offsets = [1, 0], sizes = [1, 128], strides = [1, 1]} : vector<2x128xf32> to vector<1x128xf32>
      %mul3A_12 = arith.constant 9.99999974E-5 : f32
      %mul3A_13 = vector.broadcast %mul3A_12 : f32 to vector<1x128xf32>
      %mul3A_14 = arith.mulf %slice3A_11, %mul3A_13 : vector<1x128xf32>
      %mul3A_15 = arith.mulf %mul3A_10, %mul3A_10 : vector<1x128xf32>
      %sub3A = arith.subf %mul3A_14, %mul3A_15 : vector<1x128xf32>
      %add3A = arith.constant 9.99999974E-6 : f32
      %add3A_16 = vector.broadcast %add3A : f32 to vector<1x128xf32>
      %add3A_17 = arith.addf %sub3A, %add3A_16 : vector<1x128xf32>
      %rsqrt3A = math.rsqrt %add3A_17 : vector<1x128xf32>
      %get3A_18 = arith.constant 0 : index
      %get3A_19 = arith.constant 0 : index
      %get3A_20 = vector.load %arg8[%get3A_18, %get3A_19] : memref<1x128xf32, #tpu.memory_space<vmem>>, vector<1x128xf32>
      %mul3A_21 = arith.mulf %rsqrt3A, %get3A_20 : vector<1x128xf32>
      %mul3A_22 = arith.constant 2560 : i32
      %mul3A_23 = arith.muli %arg1, %mul3A_22 : i32
      %get3A_24 = arith.index_cast %mul3A_23 : i32 to index
      %get3A_25 = arith.constant 0 : index
      %get3A_26 = vector.load %arg12[%get3A_24, %get3A_25] : memref<10240x128xf32, #tpu.memory_space<vmem>>, vector<2560x128xf32>
      %sub3A_27 = vector.broadcast %mul3A_10 : vector<1x128xf32> to vector<2560x128xf32>
      %sub3A_28 = arith.subf %get3A_26, %sub3A_27 : vector<2560x128xf32>
      %mul3A_29 = vector.broadcast %mul3A_21 : vector<1x128xf32> to vector<2560x128xf32>
      %mul3A_30 = arith.mulf %sub3A_28, %mul3A_29 : vector<2560x128xf32>
      %get3A_31 = arith.constant 0 : index
      %get3A_32 = arith.constant 0 : index
      %get3A_33 = vector.load %arg9[%get3A_31, %get3A_32] : memref<1x128xf32, #tpu.memory_space<vmem>>, vector<1x128xf32>
      %add3A_34 = vector.broadcast %get3A_33 : vector<1x128xf32> to vector<2560x128xf32>
      %add3A_35 = arith.addf %mul3A_30, %add3A_34 : vector<2560x128xf32>
      %max3A = arith.constant 0.000000e+00 : f32
      %max3A_36 = vector.broadcast %max3A : f32 to vector<2560x128xf32>
      %max3A_37 = arith.maximumf %add3A_35, %max3A_36 : vector<2560x128xf32>
      %get3A_38 = arith.constant 0 : index
      %get3A_39 = arith.constant 0 : index
      %get3A_40 = vector.load %arg5[%get3A_38, %get3A_39] : memref<2560x1xf32, #tpu.memory_space<vmem>>, vector<2560x1xf32>
      %mul3A_41 = vector.broadcast %get3A_40 : vector<2560x1xf32> to vector<2560x128xf32>
      %mul3A_42 = arith.mulf %max3A_37, %mul3A_41 : vector<2560x128xf32>
      %swap3A = arith.constant 0 : index
      %swap3A_43 = arith.constant 0 : index
      %swap3A_44 = vector.load %arg11[%swap3A, %swap3A_43] : memref<2560x128xf32, #tpu.memory_space<vmem>>, vector<2560x128xf32>
      tpu.vector_store %arg11[%swap3A, %swap3A_43], %mul3A_42 {strides = array<i32>} : memref<2560x128xf32, #tpu.memory_space<vmem>>, vector<2560x128xf32>,
    } else {
    }
    return
  }
  func.func @transform_0(%arg0: i32, %arg1: i32) -> (i32, i32) {
    %eq3A = arith.constant 0 : i32
    %eq3A_0 = arith.cmpi eq, %arg0, %eq3A : i32
    %jit3A = arith.constant 3 : i32
    %select_n3A = arith.select %eq3A_0, %arg1, %jit3A : i32
    %c0_i32 = arith.constant 0 : i32
    %c0_i32_1 = arith.constant 0 : i32
    return %select_n3A, %c0_i32 : i32, i32
  }
  func.func @transform_1(%arg0: i32, %arg1: i32) -> (i32, i32) {
    %eq3A = arith.constant 0 : i32
    %eq3A_0 = arith.cmpi eq, %arg0, %eq3A : i32
    %jit3A = arith.constant 3 : i32
    %select_n3A = arith.select %eq3A_0, %arg1, %jit3A : i32
    %c0_i32 = arith.constant 0 : i32
    %c0_i32_1 = arith.constant 0 : i32
    return %select_n3A, %c0_i32 : i32, i32
  }
  func.func @transform_2(%arg0: i32, %arg1: i32) -> (i32, i32) {
    %eq3A = arith.constant 0 : i32
    %eq3A_0 = arith.cmpi eq, %arg0, %eq3A : i32
    %jit3A = arith.constant 3 : i32
    %select_n3A = arith.select %eq3A_0, %arg1, %jit3A : i32
    %c0_i32 = arith.constant 0 : i32
    %c0_i32_1 = arith.constant 0 : i32
    return %select_n3A, %c0_i32 : i32, i32
  }
  func.func @transform_3(%arg0: i32, %arg1: i32) -> (i32, i32) {
    %c0_i32 = arith.constant 0 : i32
    %c0_i32_0 = arith.constant 0 : i32
    return %arg1, %c0_i32 : i32, i32
  }
  func.func @transform_4(%arg0: i32, %arg1: i32) -> (i32, i32) {
    %eq3A = arith.constant 0 : i32
    %eq3A_0 = arith.cmpi eq, %arg0, %eq3A : i32
    %jit3A = arith.constant 3 : i32
    %select_n3A = arith.select %eq3A_0, %arg1, %jit3A : i32
    %c0_i32 = arith.constant 0 : i32
    %c0_i32_1 = arith.constant 0 : i32
    return %select_n3A, %c0_i32 : i32, i32
  }
  func.func @transform_5(%arg0: i32, %arg1: i32) -> (i32, i32) {
    %c0_i32 = arith.constant 0 : i32
    %c0_i32_0 = arith.constant 0 : i32
    %c0_i32_1 = arith.constant 0 : i32
    return %c0_i32, %c0_i32_0 : i32, i32
  }
  func.func @transform_6(%arg0: i32, %arg1: i32) -> (i32, i32) {
    %c0_i32 = arith.constant 0 : i32
    %c0_i32_0 = arith.constant 0 : i32
    %c0_i32_1 = arith.constant 0 : i32
    return %c0_i32, %c0_i32_0 : i32, i32
  }
  func.func @transform_7(%arg0: i32, %arg1: i32) -> (i32, i32) {
    %c0_i32 = arith.constant 0 : i32
    %c0_i32_0 = arith.constant 0 : i32
    %c0_i32_1 = arith.constant 0 : i32
    return %c0_i32, %c0_i32_0 : i32, i32
  }
  func.func @transform_8(%arg0: i32, %arg1: i32) -> (i32, i32) {
    %c0_i32 = arith.constant 0 : i32
    %c0_i32_0 = arith.constant 0 : i32
    %c0_i32_1 = arith.constant 0 : i32
    return %c0_i32, %c0_i32_0 : i32, i32
  }
  func.func @transform_9(%arg0: i32, %arg1: i32) -> (i32, i32) {
    %eq3A = arith.constant 0 : i32
    %eq3A_0 = arith.cmpi eq, %arg0, %eq3A : i32
    %jit3A = arith.constant 0 : i32
    %select_n3A = arith.select %eq3A_0, %jit3A, %arg1 : i32
    %c0_i32 = arith.constant 0 : i32
    %c0_i32_1 = arith.constant 0 : i32
    return %select_n3A, %c0_i32 : i32, i32
  }
}

module attributes {stable_mosaic.version = 14 : i64} {
  func.func @_tc_out_body(%arg0: i32, %arg1: memref<2560x128xf32, #tpu.memory_space<vmem>>, %arg2: memref<2560x128xf32, #tpu.memory_space<vmem>>, %arg3: memref<2560x128xf32, #tpu.memory_space<vmem>>, %arg4: memref<2560x1xf32, #tpu.memory_space<vmem>>, %arg5: memref<128x128xf32, #tpu.memory_space<vmem>>, %arg6: memref<1x128xf32, #tpu.memory_space<vmem>>, %arg7: memref<2560x128xf32, #tpu.memory_space<vmem>>) attributes {dimension_semantics = [#tpu.dimension_semantics<arbitrary>], iteration_bounds = array<i64: 4>, scalar_prefetch = 0 : i64, scratch_operands = 0 : i64, tpu.core_type = #tpu.core_type<tc>, window_params = [{transform_indices = @transform_0, window_bounds = array<i64: 2560, 128>}, {transform_indices = @transform_1, window_bounds = array<i64: 2560, 128>}, {transform_indices = @transform_2, window_bounds = array<i64: 2560, 128>}, {transform_indices = @transform_3, window_bounds = array<i64: 2560, 1>}, {pipeline_mode = #tpu.pipeline_mode<synchronous>, transform_indices = @transform_4, window_bounds = array<i64: 128, 128>}, {pipeline_mode = #tpu.pipeline_mode<synchronous>, transform_indices = @transform_5, window_bounds = array<i64: 1, 128>}, {transform_indices = @transform_6, window_bounds = array<i64: 2560, 128>}]} {
    %get3A = arith.constant 0 : index
    %get3A_0 = arith.constant 0 : index
    %get3A_1 = vector.load %arg4[%get3A, %get3A_0] : memref<2560x1xf32, #tpu.memory_space<vmem>>, vector<2560x1xf32>
    %get3A_2 = arith.constant 0 : index
    %get3A_3 = arith.constant 0 : index
    %get3A_4 = vector.load %arg1[%get3A_2, %get3A_3] : memref<2560x128xf32, #tpu.memory_space<vmem>>, vector<2560x128xf32>
    %get3A_5 = arith.constant 0 : index
    %get3A_6 = arith.constant 0 : index
    %get3A_7 = vector.load %arg2[%get3A_5, %get3A_6] : memref<2560x128xf32, #tpu.memory_space<vmem>>, vector<2560x128xf32>
    %add3A = arith.addf %get3A_4, %get3A_7 : vector<2560x128xf32>
    %get3A_8 = arith.constant 0 : index
    %get3A_9 = arith.constant 0 : index
    %get3A_10 = vector.load %arg3[%get3A_8, %get3A_9] : memref<2560x128xf32, #tpu.memory_space<vmem>>, vector<2560x128xf32>
    %add3A_11 = arith.addf %add3A, %get3A_10 : vector<2560x128xf32>
    %mul3A = vector.broadcast %get3A_1 : vector<2560x1xf32> to vector<2560x128xf32>
    %mul3A_12 = arith.mulf %mul3A, %add3A_11 : vector<2560x128xf32>
    %get3A_13 = arith.constant 0 : index
    %get3A_14 = arith.constant 0 : index
    %get3A_15 = vector.load %arg5[%get3A_13, %get3A_14] : memref<128x128xf32, #tpu.memory_space<vmem>>, vector<128x128xf32>
    %dot_general3A = arith.constant dense<0.000000e+00> : vector<2560x128xf32>
    %dot_general3A_16 = tpu.matmul %mul3A_12, %get3A_15, %dot_general3A {dimension_numbers = #tpu.dot_dimension_numbers<[1], [0], [0], [1], [0, 0, 1, 1], [], []>, transpose_lhs_hint = false} : vector<2560x128xf32>, vector<128x128xf32>, vector<2560x128xf32> -> vector<2560x128xf32>
    %get3A_17 = arith.constant 0 : index
    %get3A_18 = arith.constant 0 : index
    %get3A_19 = vector.load %arg6[%get3A_17, %get3A_18] : memref<1x128xf32, #tpu.memory_space<vmem>>, vector<1x128xf32>
    %add3A_20 = vector.broadcast %get3A_19 : vector<1x128xf32> to vector<2560x128xf32>
    %add3A_21 = arith.addf %dot_general3A_16, %add3A_20 : vector<2560x128xf32>
    %swap3A = arith.constant 0 : index
    %swap3A_22 = arith.constant 0 : index
    %swap3A_23 = vector.load %arg7[%swap3A, %swap3A_22] : memref<2560x128xf32, #tpu.memory_space<vmem>>, vector<2560x128xf32>
    tpu.vector_store %arg7[%swap3A, %swap3A_22], %add3A_21 {strides = array<i32>} : memref<2560x128xf32, #tpu.memory_space<vmem>>, vector<2560x128xf32>,
    return
  }
  func.func @transform_0(%arg0: i32) -> (i32, i32) {
    %c0_i32 = arith.constant 0 : i32
    %c0_i32_0 = arith.constant 0 : i32
    return %arg0, %c0_i32 : i32, i32
  }
  func.func @transform_1(%arg0: i32) -> (i32, i32) {
    %c0_i32 = arith.constant 0 : i32
    %c0_i32_0 = arith.constant 0 : i32
    return %arg0, %c0_i32 : i32, i32
  }
  func.func @transform_2(%arg0: i32) -> (i32, i32) {
    %c0_i32 = arith.constant 0 : i32
    %c0_i32_0 = arith.constant 0 : i32
    return %arg0, %c0_i32 : i32, i32
  }
  func.func @transform_3(%arg0: i32) -> (i32, i32) {
    %c0_i32 = arith.constant 0 : i32
    %c0_i32_0 = arith.constant 0 : i32
    return %arg0, %c0_i32 : i32, i32
  }
  func.func @transform_4(%arg0: i32) -> (i32, i32) {
    %c0_i32 = arith.constant 0 : i32
    %c0_i32_0 = arith.constant 0 : i32
    %c0_i32_1 = arith.constant 0 : i32
    return %c0_i32, %c0_i32_0 : i32, i32
  }
  func.func @transform_5(%arg0: i32) -> (i32, i32) {
    %c0_i32 = arith.constant 0 : i32
    %c0_i32_0 = arith.constant 0 : i32
    %c0_i32_1 = arith.constant 0 : i32
    return %c0_i32, %c0_i32_0 : i32, i32
  }
  func.func @transform_6(%arg0: i32) -> (i32, i32) {
    %c0_i32 = arith.constant 0 : i32
    %c0_i32_0 = arith.constant 0 : i32
    return %arg0, %c0_i32 : i32, i32
  }
}

</mosaic_0001>

<sc_bundles>
// kernel: kernel.10.cloned.1.call-start
scs
__scs_entry_jumppad:
0x0: {  	(pc) =	sbr.rel $0x88, $3  }
0x1: {  	(tag) =	ssettag $0x0;
	lr =	simm.s32 $0x1  }
0x2: {  	[smem:$0x3F95] =	sst lr;
	_ =	strace $0xD0000000  }
0x3: {  	_ = 	snop  }
0x4: {  	_ = 	snop  }
0x5: {  	_ = 	snop  }
0x6: {  	_ = 	snop  }
0x7: {  	_ = 	snop  }
__scs_overlays_trampoline_lowered:
0x8: {  	[smem:$0x3FA4] =	sst s0  }
0x9: {  	[smem:$0x3FA5] =	sst s1  }
0xa: {  	[smem:$0x3FA6] =	sst s2  }
0xb: {  	[smem:$0x3FA7] =	sst s3  }
0xc: {  	[smem:$0x3FA8] =	sst s4  }
0xd: {  	[smem:$0x3FA9] =	sst s5  }
0xe: {  	[smem:$0x3FAA] =	sst s6  }
0xf: {  	[smem:$0x3FAB] =	sst s7  }
0x10: {  	[smem:$0x3FAC] =	sst s8  }
0x11: {  	[smem:$0x3FAD] =	sst s9;
	s0 =	simm.s32 @!p0 $0x0  }
0x12: {  	s1 =	sld [smem:$0x3F93];
	s0 =	simm.s32 @p0 $0x1  }
0x13: {  	[smem:$0x3FAE] =	sst s0;
	s0 =	simm.s32 @!p1 $0x0  }
0x14: {  	s2 =	sld [smem:$0x3F92];
	s0 =	simm.s32 @p1 $0x1  }
0x15: {  	[smem:$0x3FAF] =	sst s0;
	s0 =	simm.s32 @!p2 $0x0  }
0x16: {  	s3 =	sld [smem:$0x3FDB];
	s0 =	simm.s32 @p2 $0x1  }
0x17: {  	s4 =	simm.s32 $0x1BF5;
	[smem:$0x3FB1] =	sst s0  }
0x18: {  	s0 =	sld [smem:$0x3F94];
	_ =	swait.ge [sflag:s4], $0x0  }
0x19: {  	s7 =	sld [smem:$0x3F95]  }
0x1a: {  	s8 =	sadd.s32 $0xFFFFE003, lr  }
0x1b: {  	s9 =	sadd.s32 $0xFFFFFEF7, lr;
	s5 =	simm.s32 $0xFFFFFFFF;
	p2 =	slt.u32 s8, $0xFFFFF086  }
0x1c: {  	p1 =	slt.u32 s9, $0xF7A;
	s5 =	simm.s32 @!p2 $0x0  }
0x1d: {  	s5 =	simm.s32 @p1 $0x1;
	p0 =	seq.s32 s7, s2  }
0x1e: {  	s7 =	smul.u32 @!p0 $0xF7A, s2;
	p2 =	seq.s32 @!p0 s5, $0x0  }
0x1f: {  	s9 =	smul.u32 $0xF7A, s1;
	s8 =	simm.s32 @!p0 $0x1BF5;
	p2 =	por !p2, p0  }
0x20: {  	[sflag:s8] =	ssyncset.s32 @!p0 $0xFFFFF086;
	s6 =	sadd.s32 @!p0 s3, s7;
	s7 =	simm.s32 @!p0 $0x108  }
0x21: {  	s3 =	sadd.s32 s3, s9;
	s6 =	sadd.s32 @!p0 $0x88, s6;
	s7 =	simm.s32 @p2 $0x1082  }
0x22: {  	[simem:s7], [sflag:s8] =	dma.local @!p0 [hbm:s6], $0xF7A  }
0x23: {  	s9 =	sor.u32 $0xD0000000, s2;
	s6 =	simm.s32 $0x108;
	_ =	swait.ge @!p0 [sflag:s8], $0x0  }
0x24: {  	s3 =	sadd.s32 $0x88, s3;
	s6 =	simm.s32 @!p1 $0x1082;
	[sflag:s4] =	ssyncset.s32 $0xFFFFF086  }
0x25: {  	[simem:s6], [sflag:s4] =	dma.local [hbm:s3], $0xF7A  }
0x26: {  	[smem:$0x3F95] =	sst s1;
	(tag) =	ssettag s2;
	_ =	strace s9  }
0x27: {  	s1 =	sld [smem:$0x3FA5]  }
0x28: {  	s2 =	sld [smem:$0x3FA6]  }
0x29: {  	s4 =	sld [smem:$0x3FA8]  }
0x2a: {  	p0 =	seq.s32 s5, $0x0;
	s5 =	sld [smem:$0x3FA9]  }
0x2b: {  	s6 =	sld [smem:$0x3FAA]  }
0x2c: {  	s7 =	sld [smem:$0x3FAB]  }
0x2d: {  	s3 =	simm.s32 $0x108;
	s8 =	sld [smem:$0x3FAC]  }
0x2e: {  	s3 =	simm.s32 @!p0 $0x1082;
	s9 =	sld [smem:$0x3FAD]  }
0x2f: {  	lr =	sadd.s32 s0, s3;
	s0 =	sld [smem:$0x3FA4]  }
0x30: {  	s3 =	sld [smem:$0x3FA7]  }
0x31: {  	[smem:$0x3FB0] =	sst s10  }
0x32: {  	s10 =	sld [smem:$0x3FAE];
	_ =	sdelay $0x3  }
0x33: {  	p0 =	seq.s32 s10, $0x1;
	s10 =	sld [smem:$0x3FB0];
	_ =	sdelay $0x3  }
0x34: {  	[smem:$0x3FB0] =	sst s10  }
0x35: {  	s10 =	sld [smem:$0x3FAF];
	_ =	sdelay $0x3  }
0x36: {  	p1 =	seq.s32 s10, $0x1;
	s10 =	sld [smem:$0x3FB0];
	_ =	sdelay $0x3  }
0x37: {  	[smem:$0x3FB0] =	sst s10  }
0x38: {  	s10 =	sld [smem:$0x3FB1]  }
0x39: {  	_ = 	snop;
	(pc) =	sbr.ind lr, $3  }
0x3a: {  	_ = 	snop  }
0x3b: {  	_ = 	snop  }
0x3c: {  	p2 =	seq.s32 s10, $0x1;
	s10 =	sld [smem:$0x3FB0]  }
0x3d: {  	_ =	shalt  }
0x3e: {  	_ =	shalt  }
0x3f: {  	_ =	shalt  }
0x40: {  	_ =	shalt  }
0x41: {  	_ =	shalt  }
0x42: {  	_ =	shalt  }
0x43: {  	_ =	shalt  }
0x44: {  	_ =	shalt  }
0x45: {  	_ =	shalt  }
0x46: {  	_ =	shalt  }
0x47: {  	_ =	shalt  }
0x48: {  	_ =	shalt  }
0x49: {  	_ =	shalt  }
0x4a: {  	_ =	shalt  }
0x4b: {  	_ =	shalt  }
0x4c: {  	_ =	shalt  }
0x4d: {  	_ =	shalt  }
0x4e: {  	_ =	shalt  }
0x4f: {  	_ =	shalt  }
0x50: {  	_ =	shalt  }
0x51: {  	_ =	shalt  }
0x52: {  	_ =	shalt  }
0x53: {  	_ =	shalt  }
0x54: {  	_ =	shalt  }
0x55: {  	_ =	shalt  }
0x56: {  	_ =	shalt  }
0x57: {  	_ =	shalt  }
0x58: {  	_ =	shalt  }
0x59: {  	_ =	shalt  }
0x5a: {  	_ =	shalt  }
0x5b: {  	_ =	shalt  }
0x5c: {  	_ =	shalt  }
0x5d: {  	_ =	shalt  }
0x5e: {  	_ =	shalt  }
0x5f: {  	_ =	shalt  }
0x60: {  	_ =	shalt  }
0x61: {  	_ =	shalt  }
0x62: {  	_ =	shalt  }
0x63: {  	_ =	shalt  }
0x64: {  	_ =	shalt  }
0x65: {  	_ =	shalt  }
0x66: {  	_ =	shalt  }
0x67: {  	_ =	shalt  }
0x68: {  	_ =	shalt  }
0x69: {  	_ =	shalt  }
0x6a: {  	_ =	shalt  }
0x6b: {  	_ =	shalt  }
0x6c: {  	_ =	shalt  }
0x6d: {  	_ =	shalt  }
0x6e: {  	_ =	shalt  }
0x6f: {  	_ =	shalt  }
0x70: {  	_ =	shalt  }
0x71: {  	_ =	shalt  }
0x72: {  	_ =	shalt  }
0x73: {  	_ =	shalt  }
0x74: {  	_ =	shalt  }
0x75: {  	_ =	shalt  }
0x76: {  	_ =	shalt  }
0x77: {  	_ =	shalt  }
0x78: {  	_ =	shalt  }
0x79: {  	_ =	shalt  }
0x7a: {  	_ =	shalt  }
0x7b: {  	_ =	shalt  }
0x7c: {  	_ =	shalt  }
0x7d: {  	_ =	shalt  }
0x7e: {  	_ =	shalt  }
0x7f: {  	_ =	shalt  }
0x80: {  	_ =	shalt  }
0x81: {  	_ =	shalt  }
0x82: {  	_ =	shalt  }
0x83: {  	_ =	shalt  }
0x84: {  	_ =	shalt  }
0x85: {  	_ =	shalt  }
0x86: {  	_ =	shalt  }
0x87: {  	_ =	shalt  }
.Lfunc_end0:
.L_simem_size_0:
called_computation_lowered:
.L_overlay_start_0:
0x88: {  	s2 =	sld [smem:$0x3FD9]  }
0x89: {  	s3 =	sld [smem:$0x3FFE];
	_ =	sdelay $0x1  }
0x8a: {  	s1 =	srdreg.scid  }
0x8b: {  	s0 =	sand.u32 $0x1, s1  }
0x8c: {  	s17 =	sshll.u32 s0, $0xA;
	s2 =	sadd.s32 s3, s2  }
0x8d: {  	s2 =	sadd.s32 s2, s17  }
0x8e: {  	[smem:$0x3FBC] =	sst s2  }
0x8f: {  	_ = 	snop  }
0x90: {  	s2 =	sld [smem:$0x3FD0];
	(tm) =	ssettm $0x1  }
0x91: {  	s18 =	sld [smem:$0x3FFB];
	_ =	sdelay $0x3  }
0x92: {  	_ =	strace s18  }
0x93: {  	s3 =	sld [smem:$0x3FFC];
	_ =	sdelay $0x3  }
0x94: {  	_ =	strace s3  }
0x95: {  	s3 =	sld [smem:$0x3FFD];
	_ =	sdelay $0x3  }
0x96: {  	_ =	strace s3  }
0x97: {  	_ =	strace $0x8FFFFFFF  }
0x98: {  	s19 =	sld [smem:$0x3FDB];
	_ =	sdelay $0x1  }
0x99: {  	s4 =	simm.s32 $_scs_section_size  }
0x9a: {  	s5 =	simm.s32 $_size__tile_overlayer_lowered;
	s6 =	simm.s32 $_tile_overlayer_lowered  }
0x9b: {  	s22 =	simm.s32 $0x1BFF;
	s21 =	sshll.u32 s6, $0x1;
	s3 =	sadd.s32 s4, s19  }
0x9c: {  	s7 =	simm.s32 $0x0;
	s20 =	sshll.u32 s5, $0x1;
	s5 =	sadd.s32 s21, s3  }
0x9d: {  	[timem:s7], [sflag:s22] =	dma.local [hbm:s5], s20  }
0x9e: {  	_ =	swait.ge [sflag:s22], s20  }
0x9f: {  	s4 =	ssub.s32 $0x0, s20;
	[sflag:s22] =	ssyncset.done $0x0  }
0xa0: {  	[sflag:s22] =	ssyncadd.s32 s4;
	_ =	sdelay $0x1  }
0xa1: {  	s23 =	simm.s32 $0x1B8B  }
0xa2: {  	_ =	swait.ge [sflag:s23], $0x1  }
0xa3: {  	[sflag:s23] =	ssyncset.done $0x0  }
0xa4: {  	s25 =	simm.s32 $0x1B8E;
	s24 =	sld [smem:$0x3FFE];
	[sflag:s23] =	ssyncadd.s32 $0xFFFFFFFF  }
0xa5: {  	s26 =	simm.s32 $execute0_lowered;
	[smem:$0x3FD2] =	sst s25  }
0xa6: {  	s5 =	sshll.u32 s26, $0x1;
	_ =	strace $0x80000046;
	[dreg:$0x1] =	wrdreg $0xFFFFFFFF  }
0xa7: {  	s28 =	simm.s32 $_size_execute0_lowered;
	s3 =	sadd.s32 s3, s5;
	[dreg:$0x0] =	wrdreg $0x0  }
0xa8: {  	s5 =	sshll.u32 s28, $0x1;
	[dreg:$0x2] =	wrdreg s3  }
0xa9: {  	[dreg:$0x3] =	wrdreg s5  }
0xaa: {  	[dreg:$0x4] =	wrdreg $0xC0  }
0xab: {  	_ =	task [dreg:s7], $0x5FFFF  }
0xac: {  	[dreg:$0x1] =	wrdreg $0xFFFFFFFF  }
0xad: {  	[dreg:$0x0] =	wrdreg $0x60  }
0xae: {  	[dreg:$0x2] =	wrdreg s2  }
0xaf: {  	[dreg:$0x3] =	wrdreg s24  }
0xb0: {  	[dreg:$0x4] =	wrdreg $0x2B000  }
0xb1: {  	[dreg:$0x5] =	wrdreg $0x9  }
0xb2: {  	_ =	task.clear_ibuf [dreg:s7], $0x6FFFF;
	_ =	strace $0x90000046  }
0xb3: {  	s29 =	simm.s32 $0x9;
	_ =	strace $0x80000048  }
0xb4: {  	_ =	swait.ge [sflag:s29], $0x1  }
0xb5: {  	[sflag:s29] =	ssyncadd.s32 $0xFFFFFFFF  }
0xb6: {  	_ =	strace $0x90000048  }
0xb7: {  	_ =	sfence  }
0xb8: {  	s30 =	sld [smem:$0x0];
	_ =	sdelay $0x2  }
0xb9: {  	s31 =	sshll.u32 s1, $0xD;
	s1 =	sshrl.u32 s1, $0x2  }
0xba: {  	s3 =	sand.u32 $0x4000, s31;
	s1 =	sadd.s32 s1, s30  }
0xbb: {  	s0 =	sor.u32 s3, s0;
	s1 =	sshll.u32 s1, $0x11  }
0xbc: {  	s0 =	sor.u32 s1, s0  }
0xbd: {  	s0 =	sadd.s32 $0x8F2B, s0  }
0xbe: {  	[sflag:s0] =	ssyncadd.remote.s32 $0x1  }
0xbf: {  	_ =	sfence.sel $0xFFFF  }
0xc0: {  	[dreg:$0x0] =	wrdreg $0xFFFFFFFF;
	(pc) =	sbr.abs _section_cstart, $3  }
0xc1: {  	[dreg:$0x1] =	wrdreg $0xFFFFFFFF  }
0xc2: {  	_ =	task.clear_ibuf [dreg:s7], $0x2FFFF;
	_ =	strace $0x9FFFFFFF  }
0xc3: {  	(tm) =	ssettm $0x7FFFFFFF  }
tec
execute0_lowered:
.L_overlay_start_1:
0x0: {  	(tag) =	ssettag $0x1  }
0x1: {  	s4 =	rddreg [dreg:$0x0]  }
0x2: {  	s5 =	rddreg [dreg:$0x1]  }
0x3: {  	s2 =	rddreg [dreg:$0x2]  }
0x4: {  	s0 =	rddreg [dreg:$0x3]  }
0x5: {  	s3 =	simm.s32 $0x0;
	s6 =	srdreg.scid;
	s1 =	stileid.u32  }
0x6: {  	s11 =	simm.s32 $0x2800;
	s14 =	simm.s32 $0x20;
	s15 =	simm.s32 $0x10  }
0x7: {  	s16 =	simm.s32 $0x0;
	[smem:$0x7FF] =	sst s3;
	s7 =	smul.u32 $0x500, s1  }
0x8: {  	s6 =	sand.u32 $0x1, s6;
	s30 =	smul.u32 $0xA00, s1;
	s12 =	sshll.u32 s1, $0x6  }
0x9: {  	_ =	strace $0x80000047;
	s8 =	sshll.u32 s6, $0x7;
	s9 =	sshll.u32 s6, $0x4  }
0xa: {  	s6 =	ssub.s32 $0x2, s6;
	s12 =	sor.u32 $0x1C01, s12;
	s7 =	sor.u32 s8, s7  }
0xb: {  	s29 =	sor.u32 s1, s9;
	s31 =	sshrl.u32 s6, $0x1;
	s9 =	sshrl.u32 s30, $0x2  }
0xc: {  	s7 =	sshrl.u32 s7, $0x3;
	s8 =	smul.u32 $0x500, s29;
	s10 =	ssub.s32 s6, s31  }
0xd: {  	s7 =	sadd.s32 s7, s5;
	s5 =	sadd.s32 s9, s2;
	s9 =	simm.s32 $0x2880  }
0xe: {  	s4 =	sadd.s32 s4, s8;
	s6 =	sadd.s32 $0x5200, s7;
	s7 =	smax.u32 s10, $0x1  }
0xf: {  	v0 =	vimm.f32 $1.000000000e+00;
	v1 =	vimm.f32 $0.0e+00;
	s8 =	simm.s32 $0x1;
	s10 =	simm.s32 $0x80;
	s13 =	sshrl.u32 s5, $0x3  }
.LBB2_1:
0x10: {  	[tilespmem:s3], [sflag:$0x1] =	stream.linear.gather [hbm4b:s4+s3], $0x2780, $0x38;
	[tilespmem:$0x2D80] =	vst v63  }
0x11: {  	_ =	swait.ge [sflag:s8], $0x2780  }
0x12: {  	[sflag:s8] =	ssyncset.done $0x0  }
0x13: {  	[sflag:s8] =	ssyncadd.s32 $0xFFFFD880  }
0x14: {  	[tilespmem:$0x2800] =	vst v0  }
0x15: {  	[tilespmem:$0x2810] =	vst v0  }
0x16: {  	[tilespmem:$0x2820] =	vst v0  }
0x17: {  	[tilespmem:$0x2830] =	vst v0  }
0x18: {  	[tilespmem:$0x2840] =	vst v0  }
0x19: {  	[tilespmem:$0x2850] =	vst v0  }
0x1a: {  	[tilespmem:$0x2860] =	vst v0  }
0x1b: {  	[tilespmem:$0x2870] =	vst v0  }
0x1c: {  	[tilespmem:$0x2880] =	vst v1  }
0x1d: {  	[tilespmem:$0x2890] =	vst v1  }
0x1e: {  	[tilespmem:$0x28A0] =	vst v1  }
0x1f: {  	[tilespmem:$0x28B0] =	vst v1  }
0x20: {  	[tilespmem:$0x28C0] =	vst v1  }
0x21: {  	[tilespmem:$0x28D0] =	vst v1  }
0x22: {  	[tilespmem:$0x28E0] =	vst v1  }
0x23: {  	[tilespmem:$0x28F0] =	vst v1  }
0x24: {  	[tilespmem:$0x2900] =	vst v1  }
0x25: {  	[tilespmem:$0x2910] =	vst v1  }
0x26: {  	[tilespmem:$0x2920] =	vst v1  }
0x27: {  	[tilespmem:$0x2930] =	vst v1  }
0x28: {  	[tilespmem:$0x2940] =	vst v1  }
0x29: {  	[tilespmem:$0x2950] =	vst v1  }
0x2a: {  	[tilespmem:$0x2960] =	vst v1  }
0x2b: {  	[tilespmem:$0x2970] =	vst v1  }
0x2c: {  	[tilespmem:$0x2980] =	vst v1  }
0x2d: {  	[tilespmem:$0x2990] =	vst v1  }
0x2e: {  	[tilespmem:$0x29A0] =	vst v1  }
0x2f: {  	[tilespmem:$0x29B0] =	vst v1  }
0x30: {  	[tilespmem:$0x29C0] =	vst v1  }
0x31: {  	[tilespmem:$0x29D0] =	vst v1  }
0x32: {  	[tilespmem:$0x29E0] =	vst v1  }
0x33: {  	[tilespmem:$0x29F0] =	vst v1  }
0x34: {  	[tilespmem:$0x2A00] =	vst v1  }
0x35: {  	[tilespmem:$0x2A10] =	vst v1  }
0x36: {  	[tilespmem:$0x2A20] =	vst v1  }
0x37: {  	[tilespmem:$0x2A30] =	vst v1  }
0x38: {  	[tilespmem:$0x2A40] =	vst v1  }
0x39: {  	[tilespmem:$0x2A50] =	vst v1  }
0x3a: {  	[tilespmem:$0x2A60] =	vst v1  }
0x3b: {  	[tilespmem:$0x2A70] =	vst v1  }
0x3c: {  	[tilespmem:$0x2A80] =	vst v1  }
0x3d: {  	[tilespmem:$0x2A90] =	vst v1  }
0x3e: {  	[tilespmem:$0x2AA0] =	vst v1  }
0x3f: {  	[tilespmem:$0x2AB0] =	vst v1  }
0x40: {  	[tilespmem:$0x2AC0] =	vst v1  }
0x41: {  	[tilespmem:$0x2AD0] =	vst v1  }
0x42: {  	[tilespmem:$0x2AE0] =	vst v1  }
0x43: {  	[tilespmem:$0x2AF0] =	vst v1  }
0x44: {  	[spmem:s5] =	stream.linear.scatter [tilespmem:s9], [sflag:$0x1], $0x280, $0x38;
	[tilespmem:$0x2D80] =	vst v63  }
0x45: {  	_ =	swait.ge [sflag:s8], $0x280  }
0x46: {  	[sflag:s8] =	ssyncset.done $0x0  }
0x47: {  	[sflag:s8] =	ssyncadd.s32 $0xFFFFFD80  }
0x48: {  	s17 =	simm.s32 $0x0;
	[bflag:$0x0] =	sbarrier.arrive $0xFFFF  }
0x49: {  	[spmem:s2] =	stream.indirect.scatter.add.f32 [tilespmem:s11], [sflag:$0x1], $0x1, s17, s10, $0xb8;
	[tilespmem:$0x2D80] =	vst v63  }
0x4a: {  	_ =	swait.ge [sflag:s8], $0x80  }
0x4b: {  	s17 =	simm.s32 $0x200;
	[sflag:s8] =	ssyncset.done $0x0  }
.LBB2_2:
0x4c: {  	s18 =	sshra.s32 s17, $0x2;
	[sflag:s8] =	ssyncadd.s32 $0xFFFFFF80;
	p0 =	sne.s32 s17, $0x9C00  }
0x4d: {  	[spmem:s2] =	stream.indirect.scatter.add.f32 [tilespmem:s11], [sflag:$0x1], $0x1, s18, s10, $0xb8;
	[tilespmem:$0x2D80] =	vst v63  }
.Ltmp0:
0x4e: {  	_ = 	snop;
	(pc) =	sbr.rel @p0 .LBB2_2-.Ltmp0, $4  }
0x4f: {  	_ = 	snop  }
0x50: {  	s17 =	sadd.s32 $0x200, s17  }
0x51: {  	_ =	swait.ge [sflag:s8], $0x80  }
0x52: {  	[sflag:s8] =	ssyncset.done $0x0  }
0x53: {  	s16 =	sadd.s32 $0x1, s16  }
0x54: {  	[sflag:s8] =	ssyncadd.s32 $0xFFFFFF80;
	p0 =	sne.s32 s16, s7  }
.Ltmp1:
0x55: {  	[bflag:$0x0] =	sbarrier.arrive $0xFFFF;
	(pc) =	sbr.rel @p0 .LBB2_1-.Ltmp1, $4  }
0x56: {  	[hbm:s6@s14], [sflag:s12] =	dma.strided [spmem:s13@s15], $0x50, s8, $0x10   }
0x57: {  	_ =	swait.ge [sflag:s8], $0x50  }
0x58: {  	[sflag:s8] =	ssyncset.done $0x0  }
0x59: {  	[sflag:s8] =	ssyncadd.s32 $0xFFFFFFB0  }
0x5a: {  	_ =	sfence.sel $0x180000  }
0x5b: {  	[bflag:$0x0] =	sbarrier.arrive $0xFFFF  }
0x5c: {  	p0 =	sne.s32 s1, $0x0;
	_ =	strace $0x90000047  }
0x5d: {  	s0 =	sadd.s32 @!p0 $0x100000, s0;
	[bflag:$0x2] =	sbarrier.arrive $0xFFFF  }
0x5e: {  	[sflag:s0] =	ssyncadd.tile.s32 @!p0 $0x1;
	_ =	shalt  }
.Lfunc_end2:
_tile_overlayer_lowered:
.L_overlay_start_2:
0x5f: {  	(tag) =	ssettag $0x2  }
0x60: {  	s0 =	rddreg [dreg:$0x0];
	s2 =	stileid.u32  }
0x61: {  	s1 =	rddreg [dreg:$0x1];
	p0 =	sne.s32 s2, $0x0  }
0x62: {  	s3 =	rddreg [dreg:$0x2];
	[bflag:$0x3] =	sbarrier.arrive $0xFFFF;
	s2 =	simm.s32 @!p0 $0x1C01  }
0x63: {  	[timem:s3], [sflag:s2] =	dma.local @!p0 [hbm:s0], s1  }
0x64: {  	s0 =	simm.s32 @!p0 $0x1  }
0x65: {  	_ =	swait.ge @!p0 [sflag:s0], s1  }
0x66: {  	s1 =	ssub.s32 @!p0 $0x0, s1;
	[sflag:s0] =	ssyncset.done @!p0 $0x0  }
0x67: {  	[sflag:s0] =	ssyncadd.s32 @!p0 s1  }
0x68: {  	[bflag:$0x3] =	sbarrier.arrive $0xFFFF  }
0x69: {  	_ =	shalt  }

// kernel: kernel.13.cloned.1.call-start
scs
__scs_entry_jumppad:
0x0: {  	(pc) =	sbr.rel $0x88, $3  }
0x1: {  	(tag) =	ssettag $0x0;
	lr =	simm.s32 $0x1  }
0x2: {  	[smem:$0x3F95] =	sst lr;
	_ =	strace $0xD0000000  }
0x3: {  	_ = 	snop  }
0x4: {  	_ = 	snop  }
0x5: {  	_ = 	snop  }
0x6: {  	_ = 	snop  }
0x7: {  	_ = 	snop  }
__scs_overlays_trampoline_lowered:
0x8: {  	[smem:$0x3FA4] =	sst s0  }
0x9: {  	[smem:$0x3FA5] =	sst s1  }
0xa: {  	[smem:$0x3FA6] =	sst s2  }
0xb: {  	[smem:$0x3FA7] =	sst s3  }
0xc: {  	[smem:$0x3FA8] =	sst s4  }
0xd: {  	[smem:$0x3FA9] =	sst s5  }
0xe: {  	[smem:$0x3FAA] =	sst s6  }
0xf: {  	[smem:$0x3FAB] =	sst s7  }
0x10: {  	[smem:$0x3FAC] =	sst s8  }
0x11: {  	[smem:$0x3FAD] =	sst s9;
	s0 =	simm.s32 @!p0 $0x0  }
0x12: {  	s1 =	sld [smem:$0x3F93];
	s0 =	simm.s32 @p0 $0x1  }
0x13: {  	[smem:$0x3FAE] =	sst s0;
	s0 =	simm.s32 @!p1 $0x0  }
0x14: {  	s2 =	sld [smem:$0x3F92];
	s0 =	simm.s32 @p1 $0x1  }
0x15: {  	[smem:$0x3FAF] =	sst s0;
	s0 =	simm.s32 @!p2 $0x0  }
0x16: {  	s3 =	sld [smem:$0x3FDB];
	s0 =	simm.s32 @p2 $0x1  }
0x17: {  	s4 =	simm.s32 $0x1BF5;
	[smem:$0x3FB1] =	sst s0  }
0x18: {  	s0 =	sld [smem:$0x3F94];
	_ =	swait.ge [sflag:s4], $0x0  }
0x19: {  	s7 =	sld [smem:$0x3F95]  }
0x1a: {  	s8 =	sadd.s32 $0xFFFFE003, lr  }
0x1b: {  	s9 =	sadd.s32 $0xFFFFFEF7, lr;
	s5 =	simm.s32 $0xFFFFFFFF;
	p2 =	slt.u32 s8, $0xFFFFF086  }
0x1c: {  	p1 =	slt.u32 s9, $0xF7A;
	s5 =	simm.s32 @!p2 $0x0  }
0x1d: {  	s5 =	simm.s32 @p1 $0x1;
	p0 =	seq.s32 s7, s2  }
0x1e: {  	s7 =	smul.u32 @!p0 $0xF7A, s2;
	p2 =	seq.s32 @!p0 s5, $0x0  }
0x1f: {  	s9 =	smul.u32 $0xF7A, s1;
	s8 =	simm.s32 @!p0 $0x1BF5;
	p2 =	por !p2, p0  }
0x20: {  	[sflag:s8] =	ssyncset.s32 @!p0 $0xFFFFF086;
	s6 =	sadd.s32 @!p0 s3, s7;
	s7 =	simm.s32 @!p0 $0x108  }
0x21: {  	s3 =	sadd.s32 s3, s9;
	s6 =	sadd.s32 @!p0 $0x88, s6;
	s7 =	simm.s32 @p2 $0x1082  }
0x22: {  	[simem:s7], [sflag:s8] =	dma.local @!p0 [hbm:s6], $0xF7A  }
0x23: {  	s9 =	sor.u32 $0xD0000000, s2;
	s6 =	simm.s32 $0x108;
	_ =	swait.ge @!p0 [sflag:s8], $0x0  }
0x24: {  	s3 =	sadd.s32 $0x88, s3;
	s6 =	simm.s32 @!p1 $0x1082;
	[sflag:s4] =	ssyncset.s32 $0xFFFFF086  }
0x25: {  	[simem:s6], [sflag:s4] =	dma.local [hbm:s3], $0xF7A  }
0x26: {  	[smem:$0x3F95] =	sst s1;
	(tag) =	ssettag s2;
	_ =	strace s9  }
0x27: {  	s1 =	sld [smem:$0x3FA5]  }
0x28: {  	s2 =	sld [smem:$0x3FA6]  }
0x29: {  	s4 =	sld [smem:$0x3FA8]  }
0x2a: {  	p0 =	seq.s32 s5, $0x0;
	s5 =	sld [smem:$0x3FA9]  }
0x2b: {  	s6 =	sld [smem:$0x3FAA]  }
0x2c: {  	s7 =	sld [smem:$0x3FAB]  }
0x2d: {  	s3 =	simm.s32 $0x108;
	s8 =	sld [smem:$0x3FAC]  }
0x2e: {  	s3 =	simm.s32 @!p0 $0x1082;
	s9 =	sld [smem:$0x3FAD]  }
0x2f: {  	lr =	sadd.s32 s0, s3;
	s0 =	sld [smem:$0x3FA4]  }
0x30: {  	s3 =	sld [smem:$0x3FA7]  }
0x31: {  	[smem:$0x3FB0] =	sst s10  }
0x32: {  	s10 =	sld [smem:$0x3FAE];
	_ =	sdelay $0x3  }
0x33: {  	p0 =	seq.s32 s10, $0x1;
	s10 =	sld [smem:$0x3FB0];
	_ =	sdelay $0x3  }
0x34: {  	[smem:$0x3FB0] =	sst s10  }
0x35: {  	s10 =	sld [smem:$0x3FAF];
	_ =	sdelay $0x3  }
0x36: {  	p1 =	seq.s32 s10, $0x1;
	s10 =	sld [smem:$0x3FB0];
	_ =	sdelay $0x3  }
0x37: {  	[smem:$0x3FB0] =	sst s10  }
0x38: {  	s10 =	sld [smem:$0x3FB1]  }
0x39: {  	_ = 	snop;
	(pc) =	sbr.ind lr, $3  }
0x3a: {  	_ = 	snop  }
0x3b: {  	_ = 	snop  }
0x3c: {  	p2 =	seq.s32 s10, $0x1;
	s10 =	sld [smem:$0x3FB0]  }
0x3d: {  	_ =	shalt  }
0x3e: {  	_ =	shalt  }
0x3f: {  	_ =	shalt  }
0x40: {  	_ =	shalt  }
0x41: {  	_ =	shalt  }
0x42: {  	_ =	shalt  }
0x43: {  	_ =	shalt  }
0x44: {  	_ =	shalt  }
0x45: {  	_ =	shalt  }
0x46: {  	_ =	shalt  }
0x47: {  	_ =	shalt  }
0x48: {  	_ =	shalt  }
0x49: {  	_ =	shalt  }
0x4a: {  	_ =	shalt  }
0x4b: {  	_ =	shalt  }
0x4c: {  	_ =	shalt  }
0x4d: {  	_ =	shalt  }
0x4e: {  	_ =	shalt  }
0x4f: {  	_ =	shalt  }
0x50: {  	_ =	shalt  }
0x51: {  	_ =	shalt  }
0x52: {  	_ =	shalt  }
0x53: {  	_ =	shalt  }
0x54: {  	_ =	shalt  }
0x55: {  	_ =	shalt  }
0x56: {  	_ =	shalt  }
0x57: {  	_ =	shalt  }
0x58: {  	_ =	shalt  }
0x59: {  	_ =	shalt  }
0x5a: {  	_ =	shalt  }
0x5b: {  	_ =	shalt  }
0x5c: {  	_ =	shalt  }
0x5d: {  	_ =	shalt  }
0x5e: {  	_ =	shalt  }
0x5f: {  	_ =	shalt  }
0x60: {  	_ =	shalt  }
0x61: {  	_ =	shalt  }
0x62: {  	_ =	shalt  }
0x63: {  	_ =	shalt  }
0x64: {  	_ =	shalt  }
0x65: {  	_ =	shalt  }
0x66: {  	_ =	shalt  }
0x67: {  	_ =	shalt  }
0x68: {  	_ =	shalt  }
0x69: {  	_ =	shalt  }
0x6a: {  	_ =	shalt  }
0x6b: {  	_ =	shalt  }
0x6c: {  	_ =	shalt  }
0x6d: {  	_ =	shalt  }
0x6e: {  	_ =	shalt  }
0x6f: {  	_ =	shalt  }
0x70: {  	_ =	shalt  }
0x71: {  	_ =	shalt  }
0x72: {  	_ =	shalt  }
0x73: {  	_ =	shalt  }
0x74: {  	_ =	shalt  }
0x75: {  	_ =	shalt  }
0x76: {  	_ =	shalt  }
0x77: {  	_ =	shalt  }
0x78: {  	_ =	shalt  }
0x79: {  	_ =	shalt  }
0x7a: {  	_ =	shalt  }
0x7b: {  	_ =	shalt  }
0x7c: {  	_ =	shalt  }
0x7d: {  	_ =	shalt  }
0x7e: {  	_ =	shalt  }
0x7f: {  	_ =	shalt  }
0x80: {  	_ =	shalt  }
0x81: {  	_ =	shalt  }
0x82: {  	_ =	shalt  }
0x83: {  	_ =	shalt  }
0x84: {  	_ =	shalt  }
0x85: {  	_ =	shalt  }
0x86: {  	_ =	shalt  }
0x87: {  	_ =	shalt  }
.Lfunc_end0:
.L_simem_size_0:
called_computation.1_lowered:
.L_overlay_start_0:
0x88: {  	s2 =	sld [smem:$0x3FD9]  }
0x89: {  	s3 =	sld [smem:$0x3FFE];
	_ =	sdelay $0x1  }
0x8a: {  	s1 =	srdreg.scid  }
0x8b: {  	s0 =	sand.u32 $0x1, s1  }
0x8c: {  	s16 =	sshll.u32 s0, $0xA;
	s2 =	sadd.s32 s3, s2  }
0x8d: {  	s2 =	sadd.s32 s2, s16  }
0x8e: {  	[smem:$0x3FBC] =	sst s2  }
0x8f: {  	_ = 	snop  }
0x90: {  	(tm) =	ssettm $0x1  }
0x91: {  	s17 =	sld [smem:$0x3FFB];
	_ =	sdelay $0x3  }
0x92: {  	_ =	strace s17  }
0x93: {  	s2 =	sld [smem:$0x3FFC];
	_ =	sdelay $0x3  }
0x94: {  	_ =	strace s2  }
0x95: {  	s2 =	sld [smem:$0x3FFD];
	_ =	sdelay $0x3  }
0x96: {  	_ =	strace s2  }
0x97: {  	_ =	strace $0x8FFFFFFF  }
0x98: {  	s18 =	sld [smem:$0x3FDB];
	_ =	sdelay $0x1  }
0x99: {  	s19 =	simm.s32 $_scs_section_size  }
0x9a: {  	s4 =	simm.s32 $_size__tile_overlayer_lowered;
	s5 =	simm.s32 $_tile_overlayer_lowered  }
0x9b: {  	s22 =	simm.s32 $0x1BFF;
	s21 =	sshll.u32 s5, $0x1;
	s2 =	sadd.s32 s19, s18  }
0x9c: {  	s6 =	simm.s32 $0x0;
	s20 =	sshll.u32 s4, $0x1;
	s4 =	sadd.s32 s21, s2  }
0x9d: {  	[timem:s6], [sflag:s22] =	dma.local [hbm:s4], s20  }
0x9e: {  	_ =	swait.ge [sflag:s22], s20  }
0x9f: {  	s3 =	ssub.s32 $0x0, s20;
	[sflag:s22] =	ssyncset.done $0x0  }
0xa0: {  	[sflag:s22] =	ssyncadd.s32 s3;
	_ =	sdelay $0x1  }
0xa1: {  	s23 =	simm.s32 $0x1B8B  }
0xa2: {  	_ =	swait.ge [sflag:s23], $0x1  }
0xa3: {  	[sflag:s23] =	ssyncset.done $0x0  }
0xa4: {  	s25 =	simm.s32 $0x1B8E;
	s24 =	sld [smem:$0x3FFE];
	[sflag:s23] =	ssyncadd.s32 $0xFFFFFFFF  }
0xa5: {  	s26 =	simm.s32 $execute0_lowered;
	[smem:$0x3FD2] =	sst s25  }
0xa6: {  	s4 =	sshll.u32 s26, $0x1;
	_ =	strace $0x80000049;
	[dreg:$0x1] =	wrdreg $0xFFFFFFFF  }
0xa7: {  	s28 =	simm.s32 $_size_execute0_lowered;
	s2 =	sadd.s32 s2, s4;
	[dreg:$0x0] =	wrdreg $0x0  }
0xa8: {  	s4 =	sshll.u32 s28, $0x1;
	[dreg:$0x2] =	wrdreg s2  }
0xa9: {  	[dreg:$0x3] =	wrdreg s4  }
0xaa: {  	[dreg:$0x4] =	wrdreg $0xC0  }
0xab: {  	_ =	task [dreg:s6], $0x5FFFF  }
0xac: {  	[dreg:$0x1] =	wrdreg $0xFFFFFFFF  }
0xad: {  	[dreg:$0x0] =	wrdreg $0x60  }
0xae: {  	[dreg:$0x2] =	wrdreg s24  }
0xaf: {  	[dreg:$0x3] =	wrdreg $0xAA000  }
0xb0: {  	[dreg:$0x4] =	wrdreg $0x9  }
0xb1: {  	_ =	task.clear_ibuf [dreg:s6], $0x5FFFF;
	_ =	strace $0x90000049  }
0xb2: {  	s29 =	simm.s32 $0x9;
	_ =	strace $0x8000004B  }
0xb3: {  	_ =	swait.ge [sflag:s29], $0x1  }
0xb4: {  	[sflag:s29] =	ssyncadd.s32 $0xFFFFFFFF  }
0xb5: {  	_ =	strace $0x9000004B  }
0xb6: {  	_ =	sfence  }
0xb7: {  	s30 =	sld [smem:$0x0];
	_ =	sdelay $0x2  }
0xb8: {  	s31 =	sshll.u32 s1, $0xD;
	s1 =	sshrl.u32 s1, $0x2  }
0xb9: {  	s3 =	sand.u32 $0x4000, s31;
	s1 =	sadd.s32 s1, s30  }
0xba: {  	s0 =	sor.u32 s3, s0;
	s1 =	sshll.u32 s1, $0x11  }
0xbb: {  	s0 =	sor.u32 s1, s0  }
0xbc: {  	s0 =	sadd.s32 $0x8F2B, s0  }
0xbd: {  	[sflag:s0] =	ssyncadd.remote.s32 $0x1  }
0xbe: {  	_ =	sfence.sel $0xFFFF  }
0xbf: {  	[dreg:$0x0] =	wrdreg $0xFFFFFFFF;
	(pc) =	sbr.abs _section_cstart, $3  }
0xc0: {  	[dreg:$0x1] =	wrdreg $0xFFFFFFFF  }
0xc1: {  	_ =	task.clear_ibuf [dreg:s6], $0x2FFFF;
	_ =	strace $0x9FFFFFFF  }
0xc2: {  	(tm) =	ssettm $0x7FFFFFFF  }
0xc3: {  	_ =	shalt  }
tec
execute0_lowered:
.L_overlay_start_1:
0x0: {  	(tag) =	ssettag $0x1  }
0x1: {  	s0 =	srdreg.scid;
	s6 =	rddreg [dreg:$0x0]  }
0x2: {  	s2 =	rddreg [dreg:$0x1];
	s3 =	simm.s32 $0x0;
	s13 =	simm.s32 $0x3  }
0x3: {  	s14 =	simm.s32 $0x80;
	s15 =	simm.s32 $0x2800;
	s16 =	simm.s32 $0x2A00  }
0x4: {  	s17 =	simm.s32 $0x6A00;
	s18 =	simm.s32 $0x2880;
	s19 =	simm.s32 $0x1  }
0x5: {  	s20 =	simm.s32 $0x2900;
	s21 =	simm.s32 $0x2;
	s5 =	sand.u32 $0x1, s0  }
0x6: {  	s22 =	simm.s32 $0x2980;
	s0 =	stileid.u32;
	s8 =	smul.u32 $0x140000, s5  }
0x7: {  	s25 =	simm.s32 $0x0;
	[smem:$0x7FF] =	sst s3;
	s9 =	smul.u32 $0x14000, s0  }
0x8: {  	s4 =	sadd.s32 $0x5200, s6;
	s1 =	sshll.u32 s5, $0x4;
	s10 =	smul.u32 $0x50000, s0  }
0x9: {  	s5 =	ssub.s32 $0x2, s5;
	s23 =	sshll.u32 s0, $0x6;
	s1 =	sor.u32 s0, s1  }
0xa: {  	s31 =	sshrl.u32 s5, $0x1;
	s23 =	sor.u32 $0x1C03, s23;
	s7 =	smul.u32 $0x500, s1  }
0xb: {  	s1 =	rddreg [dreg:$0x2];
	_ =	strace $0x8000004A;
	s8 =	sadd.s32 s9, s8  }
.Ltmp0:
0xc: {  	s10 =	sshrl.u32 s10, $0x2;
	s12 =	ssub.s32 s5, s31;
	(pc) =	sbr.rel .LBB2_1-.Ltmp0, $4  }
0xd: {  	s8 =	sshrl.u32 s8, $0x3;
	s5 =	sadd.s32 s10, s2;
	s12 =	smax.u32 s12, $0x1  }
0xe: {  	s7 =	sadd.s32 s7, s6;
	s11 =	sadd.s32 s8, s6;
	s8 =	sadd.s32 $0x8000, s5  }
0xf: {  	s9 =	sadd.s32 $0xC000, s5;
	s10 =	sadd.s32 $0x10000, s5;
	s24 =	sshrl.u32 s5, $0x3  }
0x10: {  	v0 =	vimm.f32 $0.0e+00;
	s6 =	sadd.s32 $0x2DC00, s7;
	s7 =	sadd.s32 $0x4000, s5;
	s11 =	sadd.s32 $0x87C00, s11  }
.LBB2_6:
0x11: {  	_ =	swait.ge [sflag:s19], $0x4000  }
0x12: {  	[sflag:s19] =	ssyncset.done $0x0  }
0x13: {  	[sflag:s19] =	ssyncadd.s32 $0xFFFFC000  }
0x14: {  	[spmem:s2] =	stream.indirect.scatter.add.f32 [tilespmem:s16], [sflag:$0x3], $0x80, s20, s14, $0xb8;
	[tilespmem:$0x1EA00] =	vst v63  }
0x15: {  	_ =	swait.ge [sflag:s13], $0x4000  }
0x16: {  	s25 =	sadd.s32 $0x1, s25;
	[sflag:s13] =	ssyncset.done $0x0  }
0x17: {  	p0 =	sne.s32 s25, s12;
	[sflag:s13] =	ssyncadd.s32 $0xFFFFC000  }
.Ltmp1:
0x18: {  	[bflag:$0x0] =	sbarrier.arrive $0xFFFF;
	(pc) =	sbr.rel @!p0 .LBB2_7-.Ltmp1, $4  }
0x19: {  	[hbm:s11], [sflag:s23] =	dma.local [spmem:s24], $0x2800  }
0x1a: {  	_ =	swait.ge [sflag:s13], $0x2800  }
0x1b: {  	[sflag:s13] =	ssyncset.done $0x0  }
0x1c: {  	[sflag:s13] =	ssyncadd.s32 $0xFFFFD800  }
.LBB2_1:
0x1d: {  	[tilespmem:s3], [sflag:$0x3] =	stream.linear.gather [hbm4b:s6+s3], $0x2780, $0x38;
	[tilespmem:$0x1EA00] =	vst v63  }
0x1e: {  	_ =	swait.ge [sflag:s13], $0x2780  }
0x1f: {  	[sflag:s13] =	ssyncset.done $0x0  }
0x20: {  	[sflag:s13] =	ssyncadd.s32 $0xFFFFD880  }
0x21: {  	v1 =	vld [tilespmem:$0x0];
	_ =	sdelay $0x1  }
0x22: {  	v2 =	vld [tilespmem:$0x10];
	_ =	sdelay $0x1  }
0x23: {  	v3 =	vld [tilespmem:$0x20]  }
0x24: {  	v4 =	vand.u32 $0x3FFF, v1  }
0x25: {  	v62 =	vld [tilespmem:$0x30];
	v1 =	vshrl.u32 v1, $0xE;
	[tilespmem:$0x2800] =	vst v4  }
0x26: {  	[tilespmem:$0x2900] =	vst v1;
	v1 =	vand.u32 $0x3FFF, v2  }
0x27: {  	[tilespmem:$0x2810] =	vst v1;
	v1 =	vshrl.u32 v2, $0xE;
	v2 =	vld [tilespmem:$0x40]  }
0x28: {  	[tilespmem:$0x2910] =	vst v1;
	v1 =	vand.u32 $0x3FFF, v3  }
0x29: {  	[tilespmem:$0x2820] =	vst v1;
	v1 =	vshrl.u32 v3, $0xE;
	v3 =	vld [tilespmem:$0x50]  }
0x2a: {  	[tilespmem:$0x2920] =	vst v1;
	v1 =	vand.u32 $0x3FFF, v62  }
0x2b: {  	v63 =	vld [tilespmem:$0x60];
	[tilespmem:$0x2830] =	vst v1;
	v1 =	vshrl.u32 v62, $0xE  }
0x2c: {  	[tilespmem:$0x2930] =	vst v1;
	v1 =	vand.u32 $0x3FFF, v2  }
0x2d: {  	[tilespmem:$0x2840] =	vst v1;
	v1 =	vshrl.u32 v2, $0xE;
	v2 =	vld [tilespmem:$0x70]  }
0x2e: {  	[tilespmem:$0x2940] =	vst v1;
	v1 =	vand.u32 $0x3FFF, v3  }
0x2f: {  	[tilespmem:$0x2850] =	vst v1;
	v1 =	vshrl.u32 v3, $0xE  }
0x30: {  	[tilespmem:$0x2950] =	vst v1;
	v1 =	vand.u32 $0x3FFF, v63  }
0x31: {  	[tilespmem:$0x2860] =	vst v1;
	v1 =	vshrl.u32 v63, $0xE  }
0x32: {  	[tilespmem:$0x2960] =	vst v1;
	v1 =	vand.u32 $0x3FFF, v2  }
0x33: {  	[tilespmem:$0x2870] =	vst v1;
	v1 =	vshrl.u32 v2, $0xE  }
0x34: {  	s26 =	simm.s32 $0x0;
	s28 =	simm.s32 $0x200;
	[tilespmem:$0x2970] =	vst v1  }
0x35: {  	[tilespmem:s16], [sflag:$0x1] =	stream.indirect.gather [hbm4b:s4+s14], $0x80, s15, s14, $0xb8;
	[tilespmem:$0x1EA00] =	vst v63  }
.LBB2_2:
0x36: {  	p0 =	sne.s32 s28, $0xFE00;
	[tilespmem:s26+$0x6A70] =	vst v0  }
0x37: {  	[tilespmem:s26+$0x6A00] =	vst v0  }
0x38: {  	[tilespmem:s26+$0x6A10] =	vst v0  }
.Ltmp2:
0x39: {  	[tilespmem:s26+$0x6A20] =	vst v0;
	(pc) =	sbr.rel @p0 .LBB2_2-.Ltmp2, $4  }
0x3a: {  	[tilespmem:s26+$0x6A30] =	vst v0  }
0x3b: {  	[tilespmem:s26+$0x6A40] =	vst v0  }
0x3c: {  	[tilespmem:s26+$0x6A50] =	vst v0  }
0x3d: {  	[tilespmem:s26+$0x6A60] =	vst v0;
	s26 =	sshra.s32 s28, $0x2;
	s28 =	sadd.s32 $0x200, s28  }
0x3e: {  	[tilespmem:s26+$0x6A70] =	vst v0  }
0x3f: {  	[tilespmem:s26+$0x6A00] =	vst v0  }
0x40: {  	[tilespmem:s26+$0x6A10] =	vst v0  }
0x41: {  	[tilespmem:s26+$0x6A20] =	vst v0  }
0x42: {  	[tilespmem:s26+$0x6A30] =	vst v0  }
0x43: {  	[tilespmem:s26+$0x6A40] =	vst v0  }
0x44: {  	[tilespmem:s26+$0x6A50] =	vst v0  }
0x45: {  	[tilespmem:s26+$0x6A60] =	vst v0  }
0x46: {  	[spmem:s5] =	stream.linear.scatter [tilespmem:s17], [sflag:$0x3], $0x4000, $0x38;
	[tilespmem:$0x1EA00] =	vst v63  }
0x47: {  	_ =	swait.ge [sflag:s13], $0x4000  }
0x48: {  	[sflag:s13] =	ssyncset.done $0x0  }
0x49: {  	[sflag:s13] =	ssyncadd.s32 $0xFFFFC000  }
0x4a: {  	[spmem:s7] =	stream.linear.scatter [tilespmem:s17], [sflag:$0x3], $0x4000, $0x38;
	[tilespmem:$0x1EA00] =	vst v63  }
0x4b: {  	_ =	swait.ge [sflag:s13], $0x4000  }
0x4c: {  	[sflag:s13] =	ssyncset.done $0x0  }
0x4d: {  	[sflag:s13] =	ssyncadd.s32 $0xFFFFC000  }
0x4e: {  	[spmem:s8] =	stream.linear.scatter [tilespmem:s17], [sflag:$0x3], $0x4000, $0x38;
	[tilespmem:$0x1EA00] =	vst v63  }
0x4f: {  	_ =	swait.ge [sflag:s13], $0x4000  }
0x50: {  	[sflag:s13] =	ssyncset.done $0x0  }
0x51: {  	[sflag:s13] =	ssyncadd.s32 $0xFFFFC000  }
0x52: {  	[spmem:s9] =	stream.linear.scatter [tilespmem:s17], [sflag:$0x3], $0x4000, $0x38;
	[tilespmem:$0x1EA00] =	vst v63  }
0x53: {  	_ =	swait.ge [sflag:s13], $0x4000  }
0x54: {  	[sflag:s13] =	ssyncset.done $0x0  }
0x55: {  	[sflag:s13] =	ssyncadd.s32 $0xFFFFC000  }
0x56: {  	[spmem:s10] =	stream.linear.scatter [tilespmem:s17], [sflag:$0x3], $0x4000, $0x38;
	[tilespmem:$0x1EA00] =	vst v63  }
0x57: {  	_ =	swait.ge [sflag:s13], $0x4000  }
0x58: {  	[sflag:s13] =	ssyncset.done $0x0  }
0x59: {  	[sflag:s13] =	ssyncadd.s32 $0xFFFFC000  }
0x5a: {  	v1 =	vld [tilespmem:$0x80];
	_ =	sdelay $0x1  }
0x5b: {  	v2 =	vld [tilespmem:$0x90];
	_ =	sdelay $0x1  }
0x5c: {  	v3 =	vld [tilespmem:$0xA0]  }
0x5d: {  	v4 =	vand.u32 $0x3FFF, v1  }
0x5e: {  	v62 =	vld [tilespmem:$0xB0];
	v1 =	vshrl.u32 v1, $0xE;
	[tilespmem:$0x2880] =	vst v4  }
0x5f: {  	[tilespmem:$0x2980] =	vst v1;
	v1 =	vand.u32 $0x3FFF, v2  }
0x60: {  	[tilespmem:$0x2890] =	vst v1;
	v1 =	vshrl.u32 v2, $0xE;
	v2 =	vld [tilespmem:$0xC0]  }
0x61: {  	[tilespmem:$0x2990] =	vst v1;
	v1 =	vand.u32 $0x3FFF, v3  }
0x62: {  	[tilespmem:$0x28A0] =	vst v1;
	v1 =	vshrl.u32 v3, $0xE;
	v3 =	vld [tilespmem:$0xD0]  }
0x63: {  	[tilespmem:$0x29A0] =	vst v1;
	v1 =	vand.u32 $0x3FFF, v62  }
0x64: {  	v63 =	vld [tilespmem:$0xE0];
	[tilespmem:$0x28B0] =	vst v1;
	v1 =	vshrl.u32 v62, $0xE  }
0x65: {  	[tilespmem:$0x29B0] =	vst v1;
	v1 =	vand.u32 $0x3FFF, v2  }
0x66: {  	[tilespmem:$0x28C0] =	vst v1;
	v1 =	vshrl.u32 v2, $0xE;
	v2 =	vld [tilespmem:$0xF0]  }
0x67: {  	[tilespmem:$0x29C0] =	vst v1;
	v1 =	vand.u32 $0x3FFF, v3  }
0x68: {  	[tilespmem:$0x28D0] =	vst v1;
	v1 =	vshrl.u32 v3, $0xE  }
0x69: {  	[tilespmem:$0x29D0] =	vst v1;
	v1 =	vand.u32 $0x3FFF, v63  }
0x6a: {  	[tilespmem:$0x28E0] =	vst v1;
	v1 =	vshrl.u32 v63, $0xE  }
0x6b: {  	[tilespmem:$0x29E0] =	vst v1;
	v1 =	vand.u32 $0x3FFF, v2  }
0x6c: {  	[tilespmem:$0x28F0] =	vst v1;
	v1 =	vshrl.u32 v2, $0xE  }
0x6d: {  	[tilespmem:$0x29F0] =	vst v1  }
0x6e: {  	[tilespmem:s17], [sflag:$0x2] =	stream.indirect.gather [hbm4b:s4+s14], $0x80, s18, s14, $0xb8;
	[tilespmem:$0x1EA00] =	vst v63  }
0x6f: {  	s26 =	simm.s32 $0x7C0;
	[bflag:$0x0] =	sbarrier.arrive $0xFFFF  }
.LBB2_4:
0x70: {  	_ =	swait.ge [sflag:s19], $0x4000  }
0x71: {  	[sflag:s19] =	ssyncset.done $0x0  }
0x72: {  	[sflag:s19] =	ssyncadd.s32 $0xFFFFC000  }
0x73: {  	[spmem:s2] =	stream.indirect.scatter.add.f32 [tilespmem:s16], [sflag:$0x3], $0x80, s20, s14, $0xb8;
	[tilespmem:$0x1EA00] =	vst v63  }
0x74: {  	_ =	swait.ge [sflag:s13], $0x4000  }
0x75: {  	[sflag:s13] =	ssyncset.done $0x0  }
0x76: {  	s28 =	sshra.s32 s26, $0x2;
	[sflag:s13] =	ssyncadd.s32 $0xFFFFC000  }
0x77: {  	v1 =	vld [tilespmem:s28+$0xFFFFFF10];
	_ =	sdelay $0x4  }
0x78: {  	v2 =	vand.u32 $0x3FFF, v1  }
0x79: {  	v1 =	vshrl.u32 v1, $0xE;
	[tilespmem:$0x2800] =	vst v2  }
0x7a: {  	[tilespmem:$0x2900] =	vst v1  }
0x7b: {  	v1 =	vld [tilespmem:s28+$0xFFFFFF20];
	_ =	sdelay $0x4  }
0x7c: {  	v2 =	vand.u32 $0x3FFF, v1  }
0x7d: {  	v1 =	vshrl.u32 v1, $0xE;
	[tilespmem:$0x2810] =	vst v2  }
0x7e: {  	[tilespmem:$0x2910] =	vst v1  }
0x7f: {  	v1 =	vld [tilespmem:s28+$0xFFFFFF30];
	_ =	sdelay $0x4  }
0x80: {  	v2 =	vand.u32 $0x3FFF, v1  }
0x81: {  	v1 =	vshrl.u32 v1, $0xE;
	[tilespmem:$0x2820] =	vst v2  }
0x82: {  	[tilespmem:$0x2920] =	vst v1  }
0x83: {  	v1 =	vld [tilespmem:s28+$0xFFFFFF40];
	_ =	sdelay $0x4  }
0x84: {  	v2 =	vand.u32 $0x3FFF, v1  }
0x85: {  	v1 =	vshrl.u32 v1, $0xE;
	[tilespmem:$0x2830] =	vst v2  }
0x86: {  	[tilespmem:$0x2930] =	vst v1  }
0x87: {  	v1 =	vld [tilespmem:s28+$0xFFFFFF50];
	_ =	sdelay $0x4  }
0x88: {  	v2 =	vand.u32 $0x3FFF, v1  }
0x89: {  	v1 =	vshrl.u32 v1, $0xE;
	[tilespmem:$0x2840] =	vst v2  }
0x8a: {  	[tilespmem:$0x2940] =	vst v1  }
0x8b: {  	v1 =	vld [tilespmem:s28+$0xFFFFFF60];
	_ =	sdelay $0x4  }
0x8c: {  	v2 =	vand.u32 $0x3FFF, v1  }
0x8d: {  	v1 =	vshrl.u32 v1, $0xE;
	[tilespmem:$0x2850] =	vst v2  }
0x8e: {  	[tilespmem:$0x2950] =	vst v1  }
0x8f: {  	v1 =	vld [tilespmem:s28+$0xFFFFFF70];
	_ =	sdelay $0x4  }
0x90: {  	v2 =	vand.u32 $0x3FFF, v1  }
0x91: {  	v1 =	vshrl.u32 v1, $0xE;
	[tilespmem:$0x2860] =	vst v2  }
0x92: {  	[tilespmem:$0x2960] =	vst v1  }
0x93: {  	v1 =	vld [tilespmem:s28+$0xFFFFFF80];
	_ =	sdelay $0x4  }
0x94: {  	v2 =	vand.u32 $0x3FFF, v1  }
0x95: {  	v1 =	vshrl.u32 v1, $0xE;
	[tilespmem:$0x2870] =	vst v2  }
0x96: {  	[tilespmem:$0x2970] =	vst v1  }
0x97: {  	[tilespmem:s16], [sflag:$0x1] =	stream.indirect.gather [hbm4b:s4+s14], $0x80, s15, s14, $0xb8;
	[tilespmem:$0x1EA00] =	vst v63  }
0x98: {  	_ =	swait.ge [sflag:s21], $0x4000  }
0x99: {  	p0 =	seq.s32 s26, $0x9FC0;
	[sflag:s21] =	ssyncset.done $0x0  }
.Ltmp3:
0x9a: {  	[sflag:s21] =	ssyncadd.s32 $0xFFFFC000;
	(pc) =	sbr.rel @p0 .LBB2_6-.Ltmp3, $4  }
0x9b: {  	[spmem:s2] =	stream.indirect.scatter.add.f32 [tilespmem:s17], [sflag:$0x3], $0x80, s22, s14, $0xb8;
	[tilespmem:$0x1EA00] =	vst v63  }
0x9c: {  	_ =	swait.ge [sflag:s13], $0x4000  }
0x9d: {  	[sflag:s13] =	ssyncset.done $0x0  }
0x9e: {  	[sflag:s13] =	ssyncadd.s32 $0xFFFFC000  }
0x9f: {  	v1 =	vld [tilespmem:s28+$0xFFFFFF90];
	_ =	sdelay $0x4  }
0xa0: {  	v2 =	vand.u32 $0x3FFF, v1  }
0xa1: {  	v1 =	vshrl.u32 v1, $0xE;
	[tilespmem:$0x2880] =	vst v2  }
0xa2: {  	[tilespmem:$0x2980] =	vst v1  }
0xa3: {  	v1 =	vld [tilespmem:s28+$0xFFFFFFA0];
	_ =	sdelay $0x4  }
0xa4: {  	v2 =	vand.u32 $0x3FFF, v1  }
0xa5: {  	v1 =	vshrl.u32 v1, $0xE;
	[tilespmem:$0x2890] =	vst v2  }
0xa6: {  	[tilespmem:$0x2990] =	vst v1  }
0xa7: {  	v1 =	vld [tilespmem:s28+$0xFFFFFFB0];
	_ =	sdelay $0x4  }
0xa8: {  	v2 =	vand.u32 $0x3FFF, v1  }
0xa9: {  	v1 =	vshrl.u32 v1, $0xE;
	[tilespmem:$0x28A0] =	vst v2  }
0xaa: {  	[tilespmem:$0x29A0] =	vst v1  }
0xab: {  	v1 =	vld [tilespmem:s28+$0xFFFFFFC0];
	_ =	sdelay $0x4  }
0xac: {  	v2 =	vand.u32 $0x3FFF, v1  }
0xad: {  	v1 =	vshrl.u32 v1, $0xE;
	[tilespmem:$0x28B0] =	vst v2  }
0xae: {  	[tilespmem:$0x29B0] =	vst v1  }
0xaf: {  	v1 =	vld [tilespmem:s28+$0xFFFFFFD0];
	_ =	sdelay $0x4  }
0xb0: {  	v2 =	vand.u32 $0x3FFF, v1  }
0xb1: {  	v1 =	vshrl.u32 v1, $0xE;
	[tilespmem:$0x28C0] =	vst v2  }
0xb2: {  	[tilespmem:$0x29C0] =	vst v1  }
0xb3: {  	v1 =	vld [tilespmem:s28+$0xFFFFFFE0];
	_ =	sdelay $0x4  }
0xb4: {  	v2 =	vand.u32 $0x3FFF, v1  }
0xb5: {  	v1 =	vshrl.u32 v1, $0xE;
	[tilespmem:$0x28D0] =	vst v2  }
0xb6: {  	[tilespmem:$0x29D0] =	vst v1  }
0xb7: {  	v1 =	vld [tilespmem:s28+$0xFFFFFFF0];
	_ =	sdelay $0x4  }
0xb8: {  	v2 =	vand.u32 $0x3FFF, v1  }
0xb9: {  	v1 =	vshrl.u32 v1, $0xE;
	[tilespmem:$0x28E0] =	vst v2  }
0xba: {  	[tilespmem:$0x29E0] =	vst v1  }
0xbb: {  	v1 =	vld [tilespmem:s28+$0x0];
	_ =	sdelay $0x3  }
.Ltmp4:
0xbc: {  	_ = 	snop;
	(pc) =	sbr.rel .LBB2_4-.Ltmp4, $4  }
0xbd: {  	v2 =	vand.u32 $0x3FFF, v1  }
0xbe: {  	v1 =	vshrl.u32 v1, $0xE;
	[tilespmem:$0x28F0] =	vst v2  }
0xbf: {  	s26 =	sadd.s32 $0x400, s26;
	[tilespmem:$0x29F0] =	vst v1  }
0xc0: {  	[tilespmem:s17], [sflag:$0x2] =	stream.indirect.gather [hbm4b:s4+s14], $0x80, s18, s14, $0xb8;
	[tilespmem:$0x1EA00] =	vst v63  }
.LBB2_7:
0xc1: {  	_ =	sfence.sel $0x180000  }
0xc2: {  	[bflag:$0x0] =	sbarrier.arrive $0xFFFF  }
0xc3: {  	p0 =	sne.s32 s0, $0x0;
	_ =	strace $0x9000004A  }
0xc4: {  	s0 =	sadd.s32 @!p0 $0x100000, s1;
	[bflag:$0x2] =	sbarrier.arrive $0xFFFF  }
0xc5: {  	[sflag:s0] =	ssyncadd.tile.s32 @!p0 $0x1;
	_ =	shalt  }
.Lfunc_end2:
_tile_overlayer_lowered:
.L_overlay_start_2:
0xc6: {  	(tag) =	ssettag $0x2  }
0xc7: {  	s0 =	rddreg [dreg:$0x0];
	s2 =	stileid.u32  }
0xc8: {  	s1 =	rddreg [dreg:$0x1];
	p0 =	sne.s32 s2, $0x0  }
0xc9: {  	s3 =	rddreg [dreg:$0x2];
	[bflag:$0x3] =	sbarrier.arrive $0xFFFF;
	s2 =	simm.s32 @!p0 $0x1C03  }
0xca: {  	[timem:s3], [sflag:s2] =	dma.local @!p0 [hbm:s0], s1  }
0xcb: {  	s0 =	simm.s32 @!p0 $0x3  }
0xcc: {  	_ =	swait.ge @!p0 [sflag:s0], s1  }
0xcd: {  	s1 =	ssub.s32 @!p0 $0x0, s1;
	[sflag:s0] =	ssyncset.done @!p0 $0x0  }
0xce: {  	[sflag:s0] =	ssyncadd.s32 @!p0 s1  }
0xcf: {  	[bflag:$0x3] =	sbarrier.arrive $0xFFFF  }
0xd0: {  	_ =	shalt  }

// kernel: kernel.16.cloned.1.call-start
scs
__scs_entry_jumppad:
0x0: {  	(pc) =	sbr.rel $0x88, $3  }
0x1: {  	(tag) =	ssettag $0x0;
	lr =	simm.s32 $0x1  }
0x2: {  	[smem:$0x3F95] =	sst lr;
	_ =	strace $0xD0000000  }
0x3: {  	_ = 	snop  }
0x4: {  	_ = 	snop  }
0x5: {  	_ = 	snop  }
0x6: {  	_ = 	snop  }
0x7: {  	_ = 	snop  }
__scs_overlays_trampoline_lowered:
0x8: {  	[smem:$0x3FA4] =	sst s0  }
0x9: {  	[smem:$0x3FA5] =	sst s1  }
0xa: {  	[smem:$0x3FA6] =	sst s2  }
0xb: {  	[smem:$0x3FA7] =	sst s3  }
0xc: {  	[smem:$0x3FA8] =	sst s4  }
0xd: {  	[smem:$0x3FA9] =	sst s5  }
0xe: {  	[smem:$0x3FAA] =	sst s6  }
0xf: {  	[smem:$0x3FAB] =	sst s7  }
0x10: {  	[smem:$0x3FAC] =	sst s8  }
0x11: {  	[smem:$0x3FAD] =	sst s9;
	s0 =	simm.s32 @!p0 $0x0  }
0x12: {  	s1 =	sld [smem:$0x3F93];
	s0 =	simm.s32 @p0 $0x1  }
0x13: {  	[smem:$0x3FAE] =	sst s0;
	s0 =	simm.s32 @!p1 $0x0  }
0x14: {  	s2 =	sld [smem:$0x3F92];
	s0 =	simm.s32 @p1 $0x1  }
0x15: {  	[smem:$0x3FAF] =	sst s0;
	s0 =	simm.s32 @!p2 $0x0  }
0x16: {  	s3 =	sld [smem:$0x3FDB];
	s0 =	simm.s32 @p2 $0x1  }
0x17: {  	s4 =	simm.s32 $0x1BF5;
	[smem:$0x3FB1] =	sst s0  }
0x18: {  	s0 =	sld [smem:$0x3F94];
	_ =	swait.ge [sflag:s4], $0x0  }
0x19: {  	s7 =	sld [smem:$0x3F95]  }
0x1a: {  	s8 =	sadd.s32 $0xFFFFE003, lr  }
0x1b: {  	s9 =	sadd.s32 $0xFFFFFEF7, lr;
	s5 =	simm.s32 $0xFFFFFFFF;
	p2 =	slt.u32 s8, $0xFFFFF086  }
0x1c: {  	p1 =	slt.u32 s9, $0xF7A;
	s5 =	simm.s32 @!p2 $0x0  }
0x1d: {  	s5 =	simm.s32 @p1 $0x1;
	p0 =	seq.s32 s7, s2  }
0x1e: {  	s7 =	smul.u32 @!p0 $0xF7A, s2;
	p2 =	seq.s32 @!p0 s5, $0x0  }
0x1f: {  	s9 =	smul.u32 $0xF7A, s1;
	s8 =	simm.s32 @!p0 $0x1BF5;
	p2 =	por !p2, p0  }
0x20: {  	[sflag:s8] =	ssyncset.s32 @!p0 $0xFFFFF086;
	s6 =	sadd.s32 @!p0 s3, s7;
	s7 =	simm.s32 @!p0 $0x108  }
0x21: {  	s3 =	sadd.s32 s3, s9;
	s6 =	sadd.s32 @!p0 $0x88, s6;
	s7 =	simm.s32 @p2 $0x1082  }
0x22: {  	[simem:s7], [sflag:s8] =	dma.local @!p0 [hbm:s6], $0xF7A  }
0x23: {  	s9 =	sor.u32 $0xD0000000, s2;
	s6 =	simm.s32 $0x108;
	_ =	swait.ge @!p0 [sflag:s8], $0x0  }
0x24: {  	s3 =	sadd.s32 $0x88, s3;
	s6 =	simm.s32 @!p1 $0x1082;
	[sflag:s4] =	ssyncset.s32 $0xFFFFF086  }
0x25: {  	[simem:s6], [sflag:s4] =	dma.local [hbm:s3], $0xF7A  }
0x26: {  	[smem:$0x3F95] =	sst s1;
	(tag) =	ssettag s2;
	_ =	strace s9  }
0x27: {  	s1 =	sld [smem:$0x3FA5]  }
0x28: {  	s2 =	sld [smem:$0x3FA6]  }
0x29: {  	s4 =	sld [smem:$0x3FA8]  }
0x2a: {  	p0 =	seq.s32 s5, $0x0;
	s5 =	sld [smem:$0x3FA9]  }
0x2b: {  	s6 =	sld [smem:$0x3FAA]  }
0x2c: {  	s7 =	sld [smem:$0x3FAB]  }
0x2d: {  	s3 =	simm.s32 $0x108;
	s8 =	sld [smem:$0x3FAC]  }
0x2e: {  	s3 =	simm.s32 @!p0 $0x1082;
	s9 =	sld [smem:$0x3FAD]  }
0x2f: {  	lr =	sadd.s32 s0, s3;
	s0 =	sld [smem:$0x3FA4]  }
0x30: {  	s3 =	sld [smem:$0x3FA7]  }
0x31: {  	[smem:$0x3FB0] =	sst s10  }
0x32: {  	s10 =	sld [smem:$0x3FAE];
	_ =	sdelay $0x3  }
0x33: {  	p0 =	seq.s32 s10, $0x1;
	s10 =	sld [smem:$0x3FB0];
	_ =	sdelay $0x3  }
0x34: {  	[smem:$0x3FB0] =	sst s10  }
0x35: {  	s10 =	sld [smem:$0x3FAF];
	_ =	sdelay $0x3  }
0x36: {  	p1 =	seq.s32 s10, $0x1;
	s10 =	sld [smem:$0x3FB0];
	_ =	sdelay $0x3  }
0x37: {  	[smem:$0x3FB0] =	sst s10  }
0x38: {  	s10 =	sld [smem:$0x3FB1]  }
0x39: {  	_ = 	snop;
	(pc) =	sbr.ind lr, $3  }
0x3a: {  	_ = 	snop  }
0x3b: {  	_ = 	snop  }
0x3c: {  	p2 =	seq.s32 s10, $0x1;
	s10 =	sld [smem:$0x3FB0]  }
0x3d: {  	_ =	shalt  }
0x3e: {  	_ =	shalt  }
0x3f: {  	_ =	shalt  }
0x40: {  	_ =	shalt  }
0x41: {  	_ =	shalt  }
0x42: {  	_ =	shalt  }
0x43: {  	_ =	shalt  }
0x44: {  	_ =	shalt  }
0x45: {  	_ =	shalt  }
0x46: {  	_ =	shalt  }
0x47: {  	_ =	shalt  }
0x48: {  	_ =	shalt  }
0x49: {  	_ =	shalt  }
0x4a: {  	_ =	shalt  }
0x4b: {  	_ =	shalt  }
0x4c: {  	_ =	shalt  }
0x4d: {  	_ =	shalt  }
0x4e: {  	_ =	shalt  }
0x4f: {  	_ =	shalt  }
0x50: {  	_ =	shalt  }
0x51: {  	_ =	shalt  }
0x52: {  	_ =	shalt  }
0x53: {  	_ =	shalt  }
0x54: {  	_ =	shalt  }
0x55: {  	_ =	shalt  }
0x56: {  	_ =	shalt  }
0x57: {  	_ =	shalt  }
0x58: {  	_ =	shalt  }
0x59: {  	_ =	shalt  }
0x5a: {  	_ =	shalt  }
0x5b: {  	_ =	shalt  }
0x5c: {  	_ =	shalt  }
0x5d: {  	_ =	shalt  }
0x5e: {  	_ =	shalt  }
0x5f: {  	_ =	shalt  }
0x60: {  	_ =	shalt  }
0x61: {  	_ =	shalt  }
0x62: {  	_ =	shalt  }
0x63: {  	_ =	shalt  }
0x64: {  	_ =	shalt  }
0x65: {  	_ =	shalt  }
0x66: {  	_ =	shalt  }
0x67: {  	_ =	shalt  }
0x68: {  	_ =	shalt  }
0x69: {  	_ =	shalt  }
0x6a: {  	_ =	shalt  }
0x6b: {  	_ =	shalt  }
0x6c: {  	_ =	shalt  }
0x6d: {  	_ =	shalt  }
0x6e: {  	_ =	shalt  }
0x6f: {  	_ =	shalt  }
0x70: {  	_ =	shalt  }
0x71: {  	_ =	shalt  }
0x72: {  	_ =	shalt  }
0x73: {  	_ =	shalt  }
0x74: {  	_ =	shalt  }
0x75: {  	_ =	shalt  }
0x76: {  	_ =	shalt  }
0x77: {  	_ =	shalt  }
0x78: {  	_ =	shalt  }
0x79: {  	_ =	shalt  }
0x7a: {  	_ =	shalt  }
0x7b: {  	_ =	shalt  }
0x7c: {  	_ =	shalt  }
0x7d: {  	_ =	shalt  }
0x7e: {  	_ =	shalt  }
0x7f: {  	_ =	shalt  }
0x80: {  	_ =	shalt  }
0x81: {  	_ =	shalt  }
0x82: {  	_ =	shalt  }
0x83: {  	_ =	shalt  }
0x84: {  	_ =	shalt  }
0x85: {  	_ =	shalt  }
0x86: {  	_ =	shalt  }
0x87: {  	_ =	shalt  }
.Lfunc_end0:
.L_simem_size_0:
called_computation.2_lowered:
.L_overlay_start_0:
0x88: {  	s2 =	sld [smem:$0x3FD9]  }
0x89: {  	s3 =	sld [smem:$0x3FFE];
	_ =	sdelay $0x1  }
0x8a: {  	s1 =	srdreg.scid  }
0x8b: {  	s0 =	sand.u32 $0x1, s1  }
0x8c: {  	s16 =	sshll.u32 s0, $0xA;
	s2 =	sadd.s32 s3, s2  }
0x8d: {  	s2 =	sadd.s32 s2, s16  }
0x8e: {  	[smem:$0x3FBC] =	sst s2  }
0x8f: {  	_ = 	snop  }
0x90: {  	(tm) =	ssettm $0x1  }
0x91: {  	s17 =	sld [smem:$0x3FFB];
	_ =	sdelay $0x3  }
0x92: {  	_ =	strace s17  }
0x93: {  	s2 =	sld [smem:$0x3FFC];
	_ =	sdelay $0x3  }
0x94: {  	_ =	strace s2  }
0x95: {  	s2 =	sld [smem:$0x3FFD];
	_ =	sdelay $0x3  }
0x96: {  	_ =	strace s2  }
0x97: {  	_ =	strace $0x8FFFFFFF  }
0x98: {  	s18 =	sld [smem:$0x3FDB];
	_ =	sdelay $0x1  }
0x99: {  	s19 =	simm.s32 $_scs_section_size  }
0x9a: {  	s4 =	simm.s32 $_size__tile_overlayer_lowered;
	s5 =	simm.s32 $_tile_overlayer_lowered  }
0x9b: {  	s22 =	simm.s32 $0x1BFF;
	s21 =	sshll.u32 s5, $0x1;
	s2 =	sadd.s32 s19, s18  }
0x9c: {  	s6 =	simm.s32 $0x0;
	s20 =	sshll.u32 s4, $0x1;
	s4 =	sadd.s32 s21, s2  }
0x9d: {  	[timem:s6], [sflag:s22] =	dma.local [hbm:s4], s20  }
0x9e: {  	_ =	swait.ge [sflag:s22], s20  }
0x9f: {  	s3 =	ssub.s32 $0x0, s20;
	[sflag:s22] =	ssyncset.done $0x0  }
0xa0: {  	[sflag:s22] =	ssyncadd.s32 s3;
	_ =	sdelay $0x1  }
0xa1: {  	s23 =	simm.s32 $0x1B8B  }
0xa2: {  	_ =	swait.ge [sflag:s23], $0x1  }
0xa3: {  	[sflag:s23] =	ssyncset.done $0x0  }
0xa4: {  	s25 =	simm.s32 $0x1B8E;
	s24 =	sld [smem:$0x3FFE];
	[sflag:s23] =	ssyncadd.s32 $0xFFFFFFFF  }
0xa5: {  	s26 =	simm.s32 $execute0_lowered;
	[smem:$0x3FD2] =	sst s25  }
0xa6: {  	s4 =	sshll.u32 s26, $0x1;
	_ =	strace $0x8000004C;
	[dreg:$0x1] =	wrdreg $0xFFFFFFFF  }
0xa7: {  	s28 =	simm.s32 $_size_execute0_lowered;
	s2 =	sadd.s32 s2, s4;
	[dreg:$0x0] =	wrdreg $0x0  }
0xa8: {  	s4 =	sshll.u32 s28, $0x1;
	[dreg:$0x2] =	wrdreg s2  }
0xa9: {  	[dreg:$0x3] =	wrdreg s4  }
0xaa: {  	[dreg:$0x4] =	wrdreg $0xC0  }
0xab: {  	_ =	task [dreg:s6], $0x5FFFF  }
0xac: {  	[dreg:$0x1] =	wrdreg $0xFFFFFFFF  }
0xad: {  	[dreg:$0x0] =	wrdreg $0x60  }
0xae: {  	[dreg:$0x2] =	wrdreg s24  }
0xaf: {  	[dreg:$0x3] =	wrdreg $0xAA000  }
0xb0: {  	[dreg:$0x4] =	wrdreg $0x9  }
0xb1: {  	_ =	task.clear_ibuf [dreg:s6], $0x5FFFF;
	_ =	strace $0x9000004C  }
0xb2: {  	s29 =	simm.s32 $0x9;
	_ =	strace $0x8000004E  }
0xb3: {  	_ =	swait.ge [sflag:s29], $0x1  }
0xb4: {  	[sflag:s29] =	ssyncadd.s32 $0xFFFFFFFF  }
0xb5: {  	_ =	strace $0x9000004E  }
0xb6: {  	_ =	sfence  }
0xb7: {  	s30 =	sld [smem:$0x0];
	_ =	sdelay $0x2  }
0xb8: {  	s31 =	sshll.u32 s1, $0xD;
	s1 =	sshrl.u32 s1, $0x2  }
0xb9: {  	s3 =	sand.u32 $0x4000, s31;
	s1 =	sadd.s32 s1, s30  }
0xba: {  	s0 =	sor.u32 s3, s0;
	s1 =	sshll.u32 s1, $0x11  }
0xbb: {  	s0 =	sor.u32 s1, s0  }
0xbc: {  	s0 =	sadd.s32 $0x8F2B, s0  }
0xbd: {  	[sflag:s0] =	ssyncadd.remote.s32 $0x1  }
0xbe: {  	_ =	sfence.sel $0xFFFF  }
0xbf: {  	[dreg:$0x0] =	wrdreg $0xFFFFFFFF;
	(pc) =	sbr.abs _section_cstart, $3  }
0xc0: {  	[dreg:$0x1] =	wrdreg $0xFFFFFFFF  }
0xc1: {  	_ =	task.clear_ibuf [dreg:s6], $0x2FFFF;
	_ =	strace $0x9FFFFFFF  }
0xc2: {  	(tm) =	ssettm $0x7FFFFFFF  }
0xc3: {  	_ =	shalt  }
tec
execute0_lowered:
.L_overlay_start_1:
0x0: {  	(tag) =	ssettag $0x1  }
0x1: {  	s0 =	srdreg.scid;
	s6 =	rddreg [dreg:$0x0]  }
0x2: {  	s2 =	rddreg [dreg:$0x1];
	s3 =	simm.s32 $0x0;
	s13 =	simm.s32 $0x3  }
0x3: {  	s14 =	simm.s32 $0x80;
	s15 =	simm.s32 $0x2800;
	s16 =	simm.s32 $0x2A00  }
0x4: {  	s17 =	simm.s32 $0x6A00;
	s18 =	simm.s32 $0x2880;
	s19 =	simm.s32 $0x1  }
0x5: {  	s20 =	simm.s32 $0x2900;
	s21 =	simm.s32 $0x2;
	s5 =	sand.u32 $0x1, s0  }
0x6: {  	s22 =	simm.s32 $0x2980;
	s0 =	stileid.u32;
	s8 =	smul.u32 $0x140000, s5  }
0x7: {  	s25 =	simm.s32 $0x0;
	[smem:$0x7FF] =	sst s3;
	s9 =	smul.u32 $0x14000, s0  }
0x8: {  	s4 =	sadd.s32 $0x5200, s6;
	s1 =	sshll.u32 s5, $0x4;
	s10 =	smul.u32 $0x50000, s0  }
0x9: {  	s5 =	ssub.s32 $0x2, s5;
	s23 =	sshll.u32 s0, $0x6;
	s1 =	sor.u32 s0, s1  }
0xa: {  	s31 =	sshrl.u32 s5, $0x1;
	s23 =	sor.u32 $0x1C03, s23;
	s7 =	smul.u32 $0x500, s1  }
0xb: {  	s1 =	rddreg [dreg:$0x2];
	_ =	strace $0x8000004D;
	s8 =	sadd.s32 s9, s8  }
.Ltmp0:
0xc: {  	s10 =	sshrl.u32 s10, $0x2;
	s12 =	ssub.s32 s5, s31;
	(pc) =	sbr.rel .LBB2_1-.Ltmp0, $4  }
0xd: {  	s8 =	sshrl.u32 s8, $0x3;
	s5 =	sadd.s32 s10, s2;
	s12 =	smax.u32 s12, $0x1  }
0xe: {  	s7 =	sadd.s32 s7, s6;
	s11 =	sadd.s32 s8, s6;
	s8 =	sadd.s32 $0x8000, s5  }
0xf: {  	s9 =	sadd.s32 $0xC000, s5;
	s10 =	sadd.s32 $0x10000, s5;
	s24 =	sshrl.u32 s5, $0x3  }
0x10: {  	v0 =	vimm.f32 $0.0e+00;
	s6 =	sadd.s32 $0x2DC00, s7;
	s7 =	sadd.s32 $0x4000, s5;
	s11 =	sadd.s32 $0x87C00, s11  }
.LBB2_6:
0x11: {  	_ =	swait.ge [sflag:s19], $0x4000  }
0x12: {  	[sflag:s19] =	ssyncset.done $0x0  }
0x13: {  	[sflag:s19] =	ssyncadd.s32 $0xFFFFC000  }
0x14: {  	[spmem:s2] =	stream.indirect.scatter.add.f32 [tilespmem:s16], [sflag:$0x3], $0x80, s20, s14, $0xb8;
	[tilespmem:$0x1EA00] =	vst v63  }
0x15: {  	_ =	swait.ge [sflag:s13], $0x4000  }
0x16: {  	s25 =	sadd.s32 $0x1, s25;
	[sflag:s13] =	ssyncset.done $0x0  }
0x17: {  	p0 =	sne.s32 s25, s12;
	[sflag:s13] =	ssyncadd.s32 $0xFFFFC000  }
.Ltmp1:
0x18: {  	[bflag:$0x0] =	sbarrier.arrive $0xFFFF;
	(pc) =	sbr.rel @!p0 .LBB2_7-.Ltmp1, $4  }
0x19: {  	[hbm:s11], [sflag:s23] =	dma.local [spmem:s24], $0x2800  }
0x1a: {  	_ =	swait.ge [sflag:s13], $0x2800  }
0x1b: {  	[sflag:s13] =	ssyncset.done $0x0  }
0x1c: {  	[sflag:s13] =	ssyncadd.s32 $0xFFFFD800  }
.LBB2_1:
0x1d: {  	[tilespmem:s3], [sflag:$0x3] =	stream.linear.gather [hbm4b:s6+s3], $0x2780, $0x38;
	[tilespmem:$0x1EA00] =	vst v63  }
0x1e: {  	_ =	swait.ge [sflag:s13], $0x2780  }
0x1f: {  	[sflag:s13] =	ssyncset.done $0x0  }
0x20: {  	[sflag:s13] =	ssyncadd.s32 $0xFFFFD880  }
0x21: {  	v1 =	vld [tilespmem:$0x0];
	_ =	sdelay $0x1  }
0x22: {  	v2 =	vld [tilespmem:$0x10];
	_ =	sdelay $0x1  }
0x23: {  	v3 =	vld [tilespmem:$0x20]  }
0x24: {  	v4 =	vand.u32 $0x3FFF, v1  }
0x25: {  	v62 =	vld [tilespmem:$0x30];
	v1 =	vshrl.u32 v1, $0xE;
	[tilespmem:$0x2800] =	vst v4  }
0x26: {  	[tilespmem:$0x2900] =	vst v1;
	v1 =	vand.u32 $0x3FFF, v2  }
0x27: {  	[tilespmem:$0x2810] =	vst v1;
	v1 =	vshrl.u32 v2, $0xE;
	v2 =	vld [tilespmem:$0x40]  }
0x28: {  	[tilespmem:$0x2910] =	vst v1;
	v1 =	vand.u32 $0x3FFF, v3  }
0x29: {  	[tilespmem:$0x2820] =	vst v1;
	v1 =	vshrl.u32 v3, $0xE;
	v3 =	vld [tilespmem:$0x50]  }
0x2a: {  	[tilespmem:$0x2920] =	vst v1;
	v1 =	vand.u32 $0x3FFF, v62  }
0x2b: {  	v63 =	vld [tilespmem:$0x60];
	[tilespmem:$0x2830] =	vst v1;
	v1 =	vshrl.u32 v62, $0xE  }
0x2c: {  	[tilespmem:$0x2930] =	vst v1;
	v1 =	vand.u32 $0x3FFF, v2  }
0x2d: {  	[tilespmem:$0x2840] =	vst v1;
	v1 =	vshrl.u32 v2, $0xE;
	v2 =	vld [tilespmem:$0x70]  }
0x2e: {  	[tilespmem:$0x2940] =	vst v1;
	v1 =	vand.u32 $0x3FFF, v3  }
0x2f: {  	[tilespmem:$0x2850] =	vst v1;
	v1 =	vshrl.u32 v3, $0xE  }
0x30: {  	[tilespmem:$0x2950] =	vst v1;
	v1 =	vand.u32 $0x3FFF, v63  }
0x31: {  	[tilespmem:$0x2860] =	vst v1;
	v1 =	vshrl.u32 v63, $0xE  }
0x32: {  	[tilespmem:$0x2960] =	vst v1;
	v1 =	vand.u32 $0x3FFF, v2  }
0x33: {  	[tilespmem:$0x2870] =	vst v1;
	v1 =	vshrl.u32 v2, $0xE  }
0x34: {  	s26 =	simm.s32 $0x0;
	s28 =	simm.s32 $0x200;
	[tilespmem:$0x2970] =	vst v1  }
0x35: {  	[tilespmem:s16], [sflag:$0x1] =	stream.indirect.gather [hbm4b:s4+s14], $0x80, s15, s14, $0xb8;
	[tilespmem:$0x1EA00] =	vst v63  }
.LBB2_2:
0x36: {  	p0 =	sne.s32 s28, $0xFE00;
	[tilespmem:s26+$0x6A70] =	vst v0  }
0x37: {  	[tilespmem:s26+$0x6A00] =	vst v0  }
0x38: {  	[tilespmem:s26+$0x6A10] =	vst v0  }
.Ltmp2:
0x39: {  	[tilespmem:s26+$0x6A20] =	vst v0;
	(pc) =	sbr.rel @p0 .LBB2_2-.Ltmp2, $4  }
0x3a: {  	[tilespmem:s26+$0x6A30] =	vst v0  }
0x3b: {  	[tilespmem:s26+$0x6A40] =	vst v0  }
0x3c: {  	[tilespmem:s26+$0x6A50] =	vst v0  }
0x3d: {  	[tilespmem:s26+$0x6A60] =	vst v0;
	s26 =	sshra.s32 s28, $0x2;
	s28 =	sadd.s32 $0x200, s28  }
0x3e: {  	[tilespmem:s26+$0x6A70] =	vst v0  }
0x3f: {  	[tilespmem:s26+$0x6A00] =	vst v0  }
0x40: {  	[tilespmem:s26+$0x6A10] =	vst v0  }
0x41: {  	[tilespmem:s26+$0x6A20] =	vst v0  }
0x42: {  	[tilespmem:s26+$0x6A30] =	vst v0  }
0x43: {  	[tilespmem:s26+$0x6A40] =	vst v0  }
0x44: {  	[tilespmem:s26+$0x6A50] =	vst v0  }
0x45: {  	[tilespmem:s26+$0x6A60] =	vst v0  }
0x46: {  	[spmem:s5] =	stream.linear.scatter [tilespmem:s17], [sflag:$0x3], $0x4000, $0x38;
	[tilespmem:$0x1EA00] =	vst v63  }
0x47: {  	_ =	swait.ge [sflag:s13], $0x4000  }
0x48: {  	[sflag:s13] =	ssyncset.done $0x0  }
0x49: {  	[sflag:s13] =	ssyncadd.s32 $0xFFFFC000  }
0x4a: {  	[spmem:s7] =	stream.linear.scatter [tilespmem:s17], [sflag:$0x3], $0x4000, $0x38;
	[tilespmem:$0x1EA00] =	vst v63  }
0x4b: {  	_ =	swait.ge [sflag:s13], $0x4000  }
0x4c: {  	[sflag:s13] =	ssyncset.done $0x0  }
0x4d: {  	[sflag:s13] =	ssyncadd.s32 $0xFFFFC000  }
0x4e: {  	[spmem:s8] =	stream.linear.scatter [tilespmem:s17], [sflag:$0x3], $0x4000, $0x38;
	[tilespmem:$0x1EA00] =	vst v63  }
0x4f: {  	_ =	swait.ge [sflag:s13], $0x4000  }
0x50: {  	[sflag:s13] =	ssyncset.done $0x0  }
0x51: {  	[sflag:s13] =	ssyncadd.s32 $0xFFFFC000  }
0x52: {  	[spmem:s9] =	stream.linear.scatter [tilespmem:s17], [sflag:$0x3], $0x4000, $0x38;
	[tilespmem:$0x1EA00] =	vst v63  }
0x53: {  	_ =	swait.ge [sflag:s13], $0x4000  }
0x54: {  	[sflag:s13] =	ssyncset.done $0x0  }
0x55: {  	[sflag:s13] =	ssyncadd.s32 $0xFFFFC000  }
0x56: {  	[spmem:s10] =	stream.linear.scatter [tilespmem:s17], [sflag:$0x3], $0x4000, $0x38;
	[tilespmem:$0x1EA00] =	vst v63  }
0x57: {  	_ =	swait.ge [sflag:s13], $0x4000  }
0x58: {  	[sflag:s13] =	ssyncset.done $0x0  }
0x59: {  	[sflag:s13] =	ssyncadd.s32 $0xFFFFC000  }
0x5a: {  	v1 =	vld [tilespmem:$0x80];
	_ =	sdelay $0x1  }
0x5b: {  	v2 =	vld [tilespmem:$0x90];
	_ =	sdelay $0x1  }
0x5c: {  	v3 =	vld [tilespmem:$0xA0]  }
0x5d: {  	v4 =	vand.u32 $0x3FFF, v1  }
0x5e: {  	v62 =	vld [tilespmem:$0xB0];
	v1 =	vshrl.u32 v1, $0xE;
	[tilespmem:$0x2880] =	vst v4  }
0x5f: {  	[tilespmem:$0x2980] =	vst v1;
	v1 =	vand.u32 $0x3FFF, v2  }
0x60: {  	[tilespmem:$0x2890] =	vst v1;
	v1 =	vshrl.u32 v2, $0xE;
	v2 =	vld [tilespmem:$0xC0]  }
0x61: {  	[tilespmem:$0x2990] =	vst v1;
	v1 =	vand.u32 $0x3FFF, v3  }
0x62: {  	[tilespmem:$0x28A0] =	vst v1;
	v1 =	vshrl.u32 v3, $0xE;
	v3 =	vld [tilespmem:$0xD0]  }
0x63: {  	[tilespmem:$0x29A0] =	vst v1;
	v1 =	vand.u32 $0x3FFF, v62  }
0x64: {  	v63 =	vld [tilespmem:$0xE0];
	[tilespmem:$0x28B0] =	vst v1;
	v1 =	vshrl.u32 v62, $0xE  }
0x65: {  	[tilespmem:$0x29B0] =	vst v1;
	v1 =	vand.u32 $0x3FFF, v2  }
0x66: {  	[tilespmem:$0x28C0] =	vst v1;
	v1 =	vshrl.u32 v2, $0xE;
	v2 =	vld [tilespmem:$0xF0]  }
0x67: {  	[tilespmem:$0x29C0] =	vst v1;
	v1 =	vand.u32 $0x3FFF, v3  }
0x68: {  	[tilespmem:$0x28D0] =	vst v1;
	v1 =	vshrl.u32 v3, $0xE  }
0x69: {  	[tilespmem:$0x29D0] =	vst v1;
	v1 =	vand.u32 $0x3FFF, v63  }
0x6a: {  	[tilespmem:$0x28E0] =	vst v1;
	v1 =	vshrl.u32 v63, $0xE  }
0x6b: {  	[tilespmem:$0x29E0] =	vst v1;
	v1 =	vand.u32 $0x3FFF, v2  }
0x6c: {  	[tilespmem:$0x28F0] =	vst v1;
	v1 =	vshrl.u32 v2, $0xE  }
0x6d: {  	[tilespmem:$0x29F0] =	vst v1  }
0x6e: {  	[tilespmem:s17], [sflag:$0x2] =	stream.indirect.gather [hbm4b:s4+s14], $0x80, s18, s14, $0xb8;
	[tilespmem:$0x1EA00] =	vst v63  }
0x6f: {  	s26 =	simm.s32 $0x7C0;
	[bflag:$0x0] =	sbarrier.arrive $0xFFFF  }
.LBB2_4:
0x70: {  	_ =	swait.ge [sflag:s19], $0x4000  }
0x71: {  	[sflag:s19] =	ssyncset.done $0x0  }
0x72: {  	[sflag:s19] =	ssyncadd.s32 $0xFFFFC000  }
0x73: {  	[spmem:s2] =	stream.indirect.scatter.add.f32 [tilespmem:s16], [sflag:$0x3], $0x80, s20, s14, $0xb8;
	[tilespmem:$0x1EA00] =	vst v63  }
0x74: {  	_ =	swait.ge [sflag:s13], $0x4000  }
0x75: {  	[sflag:s13] =	ssyncset.done $0x0  }
0x76: {  	s28 =	sshra.s32 s26, $0x2;
	[sflag:s13] =	ssyncadd.s32 $0xFFFFC000  }
0x77: {  	v1 =	vld [tilespmem:s28+$0xFFFFFF10];
	_ =	sdelay $0x4  }
0x78: {  	v2 =	vand.u32 $0x3FFF, v1  }
0x79: {  	v1 =	vshrl.u32 v1, $0xE;
	[tilespmem:$0x2800] =	vst v2  }
0x7a: {  	[tilespmem:$0x2900] =	vst v1  }
0x7b: {  	v1 =	vld [tilespmem:s28+$0xFFFFFF20];
	_ =	sdelay $0x4  }
0x7c: {  	v2 =	vand.u32 $0x3FFF, v1  }
0x7d: {  	v1 =	vshrl.u32 v1, $0xE;
	[tilespmem:$0x2810] =	vst v2  }
0x7e: {  	[tilespmem:$0x2910] =	vst v1  }
0x7f: {  	v1 =	vld [tilespmem:s28+$0xFFFFFF30];
	_ =	sdelay $0x4  }
0x80: {  	v2 =	vand.u32 $0x3FFF, v1  }
0x81: {  	v1 =	vshrl.u32 v1, $0xE;
	[tilespmem:$0x2820] =	vst v2  }
0x82: {  	[tilespmem:$0x2920] =	vst v1  }
0x83: {  	v1 =	vld [tilespmem:s28+$0xFFFFFF40];
	_ =	sdelay $0x4  }
0x84: {  	v2 =	vand.u32 $0x3FFF, v1  }
0x85: {  	v1 =	vshrl.u32 v1, $0xE;
	[tilespmem:$0x2830] =	vst v2  }
0x86: {  	[tilespmem:$0x2930] =	vst v1  }
0x87: {  	v1 =	vld [tilespmem:s28+$0xFFFFFF50];
	_ =	sdelay $0x4  }
0x88: {  	v2 =	vand.u32 $0x3FFF, v1  }
0x89: {  	v1 =	vshrl.u32 v1, $0xE;
	[tilespmem:$0x2840] =	vst v2  }
0x8a: {  	[tilespmem:$0x2940] =	vst v1  }
0x8b: {  	v1 =	vld [tilespmem:s28+$0xFFFFFF60];
	_ =	sdelay $0x4  }
0x8c: {  	v2 =	vand.u32 $0x3FFF, v1  }
0x8d: {  	v1 =	vshrl.u32 v1, $0xE;
	[tilespmem:$0x2850] =	vst v2  }
0x8e: {  	[tilespmem:$0x2950] =	vst v1  }
0x8f: {  	v1 =	vld [tilespmem:s28+$0xFFFFFF70];
	_ =	sdelay $0x4  }
0x90: {  	v2 =	vand.u32 $0x3FFF, v1  }
0x91: {  	v1 =	vshrl.u32 v1, $0xE;
	[tilespmem:$0x2860] =	vst v2  }
0x92: {  	[tilespmem:$0x2960] =	vst v1  }
0x93: {  	v1 =	vld [tilespmem:s28+$0xFFFFFF80];
	_ =	sdelay $0x4  }
0x94: {  	v2 =	vand.u32 $0x3FFF, v1  }
0x95: {  	v1 =	vshrl.u32 v1, $0xE;
	[tilespmem:$0x2870] =	vst v2  }
0x96: {  	[tilespmem:$0x2970] =	vst v1  }
0x97: {  	[tilespmem:s16], [sflag:$0x1] =	stream.indirect.gather [hbm4b:s4+s14], $0x80, s15, s14, $0xb8;
	[tilespmem:$0x1EA00] =	vst v63  }
0x98: {  	_ =	swait.ge [sflag:s21], $0x4000  }
0x99: {  	p0 =	seq.s32 s26, $0x9FC0;
	[sflag:s21] =	ssyncset.done $0x0  }
.Ltmp3:
0x9a: {  	[sflag:s21] =	ssyncadd.s32 $0xFFFFC000;
	(pc) =	sbr.rel @p0 .LBB2_6-.Ltmp3, $4  }
0x9b: {  	[spmem:s2] =	stream.indirect.scatter.add.f32 [tilespmem:s17], [sflag:$0x3], $0x80, s22, s14, $0xb8;
	[tilespmem:$0x1EA00] =	vst v63  }
0x9c: {  	_ =	swait.ge [sflag:s13], $0x4000  }
0x9d: {  	[sflag:s13] =	ssyncset.done $0x0  }
0x9e: {  	[sflag:s13] =	ssyncadd.s32 $0xFFFFC000  }
0x9f: {  	v1 =	vld [tilespmem:s28+$0xFFFFFF90];
	_ =	sdelay $0x4  }
0xa0: {  	v2 =	vand.u32 $0x3FFF, v1  }
0xa1: {  	v1 =	vshrl.u32 v1, $0xE;
	[tilespmem:$0x2880] =	vst v2  }
0xa2: {  	[tilespmem:$0x2980] =	vst v1  }
0xa3: {  	v1 =	vld [tilespmem:s28+$0xFFFFFFA0];
	_ =	sdelay $0x4  }
0xa4: {  	v2 =	vand.u32 $0x3FFF, v1  }
0xa5: {  	v1 =	vshrl.u32 v1, $0xE;
	[tilespmem:$0x2890] =	vst v2  }
0xa6: {  	[tilespmem:$0x2990] =	vst v1  }
0xa7: {  	v1 =	vld [tilespmem:s28+$0xFFFFFFB0];
	_ =	sdelay $0x4  }
0xa8: {  	v2 =	vand.u32 $0x3FFF, v1  }
0xa9: {  	v1 =	vshrl.u32 v1, $0xE;
	[tilespmem:$0x28A0] =	vst v2  }
0xaa: {  	[tilespmem:$0x29A0] =	vst v1  }
0xab: {  	v1 =	vld [tilespmem:s28+$0xFFFFFFC0];
	_ =	sdelay $0x4  }
0xac: {  	v2 =	vand.u32 $0x3FFF, v1  }
0xad: {  	v1 =	vshrl.u32 v1, $0xE;
	[tilespmem:$0x28B0] =	vst v2  }
0xae: {  	[tilespmem:$0x29B0] =	vst v1  }
0xaf: {  	v1 =	vld [tilespmem:s28+$0xFFFFFFD0];
	_ =	sdelay $0x4  }
0xb0: {  	v2 =	vand.u32 $0x3FFF, v1  }
0xb1: {  	v1 =	vshrl.u32 v1, $0xE;
	[tilespmem:$0x28C0] =	vst v2  }
0xb2: {  	[tilespmem:$0x29C0] =	vst v1  }
0xb3: {  	v1 =	vld [tilespmem:s28+$0xFFFFFFE0];
	_ =	sdelay $0x4  }
0xb4: {  	v2 =	vand.u32 $0x3FFF, v1  }
0xb5: {  	v1 =	vshrl.u32 v1, $0xE;
	[tilespmem:$0x28D0] =	vst v2  }
0xb6: {  	[tilespmem:$0x29D0] =	vst v1  }
0xb7: {  	v1 =	vld [tilespmem:s28+$0xFFFFFFF0];
	_ =	sdelay $0x4  }
0xb8: {  	v2 =	vand.u32 $0x3FFF, v1  }
0xb9: {  	v1 =	vshrl.u32 v1, $0xE;
	[tilespmem:$0x28E0] =	vst v2  }
0xba: {  	[tilespmem:$0x29E0] =	vst v1  }
0xbb: {  	v1 =	vld [tilespmem:s28+$0x0];
	_ =	sdelay $0x3  }
.Ltmp4:
0xbc: {  	_ = 	snop;
	(pc) =	sbr.rel .LBB2_4-.Ltmp4, $4  }
0xbd: {  	v2 =	vand.u32 $0x3FFF, v1  }
0xbe: {  	v1 =	vshrl.u32 v1, $0xE;
	[tilespmem:$0x28F0] =	vst v2  }
0xbf: {  	s26 =	sadd.s32 $0x400, s26;
	[tilespmem:$0x29F0] =	vst v1  }
0xc0: {  	[tilespmem:s17], [sflag:$0x2] =	stream.indirect.gather [hbm4b:s4+s14], $0x80, s18, s14, $0xb8;
	[tilespmem:$0x1EA00] =	vst v63  }
.LBB2_7:
0xc1: {  	_ =	sfence.sel $0x180000  }
0xc2: {  	[bflag:$0x0] =	sbarrier.arrive $0xFFFF  }
0xc3: {  	p0 =	sne.s32 s0, $0x0;
	_ =	strace $0x9000004D  }
0xc4: {  	s0 =	sadd.s32 @!p0 $0x100000, s1;
	[bflag:$0x2] =	sbarrier.arrive $0xFFFF  }
0xc5: {  	[sflag:s0] =	ssyncadd.tile.s32 @!p0 $0x1;
	_ =	shalt  }
.Lfunc_end2:
_tile_overlayer_lowered:
.L_overlay_start_2:
0xc6: {  	(tag) =	ssettag $0x2  }
0xc7: {  	s0 =	rddreg [dreg:$0x0];
	s2 =	stileid.u32  }
0xc8: {  	s1 =	rddreg [dreg:$0x1];
	p0 =	sne.s32 s2, $0x0  }
0xc9: {  	s3 =	rddreg [dreg:$0x2];
	[bflag:$0x3] =	sbarrier.arrive $0xFFFF;
	s2 =	simm.s32 @!p0 $0x1C03  }
0xca: {  	[timem:s3], [sflag:s2] =	dma.local @!p0 [hbm:s0], s1  }
0xcb: {  	s0 =	simm.s32 @!p0 $0x3  }
0xcc: {  	_ =	swait.ge @!p0 [sflag:s0], s1  }
0xcd: {  	s1 =	ssub.s32 @!p0 $0x0, s1;
	[sflag:s0] =	ssyncset.done @!p0 $0x0  }
0xce: {  	[sflag:s0] =	ssyncadd.s32 @!p0 s1  }
0xcf: {  	[bflag:$0x3] =	sbarrier.arrive $0xFFFF  }
0xd0: {  	_ =	shalt  }

// kernel: kernel.19.cloned.1.call-start
scs
__scs_entry_jumppad:
0x0: {  	(pc) =	sbr.rel $0x88, $3  }
0x1: {  	(tag) =	ssettag $0x0;
	lr =	simm.s32 $0x1  }
0x2: {  	[smem:$0x3F95] =	sst lr;
	_ =	strace $0xD0000000  }
0x3: {  	_ = 	snop  }
0x4: {  	_ = 	snop  }
0x5: {  	_ = 	snop  }
0x6: {  	_ = 	snop  }
0x7: {  	_ = 	snop  }
__scs_overlays_trampoline_lowered:
0x8: {  	[smem:$0x3FA4] =	sst s0  }
0x9: {  	[smem:$0x3FA5] =	sst s1  }
0xa: {  	[smem:$0x3FA6] =	sst s2  }
0xb: {  	[smem:$0x3FA7] =	sst s3  }
0xc: {  	[smem:$0x3FA8] =	sst s4  }
0xd: {  	[smem:$0x3FA9] =	sst s5  }
0xe: {  	[smem:$0x3FAA] =	sst s6  }
0xf: {  	[smem:$0x3FAB] =	sst s7  }
0x10: {  	[smem:$0x3FAC] =	sst s8  }
0x11: {  	[smem:$0x3FAD] =	sst s9;
	s0 =	simm.s32 @!p0 $0x0  }
0x12: {  	s1 =	sld [smem:$0x3F93];
	s0 =	simm.s32 @p0 $0x1  }
0x13: {  	[smem:$0x3FAE] =	sst s0;
	s0 =	simm.s32 @!p1 $0x0  }
0x14: {  	s2 =	sld [smem:$0x3F92];
	s0 =	simm.s32 @p1 $0x1  }
0x15: {  	[smem:$0x3FAF] =	sst s0;
	s0 =	simm.s32 @!p2 $0x0  }
0x16: {  	s3 =	sld [smem:$0x3FDB];
	s0 =	simm.s32 @p2 $0x1  }
0x17: {  	s4 =	simm.s32 $0x1BF5;
	[smem:$0x3FB1] =	sst s0  }
0x18: {  	s0 =	sld [smem:$0x3F94];
	_ =	swait.ge [sflag:s4], $0x0  }
0x19: {  	s7 =	sld [smem:$0x3F95]  }
0x1a: {  	s8 =	sadd.s32 $0xFFFFE003, lr  }
0x1b: {  	s9 =	sadd.s32 $0xFFFFFEF7, lr;
	s5 =	simm.s32 $0xFFFFFFFF;
	p2 =	slt.u32 s8, $0xFFFFF086  }
0x1c: {  	p1 =	slt.u32 s9, $0xF7A;
	s5 =	simm.s32 @!p2 $0x0  }
0x1d: {  	s5 =	simm.s32 @p1 $0x1;
	p0 =	seq.s32 s7, s2  }
0x1e: {  	s7 =	smul.u32 @!p0 $0xF7A, s2;
	p2 =	seq.s32 @!p0 s5, $0x0  }
0x1f: {  	s9 =	smul.u32 $0xF7A, s1;
	s8 =	simm.s32 @!p0 $0x1BF5;
	p2 =	por !p2, p0  }
0x20: {  	[sflag:s8] =	ssyncset.s32 @!p0 $0xFFFFF086;
	s6 =	sadd.s32 @!p0 s3, s7;
	s7 =	simm.s32 @!p0 $0x108  }
0x21: {  	s3 =	sadd.s32 s3, s9;
	s6 =	sadd.s32 @!p0 $0x88, s6;
	s7 =	simm.s32 @p2 $0x1082  }
0x22: {  	[simem:s7], [sflag:s8] =	dma.local @!p0 [hbm:s6], $0xF7A  }
0x23: {  	s9 =	sor.u32 $0xD0000000, s2;
	s6 =	simm.s32 $0x108;
	_ =	swait.ge @!p0 [sflag:s8], $0x0  }
0x24: {  	s3 =	sadd.s32 $0x88, s3;
	s6 =	simm.s32 @!p1 $0x1082;
	[sflag:s4] =	ssyncset.s32 $0xFFFFF086  }
0x25: {  	[simem:s6], [sflag:s4] =	dma.local [hbm:s3], $0xF7A  }
0x26: {  	[smem:$0x3F95] =	sst s1;
	(tag) =	ssettag s2;
	_ =	strace s9  }
0x27: {  	s1 =	sld [smem:$0x3FA5]  }
0x28: {  	s2 =	sld [smem:$0x3FA6]  }
0x29: {  	s4 =	sld [smem:$0x3FA8]  }
0x2a: {  	p0 =	seq.s32 s5, $0x0;
	s5 =	sld [smem:$0x3FA9]  }
0x2b: {  	s6 =	sld [smem:$0x3FAA]  }
0x2c: {  	s7 =	sld [smem:$0x3FAB]  }
0x2d: {  	s3 =	simm.s32 $0x108;
	s8 =	sld [smem:$0x3FAC]  }
0x2e: {  	s3 =	simm.s32 @!p0 $0x1082;
	s9 =	sld [smem:$0x3FAD]  }
0x2f: {  	lr =	sadd.s32 s0, s3;
	s0 =	sld [smem:$0x3FA4]  }
0x30: {  	s3 =	sld [smem:$0x3FA7]  }
0x31: {  	[smem:$0x3FB0] =	sst s10  }
0x32: {  	s10 =	sld [smem:$0x3FAE];
	_ =	sdelay $0x3  }
0x33: {  	p0 =	seq.s32 s10, $0x1;
	s10 =	sld [smem:$0x3FB0];
	_ =	sdelay $0x3  }
0x34: {  	[smem:$0x3FB0] =	sst s10  }
0x35: {  	s10 =	sld [smem:$0x3FAF];
	_ =	sdelay $0x3  }
0x36: {  	p1 =	seq.s32 s10, $0x1;
	s10 =	sld [smem:$0x3FB0];
	_ =	sdelay $0x3  }
0x37: {  	[smem:$0x3FB0] =	sst s10  }
0x38: {  	s10 =	sld [smem:$0x3FB1]  }
0x39: {  	_ = 	snop;
	(pc) =	sbr.ind lr, $3  }
0x3a: {  	_ = 	snop  }
0x3b: {  	_ = 	snop  }
0x3c: {  	p2 =	seq.s32 s10, $0x1;
	s10 =	sld [smem:$0x3FB0]  }
0x3d: {  	_ =	shalt  }
0x3e: {  	_ =	shalt  }
0x3f: {  	_ =	shalt  }
0x40: {  	_ =	shalt  }
0x41: {  	_ =	shalt  }
0x42: {  	_ =	shalt  }
0x43: {  	_ =	shalt  }
0x44: {  	_ =	shalt  }
0x45: {  	_ =	shalt  }
0x46: {  	_ =	shalt  }
0x47: {  	_ =	shalt  }
0x48: {  	_ =	shalt  }
0x49: {  	_ =	shalt  }
0x4a: {  	_ =	shalt  }
0x4b: {  	_ =	shalt  }
0x4c: {  	_ =	shalt  }
0x4d: {  	_ =	shalt  }
0x4e: {  	_ =	shalt  }
0x4f: {  	_ =	shalt  }
0x50: {  	_ =	shalt  }
0x51: {  	_ =	shalt  }
0x52: {  	_ =	shalt  }
0x53: {  	_ =	shalt  }
0x54: {  	_ =	shalt  }
0x55: {  	_ =	shalt  }
0x56: {  	_ =	shalt  }
0x57: {  	_ =	shalt  }
0x58: {  	_ =	shalt  }
0x59: {  	_ =	shalt  }
0x5a: {  	_ =	shalt  }
0x5b: {  	_ =	shalt  }
0x5c: {  	_ =	shalt  }
0x5d: {  	_ =	shalt  }
0x5e: {  	_ =	shalt  }
0x5f: {  	_ =	shalt  }
0x60: {  	_ =	shalt  }
0x61: {  	_ =	shalt  }
0x62: {  	_ =	shalt  }
0x63: {  	_ =	shalt  }
0x64: {  	_ =	shalt  }
0x65: {  	_ =	shalt  }
0x66: {  	_ =	shalt  }
0x67: {  	_ =	shalt  }
0x68: {  	_ =	shalt  }
0x69: {  	_ =	shalt  }
0x6a: {  	_ =	shalt  }
0x6b: {  	_ =	shalt  }
0x6c: {  	_ =	shalt  }
0x6d: {  	_ =	shalt  }
0x6e: {  	_ =	shalt  }
0x6f: {  	_ =	shalt  }
0x70: {  	_ =	shalt  }
0x71: {  	_ =	shalt  }
0x72: {  	_ =	shalt  }
0x73: {  	_ =	shalt  }
0x74: {  	_ =	shalt  }
0x75: {  	_ =	shalt  }
0x76: {  	_ =	shalt  }
0x77: {  	_ =	shalt  }
0x78: {  	_ =	shalt  }
0x79: {  	_ =	shalt  }
0x7a: {  	_ =	shalt  }
0x7b: {  	_ =	shalt  }
0x7c: {  	_ =	shalt  }
0x7d: {  	_ =	shalt  }
0x7e: {  	_ =	shalt  }
0x7f: {  	_ =	shalt  }
0x80: {  	_ =	shalt  }
0x81: {  	_ =	shalt  }
0x82: {  	_ =	shalt  }
0x83: {  	_ =	shalt  }
0x84: {  	_ =	shalt  }
0x85: {  	_ =	shalt  }
0x86: {  	_ =	shalt  }
0x87: {  	_ =	shalt  }
.Lfunc_end0:
.L_simem_size_0:
called_computation.3_lowered:
.L_overlay_start_0:
0x88: {  	s2 =	sld [smem:$0x3FD9]  }
0x89: {  	s3 =	sld [smem:$0x3FFE];
	_ =	sdelay $0x1  }
0x8a: {  	s1 =	srdreg.scid  }
0x8b: {  	s0 =	sand.u32 $0x1, s1  }
0x8c: {  	s16 =	sshll.u32 s0, $0xA;
	s2 =	sadd.s32 s3, s2  }
0x8d: {  	s2 =	sadd.s32 s2, s16  }
0x8e: {  	[smem:$0x3FBC] =	sst s2  }
0x8f: {  	_ = 	snop  }
0x90: {  	(tm) =	ssettm $0x1  }
0x91: {  	s17 =	sld [smem:$0x3FFB];
	_ =	sdelay $0x3  }
0x92: {  	_ =	strace s17  }
0x93: {  	s2 =	sld [smem:$0x3FFC];
	_ =	sdelay $0x3  }
0x94: {  	_ =	strace s2  }
0x95: {  	s2 =	sld [smem:$0x3FFD];
	_ =	sdelay $0x3  }
0x96: {  	_ =	strace s2  }
0x97: {  	_ =	strace $0x8FFFFFFF  }
0x98: {  	s18 =	sld [smem:$0x3FDB];
	_ =	sdelay $0x1  }
0x99: {  	s19 =	simm.s32 $_scs_section_size  }
0x9a: {  	s4 =	simm.s32 $_size__tile_overlayer_lowered;
	s5 =	simm.s32 $_tile_overlayer_lowered  }
0x9b: {  	s22 =	simm.s32 $0x1BFF;
	s21 =	sshll.u32 s5, $0x1;
	s2 =	sadd.s32 s19, s18  }
0x9c: {  	s6 =	simm.s32 $0x0;
	s20 =	sshll.u32 s4, $0x1;
	s4 =	sadd.s32 s21, s2  }
0x9d: {  	[timem:s6], [sflag:s22] =	dma.local [hbm:s4], s20  }
0x9e: {  	_ =	swait.ge [sflag:s22], s20  }
0x9f: {  	s3 =	ssub.s32 $0x0, s20;
	[sflag:s22] =	ssyncset.done $0x0  }
0xa0: {  	[sflag:s22] =	ssyncadd.s32 s3;
	_ =	sdelay $0x1  }
0xa1: {  	s23 =	simm.s32 $0x1B8B  }
0xa2: {  	_ =	swait.ge [sflag:s23], $0x1  }
0xa3: {  	[sflag:s23] =	ssyncset.done $0x0  }
0xa4: {  	s25 =	simm.s32 $0x1B8E;
	s24 =	sld [smem:$0x3FFE];
	[sflag:s23] =	ssyncadd.s32 $0xFFFFFFFF  }
0xa5: {  	s26 =	simm.s32 $execute0_lowered;
	[smem:$0x3FD2] =	sst s25  }
0xa6: {  	s4 =	sshll.u32 s26, $0x1;
	_ =	strace $0x8000004F;
	[dreg:$0x1] =	wrdreg $0xFFFFFFFF  }
0xa7: {  	s28 =	simm.s32 $_size_execute0_lowered;
	s2 =	sadd.s32 s2, s4;
	[dreg:$0x0] =	wrdreg $0x0  }
0xa8: {  	s4 =	sshll.u32 s28, $0x1;
	[dreg:$0x2] =	wrdreg s2  }
0xa9: {  	[dreg:$0x3] =	wrdreg s4  }
0xaa: {  	[dreg:$0x4] =	wrdreg $0xC0  }
0xab: {  	_ =	task [dreg:s6], $0x5FFFF  }
0xac: {  	[dreg:$0x1] =	wrdreg $0xFFFFFFFF  }
0xad: {  	[dreg:$0x0] =	wrdreg $0x60  }
0xae: {  	[dreg:$0x2] =	wrdreg s24  }
0xaf: {  	[dreg:$0x3] =	wrdreg $0xAA000  }
0xb0: {  	[dreg:$0x4] =	wrdreg $0x9  }
0xb1: {  	_ =	task.clear_ibuf [dreg:s6], $0x5FFFF;
	_ =	strace $0x9000004F  }
0xb2: {  	s29 =	simm.s32 $0x9;
	_ =	strace $0x80000051  }
0xb3: {  	_ =	swait.ge [sflag:s29], $0x1  }
0xb4: {  	[sflag:s29] =	ssyncadd.s32 $0xFFFFFFFF  }
0xb5: {  	_ =	strace $0x90000051  }
0xb6: {  	_ =	sfence  }
0xb7: {  	s30 =	sld [smem:$0x0];
	_ =	sdelay $0x2  }
0xb8: {  	s31 =	sshll.u32 s1, $0xD;
	s1 =	sshrl.u32 s1, $0x2  }
0xb9: {  	s3 =	sand.u32 $0x4000, s31;
	s1 =	sadd.s32 s1, s30  }
0xba: {  	s0 =	sor.u32 s3, s0;
	s1 =	sshll.u32 s1, $0x11  }
0xbb: {  	s0 =	sor.u32 s1, s0  }
0xbc: {  	s0 =	sadd.s32 $0x8F2B, s0  }
0xbd: {  	[sflag:s0] =	ssyncadd.remote.s32 $0x1  }
0xbe: {  	_ =	sfence.sel $0xFFFF  }
0xbf: {  	[dreg:$0x0] =	wrdreg $0xFFFFFFFF;
	(pc) =	sbr.abs _section_cstart, $3  }
0xc0: {  	[dreg:$0x1] =	wrdreg $0xFFFFFFFF  }
0xc1: {  	_ =	task.clear_ibuf [dreg:s6], $0x2FFFF;
	_ =	strace $0x9FFFFFFF  }
0xc2: {  	(tm) =	ssettm $0x7FFFFFFF  }
0xc3: {  	_ =	shalt  }
tec
execute0_lowered:
.L_overlay_start_1:
0x0: {  	(tag) =	ssettag $0x1  }
0x1: {  	s0 =	srdreg.scid;
	s6 =	rddreg [dreg:$0x0]  }
0x2: {  	s2 =	rddreg [dreg:$0x1];
	s3 =	simm.s32 $0x0;
	s13 =	simm.s32 $0x3  }
0x3: {  	s14 =	simm.s32 $0x80;
	s15 =	simm.s32 $0x2800;
	s16 =	simm.s32 $0x2A00  }
0x4: {  	s17 =	simm.s32 $0x6A00;
	s18 =	simm.s32 $0x2880;
	s19 =	simm.s32 $0x1  }
0x5: {  	s20 =	simm.s32 $0x2900;
	s21 =	simm.s32 $0x2;
	s5 =	sand.u32 $0x1, s0  }
0x6: {  	s22 =	simm.s32 $0x2980;
	s0 =	stileid.u32;
	s8 =	smul.u32 $0x140000, s5  }
0x7: {  	s25 =	simm.s32 $0x0;
	[smem:$0x7FF] =	sst s3;
	s9 =	smul.u32 $0x14000, s0  }
0x8: {  	s4 =	sadd.s32 $0x37C00, s6;
	s1 =	sshll.u32 s5, $0x4;
	s10 =	smul.u32 $0x50000, s0  }
0x9: {  	s5 =	ssub.s32 $0x2, s5;
	s23 =	sshll.u32 s0, $0x6;
	s1 =	sor.u32 s0, s1  }
0xa: {  	s31 =	sshrl.u32 s5, $0x1;
	s23 =	sor.u32 $0x1C03, s23;
	s7 =	smul.u32 $0x500, s1  }
0xb: {  	s1 =	rddreg [dreg:$0x2];
	_ =	strace $0x80000050;
	s8 =	sadd.s32 s9, s8  }
.Ltmp0:
0xc: {  	s10 =	sshrl.u32 s10, $0x2;
	s12 =	ssub.s32 s5, s31;
	(pc) =	sbr.rel .LBB2_1-.Ltmp0, $4  }
0xd: {  	s8 =	sshrl.u32 s8, $0x3;
	s5 =	sadd.s32 s10, s2;
	s12 =	smax.u32 s12, $0x1  }
0xe: {  	s7 =	sadd.s32 s7, s6;
	s11 =	sadd.s32 s8, s6;
	s8 =	sadd.s32 $0x8000, s5  }
0xf: {  	s9 =	sadd.s32 $0xC000, s5;
	s10 =	sadd.s32 $0x10000, s5;
	s24 =	sshrl.u32 s5, $0x3  }
0x10: {  	v0 =	vimm.f32 $0.0e+00;
	s6 =	sadd.s32 $0x2DC00, s7;
	s7 =	sadd.s32 $0x4000, s5;
	s11 =	sadd.s32 $0x87C00, s11  }
.LBB2_6:
0x11: {  	_ =	swait.ge [sflag:s19], $0x4000  }
0x12: {  	[sflag:s19] =	ssyncset.done $0x0  }
0x13: {  	[sflag:s19] =	ssyncadd.s32 $0xFFFFC000  }
0x14: {  	[spmem:s2] =	stream.indirect.scatter.add.f32 [tilespmem:s16], [sflag:$0x3], $0x80, s20, s14, $0xb8;
	[tilespmem:$0x1EA00] =	vst v63  }
0x15: {  	_ =	swait.ge [sflag:s13], $0x4000  }
0x16: {  	s25 =	sadd.s32 $0x1, s25;
	[sflag:s13] =	ssyncset.done $0x0  }
0x17: {  	p0 =	sne.s32 s25, s12;
	[sflag:s13] =	ssyncadd.s32 $0xFFFFC000  }
.Ltmp1:
0x18: {  	[bflag:$0x0] =	sbarrier.arrive $0xFFFF;
	(pc) =	sbr.rel @!p0 .LBB2_7-.Ltmp1, $4  }
0x19: {  	[hbm:s11], [sflag:s23] =	dma.local [spmem:s24], $0x2800  }
0x1a: {  	_ =	swait.ge [sflag:s13], $0x2800  }
0x1b: {  	[sflag:s13] =	ssyncset.done $0x0  }
0x1c: {  	[sflag:s13] =	ssyncadd.s32 $0xFFFFD800  }
.LBB2_1:
0x1d: {  	[tilespmem:s3], [sflag:$0x3] =	stream.linear.gather [hbm4b:s6+s3], $0x2780, $0x38;
	[tilespmem:$0x1EA00] =	vst v63  }
0x1e: {  	_ =	swait.ge [sflag:s13], $0x2780  }
0x1f: {  	[sflag:s13] =	ssyncset.done $0x0  }
0x20: {  	[sflag:s13] =	ssyncadd.s32 $0xFFFFD880  }
0x21: {  	v1 =	vld [tilespmem:$0x0];
	_ =	sdelay $0x1  }
0x22: {  	v2 =	vld [tilespmem:$0x10];
	_ =	sdelay $0x1  }
0x23: {  	v3 =	vld [tilespmem:$0x20]  }
0x24: {  	v4 =	vand.u32 $0x3FFF, v1  }
0x25: {  	v62 =	vld [tilespmem:$0x30];
	v1 =	vshrl.u32 v1, $0xE;
	[tilespmem:$0x2800] =	vst v4  }
0x26: {  	[tilespmem:$0x2900] =	vst v1;
	v1 =	vand.u32 $0x3FFF, v2  }
0x27: {  	[tilespmem:$0x2810] =	vst v1;
	v1 =	vshrl.u32 v2, $0xE;
	v2 =	vld [tilespmem:$0x40]  }
0x28: {  	[tilespmem:$0x2910] =	vst v1;
	v1 =	vand.u32 $0x3FFF, v3  }
0x29: {  	[tilespmem:$0x2820] =	vst v1;
	v1 =	vshrl.u32 v3, $0xE;
	v3 =	vld [tilespmem:$0x50]  }
0x2a: {  	[tilespmem:$0x2920] =	vst v1;
	v1 =	vand.u32 $0x3FFF, v62  }
0x2b: {  	v63 =	vld [tilespmem:$0x60];
	[tilespmem:$0x2830] =	vst v1;
	v1 =	vshrl.u32 v62, $0xE  }
0x2c: {  	[tilespmem:$0x2930] =	vst v1;
	v1 =	vand.u32 $0x3FFF, v2  }
0x2d: {  	[tilespmem:$0x2840] =	vst v1;
	v1 =	vshrl.u32 v2, $0xE;
	v2 =	vld [tilespmem:$0x70]  }
0x2e: {  	[tilespmem:$0x2940] =	vst v1;
	v1 =	vand.u32 $0x3FFF, v3  }
0x2f: {  	[tilespmem:$0x2850] =	vst v1;
	v1 =	vshrl.u32 v3, $0xE  }
0x30: {  	[tilespmem:$0x2950] =	vst v1;
	v1 =	vand.u32 $0x3FFF, v63  }
0x31: {  	[tilespmem:$0x2860] =	vst v1;
	v1 =	vshrl.u32 v63, $0xE  }
0x32: {  	[tilespmem:$0x2960] =	vst v1;
	v1 =	vand.u32 $0x3FFF, v2  }
0x33: {  	[tilespmem:$0x2870] =	vst v1;
	v1 =	vshrl.u32 v2, $0xE  }
0x34: {  	s26 =	simm.s32 $0x0;
	s28 =	simm.s32 $0x200;
	[tilespmem:$0x2970] =	vst v1  }
0x35: {  	[tilespmem:s16], [sflag:$0x1] =	stream.indirect.gather [hbm4b:s4+s14], $0x80, s15, s14, $0xb8;
	[tilespmem:$0x1EA00] =	vst v63  }
.LBB2_2:
0x36: {  	p0 =	sne.s32 s28, $0xFE00;
	[tilespmem:s26+$0x6A70] =	vst v0  }
0x37: {  	[tilespmem:s26+$0x6A00] =	vst v0  }
0x38: {  	[tilespmem:s26+$0x6A10] =	vst v0  }
.Ltmp2:
0x39: {  	[tilespmem:s26+$0x6A20] =	vst v0;
	(pc) =	sbr.rel @p0 .LBB2_2-.Ltmp2, $4  }
0x3a: {  	[tilespmem:s26+$0x6A30] =	vst v0  }
0x3b: {  	[tilespmem:s26+$0x6A40] =	vst v0  }
0x3c: {  	[tilespmem:s26+$0x6A50] =	vst v0  }
0x3d: {  	[tilespmem:s26+$0x6A60] =	vst v0;
	s26 =	sshra.s32 s28, $0x2;
	s28 =	sadd.s32 $0x200, s28  }
0x3e: {  	[tilespmem:s26+$0x6A70] =	vst v0  }
0x3f: {  	[tilespmem:s26+$0x6A00] =	vst v0  }
0x40: {  	[tilespmem:s26+$0x6A10] =	vst v0  }
0x41: {  	[tilespmem:s26+$0x6A20] =	vst v0  }
0x42: {  	[tilespmem:s26+$0x6A30] =	vst v0  }
0x43: {  	[tilespmem:s26+$0x6A40] =	vst v0  }
0x44: {  	[tilespmem:s26+$0x6A50] =	vst v0  }
0x45: {  	[tilespmem:s26+$0x6A60] =	vst v0  }
0x46: {  	[spmem:s5] =	stream.linear.scatter [tilespmem:s17], [sflag:$0x3], $0x4000, $0x38;
	[tilespmem:$0x1EA00] =	vst v63  }
0x47: {  	_ =	swait.ge [sflag:s13], $0x4000  }
0x48: {  	[sflag:s13] =	ssyncset.done $0x0  }
0x49: {  	[sflag:s13] =	ssyncadd.s32 $0xFFFFC000  }
0x4a: {  	[spmem:s7] =	stream.linear.scatter [tilespmem:s17], [sflag:$0x3], $0x4000, $0x38;
	[tilespmem:$0x1EA00] =	vst v63  }
0x4b: {  	_ =	swait.ge [sflag:s13], $0x4000  }
0x4c: {  	[sflag:s13] =	ssyncset.done $0x0  }
0x4d: {  	[sflag:s13] =	ssyncadd.s32 $0xFFFFC000  }
0x4e: {  	[spmem:s8] =	stream.linear.scatter [tilespmem:s17], [sflag:$0x3], $0x4000, $0x38;
	[tilespmem:$0x1EA00] =	vst v63  }
0x4f: {  	_ =	swait.ge [sflag:s13], $0x4000  }
0x50: {  	[sflag:s13] =	ssyncset.done $0x0  }
0x51: {  	[sflag:s13] =	ssyncadd.s32 $0xFFFFC000  }
0x52: {  	[spmem:s9] =	stream.linear.scatter [tilespmem:s17], [sflag:$0x3], $0x4000, $0x38;
	[tilespmem:$0x1EA00] =	vst v63  }
0x53: {  	_ =	swait.ge [sflag:s13], $0x4000  }
0x54: {  	[sflag:s13] =	ssyncset.done $0x0  }
0x55: {  	[sflag:s13] =	ssyncadd.s32 $0xFFFFC000  }
0x56: {  	[spmem:s10] =	stream.linear.scatter [tilespmem:s17], [sflag:$0x3], $0x4000, $0x38;
	[tilespmem:$0x1EA00] =	vst v63  }
0x57: {  	_ =	swait.ge [sflag:s13], $0x4000  }
0x58: {  	[sflag:s13] =	ssyncset.done $0x0  }
0x59: {  	[sflag:s13] =	ssyncadd.s32 $0xFFFFC000  }
0x5a: {  	v1 =	vld [tilespmem:$0x80];
	_ =	sdelay $0x1  }
0x5b: {  	v2 =	vld [tilespmem:$0x90];
	_ =	sdelay $0x1  }
0x5c: {  	v3 =	vld [tilespmem:$0xA0]  }
0x5d: {  	v4 =	vand.u32 $0x3FFF, v1  }
0x5e: {  	v62 =	vld [tilespmem:$0xB0];
	v1 =	vshrl.u32 v1, $0xE;
	[tilespmem:$0x2880] =	vst v4  }
0x5f: {  	[tilespmem:$0x2980] =	vst v1;
	v1 =	vand.u32 $0x3FFF, v2  }
0x60: {  	[tilespmem:$0x2890] =	vst v1;
	v1 =	vshrl.u32 v2, $0xE;
	v2 =	vld [tilespmem:$0xC0]  }
0x61: {  	[tilespmem:$0x2990] =	vst v1;
	v1 =	vand.u32 $0x3FFF, v3  }
0x62: {  	[tilespmem:$0x28A0] =	vst v1;
	v1 =	vshrl.u32 v3, $0xE;
	v3 =	vld [tilespmem:$0xD0]  }
0x63: {  	[tilespmem:$0x29A0] =	vst v1;
	v1 =	vand.u32 $0x3FFF, v62  }
0x64: {  	v63 =	vld [tilespmem:$0xE0];
	[tilespmem:$0x28B0] =	vst v1;
	v1 =	vshrl.u32 v62, $0xE  }
0x65: {  	[tilespmem:$0x29B0] =	vst v1;
	v1 =	vand.u32 $0x3FFF, v2  }
0x66: {  	[tilespmem:$0x28C0] =	vst v1;
	v1 =	vshrl.u32 v2, $0xE;
	v2 =	vld [tilespmem:$0xF0]  }
0x67: {  	[tilespmem:$0x29C0] =	vst v1;
	v1 =	vand.u32 $0x3FFF, v3  }
0x68: {  	[tilespmem:$0x28D0] =	vst v1;
	v1 =	vshrl.u32 v3, $0xE  }
0x69: {  	[tilespmem:$0x29D0] =	vst v1;
	v1 =	vand.u32 $0x3FFF, v63  }
0x6a: {  	[tilespmem:$0x28E0] =	vst v1;
	v1 =	vshrl.u32 v63, $0xE  }
0x6b: {  	[tilespmem:$0x29E0] =	vst v1;
	v1 =	vand.u32 $0x3FFF, v2  }
0x6c: {  	[tilespmem:$0x28F0] =	vst v1;
	v1 =	vshrl.u32 v2, $0xE  }
0x6d: {  	[tilespmem:$0x29F0] =	vst v1  }
0x6e: {  	[tilespmem:s17], [sflag:$0x2] =	stream.indirect.gather [hbm4b:s4+s14], $0x80, s18, s14, $0xb8;
	[tilespmem:$0x1EA00] =	vst v63  }
0x6f: {  	s26 =	simm.s32 $0x7C0;
	[bflag:$0x0] =	sbarrier.arrive $0xFFFF  }
.LBB2_4:
0x70: {  	_ =	swait.ge [sflag:s19], $0x4000  }
0x71: {  	[sflag:s19] =	ssyncset.done $0x0  }
0x72: {  	[sflag:s19] =	ssyncadd.s32 $0xFFFFC000  }
0x73: {  	[spmem:s2] =	stream.indirect.scatter.add.f32 [tilespmem:s16], [sflag:$0x3], $0x80, s20, s14, $0xb8;
	[tilespmem:$0x1EA00] =	vst v63  }
0x74: {  	_ =	swait.ge [sflag:s13], $0x4000  }
0x75: {  	[sflag:s13] =	ssyncset.done $0x0  }
0x76: {  	s28 =	sshra.s32 s26, $0x2;
	[sflag:s13] =	ssyncadd.s32 $0xFFFFC000  }
0x77: {  	v1 =	vld [tilespmem:s28+$0xFFFFFF10];
	_ =	sdelay $0x4  }
0x78: {  	v2 =	vand.u32 $0x3FFF, v1  }
0x79: {  	v1 =	vshrl.u32 v1, $0xE;
	[tilespmem:$0x2800] =	vst v2  }
0x7a: {  	[tilespmem:$0x2900] =	vst v1  }
0x7b: {  	v1 =	vld [tilespmem:s28+$0xFFFFFF20];
	_ =	sdelay $0x4  }
0x7c: {  	v2 =	vand.u32 $0x3FFF, v1  }
0x7d: {  	v1 =	vshrl.u32 v1, $0xE;
	[tilespmem:$0x2810] =	vst v2  }
0x7e: {  	[tilespmem:$0x2910] =	vst v1  }
0x7f: {  	v1 =	vld [tilespmem:s28+$0xFFFFFF30];
	_ =	sdelay $0x4  }
0x80: {  	v2 =	vand.u32 $0x3FFF, v1  }
0x81: {  	v1 =	vshrl.u32 v1, $0xE;
	[tilespmem:$0x2820] =	vst v2  }
0x82: {  	[tilespmem:$0x2920] =	vst v1  }
0x83: {  	v1 =	vld [tilespmem:s28+$0xFFFFFF40];
	_ =	sdelay $0x4  }
0x84: {  	v2 =	vand.u32 $0x3FFF, v1  }
0x85: {  	v1 =	vshrl.u32 v1, $0xE;
	[tilespmem:$0x2830] =	vst v2  }
0x86: {  	[tilespmem:$0x2930] =	vst v1  }
0x87: {  	v1 =	vld [tilespmem:s28+$0xFFFFFF50];
	_ =	sdelay $0x4  }
0x88: {  	v2 =	vand.u32 $0x3FFF, v1  }
0x89: {  	v1 =	vshrl.u32 v1, $0xE;
	[tilespmem:$0x2840] =	vst v2  }
0x8a: {  	[tilespmem:$0x2940] =	vst v1  }
0x8b: {  	v1 =	vld [tilespmem:s28+$0xFFFFFF60];
	_ =	sdelay $0x4  }
0x8c: {  	v2 =	vand.u32 $0x3FFF, v1  }
0x8d: {  	v1 =	vshrl.u32 v1, $0xE;
	[tilespmem:$0x2850] =	vst v2  }
0x8e: {  	[tilespmem:$0x2950] =	vst v1  }
0x8f: {  	v1 =	vld [tilespmem:s28+$0xFFFFFF70];
	_ =	sdelay $0x4  }
0x90: {  	v2 =	vand.u32 $0x3FFF, v1  }
0x91: {  	v1 =	vshrl.u32 v1, $0xE;
	[tilespmem:$0x2860] =	vst v2  }
0x92: {  	[tilespmem:$0x2960] =	vst v1  }
0x93: {  	v1 =	vld [tilespmem:s28+$0xFFFFFF80];
	_ =	sdelay $0x4  }
0x94: {  	v2 =	vand.u32 $0x3FFF, v1  }
0x95: {  	v1 =	vshrl.u32 v1, $0xE;
	[tilespmem:$0x2870] =	vst v2  }
0x96: {  	[tilespmem:$0x2970] =	vst v1  }
0x97: {  	[tilespmem:s16], [sflag:$0x1] =	stream.indirect.gather [hbm4b:s4+s14], $0x80, s15, s14, $0xb8;
	[tilespmem:$0x1EA00] =	vst v63  }
0x98: {  	_ =	swait.ge [sflag:s21], $0x4000  }
0x99: {  	p0 =	seq.s32 s26, $0x9FC0;
	[sflag:s21] =	ssyncset.done $0x0  }
.Ltmp3:
0x9a: {  	[sflag:s21] =	ssyncadd.s32 $0xFFFFC000;
	(pc) =	sbr.rel @p0 .LBB2_6-.Ltmp3, $4  }
0x9b: {  	[spmem:s2] =	stream.indirect.scatter.add.f32 [tilespmem:s17], [sflag:$0x3], $0x80, s22, s14, $0xb8;
	[tilespmem:$0x1EA00] =	vst v63  }
0x9c: {  	_ =	swait.ge [sflag:s13], $0x4000  }
0x9d: {  	[sflag:s13] =	ssyncset.done $0x0  }
0x9e: {  	[sflag:s13] =	ssyncadd.s32 $0xFFFFC000  }
0x9f: {  	v1 =	vld [tilespmem:s28+$0xFFFFFF90];
	_ =	sdelay $0x4  }
0xa0: {  	v2 =	vand.u32 $0x3FFF, v1  }
0xa1: {  	v1 =	vshrl.u32 v1, $0xE;
	[tilespmem:$0x2880] =	vst v2  }
0xa2: {  	[tilespmem:$0x2980] =	vst v1  }
0xa3: {  	v1 =	vld [tilespmem:s28+$0xFFFFFFA0];
	_ =	sdelay $0x4  }
0xa4: {  	v2 =	vand.u32 $0x3FFF, v1  }
0xa5: {  	v1 =	vshrl.u32 v1, $0xE;
	[tilespmem:$0x2890] =	vst v2  }
0xa6: {  	[tilespmem:$0x2990] =	vst v1  }
0xa7: {  	v1 =	vld [tilespmem:s28+$0xFFFFFFB0];
	_ =	sdelay $0x4  }
0xa8: {  	v2 =	vand.u32 $0x3FFF, v1  }
0xa9: {  	v1 =	vshrl.u32 v1, $0xE;
	[tilespmem:$0x28A0] =	vst v2  }
0xaa: {  	[tilespmem:$0x29A0] =	vst v1  }
0xab: {  	v1 =	vld [tilespmem:s28+$0xFFFFFFC0];
	_ =	sdelay $0x4  }
0xac: {  	v2 =	vand.u32 $0x3FFF, v1  }
0xad: {  	v1 =	vshrl.u32 v1, $0xE;
	[tilespmem:$0x28B0] =	vst v2  }
0xae: {  	[tilespmem:$0x29B0] =	vst v1  }
0xaf: {  	v1 =	vld [tilespmem:s28+$0xFFFFFFD0];
	_ =	sdelay $0x4  }
0xb0: {  	v2 =	vand.u32 $0x3FFF, v1  }
0xb1: {  	v1 =	vshrl.u32 v1, $0xE;
	[tilespmem:$0x28C0] =	vst v2  }
0xb2: {  	[tilespmem:$0x29C0] =	vst v1  }
0xb3: {  	v1 =	vld [tilespmem:s28+$0xFFFFFFE0];
	_ =	sdelay $0x4  }
0xb4: {  	v2 =	vand.u32 $0x3FFF, v1  }
0xb5: {  	v1 =	vshrl.u32 v1, $0xE;
	[tilespmem:$0x28D0] =	vst v2  }
0xb6: {  	[tilespmem:$0x29D0] =	vst v1  }
0xb7: {  	v1 =	vld [tilespmem:s28+$0xFFFFFFF0];
	_ =	sdelay $0x4  }
0xb8: {  	v2 =	vand.u32 $0x3FFF, v1  }
0xb9: {  	v1 =	vshrl.u32 v1, $0xE;
	[tilespmem:$0x28E0] =	vst v2  }
0xba: {  	[tilespmem:$0x29E0] =	vst v1  }
0xbb: {  	v1 =	vld [tilespmem:s28+$0x0];
	_ =	sdelay $0x3  }
.Ltmp4:
0xbc: {  	_ = 	snop;
	(pc) =	sbr.rel .LBB2_4-.Ltmp4, $4  }
0xbd: {  	v2 =	vand.u32 $0x3FFF, v1  }
0xbe: {  	v1 =	vshrl.u32 v1, $0xE;
	[tilespmem:$0x28F0] =	vst v2  }
0xbf: {  	s26 =	sadd.s32 $0x400, s26;
	[tilespmem:$0x29F0] =	vst v1  }
0xc0: {  	[tilespmem:s17], [sflag:$0x2] =	stream.indirect.gather [hbm4b:s4+s14], $0x80, s18, s14, $0xb8;
	[tilespmem:$0x1EA00] =	vst v63  }
.LBB2_7:
0xc1: {  	_ =	sfence.sel $0x180000  }
0xc2: {  	[bflag:$0x0] =	sbarrier.arrive $0xFFFF  }
0xc3: {  	p0 =	sne.s32 s0, $0x0;
	_ =	strace $0x90000050  }
0xc4: {  	s0 =	sadd.s32 @!p0 $0x100000, s1;
	[bflag:$0x2] =	sbarrier.arrive $0xFFFF  }
0xc5: {  	[sflag:s0] =	ssyncadd.tile.s32 @!p0 $0x1;
	_ =	shalt  }
.Lfunc_end2:
_tile_overlayer_lowered:
.L_overlay_start_2:
0xc6: {  	(tag) =	ssettag $0x2  }
0xc7: {  	s0 =	rddreg [dreg:$0x0];
	s2 =	stileid.u32  }
0xc8: {  	s1 =	rddreg [dreg:$0x1];
	p0 =	sne.s32 s2, $0x0  }
0xc9: {  	s3 =	rddreg [dreg:$0x2];
	[bflag:$0x3] =	sbarrier.arrive $0xFFFF;
	s2 =	simm.s32 @!p0 $0x1C03  }
0xca: {  	[timem:s3], [sflag:s2] =	dma.local @!p0 [hbm:s0], s1  }
0xcb: {  	s0 =	simm.s32 @!p0 $0x3  }
0xcc: {  	_ =	swait.ge @!p0 [sflag:s0], s1  }
0xcd: {  	s1 =	ssub.s32 @!p0 $0x0, s1;
	[sflag:s0] =	ssyncset.done @!p0 $0x0  }
0xce: {  	[sflag:s0] =	ssyncadd.s32 @!p0 s1  }
0xcf: {  	[bflag:$0x3] =	sbarrier.arrive $0xFFFF  }
0xd0: {  	_ =	shalt  }

</sc_bundles>
